<compile_context>
chip_gen: v7x
topology: tpu7x:2x2x1
jax: 0.10.2.dev20260603
libtpu: 0.0.44.dev20260713+nightly
codegen_flags: <defaults>
</compile_context>

<pallas_src>
import functools

import jax
import jax.numpy as jnp
from jax import lax
from jax.experimental import pallas as pl
from jax.experimental.pallas import tpu as pltpu
from jax.experimental.pallas import tpu_sc as plsc

_DIMV = 1000000
_E = 64
_B = 16384
_K = 20
_NC = 2
_NS = 16
_NW = _NC * _NS
_NB = _B // _NW
_C = 16
_CK = _C * _K
_NIT = _NB // _C
_L = 16


def _sc_body(center, nbrs, negsf, embedI, embedO, uv_out, sn_out,
             cidx, nidx, gidx, vbuf, ubuf, negbuf, uvv, snv, sem0, sem1):
    wid = lax.axis_index("s") * _NC + lax.axis_index("c")
    base = wid * _NB
    sems = [sem0, sem1]

    pltpu.sync_copy(center.at[pl.ds(base, _NB)], cidx.at[pl.ds(0, _NB)])
    pltpu.sync_copy(nbrs.at[pl.ds(base, _NB)], nidx.at[pl.ds(0, _NB)])
    pltpu.sync_copy(negsf.at[pl.ds(base * _K, _NB * _K)], gidx.at[pl.ds(0, _NB * _K)])

    def _row_dmas(tab, idxbuf, off, n, dstbuf, dstoff, sem):
        def _vec(i, carry):
            vec = idxbuf[pl.ds(off + i * _L, _L)]
            for k in range(_L):
                r = vec[k]
                pltpu.async_copy(
                    tab.at[pl.ds(r, 1)],
                    dstbuf.at[pl.ds(dstoff + i * _L + k, 1)], sem)
            return carry
        lax.fori_loop(0, n // _L, _vec, 0)

    def _issue(it, s):
        c0 = it * _C
        _row_dmas(embedI, cidx, c0, _C, vbuf, s * _C, sems[s])
        _row_dmas(embedO, nidx, c0, _C, ubuf, s * _C, sems[s])
        _row_dmas(embedO, gidx, c0 * _K, _CK, negbuf, s * _CK, sems[s])

    def _drain(s):
        pltpu.make_async_copy(embedI.at[pl.ds(0, _C)],
                              vbuf.at[pl.ds(s * _C, _C)], sems[s]).wait()
        pltpu.make_async_copy(embedO.at[pl.ds(0, _C)],
                              ubuf.at[pl.ds(s * _C, _C)], sems[s]).wait()
        pltpu.make_async_copy(embedO.at[pl.ds(0, _CK)],
                              negbuf.at[pl.ds(s * _CK, _CK)], sems[s]).wait()

    def _compute(it, s):
        c0 = it * _C
        vb = s * _C
        nb = s * _CK

        def _elem(c, carry2):
            vv = [vbuf[vb + c, pl.ds(j * _L, _L)] for j in range(4)]
            uu = [ubuf[vb + c, pl.ds(j * _L, _L)] for j in range(4)]
            uvacc = (vv[0] * uu[0] + vv[1] * uu[1]) + (vv[2] * uu[2] + vv[3] * uu[3])
            accs = [negbuf[nb + c * _K, pl.ds(j * _L, _L)] for j in range(4)]
            for k in range(1, _K):
                ro = nb + c * _K + k
                for j in range(4):
                    accs[j] = accs[j] + negbuf[ro, pl.ds(j * _L, _L)]
            snacc = (accs[0] * vv[0] + accs[1] * vv[1]) + (accs[2] * vv[2] + accs[3] * vv[3])
            uvv[pl.ds((c0 + c) * _L, _L)] = uvacc
            snv[pl.ds((c0 + c) * _L, _L)] = snacc
            return carry2

        lax.fori_loop(0, _C, _elem, 0)

    _issue(0, 0)

    def _pair(g, carry):
        it0 = g * 2
        _issue(it0 + 1, 1)
        _drain(0)
        _compute(it0, 0)

        @pl.when(g < _NIT // 2 - 1)
        def _():
            _issue(it0 + 2, 0)

        _drain(1)
        _compute(it0 + 1, 1)
        return carry

    lax.fori_loop(0, _NIT // 2, _pair, 0)

    pltpu.sync_copy(uvv, uv_out.at[pl.ds(base * _L, _NB * _L)])
    pltpu.sync_copy(snv, sn_out.at[pl.ds(base * _L, _NB * _L)])


_sc_dots = functools.partial(
    pl.kernel,
    out_type=[jax.ShapeDtypeStruct((_B * _L,), jnp.float32),
              jax.ShapeDtypeStruct((_B * _L,), jnp.float32)],
    mesh=plsc.VectorSubcoreMesh(core_axis_name="c", subcore_axis_name="s"),
    scratch_types=[
        pltpu.VMEM((_NB + _L,), jnp.int32),
        pltpu.VMEM((_NB + _L,), jnp.int32),
        pltpu.VMEM((_NB * _K + _L,), jnp.int32),
        pltpu.VMEM((2 * _C, _E), jnp.float32),
        pltpu.VMEM((2 * _C, _E), jnp.float32),
        pltpu.VMEM((2 * _CK, _E), jnp.float32),
        pltpu.VMEM((_NB * _L,), jnp.float32),
        pltpu.VMEM((_NB * _L,), jnp.float32),
        pltpu.SemaphoreType.DMA,
        pltpu.SemaphoreType.DMA,
    ],
)(_sc_body)


def _log_sigmoid(x):
    return jnp.minimum(x, 0.0) - jnp.log1p(jnp.exp(-jnp.abs(x)))


def _loss_body(uv_ref, sn_ref, out_ref):
    qi = lax.broadcasted_iota(jnp.int32, (2048, 128), 0)
    ci = lax.broadcasted_iota(jnp.int32, (2048, 128), 1)
    comb = jnp.where(qi // _L == ci, 1.0, 0.0).astype(jnp.float32)
    uv = jnp.dot(uv_ref[...], comb, preferred_element_type=jnp.float32)
    sn = jnp.dot(sn_ref[...], comb, preferred_element_type=jnp.float32)
    pos = _log_sigmoid(uv)
    neg = _log_sigmoid(-sn)
    out_ref[...] = -(jnp.sum(pos, keepdims=True) + jnp.sum(neg, keepdims=True)) / _B


def kernel(center, nbrs, negs, embedI_w, embedO_w):
    center = center.astype(jnp.int32)
    nbrs = nbrs.astype(jnp.int32)
    negsf = negs.astype(jnp.int32).reshape(-1)
    uv, sn = _sc_dots(center, nbrs, negsf, embedI_w, embedO_w)
    out = pl.pallas_call(
        _loss_body,
        out_shape=jax.ShapeDtypeStruct((1, 1), jnp.float32),
    )(uv.reshape(128, 2048), sn.reshape(128, 2048))
    return out[0, 0]

# --- scband reference (transcript-rebuilt; emitter-appended) ---
"""Pipeline reference for scband-skip-gram-9912784519242 (READ-ONLY COPY).

The authoritative reference and input builder live on the scoring server;
editing this copy changes nothing except your own understanding.
"""

import jax, jax.numpy as jnp
import numpy as np

DIMV = 1000000
DIME = 64
B = 16384
NNEG = 20

def setup_inputs(seed: int = 0) -> dict:
    key = jax.random.key(seed)
    k_c, k_n, k_g, k_wi = (jax.random.fold_in(key, i) for i in range(4))
    center = jax.random.randint(k_c, (B,), 0, DIMV, dtype=jnp.int64) if jax.config.jax_enable_x64 else jax.random.randint(k_c, (B,), 0, DIMV).astype(jnp.int32)
    nbrs = jax.random.randint(k_n, (B,), 0, DIMV).astype(center.dtype)
    negs = jax.random.randint(k_g, (B, NNEG), 0, DIMV).astype(center.dtype)
    initrange = (2.0 / (DIMV + DIME)) ** 0.5
    embedI_w = jax.random.uniform(k_wi, (DIMV, DIME), dtype=jnp.float32, minval=-initrange, maxval=initrange)
    embedO_w = jnp.zeros((DIMV, DIME), dtype=jnp.float32)
    return {"center": center, "nbrs": nbrs, "negs": negs, "embedI_w": embedI_w, "embedO_w": embedO_w}

def reference(center, nbrs, negs, embedI_w, embedO_w):
    v = jnp.take(embedI_w, center, axis=0)          # [B, E]
    u = jnp.take(embedO_w, nbrs, axis=0)            # [B, E]
    uv = jnp.sum(u * v, axis=1)                     # [B]
    u_neg = jnp.take(embedO_w, negs, axis=0)        # [B, K, E]
    u_negv = jnp.einsum('bke,be->bk', u_neg, v)     # [B, K]
    positives = jax.nn.log_sigmoid(uv)
    negatives = jax.nn.log_sigmoid(-jnp.sum(u_negv, axis=1))
    loss = -(positives + negatives)
    return loss.mean()

if __name__ == "__main__":
    import jax
    _d = setup_inputs()
    print(jax.jit(kernel)(*tuple(_d.values())))

</pallas_src>

<mosaic_0001>
#map = affine_map<(d0, d1) -> (0)>
#map1 = affine_map<(d0, d1) -> (0, 0)>
module attributes {stable_mosaic.version = 14 : i64} {
  func.func @_sc_body(%arg0: i32, %arg1: i32, %arg2: memref<16384xi32, #tpu.memory_space<hbm>>, %arg3: memref<16384xi32, #tpu.memory_space<hbm>>, %arg4: memref<327680xi32, #tpu.memory_space<hbm>>, %arg5: memref<1000000x64xf32, #tpu.memory_space<hbm>>, %arg6: memref<1000000x64xf32, #tpu.memory_space<hbm>>, %arg7: memref<262144xf32, #tpu.memory_space<hbm>>, %arg8: memref<262144xf32, #tpu.memory_space<hbm>>, %arg9: memref<528xi32, #tpu.memory_space<vmem>>, %arg10: memref<528xi32, #tpu.memory_space<vmem>>, %arg11: memref<10256xi32, #tpu.memory_space<vmem>>, %arg12: memref<32x64xf32, #tpu.memory_space<vmem>>, %arg13: memref<32x64xf32, #tpu.memory_space<vmem>>, %arg14: memref<640x64xf32, #tpu.memory_space<vmem>>, %arg15: memref<8192xf32, #tpu.memory_space<vmem>>, %arg16: memref<8192xf32, #tpu.memory_space<vmem>>, %arg17: memref<!tpu.dma_semaphore, #tpu.memory_space<semaphore_mem>>, %arg18: memref<!tpu.dma_semaphore, #tpu.memory_space<semaphore_mem>>) attributes {dimension_semantics = [#tpu.dimension_semantics<core_parallel>, #tpu.dimension_semantics<subcore_parallel>], iteration_bounds = array<i64: 2, 16>, scalar_prefetch = 0 : i64, scratch_operands = 10 : i64, tpu.core_type = #tpu.core_type<sc_vector_subcore>, window_params = [{transform_indices = #map}, {transform_indices = #map}, {transform_indices = #map}, {transform_indices = #map1}, {transform_indices = #map1}, {transform_indices = #map}, {transform_indices = #map}]} {
    %mul3A = arith.constant 2 : i32
    %mul3A_0 = arith.muli %arg1, %mul3A : i32
    %add3A = arith.addi %mul3A_0, %arg0 : i32
    %mul3A_1 = arith.constant 512 : i32
    %mul3A_2 = arith.muli %add3A, %mul3A_1 : i32
    "tpu.region"() ({
      %run_scoped3A = tpu.sem_alloc : memref<!tpu.dma_semaphore, #tpu.memory_space<semaphore_mem>>
      %dma_start3A_548 = arith.constant 0 : i32
      %dma_start3A_549 = tpu.memref_slice %arg9[%dma_start3A_548] : memref<528xi32, #tpu.memory_space<vmem>> -> memref<512xi32, #tpu.memory_space<vmem>>
      %dma_start3A_550 = tpu.memref_slice %arg2[%mul3A_2] : memref<16384xi32, #tpu.memory_space<hbm>> -> memref<512xi32, #tpu.memory_space<hbm>>
      %dma_start3A_551 = arith.constant 0 : i32
      %dma_start3A_552 = tpu.memref_slice %arg9[%dma_start3A_551] : memref<528xi32, #tpu.memory_space<vmem>> -> memref<512xi32, #tpu.memory_space<vmem>>
      %dma_start3A_553 = tpu.memref_slice %arg2[%mul3A_2] : memref<16384xi32, #tpu.memory_space<hbm>> -> memref<512xi32, #tpu.memory_space<hbm>>
      tpu.enqueue_dma source(%dma_start3A_553 : memref<512xi32, #tpu.memory_space<hbm>>) target(%dma_start3A_552 : memref<512xi32, #tpu.memory_space<vmem>>) target_semaphore(%run_scoped3A : memref<!tpu.dma_semaphore, #tpu.memory_space<semaphore_mem>>)
      %dma_wait3A = arith.constant 0 : i32
      %dma_wait3A_554 = tpu.memref_slice %arg9[%dma_wait3A] : memref<528xi32, #tpu.memory_space<vmem>> -> memref<512xi32, #tpu.memory_space<vmem>>
      %dma_wait3A_555 = tpu.memref_slice %arg2[%mul3A_2] : memref<16384xi32, #tpu.memory_space<hbm>> -> memref<512xi32, #tpu.memory_space<hbm>>
      %dma_wait3A_556 = arith.constant 0 : i32
      %dma_wait3A_557 = tpu.memref_slice %arg9[%dma_wait3A_556] : memref<528xi32, #tpu.memory_space<vmem>> -> memref<512xi32, #tpu.memory_space<vmem>>
      %dma_wait3A_558 = tpu.memref_slice %arg2[%mul3A_2] : memref<16384xi32, #tpu.memory_space<hbm>> -> memref<512xi32, #tpu.memory_space<hbm>>
      tpu.wait_dma2 semaphore(%run_scoped3A : memref<!tpu.dma_semaphore, #tpu.memory_space<semaphore_mem>>) src(%dma_wait3A_558 : memref<512xi32, #tpu.memory_space<hbm>>) dst(%dma_wait3A_557 : memref<512xi32, #tpu.memory_space<vmem>>)
      tpu.yield
    }) : () -> ()
    "tpu.region"() ({
      %run_scoped3A = tpu.sem_alloc : memref<!tpu.dma_semaphore, #tpu.memory_space<semaphore_mem>>
      %dma_start3A_548 = arith.constant 0 : i32
      %dma_start3A_549 = tpu.memref_slice %arg10[%dma_start3A_548] : memref<528xi32, #tpu.memory_space<vmem>> -> memref<512xi32, #tpu.memory_space<vmem>>
      %dma_start3A_550 = tpu.memref_slice %arg3[%mul3A_2] : memref<16384xi32, #tpu.memory_space<hbm>> -> memref<512xi32, #tpu.memory_space<hbm>>
      %dma_start3A_551 = arith.constant 0 : i32
      %dma_start3A_552 = tpu.memref_slice %arg10[%dma_start3A_551] : memref<528xi32, #tpu.memory_space<vmem>> -> memref<512xi32, #tpu.memory_space<vmem>>
      %dma_start3A_553 = tpu.memref_slice %arg3[%mul3A_2] : memref<16384xi32, #tpu.memory_space<hbm>> -> memref<512xi32, #tpu.memory_space<hbm>>
      tpu.enqueue_dma source(%dma_start3A_553 : memref<512xi32, #tpu.memory_space<hbm>>) target(%dma_start3A_552 : memref<512xi32, #tpu.memory_space<vmem>>) target_semaphore(%run_scoped3A : memref<!tpu.dma_semaphore, #tpu.memory_space<semaphore_mem>>)
      %dma_wait3A = arith.constant 0 : i32
      %dma_wait3A_554 = tpu.memref_slice %arg10[%dma_wait3A] : memref<528xi32, #tpu.memory_space<vmem>> -> memref<512xi32, #tpu.memory_space<vmem>>
      %dma_wait3A_555 = tpu.memref_slice %arg3[%mul3A_2] : memref<16384xi32, #tpu.memory_space<hbm>> -> memref<512xi32, #tpu.memory_space<hbm>>
      %dma_wait3A_556 = arith.constant 0 : i32
      %dma_wait3A_557 = tpu.memref_slice %arg10[%dma_wait3A_556] : memref<528xi32, #tpu.memory_space<vmem>> -> memref<512xi32, #tpu.memory_space<vmem>>
      %dma_wait3A_558 = tpu.memref_slice %arg3[%mul3A_2] : memref<16384xi32, #tpu.memory_space<hbm>> -> memref<512xi32, #tpu.memory_space<hbm>>
      tpu.wait_dma2 semaphore(%run_scoped3A : memref<!tpu.dma_semaphore, #tpu.memory_space<semaphore_mem>>) src(%dma_wait3A_558 : memref<512xi32, #tpu.memory_space<hbm>>) dst(%dma_wait3A_557 : memref<512xi32, #tpu.memory_space<vmem>>)
      tpu.yield
    }) : () -> ()
    %mul3A_3 = arith.constant 20 : i32
    %mul3A_4 = arith.muli %mul3A_2, %mul3A_3 : i32
    "tpu.region"() ({
      %run_scoped3A = tpu.sem_alloc : memref<!tpu.dma_semaphore, #tpu.memory_space<semaphore_mem>>
      %dma_start3A_548 = arith.constant 0 : i32
      %dma_start3A_549 = tpu.memref_slice %arg11[%dma_start3A_548] : memref<10256xi32, #tpu.memory_space<vmem>> -> memref<10240xi32, #tpu.memory_space<vmem>>
      %dma_start3A_550 = tpu.memref_slice %arg4[%mul3A_4] : memref<327680xi32, #tpu.memory_space<hbm>> -> memref<10240xi32, #tpu.memory_space<hbm>>
      %dma_start3A_551 = arith.constant 0 : i32
      %dma_start3A_552 = tpu.memref_slice %arg11[%dma_start3A_551] : memref<10256xi32, #tpu.memory_space<vmem>> -> memref<10240xi32, #tpu.memory_space<vmem>>
      %dma_start3A_553 = tpu.memref_slice %arg4[%mul3A_4] : memref<327680xi32, #tpu.memory_space<hbm>> -> memref<10240xi32, #tpu.memory_space<hbm>>
      tpu.enqueue_dma source(%dma_start3A_553 : memref<10240xi32, #tpu.memory_space<hbm>>) target(%dma_start3A_552 : memref<10240xi32, #tpu.memory_space<vmem>>) target_semaphore(%run_scoped3A : memref<!tpu.dma_semaphore, #tpu.memory_space<semaphore_mem>>)
      %dma_wait3A = arith.constant 0 : i32
      %dma_wait3A_554 = tpu.memref_slice %arg11[%dma_wait3A] : memref<10256xi32, #tpu.memory_space<vmem>> -> memref<10240xi32, #tpu.memory_space<vmem>>
      %dma_wait3A_555 = tpu.memref_slice %arg4[%mul3A_4] : memref<327680xi32, #tpu.memory_space<hbm>> -> memref<10240xi32, #tpu.memory_space<hbm>>
      %dma_wait3A_556 = arith.constant 0 : i32
      %dma_wait3A_557 = tpu.memref_slice %arg11[%dma_wait3A_556] : memref<10256xi32, #tpu.memory_space<vmem>> -> memref<10240xi32, #tpu.memory_space<vmem>>
      %dma_wait3A_558 = tpu.memref_slice %arg4[%mul3A_4] : memref<327680xi32, #tpu.memory_space<hbm>> -> memref<10240xi32, #tpu.memory_space<hbm>>
      tpu.wait_dma2 semaphore(%run_scoped3A : memref<!tpu.dma_semaphore, #tpu.memory_space<semaphore_mem>>) src(%dma_wait3A_558 : memref<10240xi32, #tpu.memory_space<hbm>>) dst(%dma_wait3A_557 : memref<10240xi32, #tpu.memory_space<vmem>>)
      tpu.yield
    }) : () -> ()
    %scan3A = arith.constant 0 : i32
    %scan3A_5 = arith.constant 0 : i32
    %mul3A_6 = arith.constant 16 : i32
    %mul3A_7 = arith.muli %scan3A_5, %mul3A_6 : i32
    %add3A_8 = arith.constant 0 : i32
    %add3A_9 = arith.addi %add3A_8, %mul3A_7 : i32
    %get3A = arith.index_cast %add3A_9 : i32 to index
    %get3A_10 = tpu.vector_load %arg9[%get3A] {strides = array<i32>} : memref<528xi32, #tpu.memory_space<vmem>>, vector<16xi32>,
    %get3A_11 = vector.shape_cast %get3A_10 : vector<16xi32> to vector<16xi32>
    %slice3A = vector.extract_strided_slice %get3A_11 {offsets = [0], sizes = [1], strides = [1]} : vector<16xi32> to vector<1xi32>
    %squeeze3A = vector.extract %slice3A[0] : i32 from vector<1xi32>
    %mul3A_12 = arith.constant 16 : i32
    %mul3A_13 = arith.muli %scan3A_5, %mul3A_12 : i32
    %add3A_14 = arith.constant 0 : i32
    %add3A_15 = arith.addi %add3A_14, %mul3A_13 : i32
    %add3A_16 = arith.constant 0 : i32
    %add3A_17 = arith.addi %add3A_15, %add3A_16 : i32
    %dma_start3A = arith.constant 0 : i32
    %dma_start3A_18 = tpu.memref_slice %arg12[%add3A_17, %dma_start3A] : memref<32x64xf32, #tpu.memory_space<vmem>> -> memref<1x64xf32, #tpu.memory_space<vmem>>
    %dma_start3A_19 = arith.constant 0 : i32
    %dma_start3A_20 = tpu.memref_slice %arg5[%squeeze3A, %dma_start3A_19] : memref<1000000x64xf32, #tpu.memory_space<hbm>> -> memref<1x64xf32, #tpu.memory_space<hbm>>
    %dma_start3A_21 = arith.constant 0 : i32
    %dma_start3A_22 = tpu.memref_slice %arg12[%add3A_17, %dma_start3A_21] : memref<32x64xf32, #tpu.memory_space<vmem>> -> memref<1x64xf32, #tpu.memory_space<vmem>>
    %dma_start3A_23 = arith.constant 0 : i32
    %dma_start3A_24 = tpu.memref_slice %arg5[%squeeze3A, %dma_start3A_23] : memref<1000000x64xf32, #tpu.memory_space<hbm>> -> memref<1x64xf32, #tpu.memory_space<hbm>>
    tpu.enqueue_dma source(%dma_start3A_24 : memref<1x64xf32, #tpu.memory_space<hbm>>) target(%dma_start3A_22 : memref<1x64xf32, #tpu.memory_space<vmem>>) target_semaphore(%arg17 : memref<!tpu.dma_semaphore, #tpu.memory_space<semaphore_mem>>)
    %slice3A_25 = vector.extract_strided_slice %get3A_11 {offsets = [1], sizes = [1], strides = [1]} : vector<16xi32> to vector<1xi32>
    %squeeze3A_26 = vector.extract %slice3A_25[0] : i32 from vector<1xi32>
    %mul3A_27 = arith.constant 16 : i32
    %mul3A_28 = arith.muli %scan3A_5, %mul3A_27 : i32
    %add3A_29 = arith.constant 0 : i32
    %add3A_30 = arith.addi %add3A_29, %mul3A_28 : i32
    %add3A_31 = arith.constant 1 : i32
    %add3A_32 = arith.addi %add3A_30, %add3A_31 : i32
    %dma_start3A_33 = arith.constant 0 : i32
    %dma_start3A_34 = tpu.memref_slice %arg12[%add3A_32, %dma_start3A_33] : memref<32x64xf32, #tpu.memory_space<vmem>> -> memref<1x64xf32, #tpu.memory_space<vmem>>
    %dma_start3A_35 = arith.constant 0 : i32
    %dma_start3A_36 = tpu.memref_slice %arg5[%squeeze3A_26, %dma_start3A_35] : memref<1000000x64xf32, #tpu.memory_space<hbm>> -> memref<1x64xf32, #tpu.memory_space<hbm>>
    %dma_start3A_37 = arith.constant 0 : i32
    %dma_start3A_38 = tpu.memref_slice %arg12[%add3A_32, %dma_start3A_37] : memref<32x64xf32, #tpu.memory_space<vmem>> -> memref<1x64xf32, #tpu.memory_space<vmem>>
    %dma_start3A_39 = arith.constant 0 : i32
    %dma_start3A_40 = tpu.memref_slice %arg5[%squeeze3A_26, %dma_start3A_39] : memref<1000000x64xf32, #tpu.memory_space<hbm>> -> memref<1x64xf32, #tpu.memory_space<hbm>>
    tpu.enqueue_dma source(%dma_start3A_40 : memref<1x64xf32, #tpu.memory_space<hbm>>) target(%dma_start3A_38 : memref<1x64xf32, #tpu.memory_space<vmem>>) target_semaphore(%arg17 : memref<!tpu.dma_semaphore, #tpu.memory_space<semaphore_mem>>)
    %slice3A_41 = vector.extract_strided_slice %get3A_11 {offsets = [2], sizes = [1], strides = [1]} : vector<16xi32> to vector<1xi32>
    %squeeze3A_42 = vector.extract %slice3A_41[0] : i32 from vector<1xi32>
    %mul3A_43 = arith.constant 16 : i32
    %mul3A_44 = arith.muli %scan3A_5, %mul3A_43 : i32
    %add3A_45 = arith.constant 0 : i32
    %add3A_46 = arith.addi %add3A_45, %mul3A_44 : i32
    %add3A_47 = arith.constant 2 : i32
    %add3A_48 = arith.addi %add3A_46, %add3A_47 : i32
    %dma_start3A_49 = arith.constant 0 : i32
    %dma_start3A_50 = tpu.memref_slice %arg12[%add3A_48, %dma_start3A_49] : memref<32x64xf32, #tpu.memory_space<vmem>> -> memref<1x64xf32, #tpu.memory_space<vmem>>
    %dma_start3A_51 = arith.constant 0 : i32
    %dma_start3A_52 = tpu.memref_slice %arg5[%squeeze3A_42, %dma_start3A_51] : memref<1000000x64xf32, #tpu.memory_space<hbm>> -> memref<1x64xf32, #tpu.memory_space<hbm>>
    %dma_start3A_53 = arith.constant 0 : i32
    %dma_start3A_54 = tpu.memref_slice %arg12[%add3A_48, %dma_start3A_53] : memref<32x64xf32, #tpu.memory_space<vmem>> -> memref<1x64xf32, #tpu.memory_space<vmem>>
    %dma_start3A_55 = arith.constant 0 : i32
    %dma_start3A_56 = tpu.memref_slice %arg5[%squeeze3A_42, %dma_start3A_55] : memref<1000000x64xf32, #tpu.memory_space<hbm>> -> memref<1x64xf32, #tpu.memory_space<hbm>>
    tpu.enqueue_dma source(%dma_start3A_56 : memref<1x64xf32, #tpu.memory_space<hbm>>) target(%dma_start3A_54 : memref<1x64xf32, #tpu.memory_space<vmem>>) target_semaphore(%arg17 : memref<!tpu.dma_semaphore, #tpu.memory_space<semaphore_mem>>)
    %slice3A_57 = vector.extract_strided_slice %get3A_11 {offsets = [3], sizes = [1], strides = [1]} : vector<16xi32> to vector<1xi32>
    %squeeze3A_58 = vector.extract %slice3A_57[0] : i32 from vector<1xi32>
    %mul3A_59 = arith.constant 16 : i32
    %mul3A_60 = arith.muli %scan3A_5, %mul3A_59 : i32
    %add3A_61 = arith.constant 0 : i32
    %add3A_62 = arith.addi %add3A_61, %mul3A_60 : i32
    %add3A_63 = arith.constant 3 : i32
    %add3A_64 = arith.addi %add3A_62, %add3A_63 : i32
    %dma_start3A_65 = arith.constant 0 : i32
    %dma_start3A_66 = tpu.memref_slice %arg12[%add3A_64, %dma_start3A_65] : memref<32x64xf32, #tpu.memory_space<vmem>> -> memref<1x64xf32, #tpu.memory_space<vmem>>
    %dma_start3A_67 = arith.constant 0 : i32
    %dma_start3A_68 = tpu.memref_slice %arg5[%squeeze3A_58, %dma_start3A_67] : memref<1000000x64xf32, #tpu.memory_space<hbm>> -> memref<1x64xf32, #tpu.memory_space<hbm>>
    %dma_start3A_69 = arith.constant 0 : i32
    %dma_start3A_70 = tpu.memref_slice %arg12[%add3A_64, %dma_start3A_69] : memref<32x64xf32, #tpu.memory_space<vmem>> -> memref<1x64xf32, #tpu.memory_space<vmem>>
    %dma_start3A_71 = arith.constant 0 : i32
    %dma_start3A_72 = tpu.memref_slice %arg5[%squeeze3A_58, %dma_start3A_71] : memref<1000000x64xf32, #tpu.memory_space<hbm>> -> memref<1x64xf32, #tpu.memory_space<hbm>>
    tpu.enqueue_dma source(%dma_start3A_72 : memref<1x64xf32, #tpu.memory_space<hbm>>) target(%dma_start3A_70 : memref<1x64xf32, #tpu.memory_space<vmem>>) target_semaphore(%arg17 : memref<!tpu.dma_semaphore, #tpu.memory_space<semaphore_mem>>)
    %slice3A_73 = vector.extract_strided_slice %get3A_11 {offsets = [4], sizes = [1], strides = [1]} : vector<16xi32> to vector<1xi32>
    %squeeze3A_74 = vector.extract %slice3A_73[0] : i32 from vector<1xi32>
    %mul3A_75 = arith.constant 16 : i32
    %mul3A_76 = arith.muli %scan3A_5, %mul3A_75 : i32
    %add3A_77 = arith.constant 0 : i32
    %add3A_78 = arith.addi %add3A_77, %mul3A_76 : i32
    %add3A_79 = arith.constant 4 : i32
    %add3A_80 = arith.addi %add3A_78, %add3A_79 : i32
    %dma_start3A_81 = arith.constant 0 : i32
    %dma_start3A_82 = tpu.memref_slice %arg12[%add3A_80, %dma_start3A_81] : memref<32x64xf32, #tpu.memory_space<vmem>> -> memref<1x64xf32, #tpu.memory_space<vmem>>
    %dma_start3A_83 = arith.constant 0 : i32
    %dma_start3A_84 = tpu.memref_slice %arg5[%squeeze3A_74, %dma_start3A_83] : memref<1000000x64xf32, #tpu.memory_space<hbm>> -> memref<1x64xf32, #tpu.memory_space<hbm>>
    %dma_start3A_85 = arith.constant 0 : i32
    %dma_start3A_86 = tpu.memref_slice %arg12[%add3A_80, %dma_start3A_85] : memref<32x64xf32, #tpu.memory_space<vmem>> -> memref<1x64xf32, #tpu.memory_space<vmem>>
    %dma_start3A_87 = arith.constant 0 : i32
    %dma_start3A_88 = tpu.memref_slice %arg5[%squeeze3A_74, %dma_start3A_87] : memref<1000000x64xf32, #tpu.memory_space<hbm>> -> memref<1x64xf32, #tpu.memory_space<hbm>>
    tpu.enqueue_dma source(%dma_start3A_88 : memref<1x64xf32, #tpu.memory_space<hbm>>) target(%dma_start3A_86 : memref<1x64xf32, #tpu.memory_space<vmem>>) target_semaphore(%arg17 : memref<!tpu.dma_semaphore, #tpu.memory_space<semaphore_mem>>)
    %slice3A_89 = vector.extract_strided_slice %get3A_11 {offsets = [5], sizes = [1], strides = [1]} : vector<16xi32> to vector<1xi32>
    %squeeze3A_90 = vector.extract %slice3A_89[0] : i32 from vector<1xi32>
    %mul3A_91 = arith.constant 16 : i32
    %mul3A_92 = arith.muli %scan3A_5, %mul3A_91 : i32
    %add3A_93 = arith.constant 0 : i32
    %add3A_94 = arith.addi %add3A_93, %mul3A_92 : i32
    %add3A_95 = arith.constant 5 : i32
    %add3A_96 = arith.addi %add3A_94, %add3A_95 : i32
    %dma_start3A_97 = arith.constant 0 : i32
    %dma_start3A_98 = tpu.memref_slice %arg12[%add3A_96, %dma_start3A_97] : memref<32x64xf32, #tpu.memory_space<vmem>> -> memref<1x64xf32, #tpu.memory_space<vmem>>
    %dma_start3A_99 = arith.constant 0 : i32
    %dma_start3A_100 = tpu.memref_slice %arg5[%squeeze3A_90, %dma_start3A_99] : memref<1000000x64xf32, #tpu.memory_space<hbm>> -> memref<1x64xf32, #tpu.memory_space<hbm>>
    %dma_start3A_101 = arith.constant 0 : i32
    %dma_start3A_102 = tpu.memref_slice %arg12[%add3A_96, %dma_start3A_101] : memref<32x64xf32, #tpu.memory_space<vmem>> -> memref<1x64xf32, #tpu.memory_space<vmem>>
    %dma_start3A_103 = arith.constant 0 : i32
    %dma_start3A_104 = tpu.memref_slice %arg5[%squeeze3A_90, %dma_start3A_103] : memref<1000000x64xf32, #tpu.memory_space<hbm>> -> memref<1x64xf32, #tpu.memory_space<hbm>>
    tpu.enqueue_dma source(%dma_start3A_104 : memref<1x64xf32, #tpu.memory_space<hbm>>) target(%dma_start3A_102 : memref<1x64xf32, #tpu.memory_space<vmem>>) target_semaphore(%arg17 : memref<!tpu.dma_semaphore, #tpu.memory_space<semaphore_mem>>)
    %slice3A_105 = vector.extract_strided_slice %get3A_11 {offsets = [6], sizes = [1], strides = [1]} : vector<16xi32> to vector<1xi32>
    %squeeze3A_106 = vector.extract %slice3A_105[0] : i32 from vector<1xi32>
    %mul3A_107 = arith.constant 16 : i32
    %mul3A_108 = arith.muli %scan3A_5, %mul3A_107 : i32
    %add3A_109 = arith.constant 0 : i32
    %add3A_110 = arith.addi %add3A_109, %mul3A_108 : i32
    %add3A_111 = arith.constant 6 : i32
    %add3A_112 = arith.addi %add3A_110, %add3A_111 : i32
    %dma_start3A_113 = arith.constant 0 : i32
    %dma_start3A_114 = tpu.memref_slice %arg12[%add3A_112, %dma_start3A_113] : memref<32x64xf32, #tpu.memory_space<vmem>> -> memref<1x64xf32, #tpu.memory_space<vmem>>
    %dma_start3A_115 = arith.constant 0 : i32
    %dma_start3A_116 = tpu.memref_slice %arg5[%squeeze3A_106, %dma_start3A_115] : memref<1000000x64xf32, #tpu.memory_space<hbm>> -> memref<1x64xf32, #tpu.memory_space<hbm>>
    %dma_start3A_117 = arith.constant 0 : i32
    %dma_start3A_118 = tpu.memref_slice %arg12[%add3A_112, %dma_start3A_117] : memref<32x64xf32, #tpu.memory_space<vmem>> -> memref<1x64xf32, #tpu.memory_space<vmem>>
    %dma_start3A_119 = arith.constant 0 : i32
    %dma_start3A_120 = tpu.memref_slice %arg5[%squeeze3A_106, %dma_start3A_119] : memref<1000000x64xf32, #tpu.memory_space<hbm>> -> memref<1x64xf32, #tpu.memory_space<hbm>>
    tpu.enqueue_dma source(%dma_start3A_120 : memref<1x64xf32, #tpu.memory_space<hbm>>) target(%dma_start3A_118 : memref<1x64xf32, #tpu.memory_space<vmem>>) target_semaphore(%arg17 : memref<!tpu.dma_semaphore, #tpu.memory_space<semaphore_mem>>)
    %slice3A_121 = vector.extract_strided_slice %get3A_11 {offsets = [7], sizes = [1], strides = [1]} : vector<16xi32> to vector<1xi32>
    %squeeze3A_122 = vector.extract %slice3A_121[0] : i32 from vector<1xi32>
    %mul3A_123 = arith.constant 16 : i32
    %mul3A_124 = arith.muli %scan3A_5, %mul3A_123 : i32
    %add3A_125 = arith.constant 0 : i32
    %add3A_126 = arith.addi %add3A_125, %mul3A_124 : i32
    %add3A_127 = arith.constant 7 : i32
    %add3A_128 = arith.addi %add3A_126, %add3A_127 : i32
    %dma_start3A_129 = arith.constant 0 : i32
    %dma_start3A_130 = tpu.memref_slice %arg12[%add3A_128, %dma_start3A_129] : memref<32x64xf32, #tpu.memory_space<vmem>> -> memref<1x64xf32, #tpu.memory_space<vmem>>
    %dma_start3A_131 = arith.constant 0 : i32
    %dma_start3A_132 = tpu.memref_slice %arg5[%squeeze3A_122, %dma_start3A_131] : memref<1000000x64xf32, #tpu.memory_space<hbm>> -> memref<1x64xf32, #tpu.memory_space<hbm>>
    %dma_start3A_133 = arith.constant 0 : i32
    %dma_start3A_134 = tpu.memref_slice %arg12[%add3A_128, %dma_start3A_133] : memref<32x64xf32, #tpu.memory_space<vmem>> -> memref<1x64xf32, #tpu.memory_space<vmem>>
    %dma_start3A_135 = arith.constant 0 : i32
    %dma_start3A_136 = tpu.memref_slice %arg5[%squeeze3A_122, %dma_start3A_135] : memref<1000000x64xf32, #tpu.memory_space<hbm>> -> memref<1x64xf32, #tpu.memory_space<hbm>>
    tpu.enqueue_dma source(%dma_start3A_136 : memref<1x64xf32, #tpu.memory_space<hbm>>) target(%dma_start3A_134 : memref<1x64xf32, #tpu.memory_space<vmem>>) target_semaphore(%arg17 : memref<!tpu.dma_semaphore, #tpu.memory_space<semaphore_mem>>)
    %slice3A_137 = vector.extract_strided_slice %get3A_11 {offsets = [8], sizes = [1], strides = [1]} : vector<16xi32> to vector<1xi32>
    %squeeze3A_138 = vector.extract %slice3A_137[0] : i32 from vector<1xi32>
    %mul3A_139 = arith.constant 16 : i32
    %mul3A_140 = arith.muli %scan3A_5, %mul3A_139 : i32
    %add3A_141 = arith.constant 0 : i32
    %add3A_142 = arith.addi %add3A_141, %mul3A_140 : i32
    %add3A_143 = arith.constant 8 : i32
    %add3A_144 = arith.addi %add3A_142, %add3A_143 : i32
    %dma_start3A_145 = arith.constant 0 : i32
    %dma_start3A_146 = tpu.memref_slice %arg12[%add3A_144, %dma_start3A_145] : memref<32x64xf32, #tpu.memory_space<vmem>> -> memref<1x64xf32, #tpu.memory_space<vmem>>
    %dma_start3A_147 = arith.constant 0 : i32
    %dma_start3A_148 = tpu.memref_slice %arg5[%squeeze3A_138, %dma_start3A_147] : memref<1000000x64xf32, #tpu.memory_space<hbm>> -> memref<1x64xf32, #tpu.memory_space<hbm>>
    %dma_start3A_149 = arith.constant 0 : i32
    %dma_start3A_150 = tpu.memref_slice %arg12[%add3A_144, %dma_start3A_149] : memref<32x64xf32, #tpu.memory_space<vmem>> -> memref<1x64xf32, #tpu.memory_space<vmem>>
    %dma_start3A_151 = arith.constant 0 : i32
    %dma_start3A_152 = tpu.memref_slice %arg5[%squeeze3A_138, %dma_start3A_151] : memref<1000000x64xf32, #tpu.memory_space<hbm>> -> memref<1x64xf32, #tpu.memory_space<hbm>>
    tpu.enqueue_dma source(%dma_start3A_152 : memref<1x64xf32, #tpu.memory_space<hbm>>) target(%dma_start3A_150 : memref<1x64xf32, #tpu.memory_space<vmem>>) target_semaphore(%arg17 : memref<!tpu.dma_semaphore, #tpu.memory_space<semaphore_mem>>)
    %slice3A_153 = vector.extract_strided_slice %get3A_11 {offsets = [9], sizes = [1], strides = [1]} : vector<16xi32> to vector<1xi32>
    %squeeze3A_154 = vector.extract %slice3A_153[0] : i32 from vector<1xi32>
    %mul3A_155 = arith.constant 16 : i32
    %mul3A_156 = arith.muli %scan3A_5, %mul3A_155 : i32
    %add3A_157 = arith.constant 0 : i32
    %add3A_158 = arith.addi %add3A_157, %mul3A_156 : i32
    %add3A_159 = arith.constant 9 : i32
    %add3A_160 = arith.addi %add3A_158, %add3A_159 : i32
    %dma_start3A_161 = arith.constant 0 : i32
    %dma_start3A_162 = tpu.memref_slice %arg12[%add3A_160, %dma_start3A_161] : memref<32x64xf32, #tpu.memory_space<vmem>> -> memref<1x64xf32, #tpu.memory_space<vmem>>
    %dma_start3A_163 = arith.constant 0 : i32
    %dma_start3A_164 = tpu.memref_slice %arg5[%squeeze3A_154, %dma_start3A_163] : memref<1000000x64xf32, #tpu.memory_space<hbm>> -> memref<1x64xf32, #tpu.memory_space<hbm>>
    %dma_start3A_165 = arith.constant 0 : i32
    %dma_start3A_166 = tpu.memref_slice %arg12[%add3A_160, %dma_start3A_165] : memref<32x64xf32, #tpu.memory_space<vmem>> -> memref<1x64xf32, #tpu.memory_space<vmem>>
    %dma_start3A_167 = arith.constant 0 : i32
    %dma_start3A_168 = tpu.memref_slice %arg5[%squeeze3A_154, %dma_start3A_167] : memref<1000000x64xf32, #tpu.memory_space<hbm>> -> memref<1x64xf32, #tpu.memory_space<hbm>>
    tpu.enqueue_dma source(%dma_start3A_168 : memref<1x64xf32, #tpu.memory_space<hbm>>) target(%dma_start3A_166 : memref<1x64xf32, #tpu.memory_space<vmem>>) target_semaphore(%arg17 : memref<!tpu.dma_semaphore, #tpu.memory_space<semaphore_mem>>)
    %slice3A_169 = vector.extract_strided_slice %get3A_11 {offsets = [10], sizes = [1], strides = [1]} : vector<16xi32> to vector<1xi32>
    %squeeze3A_170 = vector.extract %slice3A_169[0] : i32 from vector<1xi32>
    %mul3A_171 = arith.constant 16 : i32
    %mul3A_172 = arith.muli %scan3A_5, %mul3A_171 : i32
    %add3A_173 = arith.constant 0 : i32
    %add3A_174 = arith.addi %add3A_173, %mul3A_172 : i32
    %add3A_175 = arith.constant 10 : i32
    %add3A_176 = arith.addi %add3A_174, %add3A_175 : i32
    %dma_start3A_177 = arith.constant 0 : i32
    %dma_start3A_178 = tpu.memref_slice %arg12[%add3A_176, %dma_start3A_177] : memref<32x64xf32, #tpu.memory_space<vmem>> -> memref<1x64xf32, #tpu.memory_space<vmem>>
    %dma_start3A_179 = arith.constant 0 : i32
    %dma_start3A_180 = tpu.memref_slice %arg5[%squeeze3A_170, %dma_start3A_179] : memref<1000000x64xf32, #tpu.memory_space<hbm>> -> memref<1x64xf32, #tpu.memory_space<hbm>>
    %dma_start3A_181 = arith.constant 0 : i32
    %dma_start3A_182 = tpu.memref_slice %arg12[%add3A_176, %dma_start3A_181] : memref<32x64xf32, #tpu.memory_space<vmem>> -> memref<1x64xf32, #tpu.memory_space<vmem>>
    %dma_start3A_183 = arith.constant 0 : i32
    %dma_start3A_184 = tpu.memref_slice %arg5[%squeeze3A_170, %dma_start3A_183] : memref<1000000x64xf32, #tpu.memory_space<hbm>> -> memref<1x64xf32, #tpu.memory_space<hbm>>
    tpu.enqueue_dma source(%dma_start3A_184 : memref<1x64xf32, #tpu.memory_space<hbm>>) target(%dma_start3A_182 : memref<1x64xf32, #tpu.memory_space<vmem>>) target_semaphore(%arg17 : memref<!tpu.dma_semaphore, #tpu.memory_space<semaphore_mem>>)
    %slice3A_185 = vector.extract_strided_slice %get3A_11 {offsets = [11], sizes = [1], strides = [1]} : vector<16xi32> to vector<1xi32>
    %squeeze3A_186 = vector.extract %slice3A_185[0] : i32 from vector<1xi32>
    %mul3A_187 = arith.constant 16 : i32
    %mul3A_188 = arith.muli %scan3A_5, %mul3A_187 : i32
    %add3A_189 = arith.constant 0 : i32
    %add3A_190 = arith.addi %add3A_189, %mul3A_188 : i32
    %add3A_191 = arith.constant 11 : i32
    %add3A_192 = arith.addi %add3A_190, %add3A_191 : i32
    %dma_start3A_193 = arith.constant 0 : i32
    %dma_start3A_194 = tpu.memref_slice %arg12[%add3A_192, %dma_start3A_193] : memref<32x64xf32, #tpu.memory_space<vmem>> -> memref<1x64xf32, #tpu.memory_space<vmem>>
    %dma_start3A_195 = arith.constant 0 : i32
    %dma_start3A_196 = tpu.memref_slice %arg5[%squeeze3A_186, %dma_start3A_195] : memref<1000000x64xf32, #tpu.memory_space<hbm>> -> memref<1x64xf32, #tpu.memory_space<hbm>>
    %dma_start3A_197 = arith.constant 0 : i32
    %dma_start3A_198 = tpu.memref_slice %arg12[%add3A_192, %dma_start3A_197] : memref<32x64xf32, #tpu.memory_space<vmem>> -> memref<1x64xf32, #tpu.memory_space<vmem>>
    %dma_start3A_199 = arith.constant 0 : i32
    %dma_start3A_200 = tpu.memref_slice %arg5[%squeeze3A_186, %dma_start3A_199] : memref<1000000x64xf32, #tpu.memory_space<hbm>> -> memref<1x64xf32, #tpu.memory_space<hbm>>
    tpu.enqueue_dma source(%dma_start3A_200 : memref<1x64xf32, #tpu.memory_space<hbm>>) target(%dma_start3A_198 : memref<1x64xf32, #tpu.memory_space<vmem>>) target_semaphore(%arg17 : memref<!tpu.dma_semaphore, #tpu.memory_space<semaphore_mem>>)
    %slice3A_201 = vector.extract_strided_slice %get3A_11 {offsets = [12], sizes = [1], strides = [1]} : vector<16xi32> to vector<1xi32>
    %squeeze3A_202 = vector.extract %slice3A_201[0] : i32 from vector<1xi32>
    %mul3A_203 = arith.constant 16 : i32
    %mul3A_204 = arith.muli %scan3A_5, %mul3A_203 : i32
    %add3A_205 = arith.constant 0 : i32
    %add3A_206 = arith.addi %add3A_205, %mul3A_204 : i32
    %add3A_207 = arith.constant 12 : i32
    %add3A_208 = arith.addi %add3A_206, %add3A_207 : i32
    %dma_start3A_209 = arith.constant 0 : i32
    %dma_start3A_210 = tpu.memref_slice %arg12[%add3A_208, %dma_start3A_209] : memref<32x64xf32, #tpu.memory_space<vmem>> -> memref<1x64xf32, #tpu.memory_space<vmem>>
    %dma_start3A_211 = arith.constant 0 : i32
    %dma_start3A_212 = tpu.memref_slice %arg5[%squeeze3A_202, %dma_start3A_211] : memref<1000000x64xf32, #tpu.memory_space<hbm>> -> memref<1x64xf32, #tpu.memory_space<hbm>>
    %dma_start3A_213 = arith.constant 0 : i32
    %dma_start3A_214 = tpu.memref_slice %arg12[%add3A_208, %dma_start3A_213] : memref<32x64xf32, #tpu.memory_space<vmem>> -> memref<1x64xf32, #tpu.memory_space<vmem>>
    %dma_start3A_215 = arith.constant 0 : i32
    %dma_start3A_216 = tpu.memref_slice %arg5[%squeeze3A_202, %dma_start3A_215] : memref<1000000x64xf32, #tpu.memory_space<hbm>> -> memref<1x64xf32, #tpu.memory_space<hbm>>
    tpu.enqueue_dma source(%dma_start3A_216 : memref<1x64xf32, #tpu.memory_space<hbm>>) target(%dma_start3A_214 : memref<1x64xf32, #tpu.memory_space<vmem>>) target_semaphore(%arg17 : memref<!tpu.dma_semaphore, #tpu.memory_space<semaphore_mem>>)
    %slice3A_217 = vector.extract_strided_slice %get3A_11 {offsets = [13], sizes = [1], strides = [1]} : vector<16xi32> to vector<1xi32>
    %squeeze3A_218 = vector.extract %slice3A_217[0] : i32 from vector<1xi32>
    %mul3A_219 = arith.constant 16 : i32
    %mul3A_220 = arith.muli %scan3A_5, %mul3A_219 : i32
    %add3A_221 = arith.constant 0 : i32
    %add3A_222 = arith.addi %add3A_221, %mul3A_220 : i32
    %add3A_223 = arith.constant 13 : i32
    %add3A_224 = arith.addi %add3A_222, %add3A_223 : i32
    %dma_start3A_225 = arith.constant 0 : i32
    %dma_start3A_226 = tpu.memref_slice %arg12[%add3A_224, %dma_start3A_225] : memref<32x64xf32, #tpu.memory_space<vmem>> -> memref<1x64xf32, #tpu.memory_space<vmem>>
    %dma_start3A_227 = arith.constant 0 : i32
    %dma_start3A_228 = tpu.memref_slice %arg5[%squeeze3A_218, %dma_start3A_227] : memref<1000000x64xf32, #tpu.memory_space<hbm>> -> memref<1x64xf32, #tpu.memory_space<hbm>>
    %dma_start3A_229 = arith.constant 0 : i32
    %dma_start3A_230 = tpu.memref_slice %arg12[%add3A_224, %dma_start3A_229] : memref<32x64xf32, #tpu.memory_space<vmem>> -> memref<1x64xf32, #tpu.memory_space<vmem>>
    %dma_start3A_231 = arith.constant 0 : i32
    %dma_start3A_232 = tpu.memref_slice %arg5[%squeeze3A_218, %dma_start3A_231] : memref<1000000x64xf32, #tpu.memory_space<hbm>> -> memref<1x64xf32, #tpu.memory_space<hbm>>
    tpu.enqueue_dma source(%dma_start3A_232 : memref<1x64xf32, #tpu.memory_space<hbm>>) target(%dma_start3A_230 : memref<1x64xf32, #tpu.memory_space<vmem>>) target_semaphore(%arg17 : memref<!tpu.dma_semaphore, #tpu.memory_space<semaphore_mem>>)
    %slice3A_233 = vector.extract_strided_slice %get3A_11 {offsets = [14], sizes = [1], strides = [1]} : vector<16xi32> to vector<1xi32>
    %squeeze3A_234 = vector.extract %slice3A_233[0] : i32 from vector<1xi32>
    %mul3A_235 = arith.constant 16 : i32
    %mul3A_236 = arith.muli %scan3A_5, %mul3A_235 : i32
    %add3A_237 = arith.constant 0 : i32
    %add3A_238 = arith.addi %add3A_237, %mul3A_236 : i32
    %add3A_239 = arith.constant 14 : i32
    %add3A_240 = arith.addi %add3A_238, %add3A_239 : i32
    %dma_start3A_241 = arith.constant 0 : i32
    %dma_start3A_242 = tpu.memref_slice %arg12[%add3A_240, %dma_start3A_241] : memref<32x64xf32, #tpu.memory_space<vmem>> -> memref<1x64xf32, #tpu.memory_space<vmem>>
    %dma_start3A_243 = arith.constant 0 : i32
    %dma_start3A_244 = tpu.memref_slice %arg5[%squeeze3A_234, %dma_start3A_243] : memref<1000000x64xf32, #tpu.memory_space<hbm>> -> memref<1x64xf32, #tpu.memory_space<hbm>>
    %dma_start3A_245 = arith.constant 0 : i32
    %dma_start3A_246 = tpu.memref_slice %arg12[%add3A_240, %dma_start3A_245] : memref<32x64xf32, #tpu.memory_space<vmem>> -> memref<1x64xf32, #tpu.memory_space<vmem>>
    %dma_start3A_247 = arith.constant 0 : i32
    %dma_start3A_248 = tpu.memref_slice %arg5[%squeeze3A_234, %dma_start3A_247] : memref<1000000x64xf32, #tpu.memory_space<hbm>> -> memref<1x64xf32, #tpu.memory_space<hbm>>
    tpu.enqueue_dma source(%dma_start3A_248 : memref<1x64xf32, #tpu.memory_space<hbm>>) target(%dma_start3A_246 : memref<1x64xf32, #tpu.memory_space<vmem>>) target_semaphore(%arg17 : memref<!tpu.dma_semaphore, #tpu.memory_space<semaphore_mem>>)
    %slice3A_249 = vector.extract_strided_slice %get3A_11 {offsets = [15], sizes = [1], strides = [1]} : vector<16xi32> to vector<1xi32>
    %squeeze3A_250 = vector.extract %slice3A_249[0] : i32 from vector<1xi32>
    %mul3A_251 = arith.constant 16 : i32
    %mul3A_252 = arith.muli %scan3A_5, %mul3A_251 : i32
    %add3A_253 = arith.constant 0 : i32
    %add3A_254 = arith.addi %add3A_253, %mul3A_252 : i32
    %add3A_255 = arith.constant 15 : i32
    %add3A_256 = arith.addi %add3A_254, %add3A_255 : i32
    %dma_start3A_257 = arith.constant 0 : i32
    %dma_start3A_258 = tpu.memref_slice %arg12[%add3A_256, %dma_start3A_257] : memref<32x64xf32, #tpu.memory_space<vmem>> -> memref<1x64xf32, #tpu.memory_space<vmem>>
    %dma_start3A_259 = arith.constant 0 : i32
    %dma_start3A_260 = tpu.memref_slice %arg5[%squeeze3A_250, %dma_start3A_259] : memref<1000000x64xf32, #tpu.memory_space<hbm>> -> memref<1x64xf32, #tpu.memory_space<hbm>>
    %dma_start3A_261 = arith.constant 0 : i32
    %dma_start3A_262 = tpu.memref_slice %arg12[%add3A_256, %dma_start3A_261] : memref<32x64xf32, #tpu.memory_space<vmem>> -> memref<1x64xf32, #tpu.memory_space<vmem>>
    %dma_start3A_263 = arith.constant 0 : i32
    %dma_start3A_264 = tpu.memref_slice %arg5[%squeeze3A_250, %dma_start3A_263] : memref<1000000x64xf32, #tpu.memory_space<hbm>> -> memref<1x64xf32, #tpu.memory_space<hbm>>
    tpu.enqueue_dma source(%dma_start3A_264 : memref<1x64xf32, #tpu.memory_space<hbm>>) target(%dma_start3A_262 : memref<1x64xf32, #tpu.memory_space<vmem>>) target_semaphore(%arg17 : memref<!tpu.dma_semaphore, #tpu.memory_space<semaphore_mem>>)
    %scan3A_265 = arith.constant 1 : i32
    %scan3A_266 = arith.constant 0 : i32
    %scan3A_267 = arith.constant 0 : i32
    %mul3A_268 = arith.constant 16 : i32
    %mul3A_269 = arith.muli %scan3A_267, %mul3A_268 : i32
    %add3A_270 = arith.constant 0 : i32
    %add3A_271 = arith.addi %add3A_270, %mul3A_269 : i32
    %get3A_272 = arith.index_cast %add3A_271 : i32 to index
    %get3A_273 = tpu.vector_load %arg10[%get3A_272] {strides = array<i32>} : memref<528xi32, #tpu.memory_space<vmem>>, vector<16xi32>,
    %get3A_274 = vector.shape_cast %get3A_273 : vector<16xi32> to vector<16xi32>
    %slice3A_275 = vector.extract_strided_slice %get3A_274 {offsets = [0], sizes = [1], strides = [1]} : vector<16xi32> to vector<1xi32>
    %squeeze3A_276 = vector.extract %slice3A_275[0] : i32 from vector<1xi32>
    %mul3A_277 = arith.constant 16 : i32
    %mul3A_278 = arith.muli %scan3A_267, %mul3A_277 : i32
    %add3A_279 = arith.constant 0 : i32
    %add3A_280 = arith.addi %add3A_279, %mul3A_278 : i32
    %add3A_281 = arith.constant 0 : i32
    %add3A_282 = arith.addi %add3A_280, %add3A_281 : i32
    %dma_start3A_283 = arith.constant 0 : i32
    %dma_start3A_284 = tpu.memref_slice %arg13[%add3A_282, %dma_start3A_283] : memref<32x64xf32, #tpu.memory_space<vmem>> -> memref<1x64xf32, #tpu.memory_space<vmem>>
    %dma_start3A_285 = arith.constant 0 : i32
    %dma_start3A_286 = tpu.memref_slice %arg6[%squeeze3A_276, %dma_start3A_285] : memref<1000000x64xf32, #tpu.memory_space<hbm>> -> memref<1x64xf32, #tpu.memory_space<hbm>>
    %dma_start3A_287 = arith.constant 0 : i32
    %dma_start3A_288 = tpu.memref_slice %arg13[%add3A_282, %dma_start3A_287] : memref<32x64xf32, #tpu.memory_space<vmem>> -> memref<1x64xf32, #tpu.memory_space<vmem>>
    %dma_start3A_289 = arith.constant 0 : i32
    %dma_start3A_290 = tpu.memref_slice %arg6[%squeeze3A_276, %dma_start3A_289] : memref<1000000x64xf32, #tpu.memory_space<hbm>> -> memref<1x64xf32, #tpu.memory_space<hbm>>
    tpu.enqueue_dma source(%dma_start3A_290 : memref<1x64xf32, #tpu.memory_space<hbm>>) target(%dma_start3A_288 : memref<1x64xf32, #tpu.memory_space<vmem>>) target_semaphore(%arg17 : memref<!tpu.dma_semaphore, #tpu.memory_space<semaphore_mem>>)
    %slice3A_291 = vector.extract_strided_slice %get3A_274 {offsets = [1], sizes = [1], strides = [1]} : vector<16xi32> to vector<1xi32>
    %squeeze3A_292 = vector.extract %slice3A_291[0] : i32 from vector<1xi32>
    %mul3A_293 = arith.constant 16 : i32
    %mul3A_294 = arith.muli %scan3A_267, %mul3A_293 : i32
    %add3A_295 = arith.constant 0 : i32
    %add3A_296 = arith.addi %add3A_295, %mul3A_294 : i32
    %add3A_297 = arith.constant 1 : i32
    %add3A_298 = arith.addi %add3A_296, %add3A_297 : i32
    %dma_start3A_299 = arith.constant 0 : i32
    %dma_start3A_300 = tpu.memref_slice %arg13[%add3A_298, %dma_start3A_299] : memref<32x64xf32, #tpu.memory_space<vmem>> -> memref<1x64xf32, #tpu.memory_space<vmem>>
    %dma_start3A_301 = arith.constant 0 : i32
    %dma_start3A_302 = tpu.memref_slice %arg6[%squeeze3A_292, %dma_start3A_301] : memref<1000000x64xf32, #tpu.memory_space<hbm>> -> memref<1x64xf32, #tpu.memory_space<hbm>>
    %dma_start3A_303 = arith.constant 0 : i32
    %dma_start3A_304 = tpu.memref_slice %arg13[%add3A_298, %dma_start3A_303] : memref<32x64xf32, #tpu.memory_space<vmem>> -> memref<1x64xf32, #tpu.memory_space<vmem>>
    %dma_start3A_305 = arith.constant 0 : i32
    %dma_start3A_306 = tpu.memref_slice %arg6[%squeeze3A_292, %dma_start3A_305] : memref<1000000x64xf32, #tpu.memory_space<hbm>> -> memref<1x64xf32, #tpu.memory_space<hbm>>
    tpu.enqueue_dma source(%dma_start3A_306 : memref<1x64xf32, #tpu.memory_space<hbm>>) target(%dma_start3A_304 : memref<1x64xf32, #tpu.memory_space<vmem>>) target_semaphore(%arg17 : memref<!tpu.dma_semaphore, #tpu.memory_space<semaphore_mem>>)
    %slice3A_307 = vector.extract_strided_slice %get3A_274 {offsets = [2], sizes = [1], strides = [1]} : vector<16xi32> to vector<1xi32>
    %squeeze3A_308 = vector.extract %slice3A_307[0] : i32 from vector<1xi32>
    %mul3A_309 = arith.constant 16 : i32
    %mul3A_310 = arith.muli %scan3A_267, %mul3A_309 : i32
    %add3A_311 = arith.constant 0 : i32
    %add3A_312 = arith.addi %add3A_311, %mul3A_310 : i32
    %add3A_313 = arith.constant 2 : i32
    %add3A_314 = arith.addi %add3A_312, %add3A_313 : i32
    %dma_start3A_315 = arith.constant 0 : i32
    %dma_start3A_316 = tpu.memref_slice %arg13[%add3A_314, %dma_start3A_315] : memref<32x64xf32, #tpu.memory_space<vmem>> -> memref<1x64xf32, #tpu.memory_space<vmem>>
    %dma_start3A_317 = arith.constant 0 : i32
    %dma_start3A_318 = tpu.memref_slice %arg6[%squeeze3A_308, %dma_start3A_317] : memref<1000000x64xf32, #tpu.memory_space<hbm>> -> memref<1x64xf32, #tpu.memory_space<hbm>>
    %dma_start3A_319 = arith.constant 0 : i32
    %dma_start3A_320 = tpu.memref_slice %arg13[%add3A_314, %dma_start3A_319] : memref<32x64xf32, #tpu.memory_space<vmem>> -> memref<1x64xf32, #tpu.memory_space<vmem>>
    %dma_start3A_321 = arith.constant 0 : i32
    %dma_start3A_322 = tpu.memref_slice %arg6[%squeeze3A_308, %dma_start3A_321] : memref<1000000x64xf32, #tpu.memory_space<hbm>> -> memref<1x64xf32, #tpu.memory_space<hbm>>
    tpu.enqueue_dma source(%dma_start3A_322 : memref<1x64xf32, #tpu.memory_space<hbm>>) target(%dma_start3A_320 : memref<1x64xf32, #tpu.memory_space<vmem>>) target_semaphore(%arg17 : memref<!tpu.dma_semaphore, #tpu.memory_space<semaphore_mem>>)
    %slice3A_323 = vector.extract_strided_slice %get3A_274 {offsets = [3], sizes = [1], strides = [1]} : vector<16xi32> to vector<1xi32>
    %squeeze3A_324 = vector.extract %slice3A_323[0] : i32 from vector<1xi32>
    %mul3A_325 = arith.constant 16 : i32
    %mul3A_326 = arith.muli %scan3A_267, %mul3A_325 : i32
    %add3A_327 = arith.constant 0 : i32
    %add3A_328 = arith.addi %add3A_327, %mul3A_326 : i32
    %add3A_329 = arith.constant 3 : i32
    %add3A_330 = arith.addi %add3A_328, %add3A_329 : i32
    %dma_start3A_331 = arith.constant 0 : i32
    %dma_start3A_332 = tpu.memref_slice %arg13[%add3A_330, %dma_start3A_331] : memref<32x64xf32, #tpu.memory_space<vmem>> -> memref<1x64xf32, #tpu.memory_space<vmem>>
    %dma_start3A_333 = arith.constant 0 : i32
    %dma_start3A_334 = tpu.memref_slice %arg6[%squeeze3A_324, %dma_start3A_333] : memref<1000000x64xf32, #tpu.memory_space<hbm>> -> memref<1x64xf32, #tpu.memory_space<hbm>>
    %dma_start3A_335 = arith.constant 0 : i32
    %dma_start3A_336 = tpu.memref_slice %arg13[%add3A_330, %dma_start3A_335] : memref<32x64xf32, #tpu.memory_space<vmem>> -> memref<1x64xf32, #tpu.memory_space<vmem>>
    %dma_start3A_337 = arith.constant 0 : i32
    %dma_start3A_338 = tpu.memref_slice %arg6[%squeeze3A_324, %dma_start3A_337] : memref<1000000x64xf32, #tpu.memory_space<hbm>> -> memref<1x64xf32, #tpu.memory_space<hbm>>
    tpu.enqueue_dma source(%dma_start3A_338 : memref<1x64xf32, #tpu.memory_space<hbm>>) target(%dma_start3A_336 : memref<1x64xf32, #tpu.memory_space<vmem>>) target_semaphore(%arg17 : memref<!tpu.dma_semaphore, #tpu.memory_space<semaphore_mem>>)
    %slice3A_339 = vector.extract_strided_slice %get3A_274 {offsets = [4], sizes = [1], strides = [1]} : vector<16xi32> to vector<1xi32>
    %squeeze3A_340 = vector.extract %slice3A_339[0] : i32 from vector<1xi32>
    %mul3A_341 = arith.constant 16 : i32
    %mul3A_342 = arith.muli %scan3A_267, %mul3A_341 : i32
    %add3A_343 = arith.constant 0 : i32
    %add3A_344 = arith.addi %add3A_343, %mul3A_342 : i32
    %add3A_345 = arith.constant 4 : i32
    %add3A_346 = arith.addi %add3A_344, %add3A_345 : i32
    %dma_start3A_347 = arith.constant 0 : i32
    %dma_start3A_348 = tpu.memref_slice %arg13[%add3A_346, %dma_start3A_347] : memref<32x64xf32, #tpu.memory_space<vmem>> -> memref<1x64xf32, #tpu.memory_space<vmem>>
    %dma_start3A_349 = arith.constant 0 : i32
    %dma_start3A_350 = tpu.memref_slice %arg6[%squeeze3A_340, %dma_start3A_349] : memref<1000000x64xf32, #tpu.memory_space<hbm>> -> memref<1x64xf32, #tpu.memory_space<hbm>>
    %dma_start3A_351 = arith.constant 0 : i32
    %dma_start3A_352 = tpu.memref_slice %arg13[%add3A_346, %dma_start3A_351] : memref<32x64xf32, #tpu.memory_space<vmem>> -> memref<1x64xf32, #tpu.memory_space<vmem>>
    %dma_start3A_353 = arith.constant 0 : i32
    %dma_start3A_354 = tpu.memref_slice %arg6[%squeeze3A_340, %dma_start3A_353] : memref<1000000x64xf32, #tpu.memory_space<hbm>> -> memref<1x64xf32, #tpu.memory_space<hbm>>
    tpu.enqueue_dma source(%dma_start3A_354 : memref<1x64xf32, #tpu.memory_space<hbm>>) target(%dma_start3A_352 : memref<1x64xf32, #tpu.memory_space<vmem>>) target_semaphore(%arg17 : memref<!tpu.dma_semaphore, #tpu.memory_space<semaphore_mem>>)
    %slice3A_355 = vector.extract_strided_slice %get3A_274 {offsets = [5], sizes = [1], strides = [1]} : vector<16xi32> to vector<1xi32>
    %squeeze3A_356 = vector.extract %slice3A_355[0] : i32 from vector<1xi32>
    %mul3A_357 = arith.constant 16 : i32
    %mul3A_358 = arith.muli %scan3A_267, %mul3A_357 : i32
    %add3A_359 = arith.constant 0 : i32
    %add3A_360 = arith.addi %add3A_359, %mul3A_358 : i32
    %add3A_361 = arith.constant 5 : i32
    %add3A_362 = arith.addi %add3A_360, %add3A_361 : i32
    %dma_start3A_363 = arith.constant 0 : i32
    %dma_start3A_364 = tpu.memref_slice %arg13[%add3A_362, %dma_start3A_363] : memref<32x64xf32, #tpu.memory_space<vmem>> -> memref<1x64xf32, #tpu.memory_space<vmem>>
    %dma_start3A_365 = arith.constant 0 : i32
    %dma_start3A_366 = tpu.memref_slice %arg6[%squeeze3A_356, %dma_start3A_365] : memref<1000000x64xf32, #tpu.memory_space<hbm>> -> memref<1x64xf32, #tpu.memory_space<hbm>>
    %dma_start3A_367 = arith.constant 0 : i32
    %dma_start3A_368 = tpu.memref_slice %arg13[%add3A_362, %dma_start3A_367] : memref<32x64xf32, #tpu.memory_space<vmem>> -> memref<1x64xf32, #tpu.memory_space<vmem>>
    %dma_start3A_369 = arith.constant 0 : i32
    %dma_start3A_370 = tpu.memref_slice %arg6[%squeeze3A_356, %dma_start3A_369] : memref<1000000x64xf32, #tpu.memory_space<hbm>> -> memref<1x64xf32, #tpu.memory_space<hbm>>
    tpu.enqueue_dma source(%dma_start3A_370 : memref<1x64xf32, #tpu.memory_space<hbm>>) target(%dma_start3A_368 : memref<1x64xf32, #tpu.memory_space<vmem>>) target_semaphore(%arg17 : memref<!tpu.dma_semaphore, #tpu.memory_space<semaphore_mem>>)
    %slice3A_371 = vector.extract_strided_slice %get3A_274 {offsets = [6], sizes = [1], strides = [1]} : vector<16xi32> to vector<1xi32>
    %squeeze3A_372 = vector.extract %slice3A_371[0] : i32 from vector<1xi32>
    %mul3A_373 = arith.constant 16 : i32
    %mul3A_374 = arith.muli %scan3A_267, %mul3A_373 : i32
    %add3A_375 = arith.constant 0 : i32
    %add3A_376 = arith.addi %add3A_375, %mul3A_374 : i32
    %add3A_377 = arith.constant 6 : i32
    %add3A_378 = arith.addi %add3A_376, %add3A_377 : i32
    %dma_start3A_379 = arith.constant 0 : i32
    %dma_start3A_380 = tpu.memref_slice %arg13[%add3A_378, %dma_start3A_379] : memref<32x64xf32, #tpu.memory_space<vmem>> -> memref<1x64xf32, #tpu.memory_space<vmem>>
    %dma_start3A_381 = arith.constant 0 : i32
    %dma_start3A_382 = tpu.memref_slice %arg6[%squeeze3A_372, %dma_start3A_381] : memref<1000000x64xf32, #tpu.memory_space<hbm>> -> memref<1x64xf32, #tpu.memory_space<hbm>>
    %dma_start3A_383 = arith.constant 0 : i32
    %dma_start3A_384 = tpu.memref_slice %arg13[%add3A_378, %dma_start3A_383] : memref<32x64xf32, #tpu.memory_space<vmem>> -> memref<1x64xf32, #tpu.memory_space<vmem>>
    %dma_start3A_385 = arith.constant 0 : i32
    %dma_start3A_386 = tpu.memref_slice %arg6[%squeeze3A_372, %dma_start3A_385] : memref<1000000x64xf32, #tpu.memory_space<hbm>> -> memref<1x64xf32, #tpu.memory_space<hbm>>
    tpu.enqueue_dma source(%dma_start3A_386 : memref<1x64xf32, #tpu.memory_space<hbm>>) target(%dma_start3A_384 : memref<1x64xf32, #tpu.memory_space<vmem>>) target_semaphore(%arg17 : memref<!tpu.dma_semaphore, #tpu.memory_space<semaphore_mem>>)
    %slice3A_387 = vector.extract_strided_slice %get3A_274 {offsets = [7], sizes = [1], strides = [1]} : vector<16xi32> to vector<1xi32>
    %squeeze3A_388 = vector.extract %slice3A_387[0] : i32 from vector<1xi32>
    %mul3A_389 = arith.constant 16 : i32
    %mul3A_390 = arith.muli %scan3A_267, %mul3A_389 : i32
    %add3A_391 = arith.constant 0 : i32
    %add3A_392 = arith.addi %add3A_391, %mul3A_390 : i32
    %add3A_393 = arith.constant 7 : i32
    %add3A_394 = arith.addi %add3A_392, %add3A_393 : i32
    %dma_start3A_395 = arith.constant 0 : i32
    %dma_start3A_396 = tpu.memref_slice %arg13[%add3A_394, %dma_start3A_395] : memref<32x64xf32, #tpu.memory_space<vmem>> -> memref<1x64xf32, #tpu.memory_space<vmem>>
    %dma_start3A_397 = arith.constant 0 : i32
    %dma_start3A_398 = tpu.memref_slice %arg6[%squeeze3A_388, %dma_start3A_397] : memref<1000000x64xf32, #tpu.memory_space<hbm>> -> memref<1x64xf32, #tpu.memory_space<hbm>>
    %dma_start3A_399 = arith.constant 0 : i32
    %dma_start3A_400 = tpu.memref_slice %arg13[%add3A_394, %dma_start3A_399] : memref<32x64xf32, #tpu.memory_space<vmem>> -> memref<1x64xf32, #tpu.memory_space<vmem>>
    %dma_start3A_401 = arith.constant 0 : i32
    %dma_start3A_402 = tpu.memref_slice %arg6[%squeeze3A_388, %dma_start3A_401] : memref<1000000x64xf32, #tpu.memory_space<hbm>> -> memref<1x64xf32, #tpu.memory_space<hbm>>
    tpu.enqueue_dma source(%dma_start3A_402 : memref<1x64xf32, #tpu.memory_space<hbm>>) target(%dma_start3A_400 : memref<1x64xf32, #tpu.memory_space<vmem>>) target_semaphore(%arg17 : memref<!tpu.dma_semaphore, #tpu.memory_space<semaphore_mem>>)
    %slice3A_403 = vector.extract_strided_slice %get3A_274 {offsets = [8], sizes = [1], strides = [1]} : vector<16xi32> to vector<1xi32>
    %squeeze3A_404 = vector.extract %slice3A_403[0] : i32 from vector<1xi32>
    %mul3A_405 = arith.constant 16 : i32
    %mul3A_406 = arith.muli %scan3A_267, %mul3A_405 : i32
    %add3A_407 = arith.constant 0 : i32
    %add3A_408 = arith.addi %add3A_407, %mul3A_406 : i32
    %add3A_409 = arith.constant 8 : i32
    %add3A_410 = arith.addi %add3A_408, %add3A_409 : i32
    %dma_start3A_411 = arith.constant 0 : i32
    %dma_start3A_412 = tpu.memref_slice %arg13[%add3A_410, %dma_start3A_411] : memref<32x64xf32, #tpu.memory_space<vmem>> -> memref<1x64xf32, #tpu.memory_space<vmem>>
    %dma_start3A_413 = arith.constant 0 : i32
    %dma_start3A_414 = tpu.memref_slice %arg6[%squeeze3A_404, %dma_start3A_413] : memref<1000000x64xf32, #tpu.memory_space<hbm>> -> memref<1x64xf32, #tpu.memory_space<hbm>>
    %dma_start3A_415 = arith.constant 0 : i32
    %dma_start3A_416 = tpu.memref_slice %arg13[%add3A_410, %dma_start3A_415] : memref<32x64xf32, #tpu.memory_space<vmem>> -> memref<1x64xf32, #tpu.memory_space<vmem>>
    %dma_start3A_417 = arith.constant 0 : i32
    %dma_start3A_418 = tpu.memref_slice %arg6[%squeeze3A_404, %dma_start3A_417] : memref<1000000x64xf32, #tpu.memory_space<hbm>> -> memref<1x64xf32, #tpu.memory_space<hbm>>
    tpu.enqueue_dma source(%dma_start3A_418 : memref<1x64xf32, #tpu.memory_space<hbm>>) target(%dma_start3A_416 : memref<1x64xf32, #tpu.memory_space<vmem>>) target_semaphore(%arg17 : memref<!tpu.dma_semaphore, #tpu.memory_space<semaphore_mem>>)
    %slice3A_419 = vector.extract_strided_slice %get3A_274 {offsets = [9], sizes = [1], strides = [1]} : vector<16xi32> to vector<1xi32>
    %squeeze3A_420 = vector.extract %slice3A_419[0] : i32 from vector<1xi32>
    %mul3A_421 = arith.constant 16 : i32
    %mul3A_422 = arith.muli %scan3A_267, %mul3A_421 : i32
    %add3A_423 = arith.constant 0 : i32
    %add3A_424 = arith.addi %add3A_423, %mul3A_422 : i32
    %add3A_425 = arith.constant 9 : i32
    %add3A_426 = arith.addi %add3A_424, %add3A_425 : i32
    %dma_start3A_427 = arith.constant 0 : i32
    %dma_start3A_428 = tpu.memref_slice %arg13[%add3A_426, %dma_start3A_427] : memref<32x64xf32, #tpu.memory_space<vmem>> -> memref<1x64xf32, #tpu.memory_space<vmem>>
    %dma_start3A_429 = arith.constant 0 : i32
    %dma_start3A_430 = tpu.memref_slice %arg6[%squeeze3A_420, %dma_start3A_429] : memref<1000000x64xf32, #tpu.memory_space<hbm>> -> memref<1x64xf32, #tpu.memory_space<hbm>>
    %dma_start3A_431 = arith.constant 0 : i32
    %dma_start3A_432 = tpu.memref_slice %arg13[%add3A_426, %dma_start3A_431] : memref<32x64xf32, #tpu.memory_space<vmem>> -> memref<1x64xf32, #tpu.memory_space<vmem>>
    %dma_start3A_433 = arith.constant 0 : i32
    %dma_start3A_434 = tpu.memref_slice %arg6[%squeeze3A_420, %dma_start3A_433] : memref<1000000x64xf32, #tpu.memory_space<hbm>> -> memref<1x64xf32, #tpu.memory_space<hbm>>
    tpu.enqueue_dma source(%dma_start3A_434 : memref<1x64xf32, #tpu.memory_space<hbm>>) target(%dma_start3A_432 : memref<1x64xf32, #tpu.memory_space<vmem>>) target_semaphore(%arg17 : memref<!tpu.dma_semaphore, #tpu.memory_space<semaphore_mem>>)
    %slice3A_435 = vector.extract_strided_slice %get3A_274 {offsets = [10], sizes = [1], strides = [1]} : vector<16xi32> to vector<1xi32>
    %squeeze3A_436 = vector.extract %slice3A_435[0] : i32 from vector<1xi32>
    %mul3A_437 = arith.constant 16 : i32
    %mul3A_438 = arith.muli %scan3A_267, %mul3A_437 : i32
    %add3A_439 = arith.constant 0 : i32
    %add3A_440 = arith.addi %add3A_439, %mul3A_438 : i32
    %add3A_441 = arith.constant 10 : i32
    %add3A_442 = arith.addi %add3A_440, %add3A_441 : i32
    %dma_start3A_443 = arith.constant 0 : i32
    %dma_start3A_444 = tpu.memref_slice %arg13[%add3A_442, %dma_start3A_443] : memref<32x64xf32, #tpu.memory_space<vmem>> -> memref<1x64xf32, #tpu.memory_space<vmem>>
    %dma_start3A_445 = arith.constant 0 : i32
    %dma_start3A_446 = tpu.memref_slice %arg6[%squeeze3A_436, %dma_start3A_445] : memref<1000000x64xf32, #tpu.memory_space<hbm>> -> memref<1x64xf32, #tpu.memory_space<hbm>>
    %dma_start3A_447 = arith.constant 0 : i32
    %dma_start3A_448 = tpu.memref_slice %arg13[%add3A_442, %dma_start3A_447] : memref<32x64xf32, #tpu.memory_space<vmem>> -> memref<1x64xf32, #tpu.memory_space<vmem>>
    %dma_start3A_449 = arith.constant 0 : i32
    %dma_start3A_450 = tpu.memref_slice %arg6[%squeeze3A_436, %dma_start3A_449] : memref<1000000x64xf32, #tpu.memory_space<hbm>> -> memref<1x64xf32, #tpu.memory_space<hbm>>
    tpu.enqueue_dma source(%dma_start3A_450 : memref<1x64xf32, #tpu.memory_space<hbm>>) target(%dma_start3A_448 : memref<1x64xf32, #tpu.memory_space<vmem>>) target_semaphore(%arg17 : memref<!tpu.dma_semaphore, #tpu.memory_space<semaphore_mem>>)
    %slice3A_451 = vector.extract_strided_slice %get3A_274 {offsets = [11], sizes = [1], strides = [1]} : vector<16xi32> to vector<1xi32>
    %squeeze3A_452 = vector.extract %slice3A_451[0] : i32 from vector<1xi32>
    %mul3A_453 = arith.constant 16 : i32
    %mul3A_454 = arith.muli %scan3A_267, %mul3A_453 : i32
    %add3A_455 = arith.constant 0 : i32
    %add3A_456 = arith.addi %add3A_455, %mul3A_454 : i32
    %add3A_457 = arith.constant 11 : i32
    %add3A_458 = arith.addi %add3A_456, %add3A_457 : i32
    %dma_start3A_459 = arith.constant 0 : i32
    %dma_start3A_460 = tpu.memref_slice %arg13[%add3A_458, %dma_start3A_459] : memref<32x64xf32, #tpu.memory_space<vmem>> -> memref<1x64xf32, #tpu.memory_space<vmem>>
    %dma_start3A_461 = arith.constant 0 : i32
    %dma_start3A_462 = tpu.memref_slice %arg6[%squeeze3A_452, %dma_start3A_461] : memref<1000000x64xf32, #tpu.memory_space<hbm>> -> memref<1x64xf32, #tpu.memory_space<hbm>>
    %dma_start3A_463 = arith.constant 0 : i32
    %dma_start3A_464 = tpu.memref_slice %arg13[%add3A_458, %dma_start3A_463] : memref<32x64xf32, #tpu.memory_space<vmem>> -> memref<1x64xf32, #tpu.memory_space<vmem>>
    %dma_start3A_465 = arith.constant 0 : i32
    %dma_start3A_466 = tpu.memref_slice %arg6[%squeeze3A_452, %dma_start3A_465] : memref<1000000x64xf32, #tpu.memory_space<hbm>> -> memref<1x64xf32, #tpu.memory_space<hbm>>
    tpu.enqueue_dma source(%dma_start3A_466 : memref<1x64xf32, #tpu.memory_space<hbm>>) target(%dma_start3A_464 : memref<1x64xf32, #tpu.memory_space<vmem>>) target_semaphore(%arg17 : memref<!tpu.dma_semaphore, #tpu.memory_space<semaphore_mem>>)
    %slice3A_467 = vector.extract_strided_slice %get3A_274 {offsets = [12], sizes = [1], strides = [1]} : vector<16xi32> to vector<1xi32>
    %squeeze3A_468 = vector.extract %slice3A_467[0] : i32 from vector<1xi32>
    %mul3A_469 = arith.constant 16 : i32
    %mul3A_470 = arith.muli %scan3A_267, %mul3A_469 : i32
    %add3A_471 = arith.constant 0 : i32
    %add3A_472 = arith.addi %add3A_471, %mul3A_470 : i32
    %add3A_473 = arith.constant 12 : i32
    %add3A_474 = arith.addi %add3A_472, %add3A_473 : i32
    %dma_start3A_475 = arith.constant 0 : i32
    %dma_start3A_476 = tpu.memref_slice %arg13[%add3A_474, %dma_start3A_475] : memref<32x64xf32, #tpu.memory_space<vmem>> -> memref<1x64xf32, #tpu.memory_space<vmem>>
    %dma_start3A_477 = arith.constant 0 : i32
    %dma_start3A_478 = tpu.memref_slice %arg6[%squeeze3A_468, %dma_start3A_477] : memref<1000000x64xf32, #tpu.memory_space<hbm>> -> memref<1x64xf32, #tpu.memory_space<hbm>>
    %dma_start3A_479 = arith.constant 0 : i32
    %dma_start3A_480 = tpu.memref_slice %arg13[%add3A_474, %dma_start3A_479] : memref<32x64xf32, #tpu.memory_space<vmem>> -> memref<1x64xf32, #tpu.memory_space<vmem>>
    %dma_start3A_481 = arith.constant 0 : i32
    %dma_start3A_482 = tpu.memref_slice %arg6[%squeeze3A_468, %dma_start3A_481] : memref<1000000x64xf32, #tpu.memory_space<hbm>> -> memref<1x64xf32, #tpu.memory_space<hbm>>
    tpu.enqueue_dma source(%dma_start3A_482 : memref<1x64xf32, #tpu.memory_space<hbm>>) target(%dma_start3A_480 : memref<1x64xf32, #tpu.memory_space<vmem>>) target_semaphore(%arg17 : memref<!tpu.dma_semaphore, #tpu.memory_space<semaphore_mem>>)
    %slice3A_483 = vector.extract_strided_slice %get3A_274 {offsets = [13], sizes = [1], strides = [1]} : vector<16xi32> to vector<1xi32>
    %squeeze3A_484 = vector.extract %slice3A_483[0] : i32 from vector<1xi32>
    %mul3A_485 = arith.constant 16 : i32
    %mul3A_486 = arith.muli %scan3A_267, %mul3A_485 : i32
    %add3A_487 = arith.constant 0 : i32
    %add3A_488 = arith.addi %add3A_487, %mul3A_486 : i32
    %add3A_489 = arith.constant 13 : i32
    %add3A_490 = arith.addi %add3A_488, %add3A_489 : i32
    %dma_start3A_491 = arith.constant 0 : i32
    %dma_start3A_492 = tpu.memref_slice %arg13[%add3A_490, %dma_start3A_491] : memref<32x64xf32, #tpu.memory_space<vmem>> -> memref<1x64xf32, #tpu.memory_space<vmem>>
    %dma_start3A_493 = arith.constant 0 : i32
    %dma_start3A_494 = tpu.memref_slice %arg6[%squeeze3A_484, %dma_start3A_493] : memref<1000000x64xf32, #tpu.memory_space<hbm>> -> memref<1x64xf32, #tpu.memory_space<hbm>>
    %dma_start3A_495 = arith.constant 0 : i32
    %dma_start3A_496 = tpu.memref_slice %arg13[%add3A_490, %dma_start3A_495] : memref<32x64xf32, #tpu.memory_space<vmem>> -> memref<1x64xf32, #tpu.memory_space<vmem>>
    %dma_start3A_497 = arith.constant 0 : i32
    %dma_start3A_498 = tpu.memref_slice %arg6[%squeeze3A_484, %dma_start3A_497] : memref<1000000x64xf32, #tpu.memory_space<hbm>> -> memref<1x64xf32, #tpu.memory_space<hbm>>
    tpu.enqueue_dma source(%dma_start3A_498 : memref<1x64xf32, #tpu.memory_space<hbm>>) target(%dma_start3A_496 : memref<1x64xf32, #tpu.memory_space<vmem>>) target_semaphore(%arg17 : memref<!tpu.dma_semaphore, #tpu.memory_space<semaphore_mem>>)
    %slice3A_499 = vector.extract_strided_slice %get3A_274 {offsets = [14], sizes = [1], strides = [1]} : vector<16xi32> to vector<1xi32>
    %squeeze3A_500 = vector.extract %slice3A_499[0] : i32 from vector<1xi32>
    %mul3A_501 = arith.constant 16 : i32
    %mul3A_502 = arith.muli %scan3A_267, %mul3A_501 : i32
    %add3A_503 = arith.constant 0 : i32
    %add3A_504 = arith.addi %add3A_503, %mul3A_502 : i32
    %add3A_505 = arith.constant 14 : i32
    %add3A_506 = arith.addi %add3A_504, %add3A_505 : i32
    %dma_start3A_507 = arith.constant 0 : i32
    %dma_start3A_508 = tpu.memref_slice %arg13[%add3A_506, %dma_start3A_507] : memref<32x64xf32, #tpu.memory_space<vmem>> -> memref<1x64xf32, #tpu.memory_space<vmem>>
    %dma_start3A_509 = arith.constant 0 : i32
    %dma_start3A_510 = tpu.memref_slice %arg6[%squeeze3A_500, %dma_start3A_509] : memref<1000000x64xf32, #tpu.memory_space<hbm>> -> memref<1x64xf32, #tpu.memory_space<hbm>>
    %dma_start3A_511 = arith.constant 0 : i32
    %dma_start3A_512 = tpu.memref_slice %arg13[%add3A_506, %dma_start3A_511] : memref<32x64xf32, #tpu.memory_space<vmem>> -> memref<1x64xf32, #tpu.memory_space<vmem>>
    %dma_start3A_513 = arith.constant 0 : i32
    %dma_start3A_514 = tpu.memref_slice %arg6[%squeeze3A_500, %dma_start3A_513] : memref<1000000x64xf32, #tpu.memory_space<hbm>> -> memref<1x64xf32, #tpu.memory_space<hbm>>
    tpu.enqueue_dma source(%dma_start3A_514 : memref<1x64xf32, #tpu.memory_space<hbm>>) target(%dma_start3A_512 : memref<1x64xf32, #tpu.memory_space<vmem>>) target_semaphore(%arg17 : memref<!tpu.dma_semaphore, #tpu.memory_space<semaphore_mem>>)
    %slice3A_515 = vector.extract_strided_slice %get3A_274 {offsets = [15], sizes = [1], strides = [1]} : vector<16xi32> to vector<1xi32>
    %squeeze3A_516 = vector.extract %slice3A_515[0] : i32 from vector<1xi32>
    %mul3A_517 = arith.constant 16 : i32
    %mul3A_518 = arith.muli %scan3A_267, %mul3A_517 : i32
    %add3A_519 = arith.constant 0 : i32
    %add3A_520 = arith.addi %add3A_519, %mul3A_518 : i32
    %add3A_521 = arith.constant 15 : i32
    %add3A_522 = arith.addi %add3A_520, %add3A_521 : i32
    %dma_start3A_523 = arith.constant 0 : i32
    %dma_start3A_524 = tpu.memref_slice %arg13[%add3A_522, %dma_start3A_523] : memref<32x64xf32, #tpu.memory_space<vmem>> -> memref<1x64xf32, #tpu.memory_space<vmem>>
    %dma_start3A_525 = arith.constant 0 : i32
    %dma_start3A_526 = tpu.memref_slice %arg6[%squeeze3A_516, %dma_start3A_525] : memref<1000000x64xf32, #tpu.memory_space<hbm>> -> memref<1x64xf32, #tpu.memory_space<hbm>>
    %dma_start3A_527 = arith.constant 0 : i32
    %dma_start3A_528 = tpu.memref_slice %arg13[%add3A_522, %dma_start3A_527] : memref<32x64xf32, #tpu.memory_space<vmem>> -> memref<1x64xf32, #tpu.memory_space<vmem>>
    %dma_start3A_529 = arith.constant 0 : i32
    %dma_start3A_530 = tpu.memref_slice %arg6[%squeeze3A_516, %dma_start3A_529] : memref<1000000x64xf32, #tpu.memory_space<hbm>> -> memref<1x64xf32, #tpu.memory_space<hbm>>
    tpu.enqueue_dma source(%dma_start3A_530 : memref<1x64xf32, #tpu.memory_space<hbm>>) target(%dma_start3A_528 : memref<1x64xf32, #tpu.memory_space<vmem>>) target_semaphore(%arg17 : memref<!tpu.dma_semaphore, #tpu.memory_space<semaphore_mem>>)
    %scan3A_531 = arith.constant 1 : i32
    %scan3A_532 = arith.constant 0 : i32
    %scan3A_533 = arith.constant 0 : i32
    %scan3A_534 = arith.constant 20 : i32
    %scan3A_535 = arith.addi %scan3A_533, %scan3A_534 : i32
    %scan3A_536 = arith.constant 1 : i32
    scf.for %scan3A_548 = %scan3A_533 to %scan3A_535 step %scan3A_536  : i32 {
      %mul3A_549 = arith.constant 16 : i32
      %mul3A_550 = arith.muli %scan3A_548, %mul3A_549 : i32
      %add3A_551 = arith.constant 0 : i32
      %add3A_552 = arith.addi %add3A_551, %mul3A_550 : i32
      %get3A_553 = arith.index_cast %add3A_552 : i32 to index
      %get3A_554 = tpu.vector_load %arg11[%get3A_553] {strides = array<i32>} : memref<10256xi32, #tpu.memory_space<vmem>>, vector<16xi32>,
      %get3A_555 = vector.shape_cast %get3A_554 : vector<16xi32> to vector<16xi32>
      %slice3A_556 = vector.extract_strided_slice %get3A_555 {offsets = [0], sizes = [1], strides = [1]} : vector<16xi32> to vector<1xi32>
      %squeeze3A_557 = vector.extract %slice3A_556[0] : i32 from vector<1xi32>
      %mul3A_558 = arith.constant 16 : i32
      %mul3A_559 = arith.muli %scan3A_548, %mul3A_558 : i32
      %add3A_560 = arith.constant 0 : i32
      %add3A_561 = arith.addi %add3A_560, %mul3A_559 : i32
      %add3A_562 = arith.constant 0 : i32
      %add3A_563 = arith.addi %add3A_561, %add3A_562 : i32
      %dma_start3A_564 = arith.constant 0 : i32
      %dma_start3A_565 = tpu.memref_slice %arg14[%add3A_563, %dma_start3A_564] : memref<640x64xf32, #tpu.memory_space<vmem>> -> memref<1x64xf32, #tpu.memory_space<vmem>>
      %dma_start3A_566 = arith.constant 0 : i32
      %dma_start3A_567 = tpu.memref_slice %arg6[%squeeze3A_557, %dma_start3A_566] : memref<1000000x64xf32, #tpu.memory_space<hbm>> -> memref<1x64xf32, #tpu.memory_space<hbm>>
      %dma_start3A_568 = arith.constant 0 : i32
      %dma_start3A_569 = tpu.memref_slice %arg14[%add3A_563, %dma_start3A_568] : memref<640x64xf32, #tpu.memory_space<vmem>> -> memref<1x64xf32, #tpu.memory_space<vmem>>
      %dma_start3A_570 = arith.constant 0 : i32
      %dma_start3A_571 = tpu.memref_slice %arg6[%squeeze3A_557, %dma_start3A_570] : memref<1000000x64xf32, #tpu.memory_space<hbm>> -> memref<1x64xf32, #tpu.memory_space<hbm>>
      tpu.enqueue_dma source(%dma_start3A_571 : memref<1x64xf32, #tpu.memory_space<hbm>>) target(%dma_start3A_569 : memref<1x64xf32, #tpu.memory_space<vmem>>) target_semaphore(%arg17 : memref<!tpu.dma_semaphore, #tpu.memory_space<semaphore_mem>>)
      %slice3A_572 = vector.extract_strided_slice %get3A_555 {offsets = [1], sizes = [1], strides = [1]} : vector<16xi32> to vector<1xi32>
      %squeeze3A_573 = vector.extract %slice3A_572[0] : i32 from vector<1xi32>
      %mul3A_574 = arith.constant 16 : i32
      %mul3A_575 = arith.muli %scan3A_548, %mul3A_574 : i32
      %add3A_576 = arith.constant 0 : i32
      %add3A_577 = arith.addi %add3A_576, %mul3A_575 : i32
      %add3A_578 = arith.constant 1 : i32
      %add3A_579 = arith.addi %add3A_577, %add3A_578 : i32
      %dma_start3A_580 = arith.constant 0 : i32
      %dma_start3A_581 = tpu.memref_slice %arg14[%add3A_579, %dma_start3A_580] : memref<640x64xf32, #tpu.memory_space<vmem>> -> memref<1x64xf32, #tpu.memory_space<vmem>>
      %dma_start3A_582 = arith.constant 0 : i32
      %dma_start3A_583 = tpu.memref_slice %arg6[%squeeze3A_573, %dma_start3A_582] : memref<1000000x64xf32, #tpu.memory_space<hbm>> -> memref<1x64xf32, #tpu.memory_space<hbm>>
      %dma_start3A_584 = arith.constant 0 : i32
      %dma_start3A_585 = tpu.memref_slice %arg14[%add3A_579, %dma_start3A_584] : memref<640x64xf32, #tpu.memory_space<vmem>> -> memref<1x64xf32, #tpu.memory_space<vmem>>
      %dma_start3A_586 = arith.constant 0 : i32
      %dma_start3A_587 = tpu.memref_slice %arg6[%squeeze3A_573, %dma_start3A_586] : memref<1000000x64xf32, #tpu.memory_space<hbm>> -> memref<1x64xf32, #tpu.memory_space<hbm>>
      tpu.enqueue_dma source(%dma_start3A_587 : memref<1x64xf32, #tpu.memory_space<hbm>>) target(%dma_start3A_585 : memref<1x64xf32, #tpu.memory_space<vmem>>) target_semaphore(%arg17 : memref<!tpu.dma_semaphore, #tpu.memory_space<semaphore_mem>>)
      %slice3A_588 = vector.extract_strided_slice %get3A_555 {offsets = [2], sizes = [1], strides = [1]} : vector<16xi32> to vector<1xi32>
      %squeeze3A_589 = vector.extract %slice3A_588[0] : i32 from vector<1xi32>
      %mul3A_590 = arith.constant 16 : i32
      %mul3A_591 = arith.muli %scan3A_548, %mul3A_590 : i32
      %add3A_592 = arith.constant 0 : i32
      %add3A_593 = arith.addi %add3A_592, %mul3A_591 : i32
      %add3A_594 = arith.constant 2 : i32
      %add3A_595 = arith.addi %add3A_593, %add3A_594 : i32
      %dma_start3A_596 = arith.constant 0 : i32
      %dma_start3A_597 = tpu.memref_slice %arg14[%add3A_595, %dma_start3A_596] : memref<640x64xf32, #tpu.memory_space<vmem>> -> memref<1x64xf32, #tpu.memory_space<vmem>>
      %dma_start3A_598 = arith.constant 0 : i32
      %dma_start3A_599 = tpu.memref_slice %arg6[%squeeze3A_589, %dma_start3A_598] : memref<1000000x64xf32, #tpu.memory_space<hbm>> -> memref<1x64xf32, #tpu.memory_space<hbm>>
      %dma_start3A_600 = arith.constant 0 : i32
      %dma_start3A_601 = tpu.memref_slice %arg14[%add3A_595, %dma_start3A_600] : memref<640x64xf32, #tpu.memory_space<vmem>> -> memref<1x64xf32, #tpu.memory_space<vmem>>
      %dma_start3A_602 = arith.constant 0 : i32
      %dma_start3A_603 = tpu.memref_slice %arg6[%squeeze3A_589, %dma_start3A_602] : memref<1000000x64xf32, #tpu.memory_space<hbm>> -> memref<1x64xf32, #tpu.memory_space<hbm>>
      tpu.enqueue_dma source(%dma_start3A_603 : memref<1x64xf32, #tpu.memory_space<hbm>>) target(%dma_start3A_601 : memref<1x64xf32, #tpu.memory_space<vmem>>) target_semaphore(%arg17 : memref<!tpu.dma_semaphore, #tpu.memory_space<semaphore_mem>>)
      %slice3A_604 = vector.extract_strided_slice %get3A_555 {offsets = [3], sizes = [1], strides = [1]} : vector<16xi32> to vector<1xi32>
      %squeeze3A_605 = vector.extract %slice3A_604[0] : i32 from vector<1xi32>
      %mul3A_606 = arith.constant 16 : i32
      %mul3A_607 = arith.muli %scan3A_548, %mul3A_606 : i32
      %add3A_608 = arith.constant 0 : i32
      %add3A_609 = arith.addi %add3A_608, %mul3A_607 : i32
      %add3A_610 = arith.constant 3 : i32
      %add3A_611 = arith.addi %add3A_609, %add3A_610 : i32
      %dma_start3A_612 = arith.constant 0 : i32
      %dma_start3A_613 = tpu.memref_slice %arg14[%add3A_611, %dma_start3A_612] : memref<640x64xf32, #tpu.memory_space<vmem>> -> memref<1x64xf32, #tpu.memory_space<vmem>>
      %dma_start3A_614 = arith.constant 0 : i32
      %dma_start3A_615 = tpu.memref_slice %arg6[%squeeze3A_605, %dma_start3A_614] : memref<1000000x64xf32, #tpu.memory_space<hbm>> -> memref<1x64xf32, #tpu.memory_space<hbm>>
      %dma_start3A_616 = arith.constant 0 : i32
      %dma_start3A_617 = tpu.memref_slice %arg14[%add3A_611, %dma_start3A_616] : memref<640x64xf32, #tpu.memory_space<vmem>> -> memref<1x64xf32, #tpu.memory_space<vmem>>
      %dma_start3A_618 = arith.constant 0 : i32
      %dma_start3A_619 = tpu.memref_slice %arg6[%squeeze3A_605, %dma_start3A_618] : memref<1000000x64xf32, #tpu.memory_space<hbm>> -> memref<1x64xf32, #tpu.memory_space<hbm>>
      tpu.enqueue_dma source(%dma_start3A_619 : memref<1x64xf32, #tpu.memory_space<hbm>>) target(%dma_start3A_617 : memref<1x64xf32, #tpu.memory_space<vmem>>) target_semaphore(%arg17 : memref<!tpu.dma_semaphore, #tpu.memory_space<semaphore_mem>>)
      %slice3A_620 = vector.extract_strided_slice %get3A_555 {offsets = [4], sizes = [1], strides = [1]} : vector<16xi32> to vector<1xi32>
      %squeeze3A_621 = vector.extract %slice3A_620[0] : i32 from vector<1xi32>
      %mul3A_622 = arith.constant 16 : i32
      %mul3A_623 = arith.muli %scan3A_548, %mul3A_622 : i32
      %add3A_624 = arith.constant 0 : i32
      %add3A_625 = arith.addi %add3A_624, %mul3A_623 : i32
      %add3A_626 = arith.constant 4 : i32
      %add3A_627 = arith.addi %add3A_625, %add3A_626 : i32
      %dma_start3A_628 = arith.constant 0 : i32
      %dma_start3A_629 = tpu.memref_slice %arg14[%add3A_627, %dma_start3A_628] : memref<640x64xf32, #tpu.memory_space<vmem>> -> memref<1x64xf32, #tpu.memory_space<vmem>>
      %dma_start3A_630 = arith.constant 0 : i32
      %dma_start3A_631 = tpu.memref_slice %arg6[%squeeze3A_621, %dma_start3A_630] : memref<1000000x64xf32, #tpu.memory_space<hbm>> -> memref<1x64xf32, #tpu.memory_space<hbm>>
      %dma_start3A_632 = arith.constant 0 : i32
      %dma_start3A_633 = tpu.memref_slice %arg14[%add3A_627, %dma_start3A_632] : memref<640x64xf32, #tpu.memory_space<vmem>> -> memref<1x64xf32, #tpu.memory_space<vmem>>
      %dma_start3A_634 = arith.constant 0 : i32
      %dma_start3A_635 = tpu.memref_slice %arg6[%squeeze3A_621, %dma_start3A_634] : memref<1000000x64xf32, #tpu.memory_space<hbm>> -> memref<1x64xf32, #tpu.memory_space<hbm>>
      tpu.enqueue_dma source(%dma_start3A_635 : memref<1x64xf32, #tpu.memory_space<hbm>>) target(%dma_start3A_633 : memref<1x64xf32, #tpu.memory_space<vmem>>) target_semaphore(%arg17 : memref<!tpu.dma_semaphore, #tpu.memory_space<semaphore_mem>>)
      %slice3A_636 = vector.extract_strided_slice %get3A_555 {offsets = [5], sizes = [1], strides = [1]} : vector<16xi32> to vector<1xi32>
      %squeeze3A_637 = vector.extract %slice3A_636[0] : i32 from vector<1xi32>
      %mul3A_638 = arith.constant 16 : i32
      %mul3A_639 = arith.muli %scan3A_548, %mul3A_638 : i32
      %add3A_640 = arith.constant 0 : i32
      %add3A_641 = arith.addi %add3A_640, %mul3A_639 : i32
      %add3A_642 = arith.constant 5 : i32
      %add3A_643 = arith.addi %add3A_641, %add3A_642 : i32
      %dma_start3A_644 = arith.constant 0 : i32
      %dma_start3A_645 = tpu.memref_slice %arg14[%add3A_643, %dma_start3A_644] : memref<640x64xf32, #tpu.memory_space<vmem>> -> memref<1x64xf32, #tpu.memory_space<vmem>>
      %dma_start3A_646 = arith.constant 0 : i32
      %dma_start3A_647 = tpu.memref_slice %arg6[%squeeze3A_637, %dma_start3A_646] : memref<1000000x64xf32, #tpu.memory_space<hbm>> -> memref<1x64xf32, #tpu.memory_space<hbm>>
      %dma_start3A_648 = arith.constant 0 : i32
      %dma_start3A_649 = tpu.memref_slice %arg14[%add3A_643, %dma_start3A_648] : memref<640x64xf32, #tpu.memory_space<vmem>> -> memref<1x64xf32, #tpu.memory_space<vmem>>
      %dma_start3A_650 = arith.constant 0 : i32
      %dma_start3A_651 = tpu.memref_slice %arg6[%squeeze3A_637, %dma_start3A_650] : memref<1000000x64xf32, #tpu.memory_space<hbm>> -> memref<1x64xf32, #tpu.memory_space<hbm>>
      tpu.enqueue_dma source(%dma_start3A_651 : memref<1x64xf32, #tpu.memory_space<hbm>>) target(%dma_start3A_649 : memref<1x64xf32, #tpu.memory_space<vmem>>) target_semaphore(%arg17 : memref<!tpu.dma_semaphore, #tpu.memory_space<semaphore_mem>>)
      %slice3A_652 = vector.extract_strided_slice %get3A_555 {offsets = [6], sizes = [1], strides = [1]} : vector<16xi32> to vector<1xi32>
      %squeeze3A_653 = vector.extract %slice3A_652[0] : i32 from vector<1xi32>
      %mul3A_654 = arith.constant 16 : i32
      %mul3A_655 = arith.muli %scan3A_548, %mul3A_654 : i32
      %add3A_656 = arith.constant 0 : i32
      %add3A_657 = arith.addi %add3A_656, %mul3A_655 : i32
      %add3A_658 = arith.constant 6 : i32
      %add3A_659 = arith.addi %add3A_657, %add3A_658 : i32
      %dma_start3A_660 = arith.constant 0 : i32
      %dma_start3A_661 = tpu.memref_slice %arg14[%add3A_659, %dma_start3A_660] : memref<640x64xf32, #tpu.memory_space<vmem>> -> memref<1x64xf32, #tpu.memory_space<vmem>>
      %dma_start3A_662 = arith.constant 0 : i32
      %dma_start3A_663 = tpu.memref_slice %arg6[%squeeze3A_653, %dma_start3A_662] : memref<1000000x64xf32, #tpu.memory_space<hbm>> -> memref<1x64xf32, #tpu.memory_space<hbm>>
      %dma_start3A_664 = arith.constant 0 : i32
      %dma_start3A_665 = tpu.memref_slice %arg14[%add3A_659, %dma_start3A_664] : memref<640x64xf32, #tpu.memory_space<vmem>> -> memref<1x64xf32, #tpu.memory_space<vmem>>
      %dma_start3A_666 = arith.constant 0 : i32
      %dma_start3A_667 = tpu.memref_slice %arg6[%squeeze3A_653, %dma_start3A_666] : memref<1000000x64xf32, #tpu.memory_space<hbm>> -> memref<1x64xf32, #tpu.memory_space<hbm>>
      tpu.enqueue_dma source(%dma_start3A_667 : memref<1x64xf32, #tpu.memory_space<hbm>>) target(%dma_start3A_665 : memref<1x64xf32, #tpu.memory_space<vmem>>) target_semaphore(%arg17 : memref<!tpu.dma_semaphore, #tpu.memory_space<semaphore_mem>>)
      %slice3A_668 = vector.extract_strided_slice %get3A_555 {offsets = [7], sizes = [1], strides = [1]} : vector<16xi32> to vector<1xi32>
      %squeeze3A_669 = vector.extract %slice3A_668[0] : i32 from vector<1xi32>
      %mul3A_670 = arith.constant 16 : i32
      %mul3A_671 = arith.muli %scan3A_548, %mul3A_670 : i32
      %add3A_672 = arith.constant 0 : i32
      %add3A_673 = arith.addi %add3A_672, %mul3A_671 : i32
      %add3A_674 = arith.constant 7 : i32
      %add3A_675 = arith.addi %add3A_673, %add3A_674 : i32
      %dma_start3A_676 = arith.constant 0 : i32
      %dma_start3A_677 = tpu.memref_slice %arg14[%add3A_675, %dma_start3A_676] : memref<640x64xf32, #tpu.memory_space<vmem>> -> memref<1x64xf32, #tpu.memory_space<vmem>>
      %dma_start3A_678 = arith.constant 0 : i32
      %dma_start3A_679 = tpu.memref_slice %arg6[%squeeze3A_669, %dma_start3A_678] : memref<1000000x64xf32, #tpu.memory_space<hbm>> -> memref<1x64xf32, #tpu.memory_space<hbm>>
      %dma_start3A_680 = arith.constant 0 : i32
      %dma_start3A_681 = tpu.memref_slice %arg14[%add3A_675, %dma_start3A_680] : memref<640x64xf32, #tpu.memory_space<vmem>> -> memref<1x64xf32, #tpu.memory_space<vmem>>
      %dma_start3A_682 = arith.constant 0 : i32
      %dma_start3A_683 = tpu.memref_slice %arg6[%squeeze3A_669, %dma_start3A_682] : memref<1000000x64xf32, #tpu.memory_space<hbm>> -> memref<1x64xf32, #tpu.memory_space<hbm>>
      tpu.enqueue_dma source(%dma_start3A_683 : memref<1x64xf32, #tpu.memory_space<hbm>>) target(%dma_start3A_681 : memref<1x64xf32, #tpu.memory_space<vmem>>) target_semaphore(%arg17 : memref<!tpu.dma_semaphore, #tpu.memory_space<semaphore_mem>>)
      %slice3A_684 = vector.extract_strided_slice %get3A_555 {offsets = [8], sizes = [1], strides = [1]} : vector<16xi32> to vector<1xi32>
      %squeeze3A_685 = vector.extract %slice3A_684[0] : i32 from vector<1xi32>
      %mul3A_686 = arith.constant 16 : i32
      %mul3A_687 = arith.muli %scan3A_548, %mul3A_686 : i32
      %add3A_688 = arith.constant 0 : i32
      %add3A_689 = arith.addi %add3A_688, %mul3A_687 : i32
      %add3A_690 = arith.constant 8 : i32
      %add3A_691 = arith.addi %add3A_689, %add3A_690 : i32
      %dma_start3A_692 = arith.constant 0 : i32
      %dma_start3A_693 = tpu.memref_slice %arg14[%add3A_691, %dma_start3A_692] : memref<640x64xf32, #tpu.memory_space<vmem>> -> memref<1x64xf32, #tpu.memory_space<vmem>>
      %dma_start3A_694 = arith.constant 0 : i32
      %dma_start3A_695 = tpu.memref_slice %arg6[%squeeze3A_685, %dma_start3A_694] : memref<1000000x64xf32, #tpu.memory_space<hbm>> -> memref<1x64xf32, #tpu.memory_space<hbm>>
      %dma_start3A_696 = arith.constant 0 : i32
      %dma_start3A_697 = tpu.memref_slice %arg14[%add3A_691, %dma_start3A_696] : memref<640x64xf32, #tpu.memory_space<vmem>> -> memref<1x64xf32, #tpu.memory_space<vmem>>
      %dma_start3A_698 = arith.constant 0 : i32
      %dma_start3A_699 = tpu.memref_slice %arg6[%squeeze3A_685, %dma_start3A_698] : memref<1000000x64xf32, #tpu.memory_space<hbm>> -> memref<1x64xf32, #tpu.memory_space<hbm>>
      tpu.enqueue_dma source(%dma_start3A_699 : memref<1x64xf32, #tpu.memory_space<hbm>>) target(%dma_start3A_697 : memref<1x64xf32, #tpu.memory_space<vmem>>) target_semaphore(%arg17 : memref<!tpu.dma_semaphore, #tpu.memory_space<semaphore_mem>>)
      %slice3A_700 = vector.extract_strided_slice %get3A_555 {offsets = [9], sizes = [1], strides = [1]} : vector<16xi32> to vector<1xi32>
      %squeeze3A_701 = vector.extract %slice3A_700[0] : i32 from vector<1xi32>
      %mul3A_702 = arith.constant 16 : i32
      %mul3A_703 = arith.muli %scan3A_548, %mul3A_702 : i32
      %add3A_704 = arith.constant 0 : i32
      %add3A_705 = arith.addi %add3A_704, %mul3A_703 : i32
      %add3A_706 = arith.constant 9 : i32
      %add3A_707 = arith.addi %add3A_705, %add3A_706 : i32
      %dma_start3A_708 = arith.constant 0 : i32
      %dma_start3A_709 = tpu.memref_slice %arg14[%add3A_707, %dma_start3A_708] : memref<640x64xf32, #tpu.memory_space<vmem>> -> memref<1x64xf32, #tpu.memory_space<vmem>>
      %dma_start3A_710 = arith.constant 0 : i32
      %dma_start3A_711 = tpu.memref_slice %arg6[%squeeze3A_701, %dma_start3A_710] : memref<1000000x64xf32, #tpu.memory_space<hbm>> -> memref<1x64xf32, #tpu.memory_space<hbm>>
      %dma_start3A_712 = arith.constant 0 : i32
      %dma_start3A_713 = tpu.memref_slice %arg14[%add3A_707, %dma_start3A_712] : memref<640x64xf32, #tpu.memory_space<vmem>> -> memref<1x64xf32, #tpu.memory_space<vmem>>
      %dma_start3A_714 = arith.constant 0 : i32
      %dma_start3A_715 = tpu.memref_slice %arg6[%squeeze3A_701, %dma_start3A_714] : memref<1000000x64xf32, #tpu.memory_space<hbm>> -> memref<1x64xf32, #tpu.memory_space<hbm>>
      tpu.enqueue_dma source(%dma_start3A_715 : memref<1x64xf32, #tpu.memory_space<hbm>>) target(%dma_start3A_713 : memref<1x64xf32, #tpu.memory_space<vmem>>) target_semaphore(%arg17 : memref<!tpu.dma_semaphore, #tpu.memory_space<semaphore_mem>>)
      %slice3A_716 = vector.extract_strided_slice %get3A_555 {offsets = [10], sizes = [1], strides = [1]} : vector<16xi32> to vector<1xi32>
      %squeeze3A_717 = vector.extract %slice3A_716[0] : i32 from vector<1xi32>
      %mul3A_718 = arith.constant 16 : i32
      %mul3A_719 = arith.muli %scan3A_548, %mul3A_718 : i32
      %add3A_720 = arith.constant 0 : i32
      %add3A_721 = arith.addi %add3A_720, %mul3A_719 : i32
      %add3A_722 = arith.constant 10 : i32
      %add3A_723 = arith.addi %add3A_721, %add3A_722 : i32
      %dma_start3A_724 = arith.constant 0 : i32
      %dma_start3A_725 = tpu.memref_slice %arg14[%add3A_723, %dma_start3A_724] : memref<640x64xf32, #tpu.memory_space<vmem>> -> memref<1x64xf32, #tpu.memory_space<vmem>>
      %dma_start3A_726 = arith.constant 0 : i32
      %dma_start3A_727 = tpu.memref_slice %arg6[%squeeze3A_717, %dma_start3A_726] : memref<1000000x64xf32, #tpu.memory_space<hbm>> -> memref<1x64xf32, #tpu.memory_space<hbm>>
      %dma_start3A_728 = arith.constant 0 : i32
      %dma_start3A_729 = tpu.memref_slice %arg14[%add3A_723, %dma_start3A_728] : memref<640x64xf32, #tpu.memory_space<vmem>> -> memref<1x64xf32, #tpu.memory_space<vmem>>
      %dma_start3A_730 = arith.constant 0 : i32
      %dma_start3A_731 = tpu.memref_slice %arg6[%squeeze3A_717, %dma_start3A_730] : memref<1000000x64xf32, #tpu.memory_space<hbm>> -> memref<1x64xf32, #tpu.memory_space<hbm>>
      tpu.enqueue_dma source(%dma_start3A_731 : memref<1x64xf32, #tpu.memory_space<hbm>>) target(%dma_start3A_729 : memref<1x64xf32, #tpu.memory_space<vmem>>) target_semaphore(%arg17 : memref<!tpu.dma_semaphore, #tpu.memory_space<semaphore_mem>>)
      %slice3A_732 = vector.extract_strided_slice %get3A_555 {offsets = [11], sizes = [1], strides = [1]} : vector<16xi32> to vector<1xi32>
      %squeeze3A_733 = vector.extract %slice3A_732[0] : i32 from vector<1xi32>
      %mul3A_734 = arith.constant 16 : i32
      %mul3A_735 = arith.muli %scan3A_548, %mul3A_734 : i32
      %add3A_736 = arith.constant 0 : i32
      %add3A_737 = arith.addi %add3A_736, %mul3A_735 : i32
      %add3A_738 = arith.constant 11 : i32
      %add3A_739 = arith.addi %add3A_737, %add3A_738 : i32
      %dma_start3A_740 = arith.constant 0 : i32
      %dma_start3A_741 = tpu.memref_slice %arg14[%add3A_739, %dma_start3A_740] : memref<640x64xf32, #tpu.memory_space<vmem>> -> memref<1x64xf32, #tpu.memory_space<vmem>>
      %dma_start3A_742 = arith.constant 0 : i32
      %dma_start3A_743 = tpu.memref_slice %arg6[%squeeze3A_733, %dma_start3A_742] : memref<1000000x64xf32, #tpu.memory_space<hbm>> -> memref<1x64xf32, #tpu.memory_space<hbm>>
      %dma_start3A_744 = arith.constant 0 : i32
      %dma_start3A_745 = tpu.memref_slice %arg14[%add3A_739, %dma_start3A_744] : memref<640x64xf32, #tpu.memory_space<vmem>> -> memref<1x64xf32, #tpu.memory_space<vmem>>
      %dma_start3A_746 = arith.constant 0 : i32
      %dma_start3A_747 = tpu.memref_slice %arg6[%squeeze3A_733, %dma_start3A_746] : memref<1000000x64xf32, #tpu.memory_space<hbm>> -> memref<1x64xf32, #tpu.memory_space<hbm>>
      tpu.enqueue_dma source(%dma_start3A_747 : memref<1x64xf32, #tpu.memory_space<hbm>>) target(%dma_start3A_745 : memref<1x64xf32, #tpu.memory_space<vmem>>) target_semaphore(%arg17 : memref<!tpu.dma_semaphore, #tpu.memory_space<semaphore_mem>>)
      %slice3A_748 = vector.extract_strided_slice %get3A_555 {offsets = [12], sizes = [1], strides = [1]} : vector<16xi32> to vector<1xi32>
      %squeeze3A_749 = vector.extract %slice3A_748[0] : i32 from vector<1xi32>
      %mul3A_750 = arith.constant 16 : i32
      %mul3A_751 = arith.muli %scan3A_548, %mul3A_750 : i32
      %add3A_752 = arith.constant 0 : i32
      %add3A_753 = arith.addi %add3A_752, %mul3A_751 : i32
      %add3A_754 = arith.constant 12 : i32
      %add3A_755 = arith.addi %add3A_753, %add3A_754 : i32
      %dma_start3A_756 = arith.constant 0 : i32
      %dma_start3A_757 = tpu.memref_slice %arg14[%add3A_755, %dma_start3A_756] : memref<640x64xf32, #tpu.memory_space<vmem>> -> memref<1x64xf32, #tpu.memory_space<vmem>>
      %dma_start3A_758 = arith.constant 0 : i32
      %dma_start3A_759 = tpu.memref_slice %arg6[%squeeze3A_749, %dma_start3A_758] : memref<1000000x64xf32, #tpu.memory_space<hbm>> -> memref<1x64xf32, #tpu.memory_space<hbm>>
      %dma_start3A_760 = arith.constant 0 : i32
      %dma_start3A_761 = tpu.memref_slice %arg14[%add3A_755, %dma_start3A_760] : memref<640x64xf32, #tpu.memory_space<vmem>> -> memref<1x64xf32, #tpu.memory_space<vmem>>
      %dma_start3A_762 = arith.constant 0 : i32
      %dma_start3A_763 = tpu.memref_slice %arg6[%squeeze3A_749, %dma_start3A_762] : memref<1000000x64xf32, #tpu.memory_space<hbm>> -> memref<1x64xf32, #tpu.memory_space<hbm>>
      tpu.enqueue_dma source(%dma_start3A_763 : memref<1x64xf32, #tpu.memory_space<hbm>>) target(%dma_start3A_761 : memref<1x64xf32, #tpu.memory_space<vmem>>) target_semaphore(%arg17 : memref<!tpu.dma_semaphore, #tpu.memory_space<semaphore_mem>>)
      %slice3A_764 = vector.extract_strided_slice %get3A_555 {offsets = [13], sizes = [1], strides = [1]} : vector<16xi32> to vector<1xi32>
      %squeeze3A_765 = vector.extract %slice3A_764[0] : i32 from vector<1xi32>
      %mul3A_766 = arith.constant 16 : i32
      %mul3A_767 = arith.muli %scan3A_548, %mul3A_766 : i32
      %add3A_768 = arith.constant 0 : i32
      %add3A_769 = arith.addi %add3A_768, %mul3A_767 : i32
      %add3A_770 = arith.constant 13 : i32
      %add3A_771 = arith.addi %add3A_769, %add3A_770 : i32
      %dma_start3A_772 = arith.constant 0 : i32
      %dma_start3A_773 = tpu.memref_slice %arg14[%add3A_771, %dma_start3A_772] : memref<640x64xf32, #tpu.memory_space<vmem>> -> memref<1x64xf32, #tpu.memory_space<vmem>>
      %dma_start3A_774 = arith.constant 0 : i32
      %dma_start3A_775 = tpu.memref_slice %arg6[%squeeze3A_765, %dma_start3A_774] : memref<1000000x64xf32, #tpu.memory_space<hbm>> -> memref<1x64xf32, #tpu.memory_space<hbm>>
      %dma_start3A_776 = arith.constant 0 : i32
      %dma_start3A_777 = tpu.memref_slice %arg14[%add3A_771, %dma_start3A_776] : memref<640x64xf32, #tpu.memory_space<vmem>> -> memref<1x64xf32, #tpu.memory_space<vmem>>
      %dma_start3A_778 = arith.constant 0 : i32
      %dma_start3A_779 = tpu.memref_slice %arg6[%squeeze3A_765, %dma_start3A_778] : memref<1000000x64xf32, #tpu.memory_space<hbm>> -> memref<1x64xf32, #tpu.memory_space<hbm>>
      tpu.enqueue_dma source(%dma_start3A_779 : memref<1x64xf32, #tpu.memory_space<hbm>>) target(%dma_start3A_777 : memref<1x64xf32, #tpu.memory_space<vmem>>) target_semaphore(%arg17 : memref<!tpu.dma_semaphore, #tpu.memory_space<semaphore_mem>>)
      %slice3A_780 = vector.extract_strided_slice %get3A_555 {offsets = [14], sizes = [1], strides = [1]} : vector<16xi32> to vector<1xi32>
      %squeeze3A_781 = vector.extract %slice3A_780[0] : i32 from vector<1xi32>
      %mul3A_782 = arith.constant 16 : i32
      %mul3A_783 = arith.muli %scan3A_548, %mul3A_782 : i32
      %add3A_784 = arith.constant 0 : i32
      %add3A_785 = arith.addi %add3A_784, %mul3A_783 : i32
      %add3A_786 = arith.constant 14 : i32
      %add3A_787 = arith.addi %add3A_785, %add3A_786 : i32
      %dma_start3A_788 = arith.constant 0 : i32
      %dma_start3A_789 = tpu.memref_slice %arg14[%add3A_787, %dma_start3A_788] : memref<640x64xf32, #tpu.memory_space<vmem>> -> memref<1x64xf32, #tpu.memory_space<vmem>>
      %dma_start3A_790 = arith.constant 0 : i32
      %dma_start3A_791 = tpu.memref_slice %arg6[%squeeze3A_781, %dma_start3A_790] : memref<1000000x64xf32, #tpu.memory_space<hbm>> -> memref<1x64xf32, #tpu.memory_space<hbm>>
      %dma_start3A_792 = arith.constant 0 : i32
      %dma_start3A_793 = tpu.memref_slice %arg14[%add3A_787, %dma_start3A_792] : memref<640x64xf32, #tpu.memory_space<vmem>> -> memref<1x64xf32, #tpu.memory_space<vmem>>
      %dma_start3A_794 = arith.constant 0 : i32
      %dma_start3A_795 = tpu.memref_slice %arg6[%squeeze3A_781, %dma_start3A_794] : memref<1000000x64xf32, #tpu.memory_space<hbm>> -> memref<1x64xf32, #tpu.memory_space<hbm>>
      tpu.enqueue_dma source(%dma_start3A_795 : memref<1x64xf32, #tpu.memory_space<hbm>>) target(%dma_start3A_793 : memref<1x64xf32, #tpu.memory_space<vmem>>) target_semaphore(%arg17 : memref<!tpu.dma_semaphore, #tpu.memory_space<semaphore_mem>>)
      %slice3A_796 = vector.extract_strided_slice %get3A_555 {offsets = [15], sizes = [1], strides = [1]} : vector<16xi32> to vector<1xi32>
      %squeeze3A_797 = vector.extract %slice3A_796[0] : i32 from vector<1xi32>
      %mul3A_798 = arith.constant 16 : i32
      %mul3A_799 = arith.muli %scan3A_548, %mul3A_798 : i32
      %add3A_800 = arith.constant 0 : i32
      %add3A_801 = arith.addi %add3A_800, %mul3A_799 : i32
      %add3A_802 = arith.constant 15 : i32
      %add3A_803 = arith.addi %add3A_801, %add3A_802 : i32
      %dma_start3A_804 = arith.constant 0 : i32
      %dma_start3A_805 = tpu.memref_slice %arg14[%add3A_803, %dma_start3A_804] : memref<640x64xf32, #tpu.memory_space<vmem>> -> memref<1x64xf32, #tpu.memory_space<vmem>>
      %dma_start3A_806 = arith.constant 0 : i32
      %dma_start3A_807 = tpu.memref_slice %arg6[%squeeze3A_797, %dma_start3A_806] : memref<1000000x64xf32, #tpu.memory_space<hbm>> -> memref<1x64xf32, #tpu.memory_space<hbm>>
      %dma_start3A_808 = arith.constant 0 : i32
      %dma_start3A_809 = tpu.memref_slice %arg14[%add3A_803, %dma_start3A_808] : memref<640x64xf32, #tpu.memory_space<vmem>> -> memref<1x64xf32, #tpu.memory_space<vmem>>
      %dma_start3A_810 = arith.constant 0 : i32
      %dma_start3A_811 = tpu.memref_slice %arg6[%squeeze3A_797, %dma_start3A_810] : memref<1000000x64xf32, #tpu.memory_space<hbm>> -> memref<1x64xf32, #tpu.memory_space<hbm>>
      tpu.enqueue_dma source(%dma_start3A_811 : memref<1x64xf32, #tpu.memory_space<hbm>>) target(%dma_start3A_809 : memref<1x64xf32, #tpu.memory_space<vmem>>) target_semaphore(%arg17 : memref<!tpu.dma_semaphore, #tpu.memory_space<semaphore_mem>>)
    }
    %scan3A_537 = arith.constant 20 : i32
    %scan3A_538 = arith.constant 0 : i32
    %scan3A_539 = arith.constant 0 : i32
    %scan3A_540 = arith.constant 16 : i32
    %scan3A_541 = arith.addi %scan3A_539, %scan3A_540 : i32
    %scan3A_542 = arith.constant 1 : i32
    scf.for %scan3A_548 = %scan3A_539 to %scan3A_541 step %scan3A_542  : i32 {
      %mul3A_549 = arith.constant 2 : i32
      %mul3A_550 = arith.muli %scan3A_548, %mul3A_549 : i32
      %add3A_551 = arith.constant 1 : i32
      %add3A_552 = arith.addi %mul3A_550, %add3A_551 : i32
      %mul3A_553 = arith.constant 16 : i32
      %mul3A_554 = arith.muli %add3A_552, %mul3A_553 : i32
      %scan3A_555 = arith.constant 0 : i32
      %scan3A_556 = arith.constant 0 : i32
      %mul3A_557 = arith.constant 16 : i32
      %mul3A_558 = arith.muli %scan3A_556, %mul3A_557 : i32
      %add3A_559 = arith.addi %mul3A_554, %mul3A_558 : i32
      %get3A_560 = arith.index_cast %add3A_559 : i32 to index
      %get3A_561 = tpu.vector_load %arg9[%get3A_560] {strides = array<i32>} : memref<528xi32, #tpu.memory_space<vmem>>, vector<16xi32>,
      %get3A_562 = vector.shape_cast %get3A_561 : vector<16xi32> to vector<16xi32>
      %slice3A_563 = vector.extract_strided_slice %get3A_562 {offsets = [0], sizes = [1], strides = [1]} : vector<16xi32> to vector<1xi32>
      %squeeze3A_564 = vector.extract %slice3A_563[0] : i32 from vector<1xi32>
      %mul3A_565 = arith.constant 16 : i32
      %mul3A_566 = arith.muli %scan3A_556, %mul3A_565 : i32
      %add3A_567 = arith.constant 16 : i32
      %add3A_568 = arith.addi %add3A_567, %mul3A_566 : i32
      %add3A_569 = arith.constant 0 : i32
      %add3A_570 = arith.addi %add3A_568, %add3A_569 : i32
      %dma_start3A_571 = arith.constant 0 : i32
      %dma_start3A_572 = tpu.memref_slice %arg12[%add3A_570, %dma_start3A_571] : memref<32x64xf32, #tpu.memory_space<vmem>> -> memref<1x64xf32, #tpu.memory_space<vmem>>
      %dma_start3A_573 = arith.constant 0 : i32
      %dma_start3A_574 = tpu.memref_slice %arg5[%squeeze3A_564, %dma_start3A_573] : memref<1000000x64xf32, #tpu.memory_space<hbm>> -> memref<1x64xf32, #tpu.memory_space<hbm>>
      %dma_start3A_575 = arith.constant 0 : i32
      %dma_start3A_576 = tpu.memref_slice %arg12[%add3A_570, %dma_start3A_575] : memref<32x64xf32, #tpu.memory_space<vmem>> -> memref<1x64xf32, #tpu.memory_space<vmem>>
      %dma_start3A_577 = arith.constant 0 : i32
      %dma_start3A_578 = tpu.memref_slice %arg5[%squeeze3A_564, %dma_start3A_577] : memref<1000000x64xf32, #tpu.memory_space<hbm>> -> memref<1x64xf32, #tpu.memory_space<hbm>>
      tpu.enqueue_dma source(%dma_start3A_578 : memref<1x64xf32, #tpu.memory_space<hbm>>) target(%dma_start3A_576 : memref<1x64xf32, #tpu.memory_space<vmem>>) target_semaphore(%arg18 : memref<!tpu.dma_semaphore, #tpu.memory_space<semaphore_mem>>)
      %slice3A_579 = vector.extract_strided_slice %get3A_562 {offsets = [1], sizes = [1], strides = [1]} : vector<16xi32> to vector<1xi32>
      %squeeze3A_580 = vector.extract %slice3A_579[0] : i32 from vector<1xi32>
      %mul3A_581 = arith.constant 16 : i32
      %mul3A_582 = arith.muli %scan3A_556, %mul3A_581 : i32
      %add3A_583 = arith.constant 16 : i32
      %add3A_584 = arith.addi %add3A_583, %mul3A_582 : i32
      %add3A_585 = arith.constant 1 : i32
      %add3A_586 = arith.addi %add3A_584, %add3A_585 : i32
      %dma_start3A_587 = arith.constant 0 : i32
      %dma_start3A_588 = tpu.memref_slice %arg12[%add3A_586, %dma_start3A_587] : memref<32x64xf32, #tpu.memory_space<vmem>> -> memref<1x64xf32, #tpu.memory_space<vmem>>
      %dma_start3A_589 = arith.constant 0 : i32
      %dma_start3A_590 = tpu.memref_slice %arg5[%squeeze3A_580, %dma_start3A_589] : memref<1000000x64xf32, #tpu.memory_space<hbm>> -> memref<1x64xf32, #tpu.memory_space<hbm>>
      %dma_start3A_591 = arith.constant 0 : i32
      %dma_start3A_592 = tpu.memref_slice %arg12[%add3A_586, %dma_start3A_591] : memref<32x64xf32, #tpu.memory_space<vmem>> -> memref<1x64xf32, #tpu.memory_space<vmem>>
      %dma_start3A_593 = arith.constant 0 : i32
      %dma_start3A_594 = tpu.memref_slice %arg5[%squeeze3A_580, %dma_start3A_593] : memref<1000000x64xf32, #tpu.memory_space<hbm>> -> memref<1x64xf32, #tpu.memory_space<hbm>>
      tpu.enqueue_dma source(%dma_start3A_594 : memref<1x64xf32, #tpu.memory_space<hbm>>) target(%dma_start3A_592 : memref<1x64xf32, #tpu.memory_space<vmem>>) target_semaphore(%arg18 : memref<!tpu.dma_semaphore, #tpu.memory_space<semaphore_mem>>)
      %slice3A_595 = vector.extract_strided_slice %get3A_562 {offsets = [2], sizes = [1], strides = [1]} : vector<16xi32> to vector<1xi32>
      %squeeze3A_596 = vector.extract %slice3A_595[0] : i32 from vector<1xi32>
      %mul3A_597 = arith.constant 16 : i32
      %mul3A_598 = arith.muli %scan3A_556, %mul3A_597 : i32
      %add3A_599 = arith.constant 16 : i32
      %add3A_600 = arith.addi %add3A_599, %mul3A_598 : i32
      %add3A_601 = arith.constant 2 : i32
      %add3A_602 = arith.addi %add3A_600, %add3A_601 : i32
      %dma_start3A_603 = arith.constant 0 : i32
      %dma_start3A_604 = tpu.memref_slice %arg12[%add3A_602, %dma_start3A_603] : memref<32x64xf32, #tpu.memory_space<vmem>> -> memref<1x64xf32, #tpu.memory_space<vmem>>
      %dma_start3A_605 = arith.constant 0 : i32
      %dma_start3A_606 = tpu.memref_slice %arg5[%squeeze3A_596, %dma_start3A_605] : memref<1000000x64xf32, #tpu.memory_space<hbm>> -> memref<1x64xf32, #tpu.memory_space<hbm>>
      %dma_start3A_607 = arith.constant 0 : i32
      %dma_start3A_608 = tpu.memref_slice %arg12[%add3A_602, %dma_start3A_607] : memref<32x64xf32, #tpu.memory_space<vmem>> -> memref<1x64xf32, #tpu.memory_space<vmem>>
      %dma_start3A_609 = arith.constant 0 : i32
      %dma_start3A_610 = tpu.memref_slice %arg5[%squeeze3A_596, %dma_start3A_609] : memref<1000000x64xf32, #tpu.memory_space<hbm>> -> memref<1x64xf32, #tpu.memory_space<hbm>>
      tpu.enqueue_dma source(%dma_start3A_610 : memref<1x64xf32, #tpu.memory_space<hbm>>) target(%dma_start3A_608 : memref<1x64xf32, #tpu.memory_space<vmem>>) target_semaphore(%arg18 : memref<!tpu.dma_semaphore, #tpu.memory_space<semaphore_mem>>)
      %slice3A_611 = vector.extract_strided_slice %get3A_562 {offsets = [3], sizes = [1], strides = [1]} : vector<16xi32> to vector<1xi32>
      %squeeze3A_612 = vector.extract %slice3A_611[0] : i32 from vector<1xi32>
      %mul3A_613 = arith.constant 16 : i32
      %mul3A_614 = arith.muli %scan3A_556, %mul3A_613 : i32
      %add3A_615 = arith.constant 16 : i32
      %add3A_616 = arith.addi %add3A_615, %mul3A_614 : i32
      %add3A_617 = arith.constant 3 : i32
      %add3A_618 = arith.addi %add3A_616, %add3A_617 : i32
      %dma_start3A_619 = arith.constant 0 : i32
      %dma_start3A_620 = tpu.memref_slice %arg12[%add3A_618, %dma_start3A_619] : memref<32x64xf32, #tpu.memory_space<vmem>> -> memref<1x64xf32, #tpu.memory_space<vmem>>
      %dma_start3A_621 = arith.constant 0 : i32
      %dma_start3A_622 = tpu.memref_slice %arg5[%squeeze3A_612, %dma_start3A_621] : memref<1000000x64xf32, #tpu.memory_space<hbm>> -> memref<1x64xf32, #tpu.memory_space<hbm>>
      %dma_start3A_623 = arith.constant 0 : i32
      %dma_start3A_624 = tpu.memref_slice %arg12[%add3A_618, %dma_start3A_623] : memref<32x64xf32, #tpu.memory_space<vmem>> -> memref<1x64xf32, #tpu.memory_space<vmem>>
      %dma_start3A_625 = arith.constant 0 : i32
      %dma_start3A_626 = tpu.memref_slice %arg5[%squeeze3A_612, %dma_start3A_625] : memref<1000000x64xf32, #tpu.memory_space<hbm>> -> memref<1x64xf32, #tpu.memory_space<hbm>>
      tpu.enqueue_dma source(%dma_start3A_626 : memref<1x64xf32, #tpu.memory_space<hbm>>) target(%dma_start3A_624 : memref<1x64xf32, #tpu.memory_space<vmem>>) target_semaphore(%arg18 : memref<!tpu.dma_semaphore, #tpu.memory_space<semaphore_mem>>)
      %slice3A_627 = vector.extract_strided_slice %get3A_562 {offsets = [4], sizes = [1], strides = [1]} : vector<16xi32> to vector<1xi32>
      %squeeze3A_628 = vector.extract %slice3A_627[0] : i32 from vector<1xi32>
      %mul3A_629 = arith.constant 16 : i32
      %mul3A_630 = arith.muli %scan3A_556, %mul3A_629 : i32
      %add3A_631 = arith.constant 16 : i32
      %add3A_632 = arith.addi %add3A_631, %mul3A_630 : i32
      %add3A_633 = arith.constant 4 : i32
      %add3A_634 = arith.addi %add3A_632, %add3A_633 : i32
      %dma_start3A_635 = arith.constant 0 : i32
      %dma_start3A_636 = tpu.memref_slice %arg12[%add3A_634, %dma_start3A_635] : memref<32x64xf32, #tpu.memory_space<vmem>> -> memref<1x64xf32, #tpu.memory_space<vmem>>
      %dma_start3A_637 = arith.constant 0 : i32
      %dma_start3A_638 = tpu.memref_slice %arg5[%squeeze3A_628, %dma_start3A_637] : memref<1000000x64xf32, #tpu.memory_space<hbm>> -> memref<1x64xf32, #tpu.memory_space<hbm>>
      %dma_start3A_639 = arith.constant 0 : i32
      %dma_start3A_640 = tpu.memref_slice %arg12[%add3A_634, %dma_start3A_639] : memref<32x64xf32, #tpu.memory_space<vmem>> -> memref<1x64xf32, #tpu.memory_space<vmem>>
      %dma_start3A_641 = arith.constant 0 : i32
      %dma_start3A_642 = tpu.memref_slice %arg5[%squeeze3A_628, %dma_start3A_641] : memref<1000000x64xf32, #tpu.memory_space<hbm>> -> memref<1x64xf32, #tpu.memory_space<hbm>>
      tpu.enqueue_dma source(%dma_start3A_642 : memref<1x64xf32, #tpu.memory_space<hbm>>) target(%dma_start3A_640 : memref<1x64xf32, #tpu.memory_space<vmem>>) target_semaphore(%arg18 : memref<!tpu.dma_semaphore, #tpu.memory_space<semaphore_mem>>)
      %slice3A_643 = vector.extract_strided_slice %get3A_562 {offsets = [5], sizes = [1], strides = [1]} : vector<16xi32> to vector<1xi32>
      %squeeze3A_644 = vector.extract %slice3A_643[0] : i32 from vector<1xi32>
      %mul3A_645 = arith.constant 16 : i32
      %mul3A_646 = arith.muli %scan3A_556, %mul3A_645 : i32
      %add3A_647 = arith.constant 16 : i32
      %add3A_648 = arith.addi %add3A_647, %mul3A_646 : i32
      %add3A_649 = arith.constant 5 : i32
      %add3A_650 = arith.addi %add3A_648, %add3A_649 : i32
      %dma_start3A_651 = arith.constant 0 : i32
      %dma_start3A_652 = tpu.memref_slice %arg12[%add3A_650, %dma_start3A_651] : memref<32x64xf32, #tpu.memory_space<vmem>> -> memref<1x64xf32, #tpu.memory_space<vmem>>
      %dma_start3A_653 = arith.constant 0 : i32
      %dma_start3A_654 = tpu.memref_slice %arg5[%squeeze3A_644, %dma_start3A_653] : memref<1000000x64xf32, #tpu.memory_space<hbm>> -> memref<1x64xf32, #tpu.memory_space<hbm>>
      %dma_start3A_655 = arith.constant 0 : i32
      %dma_start3A_656 = tpu.memref_slice %arg12[%add3A_650, %dma_start3A_655] : memref<32x64xf32, #tpu.memory_space<vmem>> -> memref<1x64xf32, #tpu.memory_space<vmem>>
      %dma_start3A_657 = arith.constant 0 : i32
      %dma_start3A_658 = tpu.memref_slice %arg5[%squeeze3A_644, %dma_start3A_657] : memref<1000000x64xf32, #tpu.memory_space<hbm>> -> memref<1x64xf32, #tpu.memory_space<hbm>>
      tpu.enqueue_dma source(%dma_start3A_658 : memref<1x64xf32, #tpu.memory_space<hbm>>) target(%dma_start3A_656 : memref<1x64xf32, #tpu.memory_space<vmem>>) target_semaphore(%arg18 : memref<!tpu.dma_semaphore, #tpu.memory_space<semaphore_mem>>)
      %slice3A_659 = vector.extract_strided_slice %get3A_562 {offsets = [6], sizes = [1], strides = [1]} : vector<16xi32> to vector<1xi32>
      %squeeze3A_660 = vector.extract %slice3A_659[0] : i32 from vector<1xi32>
      %mul3A_661 = arith.constant 16 : i32
      %mul3A_662 = arith.muli %scan3A_556, %mul3A_661 : i32
      %add3A_663 = arith.constant 16 : i32
      %add3A_664 = arith.addi %add3A_663, %mul3A_662 : i32
      %add3A_665 = arith.constant 6 : i32
      %add3A_666 = arith.addi %add3A_664, %add3A_665 : i32
      %dma_start3A_667 = arith.constant 0 : i32
      %dma_start3A_668 = tpu.memref_slice %arg12[%add3A_666, %dma_start3A_667] : memref<32x64xf32, #tpu.memory_space<vmem>> -> memref<1x64xf32, #tpu.memory_space<vmem>>
      %dma_start3A_669 = arith.constant 0 : i32
      %dma_start3A_670 = tpu.memref_slice %arg5[%squeeze3A_660, %dma_start3A_669] : memref<1000000x64xf32, #tpu.memory_space<hbm>> -> memref<1x64xf32, #tpu.memory_space<hbm>>
      %dma_start3A_671 = arith.constant 0 : i32
      %dma_start3A_672 = tpu.memref_slice %arg12[%add3A_666, %dma_start3A_671] : memref<32x64xf32, #tpu.memory_space<vmem>> -> memref<1x64xf32, #tpu.memory_space<vmem>>
      %dma_start3A_673 = arith.constant 0 : i32
      %dma_start3A_674 = tpu.memref_slice %arg5[%squeeze3A_660, %dma_start3A_673] : memref<1000000x64xf32, #tpu.memory_space<hbm>> -> memref<1x64xf32, #tpu.memory_space<hbm>>
      tpu.enqueue_dma source(%dma_start3A_674 : memref<1x64xf32, #tpu.memory_space<hbm>>) target(%dma_start3A_672 : memref<1x64xf32, #tpu.memory_space<vmem>>) target_semaphore(%arg18 : memref<!tpu.dma_semaphore, #tpu.memory_space<semaphore_mem>>)
      %slice3A_675 = vector.extract_strided_slice %get3A_562 {offsets = [7], sizes = [1], strides = [1]} : vector<16xi32> to vector<1xi32>
      %squeeze3A_676 = vector.extract %slice3A_675[0] : i32 from vector<1xi32>
      %mul3A_677 = arith.constant 16 : i32
      %mul3A_678 = arith.muli %scan3A_556, %mul3A_677 : i32
      %add3A_679 = arith.constant 16 : i32
      %add3A_680 = arith.addi %add3A_679, %mul3A_678 : i32
      %add3A_681 = arith.constant 7 : i32
      %add3A_682 = arith.addi %add3A_680, %add3A_681 : i32
      %dma_start3A_683 = arith.constant 0 : i32
      %dma_start3A_684 = tpu.memref_slice %arg12[%add3A_682, %dma_start3A_683] : memref<32x64xf32, #tpu.memory_space<vmem>> -> memref<1x64xf32, #tpu.memory_space<vmem>>
      %dma_start3A_685 = arith.constant 0 : i32
      %dma_start3A_686 = tpu.memref_slice %arg5[%squeeze3A_676, %dma_start3A_685] : memref<1000000x64xf32, #tpu.memory_space<hbm>> -> memref<1x64xf32, #tpu.memory_space<hbm>>
      %dma_start3A_687 = arith.constant 0 : i32
      %dma_start3A_688 = tpu.memref_slice %arg12[%add3A_682, %dma_start3A_687] : memref<32x64xf32, #tpu.memory_space<vmem>> -> memref<1x64xf32, #tpu.memory_space<vmem>>
      %dma_start3A_689 = arith.constant 0 : i32
      %dma_start3A_690 = tpu.memref_slice %arg5[%squeeze3A_676, %dma_start3A_689] : memref<1000000x64xf32, #tpu.memory_space<hbm>> -> memref<1x64xf32, #tpu.memory_space<hbm>>
      tpu.enqueue_dma source(%dma_start3A_690 : memref<1x64xf32, #tpu.memory_space<hbm>>) target(%dma_start3A_688 : memref<1x64xf32, #tpu.memory_space<vmem>>) target_semaphore(%arg18 : memref<!tpu.dma_semaphore, #tpu.memory_space<semaphore_mem>>)
      %slice3A_691 = vector.extract_strided_slice %get3A_562 {offsets = [8], sizes = [1], strides = [1]} : vector<16xi32> to vector<1xi32>
      %squeeze3A_692 = vector.extract %slice3A_691[0] : i32 from vector<1xi32>
      %mul3A_693 = arith.constant 16 : i32
      %mul3A_694 = arith.muli %scan3A_556, %mul3A_693 : i32
      %add3A_695 = arith.constant 16 : i32
      %add3A_696 = arith.addi %add3A_695, %mul3A_694 : i32
      %add3A_697 = arith.constant 8 : i32
      %add3A_698 = arith.addi %add3A_696, %add3A_697 : i32
      %dma_start3A_699 = arith.constant 0 : i32
      %dma_start3A_700 = tpu.memref_slice %arg12[%add3A_698, %dma_start3A_699] : memref<32x64xf32, #tpu.memory_space<vmem>> -> memref<1x64xf32, #tpu.memory_space<vmem>>
      %dma_start3A_701 = arith.constant 0 : i32
      %dma_start3A_702 = tpu.memref_slice %arg5[%squeeze3A_692, %dma_start3A_701] : memref<1000000x64xf32, #tpu.memory_space<hbm>> -> memref<1x64xf32, #tpu.memory_space<hbm>>
      %dma_start3A_703 = arith.constant 0 : i32
      %dma_start3A_704 = tpu.memref_slice %arg12[%add3A_698, %dma_start3A_703] : memref<32x64xf32, #tpu.memory_space<vmem>> -> memref<1x64xf32, #tpu.memory_space<vmem>>
      %dma_start3A_705 = arith.constant 0 : i32
      %dma_start3A_706 = tpu.memref_slice %arg5[%squeeze3A_692, %dma_start3A_705] : memref<1000000x64xf32, #tpu.memory_space<hbm>> -> memref<1x64xf32, #tpu.memory_space<hbm>>
      tpu.enqueue_dma source(%dma_start3A_706 : memref<1x64xf32, #tpu.memory_space<hbm>>) target(%dma_start3A_704 : memref<1x64xf32, #tpu.memory_space<vmem>>) target_semaphore(%arg18 : memref<!tpu.dma_semaphore, #tpu.memory_space<semaphore_mem>>)
      %slice3A_707 = vector.extract_strided_slice %get3A_562 {offsets = [9], sizes = [1], strides = [1]} : vector<16xi32> to vector<1xi32>
      %squeeze3A_708 = vector.extract %slice3A_707[0] : i32 from vector<1xi32>
      %mul3A_709 = arith.constant 16 : i32
      %mul3A_710 = arith.muli %scan3A_556, %mul3A_709 : i32
      %add3A_711 = arith.constant 16 : i32
      %add3A_712 = arith.addi %add3A_711, %mul3A_710 : i32
      %add3A_713 = arith.constant 9 : i32
      %add3A_714 = arith.addi %add3A_712, %add3A_713 : i32
      %dma_start3A_715 = arith.constant 0 : i32
      %dma_start3A_716 = tpu.memref_slice %arg12[%add3A_714, %dma_start3A_715] : memref<32x64xf32, #tpu.memory_space<vmem>> -> memref<1x64xf32, #tpu.memory_space<vmem>>
      %dma_start3A_717 = arith.constant 0 : i32
      %dma_start3A_718 = tpu.memref_slice %arg5[%squeeze3A_708, %dma_start3A_717] : memref<1000000x64xf32, #tpu.memory_space<hbm>> -> memref<1x64xf32, #tpu.memory_space<hbm>>
      %dma_start3A_719 = arith.constant 0 : i32
      %dma_start3A_720 = tpu.memref_slice %arg12[%add3A_714, %dma_start3A_719] : memref<32x64xf32, #tpu.memory_space<vmem>> -> memref<1x64xf32, #tpu.memory_space<vmem>>
      %dma_start3A_721 = arith.constant 0 : i32
      %dma_start3A_722 = tpu.memref_slice %arg5[%squeeze3A_708, %dma_start3A_721] : memref<1000000x64xf32, #tpu.memory_space<hbm>> -> memref<1x64xf32, #tpu.memory_space<hbm>>
      tpu.enqueue_dma source(%dma_start3A_722 : memref<1x64xf32, #tpu.memory_space<hbm>>) target(%dma_start3A_720 : memref<1x64xf32, #tpu.memory_space<vmem>>) target_semaphore(%arg18 : memref<!tpu.dma_semaphore, #tpu.memory_space<semaphore_mem>>)
      %slice3A_723 = vector.extract_strided_slice %get3A_562 {offsets = [10], sizes = [1], strides = [1]} : vector<16xi32> to vector<1xi32>
      %squeeze3A_724 = vector.extract %slice3A_723[0] : i32 from vector<1xi32>
      %mul3A_725 = arith.constant 16 : i32
      %mul3A_726 = arith.muli %scan3A_556, %mul3A_725 : i32
      %add3A_727 = arith.constant 16 : i32
      %add3A_728 = arith.addi %add3A_727, %mul3A_726 : i32
      %add3A_729 = arith.constant 10 : i32
      %add3A_730 = arith.addi %add3A_728, %add3A_729 : i32
      %dma_start3A_731 = arith.constant 0 : i32
      %dma_start3A_732 = tpu.memref_slice %arg12[%add3A_730, %dma_start3A_731] : memref<32x64xf32, #tpu.memory_space<vmem>> -> memref<1x64xf32, #tpu.memory_space<vmem>>
      %dma_start3A_733 = arith.constant 0 : i32
      %dma_start3A_734 = tpu.memref_slice %arg5[%squeeze3A_724, %dma_start3A_733] : memref<1000000x64xf32, #tpu.memory_space<hbm>> -> memref<1x64xf32, #tpu.memory_space<hbm>>
      %dma_start3A_735 = arith.constant 0 : i32
      %dma_start3A_736 = tpu.memref_slice %arg12[%add3A_730, %dma_start3A_735] : memref<32x64xf32, #tpu.memory_space<vmem>> -> memref<1x64xf32, #tpu.memory_space<vmem>>
      %dma_start3A_737 = arith.constant 0 : i32
      %dma_start3A_738 = tpu.memref_slice %arg5[%squeeze3A_724, %dma_start3A_737] : memref<1000000x64xf32, #tpu.memory_space<hbm>> -> memref<1x64xf32, #tpu.memory_space<hbm>>
      tpu.enqueue_dma source(%dma_start3A_738 : memref<1x64xf32, #tpu.memory_space<hbm>>) target(%dma_start3A_736 : memref<1x64xf32, #tpu.memory_space<vmem>>) target_semaphore(%arg18 : memref<!tpu.dma_semaphore, #tpu.memory_space<semaphore_mem>>)
      %slice3A_739 = vector.extract_strided_slice %get3A_562 {offsets = [11], sizes = [1], strides = [1]} : vector<16xi32> to vector<1xi32>
      %squeeze3A_740 = vector.extract %slice3A_739[0] : i32 from vector<1xi32>
      %mul3A_741 = arith.constant 16 : i32
      %mul3A_742 = arith.muli %scan3A_556, %mul3A_741 : i32
      %add3A_743 = arith.constant 16 : i32
      %add3A_744 = arith.addi %add3A_743, %mul3A_742 : i32
      %add3A_745 = arith.constant 11 : i32
      %add3A_746 = arith.addi %add3A_744, %add3A_745 : i32
      %dma_start3A_747 = arith.constant 0 : i32
      %dma_start3A_748 = tpu.memref_slice %arg12[%add3A_746, %dma_start3A_747] : memref<32x64xf32, #tpu.memory_space<vmem>> -> memref<1x64xf32, #tpu.memory_space<vmem>>
      %dma_start3A_749 = arith.constant 0 : i32
      %dma_start3A_750 = tpu.memref_slice %arg5[%squeeze3A_740, %dma_start3A_749] : memref<1000000x64xf32, #tpu.memory_space<hbm>> -> memref<1x64xf32, #tpu.memory_space<hbm>>
      %dma_start3A_751 = arith.constant 0 : i32
      %dma_start3A_752 = tpu.memref_slice %arg12[%add3A_746, %dma_start3A_751] : memref<32x64xf32, #tpu.memory_space<vmem>> -> memref<1x64xf32, #tpu.memory_space<vmem>>
      %dma_start3A_753 = arith.constant 0 : i32
      %dma_start3A_754 = tpu.memref_slice %arg5[%squeeze3A_740, %dma_start3A_753] : memref<1000000x64xf32, #tpu.memory_space<hbm>> -> memref<1x64xf32, #tpu.memory_space<hbm>>
      tpu.enqueue_dma source(%dma_start3A_754 : memref<1x64xf32, #tpu.memory_space<hbm>>) target(%dma_start3A_752 : memref<1x64xf32, #tpu.memory_space<vmem>>) target_semaphore(%arg18 : memref<!tpu.dma_semaphore, #tpu.memory_space<semaphore_mem>>)
      %slice3A_755 = vector.extract_strided_slice %get3A_562 {offsets = [12], sizes = [1], strides = [1]} : vector<16xi32> to vector<1xi32>
      %squeeze3A_756 = vector.extract %slice3A_755[0] : i32 from vector<1xi32>
      %mul3A_757 = arith.constant 16 : i32
      %mul3A_758 = arith.muli %scan3A_556, %mul3A_757 : i32
      %add3A_759 = arith.constant 16 : i32
      %add3A_760 = arith.addi %add3A_759, %mul3A_758 : i32
      %add3A_761 = arith.constant 12 : i32
      %add3A_762 = arith.addi %add3A_760, %add3A_761 : i32
      %dma_start3A_763 = arith.constant 0 : i32
      %dma_start3A_764 = tpu.memref_slice %arg12[%add3A_762, %dma_start3A_763] : memref<32x64xf32, #tpu.memory_space<vmem>> -> memref<1x64xf32, #tpu.memory_space<vmem>>
      %dma_start3A_765 = arith.constant 0 : i32
      %dma_start3A_766 = tpu.memref_slice %arg5[%squeeze3A_756, %dma_start3A_765] : memref<1000000x64xf32, #tpu.memory_space<hbm>> -> memref<1x64xf32, #tpu.memory_space<hbm>>
      %dma_start3A_767 = arith.constant 0 : i32
      %dma_start3A_768 = tpu.memref_slice %arg12[%add3A_762, %dma_start3A_767] : memref<32x64xf32, #tpu.memory_space<vmem>> -> memref<1x64xf32, #tpu.memory_space<vmem>>
      %dma_start3A_769 = arith.constant 0 : i32
      %dma_start3A_770 = tpu.memref_slice %arg5[%squeeze3A_756, %dma_start3A_769] : memref<1000000x64xf32, #tpu.memory_space<hbm>> -> memref<1x64xf32, #tpu.memory_space<hbm>>
      tpu.enqueue_dma source(%dma_start3A_770 : memref<1x64xf32, #tpu.memory_space<hbm>>) target(%dma_start3A_768 : memref<1x64xf32, #tpu.memory_space<vmem>>) target_semaphore(%arg18 : memref<!tpu.dma_semaphore, #tpu.memory_space<semaphore_mem>>)
      %slice3A_771 = vector.extract_strided_slice %get3A_562 {offsets = [13], sizes = [1], strides = [1]} : vector<16xi32> to vector<1xi32>
      %squeeze3A_772 = vector.extract %slice3A_771[0] : i32 from vector<1xi32>
      %mul3A_773 = arith.constant 16 : i32
      %mul3A_774 = arith.muli %scan3A_556, %mul3A_773 : i32
      %add3A_775 = arith.constant 16 : i32
      %add3A_776 = arith.addi %add3A_775, %mul3A_774 : i32
      %add3A_777 = arith.constant 13 : i32
      %add3A_778 = arith.addi %add3A_776, %add3A_777 : i32
      %dma_start3A_779 = arith.constant 0 : i32
      %dma_start3A_780 = tpu.memref_slice %arg12[%add3A_778, %dma_start3A_779] : memref<32x64xf32, #tpu.memory_space<vmem>> -> memref<1x64xf32, #tpu.memory_space<vmem>>
      %dma_start3A_781 = arith.constant 0 : i32
      %dma_start3A_782 = tpu.memref_slice %arg5[%squeeze3A_772, %dma_start3A_781] : memref<1000000x64xf32, #tpu.memory_space<hbm>> -> memref<1x64xf32, #tpu.memory_space<hbm>>
      %dma_start3A_783 = arith.constant 0 : i32
      %dma_start3A_784 = tpu.memref_slice %arg12[%add3A_778, %dma_start3A_783] : memref<32x64xf32, #tpu.memory_space<vmem>> -> memref<1x64xf32, #tpu.memory_space<vmem>>
      %dma_start3A_785 = arith.constant 0 : i32
      %dma_start3A_786 = tpu.memref_slice %arg5[%squeeze3A_772, %dma_start3A_785] : memref<1000000x64xf32, #tpu.memory_space<hbm>> -> memref<1x64xf32, #tpu.memory_space<hbm>>
      tpu.enqueue_dma source(%dma_start3A_786 : memref<1x64xf32, #tpu.memory_space<hbm>>) target(%dma_start3A_784 : memref<1x64xf32, #tpu.memory_space<vmem>>) target_semaphore(%arg18 : memref<!tpu.dma_semaphore, #tpu.memory_space<semaphore_mem>>)
      %slice3A_787 = vector.extract_strided_slice %get3A_562 {offsets = [14], sizes = [1], strides = [1]} : vector<16xi32> to vector<1xi32>
      %squeeze3A_788 = vector.extract %slice3A_787[0] : i32 from vector<1xi32>
      %mul3A_789 = arith.constant 16 : i32
      %mul3A_790 = arith.muli %scan3A_556, %mul3A_789 : i32
      %add3A_791 = arith.constant 16 : i32
      %add3A_792 = arith.addi %add3A_791, %mul3A_790 : i32
      %add3A_793 = arith.constant 14 : i32
      %add3A_794 = arith.addi %add3A_792, %add3A_793 : i32
      %dma_start3A_795 = arith.constant 0 : i32
      %dma_start3A_796 = tpu.memref_slice %arg12[%add3A_794, %dma_start3A_795] : memref<32x64xf32, #tpu.memory_space<vmem>> -> memref<1x64xf32, #tpu.memory_space<vmem>>
      %dma_start3A_797 = arith.constant 0 : i32
      %dma_start3A_798 = tpu.memref_slice %arg5[%squeeze3A_788, %dma_start3A_797] : memref<1000000x64xf32, #tpu.memory_space<hbm>> -> memref<1x64xf32, #tpu.memory_space<hbm>>
      %dma_start3A_799 = arith.constant 0 : i32
      %dma_start3A_800 = tpu.memref_slice %arg12[%add3A_794, %dma_start3A_799] : memref<32x64xf32, #tpu.memory_space<vmem>> -> memref<1x64xf32, #tpu.memory_space<vmem>>
      %dma_start3A_801 = arith.constant 0 : i32
      %dma_start3A_802 = tpu.memref_slice %arg5[%squeeze3A_788, %dma_start3A_801] : memref<1000000x64xf32, #tpu.memory_space<hbm>> -> memref<1x64xf32, #tpu.memory_space<hbm>>
      tpu.enqueue_dma source(%dma_start3A_802 : memref<1x64xf32, #tpu.memory_space<hbm>>) target(%dma_start3A_800 : memref<1x64xf32, #tpu.memory_space<vmem>>) target_semaphore(%arg18 : memref<!tpu.dma_semaphore, #tpu.memory_space<semaphore_mem>>)
      %slice3A_803 = vector.extract_strided_slice %get3A_562 {offsets = [15], sizes = [1], strides = [1]} : vector<16xi32> to vector<1xi32>
      %squeeze3A_804 = vector.extract %slice3A_803[0] : i32 from vector<1xi32>
      %mul3A_805 = arith.constant 16 : i32
      %mul3A_806 = arith.muli %scan3A_556, %mul3A_805 : i32
      %add3A_807 = arith.constant 16 : i32
      %add3A_808 = arith.addi %add3A_807, %mul3A_806 : i32
      %add3A_809 = arith.constant 15 : i32
      %add3A_810 = arith.addi %add3A_808, %add3A_809 : i32
      %dma_start3A_811 = arith.constant 0 : i32
      %dma_start3A_812 = tpu.memref_slice %arg12[%add3A_810, %dma_start3A_811] : memref<32x64xf32, #tpu.memory_space<vmem>> -> memref<1x64xf32, #tpu.memory_space<vmem>>
      %dma_start3A_813 = arith.constant 0 : i32
      %dma_start3A_814 = tpu.memref_slice %arg5[%squeeze3A_804, %dma_start3A_813] : memref<1000000x64xf32, #tpu.memory_space<hbm>> -> memref<1x64xf32, #tpu.memory_space<hbm>>
      %dma_start3A_815 = arith.constant 0 : i32
      %dma_start3A_816 = tpu.memref_slice %arg12[%add3A_810, %dma_start3A_815] : memref<32x64xf32, #tpu.memory_space<vmem>> -> memref<1x64xf32, #tpu.memory_space<vmem>>
      %dma_start3A_817 = arith.constant 0 : i32
      %dma_start3A_818 = tpu.memref_slice %arg5[%squeeze3A_804, %dma_start3A_817] : memref<1000000x64xf32, #tpu.memory_space<hbm>> -> memref<1x64xf32, #tpu.memory_space<hbm>>
      tpu.enqueue_dma source(%dma_start3A_818 : memref<1x64xf32, #tpu.memory_space<hbm>>) target(%dma_start3A_816 : memref<1x64xf32, #tpu.memory_space<vmem>>) target_semaphore(%arg18 : memref<!tpu.dma_semaphore, #tpu.memory_space<semaphore_mem>>)
      %scan3A_819 = arith.constant 1 : i32
      %scan3A_820 = arith.constant 0 : i32
      %scan3A_821 = arith.constant 0 : i32
      %mul3A_822 = arith.constant 16 : i32
      %mul3A_823 = arith.muli %scan3A_821, %mul3A_822 : i32
      %add3A_824 = arith.addi %mul3A_554, %mul3A_823 : i32
      %get3A_825 = arith.index_cast %add3A_824 : i32 to index
      %get3A_826 = tpu.vector_load %arg10[%get3A_825] {strides = array<i32>} : memref<528xi32, #tpu.memory_space<vmem>>, vector<16xi32>,
      %get3A_827 = vector.shape_cast %get3A_826 : vector<16xi32> to vector<16xi32>
      %slice3A_828 = vector.extract_strided_slice %get3A_827 {offsets = [0], sizes = [1], strides = [1]} : vector<16xi32> to vector<1xi32>
      %squeeze3A_829 = vector.extract %slice3A_828[0] : i32 from vector<1xi32>
      %mul3A_830 = arith.constant 16 : i32
      %mul3A_831 = arith.muli %scan3A_821, %mul3A_830 : i32
      %add3A_832 = arith.constant 16 : i32
      %add3A_833 = arith.addi %add3A_832, %mul3A_831 : i32
      %add3A_834 = arith.constant 0 : i32
      %add3A_835 = arith.addi %add3A_833, %add3A_834 : i32
      %dma_start3A_836 = arith.constant 0 : i32
      %dma_start3A_837 = tpu.memref_slice %arg13[%add3A_835, %dma_start3A_836] : memref<32x64xf32, #tpu.memory_space<vmem>> -> memref<1x64xf32, #tpu.memory_space<vmem>>
      %dma_start3A_838 = arith.constant 0 : i32
      %dma_start3A_839 = tpu.memref_slice %arg6[%squeeze3A_829, %dma_start3A_838] : memref<1000000x64xf32, #tpu.memory_space<hbm>> -> memref<1x64xf32, #tpu.memory_space<hbm>>
      %dma_start3A_840 = arith.constant 0 : i32
      %dma_start3A_841 = tpu.memref_slice %arg13[%add3A_835, %dma_start3A_840] : memref<32x64xf32, #tpu.memory_space<vmem>> -> memref<1x64xf32, #tpu.memory_space<vmem>>
      %dma_start3A_842 = arith.constant 0 : i32
      %dma_start3A_843 = tpu.memref_slice %arg6[%squeeze3A_829, %dma_start3A_842] : memref<1000000x64xf32, #tpu.memory_space<hbm>> -> memref<1x64xf32, #tpu.memory_space<hbm>>
      tpu.enqueue_dma source(%dma_start3A_843 : memref<1x64xf32, #tpu.memory_space<hbm>>) target(%dma_start3A_841 : memref<1x64xf32, #tpu.memory_space<vmem>>) target_semaphore(%arg18 : memref<!tpu.dma_semaphore, #tpu.memory_space<semaphore_mem>>)
      %slice3A_844 = vector.extract_strided_slice %get3A_827 {offsets = [1], sizes = [1], strides = [1]} : vector<16xi32> to vector<1xi32>
      %squeeze3A_845 = vector.extract %slice3A_844[0] : i32 from vector<1xi32>
      %mul3A_846 = arith.constant 16 : i32
      %mul3A_847 = arith.muli %scan3A_821, %mul3A_846 : i32
      %add3A_848 = arith.constant 16 : i32
      %add3A_849 = arith.addi %add3A_848, %mul3A_847 : i32
      %add3A_850 = arith.constant 1 : i32
      %add3A_851 = arith.addi %add3A_849, %add3A_850 : i32
      %dma_start3A_852 = arith.constant 0 : i32
      %dma_start3A_853 = tpu.memref_slice %arg13[%add3A_851, %dma_start3A_852] : memref<32x64xf32, #tpu.memory_space<vmem>> -> memref<1x64xf32, #tpu.memory_space<vmem>>
      %dma_start3A_854 = arith.constant 0 : i32
      %dma_start3A_855 = tpu.memref_slice %arg6[%squeeze3A_845, %dma_start3A_854] : memref<1000000x64xf32, #tpu.memory_space<hbm>> -> memref<1x64xf32, #tpu.memory_space<hbm>>
      %dma_start3A_856 = arith.constant 0 : i32
      %dma_start3A_857 = tpu.memref_slice %arg13[%add3A_851, %dma_start3A_856] : memref<32x64xf32, #tpu.memory_space<vmem>> -> memref<1x64xf32, #tpu.memory_space<vmem>>
      %dma_start3A_858 = arith.constant 0 : i32
      %dma_start3A_859 = tpu.memref_slice %arg6[%squeeze3A_845, %dma_start3A_858] : memref<1000000x64xf32, #tpu.memory_space<hbm>> -> memref<1x64xf32, #tpu.memory_space<hbm>>
      tpu.enqueue_dma source(%dma_start3A_859 : memref<1x64xf32, #tpu.memory_space<hbm>>) target(%dma_start3A_857 : memref<1x64xf32, #tpu.memory_space<vmem>>) target_semaphore(%arg18 : memref<!tpu.dma_semaphore, #tpu.memory_space<semaphore_mem>>)
      %slice3A_860 = vector.extract_strided_slice %get3A_827 {offsets = [2], sizes = [1], strides = [1]} : vector<16xi32> to vector<1xi32>
      %squeeze3A_861 = vector.extract %slice3A_860[0] : i32 from vector<1xi32>
      %mul3A_862 = arith.constant 16 : i32
      %mul3A_863 = arith.muli %scan3A_821, %mul3A_862 : i32
      %add3A_864 = arith.constant 16 : i32
      %add3A_865 = arith.addi %add3A_864, %mul3A_863 : i32
      %add3A_866 = arith.constant 2 : i32
      %add3A_867 = arith.addi %add3A_865, %add3A_866 : i32
      %dma_start3A_868 = arith.constant 0 : i32
      %dma_start3A_869 = tpu.memref_slice %arg13[%add3A_867, %dma_start3A_868] : memref<32x64xf32, #tpu.memory_space<vmem>> -> memref<1x64xf32, #tpu.memory_space<vmem>>
      %dma_start3A_870 = arith.constant 0 : i32
      %dma_start3A_871 = tpu.memref_slice %arg6[%squeeze3A_861, %dma_start3A_870] : memref<1000000x64xf32, #tpu.memory_space<hbm>> -> memref<1x64xf32, #tpu.memory_space<hbm>>
      %dma_start3A_872 = arith.constant 0 : i32
      %dma_start3A_873 = tpu.memref_slice %arg13[%add3A_867, %dma_start3A_872] : memref<32x64xf32, #tpu.memory_space<vmem>> -> memref<1x64xf32, #tpu.memory_space<vmem>>
      %dma_start3A_874 = arith.constant 0 : i32
      %dma_start3A_875 = tpu.memref_slice %arg6[%squeeze3A_861, %dma_start3A_874] : memref<1000000x64xf32, #tpu.memory_space<hbm>> -> memref<1x64xf32, #tpu.memory_space<hbm>>
      tpu.enqueue_dma source(%dma_start3A_875 : memref<1x64xf32, #tpu.memory_space<hbm>>) target(%dma_start3A_873 : memref<1x64xf32, #tpu.memory_space<vmem>>) target_semaphore(%arg18 : memref<!tpu.dma_semaphore, #tpu.memory_space<semaphore_mem>>)
      %slice3A_876 = vector.extract_strided_slice %get3A_827 {offsets = [3], sizes = [1], strides = [1]} : vector<16xi32> to vector<1xi32>
      %squeeze3A_877 = vector.extract %slice3A_876[0] : i32 from vector<1xi32>
      %mul3A_878 = arith.constant 16 : i32
      %mul3A_879 = arith.muli %scan3A_821, %mul3A_878 : i32
      %add3A_880 = arith.constant 16 : i32
      %add3A_881 = arith.addi %add3A_880, %mul3A_879 : i32
      %add3A_882 = arith.constant 3 : i32
      %add3A_883 = arith.addi %add3A_881, %add3A_882 : i32
      %dma_start3A_884 = arith.constant 0 : i32
      %dma_start3A_885 = tpu.memref_slice %arg13[%add3A_883, %dma_start3A_884] : memref<32x64xf32, #tpu.memory_space<vmem>> -> memref<1x64xf32, #tpu.memory_space<vmem>>
      %dma_start3A_886 = arith.constant 0 : i32
      %dma_start3A_887 = tpu.memref_slice %arg6[%squeeze3A_877, %dma_start3A_886] : memref<1000000x64xf32, #tpu.memory_space<hbm>> -> memref<1x64xf32, #tpu.memory_space<hbm>>
      %dma_start3A_888 = arith.constant 0 : i32
      %dma_start3A_889 = tpu.memref_slice %arg13[%add3A_883, %dma_start3A_888] : memref<32x64xf32, #tpu.memory_space<vmem>> -> memref<1x64xf32, #tpu.memory_space<vmem>>
      %dma_start3A_890 = arith.constant 0 : i32
      %dma_start3A_891 = tpu.memref_slice %arg6[%squeeze3A_877, %dma_start3A_890] : memref<1000000x64xf32, #tpu.memory_space<hbm>> -> memref<1x64xf32, #tpu.memory_space<hbm>>
      tpu.enqueue_dma source(%dma_start3A_891 : memref<1x64xf32, #tpu.memory_space<hbm>>) target(%dma_start3A_889 : memref<1x64xf32, #tpu.memory_space<vmem>>) target_semaphore(%arg18 : memref<!tpu.dma_semaphore, #tpu.memory_space<semaphore_mem>>)
      %slice3A_892 = vector.extract_strided_slice %get3A_827 {offsets = [4], sizes = [1], strides = [1]} : vector<16xi32> to vector<1xi32>
      %squeeze3A_893 = vector.extract %slice3A_892[0] : i32 from vector<1xi32>
      %mul3A_894 = arith.constant 16 : i32
      %mul3A_895 = arith.muli %scan3A_821, %mul3A_894 : i32
      %add3A_896 = arith.constant 16 : i32
      %add3A_897 = arith.addi %add3A_896, %mul3A_895 : i32
      %add3A_898 = arith.constant 4 : i32
      %add3A_899 = arith.addi %add3A_897, %add3A_898 : i32
      %dma_start3A_900 = arith.constant 0 : i32
      %dma_start3A_901 = tpu.memref_slice %arg13[%add3A_899, %dma_start3A_900] : memref<32x64xf32, #tpu.memory_space<vmem>> -> memref<1x64xf32, #tpu.memory_space<vmem>>
      %dma_start3A_902 = arith.constant 0 : i32
      %dma_start3A_903 = tpu.memref_slice %arg6[%squeeze3A_893, %dma_start3A_902] : memref<1000000x64xf32, #tpu.memory_space<hbm>> -> memref<1x64xf32, #tpu.memory_space<hbm>>
      %dma_start3A_904 = arith.constant 0 : i32
      %dma_start3A_905 = tpu.memref_slice %arg13[%add3A_899, %dma_start3A_904] : memref<32x64xf32, #tpu.memory_space<vmem>> -> memref<1x64xf32, #tpu.memory_space<vmem>>
      %dma_start3A_906 = arith.constant 0 : i32
      %dma_start3A_907 = tpu.memref_slice %arg6[%squeeze3A_893, %dma_start3A_906] : memref<1000000x64xf32, #tpu.memory_space<hbm>> -> memref<1x64xf32, #tpu.memory_space<hbm>>
      tpu.enqueue_dma source(%dma_start3A_907 : memref<1x64xf32, #tpu.memory_space<hbm>>) target(%dma_start3A_905 : memref<1x64xf32, #tpu.memory_space<vmem>>) target_semaphore(%arg18 : memref<!tpu.dma_semaphore, #tpu.memory_space<semaphore_mem>>)
      %slice3A_908 = vector.extract_strided_slice %get3A_827 {offsets = [5], sizes = [1], strides = [1]} : vector<16xi32> to vector<1xi32>
      %squeeze3A_909 = vector.extract %slice3A_908[0] : i32 from vector<1xi32>
      %mul3A_910 = arith.constant 16 : i32
      %mul3A_911 = arith.muli %scan3A_821, %mul3A_910 : i32
      %add3A_912 = arith.constant 16 : i32
      %add3A_913 = arith.addi %add3A_912, %mul3A_911 : i32
      %add3A_914 = arith.constant 5 : i32
      %add3A_915 = arith.addi %add3A_913, %add3A_914 : i32
      %dma_start3A_916 = arith.constant 0 : i32
      %dma_start3A_917 = tpu.memref_slice %arg13[%add3A_915, %dma_start3A_916] : memref<32x64xf32, #tpu.memory_space<vmem>> -> memref<1x64xf32, #tpu.memory_space<vmem>>
      %dma_start3A_918 = arith.constant 0 : i32
      %dma_start3A_919 = tpu.memref_slice %arg6[%squeeze3A_909, %dma_start3A_918] : memref<1000000x64xf32, #tpu.memory_space<hbm>> -> memref<1x64xf32, #tpu.memory_space<hbm>>
      %dma_start3A_920 = arith.constant 0 : i32
      %dma_start3A_921 = tpu.memref_slice %arg13[%add3A_915, %dma_start3A_920] : memref<32x64xf32, #tpu.memory_space<vmem>> -> memref<1x64xf32, #tpu.memory_space<vmem>>
      %dma_start3A_922 = arith.constant 0 : i32
      %dma_start3A_923 = tpu.memref_slice %arg6[%squeeze3A_909, %dma_start3A_922] : memref<1000000x64xf32, #tpu.memory_space<hbm>> -> memref<1x64xf32, #tpu.memory_space<hbm>>
      tpu.enqueue_dma source(%dma_start3A_923 : memref<1x64xf32, #tpu.memory_space<hbm>>) target(%dma_start3A_921 : memref<1x64xf32, #tpu.memory_space<vmem>>) target_semaphore(%arg18 : memref<!tpu.dma_semaphore, #tpu.memory_space<semaphore_mem>>)
      %slice3A_924 = vector.extract_strided_slice %get3A_827 {offsets = [6], sizes = [1], strides = [1]} : vector<16xi32> to vector<1xi32>
      %squeeze3A_925 = vector.extract %slice3A_924[0] : i32 from vector<1xi32>
      %mul3A_926 = arith.constant 16 : i32
      %mul3A_927 = arith.muli %scan3A_821, %mul3A_926 : i32
      %add3A_928 = arith.constant 16 : i32
      %add3A_929 = arith.addi %add3A_928, %mul3A_927 : i32
      %add3A_930 = arith.constant 6 : i32
      %add3A_931 = arith.addi %add3A_929, %add3A_930 : i32
      %dma_start3A_932 = arith.constant 0 : i32
      %dma_start3A_933 = tpu.memref_slice %arg13[%add3A_931, %dma_start3A_932] : memref<32x64xf32, #tpu.memory_space<vmem>> -> memref<1x64xf32, #tpu.memory_space<vmem>>
      %dma_start3A_934 = arith.constant 0 : i32
      %dma_start3A_935 = tpu.memref_slice %arg6[%squeeze3A_925, %dma_start3A_934] : memref<1000000x64xf32, #tpu.memory_space<hbm>> -> memref<1x64xf32, #tpu.memory_space<hbm>>
      %dma_start3A_936 = arith.constant 0 : i32
      %dma_start3A_937 = tpu.memref_slice %arg13[%add3A_931, %dma_start3A_936] : memref<32x64xf32, #tpu.memory_space<vmem>> -> memref<1x64xf32, #tpu.memory_space<vmem>>
      %dma_start3A_938 = arith.constant 0 : i32
      %dma_start3A_939 = tpu.memref_slice %arg6[%squeeze3A_925, %dma_start3A_938] : memref<1000000x64xf32, #tpu.memory_space<hbm>> -> memref<1x64xf32, #tpu.memory_space<hbm>>
      tpu.enqueue_dma source(%dma_start3A_939 : memref<1x64xf32, #tpu.memory_space<hbm>>) target(%dma_start3A_937 : memref<1x64xf32, #tpu.memory_space<vmem>>) target_semaphore(%arg18 : memref<!tpu.dma_semaphore, #tpu.memory_space<semaphore_mem>>)
      %slice3A_940 = vector.extract_strided_slice %get3A_827 {offsets = [7], sizes = [1], strides = [1]} : vector<16xi32> to vector<1xi32>
      %squeeze3A_941 = vector.extract %slice3A_940[0] : i32 from vector<1xi32>
      %mul3A_942 = arith.constant 16 : i32
      %mul3A_943 = arith.muli %scan3A_821, %mul3A_942 : i32
      %add3A_944 = arith.constant 16 : i32
      %add3A_945 = arith.addi %add3A_944, %mul3A_943 : i32
      %add3A_946 = arith.constant 7 : i32
      %add3A_947 = arith.addi %add3A_945, %add3A_946 : i32
      %dma_start3A_948 = arith.constant 0 : i32
      %dma_start3A_949 = tpu.memref_slice %arg13[%add3A_947, %dma_start3A_948] : memref<32x64xf32, #tpu.memory_space<vmem>> -> memref<1x64xf32, #tpu.memory_space<vmem>>
      %dma_start3A_950 = arith.constant 0 : i32
      %dma_start3A_951 = tpu.memref_slice %arg6[%squeeze3A_941, %dma_start3A_950] : memref<1000000x64xf32, #tpu.memory_space<hbm>> -> memref<1x64xf32, #tpu.memory_space<hbm>>
      %dma_start3A_952 = arith.constant 0 : i32
      %dma_start3A_953 = tpu.memref_slice %arg13[%add3A_947, %dma_start3A_952] : memref<32x64xf32, #tpu.memory_space<vmem>> -> memref<1x64xf32, #tpu.memory_space<vmem>>
      %dma_start3A_954 = arith.constant 0 : i32
      %dma_start3A_955 = tpu.memref_slice %arg6[%squeeze3A_941, %dma_start3A_954] : memref<1000000x64xf32, #tpu.memory_space<hbm>> -> memref<1x64xf32, #tpu.memory_space<hbm>>
      tpu.enqueue_dma source(%dma_start3A_955 : memref<1x64xf32, #tpu.memory_space<hbm>>) target(%dma_start3A_953 : memref<1x64xf32, #tpu.memory_space<vmem>>) target_semaphore(%arg18 : memref<!tpu.dma_semaphore, #tpu.memory_space<semaphore_mem>>)
      %slice3A_956 = vector.extract_strided_slice %get3A_827 {offsets = [8], sizes = [1], strides = [1]} : vector<16xi32> to vector<1xi32>
      %squeeze3A_957 = vector.extract %slice3A_956[0] : i32 from vector<1xi32>
      %mul3A_958 = arith.constant 16 : i32
      %mul3A_959 = arith.muli %scan3A_821, %mul3A_958 : i32
      %add3A_960 = arith.constant 16 : i32
      %add3A_961 = arith.addi %add3A_960, %mul3A_959 : i32
      %add3A_962 = arith.constant 8 : i32
      %add3A_963 = arith.addi %add3A_961, %add3A_962 : i32
      %dma_start3A_964 = arith.constant 0 : i32
      %dma_start3A_965 = tpu.memref_slice %arg13[%add3A_963, %dma_start3A_964] : memref<32x64xf32, #tpu.memory_space<vmem>> -> memref<1x64xf32, #tpu.memory_space<vmem>>
      %dma_start3A_966 = arith.constant 0 : i32
      %dma_start3A_967 = tpu.memref_slice %arg6[%squeeze3A_957, %dma_start3A_966] : memref<1000000x64xf32, #tpu.memory_space<hbm>> -> memref<1x64xf32, #tpu.memory_space<hbm>>
      %dma_start3A_968 = arith.constant 0 : i32
      %dma_start3A_969 = tpu.memref_slice %arg13[%add3A_963, %dma_start3A_968] : memref<32x64xf32, #tpu.memory_space<vmem>> -> memref<1x64xf32, #tpu.memory_space<vmem>>
      %dma_start3A_970 = arith.constant 0 : i32
      %dma_start3A_971 = tpu.memref_slice %arg6[%squeeze3A_957, %dma_start3A_970] : memref<1000000x64xf32, #tpu.memory_space<hbm>> -> memref<1x64xf32, #tpu.memory_space<hbm>>
      tpu.enqueue_dma source(%dma_start3A_971 : memref<1x64xf32, #tpu.memory_space<hbm>>) target(%dma_start3A_969 : memref<1x64xf32, #tpu.memory_space<vmem>>) target_semaphore(%arg18 : memref<!tpu.dma_semaphore, #tpu.memory_space<semaphore_mem>>)
      %slice3A_972 = vector.extract_strided_slice %get3A_827 {offsets = [9], sizes = [1], strides = [1]} : vector<16xi32> to vector<1xi32>
      %squeeze3A_973 = vector.extract %slice3A_972[0] : i32 from vector<1xi32>
      %mul3A_974 = arith.constant 16 : i32
      %mul3A_975 = arith.muli %scan3A_821, %mul3A_974 : i32
      %add3A_976 = arith.constant 16 : i32
      %add3A_977 = arith.addi %add3A_976, %mul3A_975 : i32
      %add3A_978 = arith.constant 9 : i32
      %add3A_979 = arith.addi %add3A_977, %add3A_978 : i32
      %dma_start3A_980 = arith.constant 0 : i32
      %dma_start3A_981 = tpu.memref_slice %arg13[%add3A_979, %dma_start3A_980] : memref<32x64xf32, #tpu.memory_space<vmem>> -> memref<1x64xf32, #tpu.memory_space<vmem>>
      %dma_start3A_982 = arith.constant 0 : i32
      %dma_start3A_983 = tpu.memref_slice %arg6[%squeeze3A_973, %dma_start3A_982] : memref<1000000x64xf32, #tpu.memory_space<hbm>> -> memref<1x64xf32, #tpu.memory_space<hbm>>
      %dma_start3A_984 = arith.constant 0 : i32
      %dma_start3A_985 = tpu.memref_slice %arg13[%add3A_979, %dma_start3A_984] : memref<32x64xf32, #tpu.memory_space<vmem>> -> memref<1x64xf32, #tpu.memory_space<vmem>>
      %dma_start3A_986 = arith.constant 0 : i32
      %dma_start3A_987 = tpu.memref_slice %arg6[%squeeze3A_973, %dma_start3A_986] : memref<1000000x64xf32, #tpu.memory_space<hbm>> -> memref<1x64xf32, #tpu.memory_space<hbm>>
      tpu.enqueue_dma source(%dma_start3A_987 : memref<1x64xf32, #tpu.memory_space<hbm>>) target(%dma_start3A_985 : memref<1x64xf32, #tpu.memory_space<vmem>>) target_semaphore(%arg18 : memref<!tpu.dma_semaphore, #tpu.memory_space<semaphore_mem>>)
      %slice3A_988 = vector.extract_strided_slice %get3A_827 {offsets = [10], sizes = [1], strides = [1]} : vector<16xi32> to vector<1xi32>
      %squeeze3A_989 = vector.extract %slice3A_988[0] : i32 from vector<1xi32>
      %mul3A_990 = arith.constant 16 : i32
      %mul3A_991 = arith.muli %scan3A_821, %mul3A_990 : i32
      %add3A_992 = arith.constant 16 : i32
      %add3A_993 = arith.addi %add3A_992, %mul3A_991 : i32
      %add3A_994 = arith.constant 10 : i32
      %add3A_995 = arith.addi %add3A_993, %add3A_994 : i32
      %dma_start3A_996 = arith.constant 0 : i32
      %dma_start3A_997 = tpu.memref_slice %arg13[%add3A_995, %dma_start3A_996] : memref<32x64xf32, #tpu.memory_space<vmem>> -> memref<1x64xf32, #tpu.memory_space<vmem>>
      %dma_start3A_998 = arith.constant 0 : i32
      %dma_start3A_999 = tpu.memref_slice %arg6[%squeeze3A_989, %dma_start3A_998] : memref<1000000x64xf32, #tpu.memory_space<hbm>> -> memref<1x64xf32, #tpu.memory_space<hbm>>
      %dma_start3A_1000 = arith.constant 0 : i32
      %dma_start3A_1001 = tpu.memref_slice %arg13[%add3A_995, %dma_start3A_1000] : memref<32x64xf32, #tpu.memory_space<vmem>> -> memref<1x64xf32, #tpu.memory_space<vmem>>
      %dma_start3A_1002 = arith.constant 0 : i32
      %dma_start3A_1003 = tpu.memref_slice %arg6[%squeeze3A_989, %dma_start3A_1002] : memref<1000000x64xf32, #tpu.memory_space<hbm>> -> memref<1x64xf32, #tpu.memory_space<hbm>>
      tpu.enqueue_dma source(%dma_start3A_1003 : memref<1x64xf32, #tpu.memory_space<hbm>>) target(%dma_start3A_1001 : memref<1x64xf32, #tpu.memory_space<vmem>>) target_semaphore(%arg18 : memref<!tpu.dma_semaphore, #tpu.memory_space<semaphore_mem>>)
      %slice3A_1004 = vector.extract_strided_slice %get3A_827 {offsets = [11], sizes = [1], strides = [1]} : vector<16xi32> to vector<1xi32>
      %squeeze3A_1005 = vector.extract %slice3A_1004[0] : i32 from vector<1xi32>
      %mul3A_1006 = arith.constant 16 : i32
      %mul3A_1007 = arith.muli %scan3A_821, %mul3A_1006 : i32
      %add3A_1008 = arith.constant 16 : i32
      %add3A_1009 = arith.addi %add3A_1008, %mul3A_1007 : i32
      %add3A_1010 = arith.constant 11 : i32
      %add3A_1011 = arith.addi %add3A_1009, %add3A_1010 : i32
      %dma_start3A_1012 = arith.constant 0 : i32
      %dma_start3A_1013 = tpu.memref_slice %arg13[%add3A_1011, %dma_start3A_1012] : memref<32x64xf32, #tpu.memory_space<vmem>> -> memref<1x64xf32, #tpu.memory_space<vmem>>
      %dma_start3A_1014 = arith.constant 0 : i32
      %dma_start3A_1015 = tpu.memref_slice %arg6[%squeeze3A_1005, %dma_start3A_1014] : memref<1000000x64xf32, #tpu.memory_space<hbm>> -> memref<1x64xf32, #tpu.memory_space<hbm>>
      %dma_start3A_1016 = arith.constant 0 : i32
      %dma_start3A_1017 = tpu.memref_slice %arg13[%add3A_1011, %dma_start3A_1016] : memref<32x64xf32, #tpu.memory_space<vmem>> -> memref<1x64xf32, #tpu.memory_space<vmem>>
      %dma_start3A_1018 = arith.constant 0 : i32
      %dma_start3A_1019 = tpu.memref_slice %arg6[%squeeze3A_1005, %dma_start3A_1018] : memref<1000000x64xf32, #tpu.memory_space<hbm>> -> memref<1x64xf32, #tpu.memory_space<hbm>>
      tpu.enqueue_dma source(%dma_start3A_1019 : memref<1x64xf32, #tpu.memory_space<hbm>>) target(%dma_start3A_1017 : memref<1x64xf32, #tpu.memory_space<vmem>>) target_semaphore(%arg18 : memref<!tpu.dma_semaphore, #tpu.memory_space<semaphore_mem>>)
      %slice3A_1020 = vector.extract_strided_slice %get3A_827 {offsets = [12], sizes = [1], strides = [1]} : vector<16xi32> to vector<1xi32>
      %squeeze3A_1021 = vector.extract %slice3A_1020[0] : i32 from vector<1xi32>
      %mul3A_1022 = arith.constant 16 : i32
      %mul3A_1023 = arith.muli %scan3A_821, %mul3A_1022 : i32
      %add3A_1024 = arith.constant 16 : i32
      %add3A_1025 = arith.addi %add3A_1024, %mul3A_1023 : i32
      %add3A_1026 = arith.constant 12 : i32
      %add3A_1027 = arith.addi %add3A_1025, %add3A_1026 : i32
      %dma_start3A_1028 = arith.constant 0 : i32
      %dma_start3A_1029 = tpu.memref_slice %arg13[%add3A_1027, %dma_start3A_1028] : memref<32x64xf32, #tpu.memory_space<vmem>> -> memref<1x64xf32, #tpu.memory_space<vmem>>
      %dma_start3A_1030 = arith.constant 0 : i32
      %dma_start3A_1031 = tpu.memref_slice %arg6[%squeeze3A_1021, %dma_start3A_1030] : memref<1000000x64xf32, #tpu.memory_space<hbm>> -> memref<1x64xf32, #tpu.memory_space<hbm>>
      %dma_start3A_1032 = arith.constant 0 : i32
      %dma_start3A_1033 = tpu.memref_slice %arg13[%add3A_1027, %dma_start3A_1032] : memref<32x64xf32, #tpu.memory_space<vmem>> -> memref<1x64xf32, #tpu.memory_space<vmem>>
      %dma_start3A_1034 = arith.constant 0 : i32
      %dma_start3A_1035 = tpu.memref_slice %arg6[%squeeze3A_1021, %dma_start3A_1034] : memref<1000000x64xf32, #tpu.memory_space<hbm>> -> memref<1x64xf32, #tpu.memory_space<hbm>>
      tpu.enqueue_dma source(%dma_start3A_1035 : memref<1x64xf32, #tpu.memory_space<hbm>>) target(%dma_start3A_1033 : memref<1x64xf32, #tpu.memory_space<vmem>>) target_semaphore(%arg18 : memref<!tpu.dma_semaphore, #tpu.memory_space<semaphore_mem>>)
      %slice3A_1036 = vector.extract_strided_slice %get3A_827 {offsets = [13], sizes = [1], strides = [1]} : vector<16xi32> to vector<1xi32>
      %squeeze3A_1037 = vector.extract %slice3A_1036[0] : i32 from vector<1xi32>
      %mul3A_1038 = arith.constant 16 : i32
      %mul3A_1039 = arith.muli %scan3A_821, %mul3A_1038 : i32
      %add3A_1040 = arith.constant 16 : i32
      %add3A_1041 = arith.addi %add3A_1040, %mul3A_1039 : i32
      %add3A_1042 = arith.constant 13 : i32
      %add3A_1043 = arith.addi %add3A_1041, %add3A_1042 : i32
      %dma_start3A_1044 = arith.constant 0 : i32
      %dma_start3A_1045 = tpu.memref_slice %arg13[%add3A_1043, %dma_start3A_1044] : memref<32x64xf32, #tpu.memory_space<vmem>> -> memref<1x64xf32, #tpu.memory_space<vmem>>
      %dma_start3A_1046 = arith.constant 0 : i32
      %dma_start3A_1047 = tpu.memref_slice %arg6[%squeeze3A_1037, %dma_start3A_1046] : memref<1000000x64xf32, #tpu.memory_space<hbm>> -> memref<1x64xf32, #tpu.memory_space<hbm>>
      %dma_start3A_1048 = arith.constant 0 : i32
      %dma_start3A_1049 = tpu.memref_slice %arg13[%add3A_1043, %dma_start3A_1048] : memref<32x64xf32, #tpu.memory_space<vmem>> -> memref<1x64xf32, #tpu.memory_space<vmem>>
      %dma_start3A_1050 = arith.constant 0 : i32
      %dma_start3A_1051 = tpu.memref_slice %arg6[%squeeze3A_1037, %dma_start3A_1050] : memref<1000000x64xf32, #tpu.memory_space<hbm>> -> memref<1x64xf32, #tpu.memory_space<hbm>>
      tpu.enqueue_dma source(%dma_start3A_1051 : memref<1x64xf32, #tpu.memory_space<hbm>>) target(%dma_start3A_1049 : memref<1x64xf32, #tpu.memory_space<vmem>>) target_semaphore(%arg18 : memref<!tpu.dma_semaphore, #tpu.memory_space<semaphore_mem>>)
      %slice3A_1052 = vector.extract_strided_slice %get3A_827 {offsets = [14], sizes = [1], strides = [1]} : vector<16xi32> to vector<1xi32>
      %squeeze3A_1053 = vector.extract %slice3A_1052[0] : i32 from vector<1xi32>
      %mul3A_1054 = arith.constant 16 : i32
      %mul3A_1055 = arith.muli %scan3A_821, %mul3A_1054 : i32
      %add3A_1056 = arith.constant 16 : i32
      %add3A_1057 = arith.addi %add3A_1056, %mul3A_1055 : i32
      %add3A_1058 = arith.constant 14 : i32
      %add3A_1059 = arith.addi %add3A_1057, %add3A_1058 : i32
      %dma_start3A_1060 = arith.constant 0 : i32
      %dma_start3A_1061 = tpu.memref_slice %arg13[%add3A_1059, %dma_start3A_1060] : memref<32x64xf32, #tpu.memory_space<vmem>> -> memref<1x64xf32, #tpu.memory_space<vmem>>
      %dma_start3A_1062 = arith.constant 0 : i32
      %dma_start3A_1063 = tpu.memref_slice %arg6[%squeeze3A_1053, %dma_start3A_1062] : memref<1000000x64xf32, #tpu.memory_space<hbm>> -> memref<1x64xf32, #tpu.memory_space<hbm>>
      %dma_start3A_1064 = arith.constant 0 : i32
      %dma_start3A_1065 = tpu.memref_slice %arg13[%add3A_1059, %dma_start3A_1064] : memref<32x64xf32, #tpu.memory_space<vmem>> -> memref<1x64xf32, #tpu.memory_space<vmem>>
      %dma_start3A_1066 = arith.constant 0 : i32
      %dma_start3A_1067 = tpu.memref_slice %arg6[%squeeze3A_1053, %dma_start3A_1066] : memref<1000000x64xf32, #tpu.memory_space<hbm>> -> memref<1x64xf32, #tpu.memory_space<hbm>>
      tpu.enqueue_dma source(%dma_start3A_1067 : memref<1x64xf32, #tpu.memory_space<hbm>>) target(%dma_start3A_1065 : memref<1x64xf32, #tpu.memory_space<vmem>>) target_semaphore(%arg18 : memref<!tpu.dma_semaphore, #tpu.memory_space<semaphore_mem>>)
      %slice3A_1068 = vector.extract_strided_slice %get3A_827 {offsets = [15], sizes = [1], strides = [1]} : vector<16xi32> to vector<1xi32>
      %squeeze3A_1069 = vector.extract %slice3A_1068[0] : i32 from vector<1xi32>
      %mul3A_1070 = arith.constant 16 : i32
      %mul3A_1071 = arith.muli %scan3A_821, %mul3A_1070 : i32
      %add3A_1072 = arith.constant 16 : i32
      %add3A_1073 = arith.addi %add3A_1072, %mul3A_1071 : i32
      %add3A_1074 = arith.constant 15 : i32
      %add3A_1075 = arith.addi %add3A_1073, %add3A_1074 : i32
      %dma_start3A_1076 = arith.constant 0 : i32
      %dma_start3A_1077 = tpu.memref_slice %arg13[%add3A_1075, %dma_start3A_1076] : memref<32x64xf32, #tpu.memory_space<vmem>> -> memref<1x64xf32, #tpu.memory_space<vmem>>
      %dma_start3A_1078 = arith.constant 0 : i32
      %dma_start3A_1079 = tpu.memref_slice %arg6[%squeeze3A_1069, %dma_start3A_1078] : memref<1000000x64xf32, #tpu.memory_space<hbm>> -> memref<1x64xf32, #tpu.memory_space<hbm>>
      %dma_start3A_1080 = arith.constant 0 : i32
      %dma_start3A_1081 = tpu.memref_slice %arg13[%add3A_1075, %dma_start3A_1080] : memref<32x64xf32, #tpu.memory_space<vmem>> -> memref<1x64xf32, #tpu.memory_space<vmem>>
      %dma_start3A_1082 = arith.constant 0 : i32
      %dma_start3A_1083 = tpu.memref_slice %arg6[%squeeze3A_1069, %dma_start3A_1082] : memref<1000000x64xf32, #tpu.memory_space<hbm>> -> memref<1x64xf32, #tpu.memory_space<hbm>>
      tpu.enqueue_dma source(%dma_start3A_1083 : memref<1x64xf32, #tpu.memory_space<hbm>>) target(%dma_start3A_1081 : memref<1x64xf32, #tpu.memory_space<vmem>>) target_semaphore(%arg18 : memref<!tpu.dma_semaphore, #tpu.memory_space<semaphore_mem>>)
      %scan3A_1084 = arith.constant 1 : i32
      %mul3A_1085 = arith.constant 20 : i32
      %mul3A_1086 = arith.muli %mul3A_554, %mul3A_1085 : i32
      %scan3A_1087 = arith.constant 0 : i32
      %scan3A_1088 = arith.constant 0 : i32
      %scan3A_1089 = arith.constant 20 : i32
      %scan3A_1090 = arith.addi %scan3A_1088, %scan3A_1089 : i32
      %scan3A_1091 = arith.constant 1 : i32
      scf.for %scan3A_1184 = %scan3A_1088 to %scan3A_1090 step %scan3A_1091  : i32 {
        %mul3A_1185 = arith.constant 16 : i32
        %mul3A_1186 = arith.muli %scan3A_1184, %mul3A_1185 : i32
        %add3A_1187 = arith.addi %mul3A_1086, %mul3A_1186 : i32
        %get3A_1188 = arith.index_cast %add3A_1187 : i32 to index
        %get3A_1189 = tpu.vector_load %arg11[%get3A_1188] {strides = array<i32>} : memref<10256xi32, #tpu.memory_space<vmem>>, vector<16xi32>,
        %get3A_1190 = vector.shape_cast %get3A_1189 : vector<16xi32> to vector<16xi32>
        %slice3A_1191 = vector.extract_strided_slice %get3A_1190 {offsets = [0], sizes = [1], strides = [1]} : vector<16xi32> to vector<1xi32>
        %squeeze3A_1192 = vector.extract %slice3A_1191[0] : i32 from vector<1xi32>
        %mul3A_1193 = arith.constant 16 : i32
        %mul3A_1194 = arith.muli %scan3A_1184, %mul3A_1193 : i32
        %add3A_1195 = arith.constant 320 : i32
        %add3A_1196 = arith.addi %add3A_1195, %mul3A_1194 : i32
        %add3A_1197 = arith.constant 0 : i32
        %add3A_1198 = arith.addi %add3A_1196, %add3A_1197 : i32
        %dma_start3A_1199 = arith.constant 0 : i32
        %dma_start3A_1200 = tpu.memref_slice %arg14[%add3A_1198, %dma_start3A_1199] : memref<640x64xf32, #tpu.memory_space<vmem>> -> memref<1x64xf32, #tpu.memory_space<vmem>>
        %dma_start3A_1201 = arith.constant 0 : i32
        %dma_start3A_1202 = tpu.memref_slice %arg6[%squeeze3A_1192, %dma_start3A_1201] : memref<1000000x64xf32, #tpu.memory_space<hbm>> -> memref<1x64xf32, #tpu.memory_space<hbm>>
        %dma_start3A_1203 = arith.constant 0 : i32
        %dma_start3A_1204 = tpu.memref_slice %arg14[%add3A_1198, %dma_start3A_1203] : memref<640x64xf32, #tpu.memory_space<vmem>> -> memref<1x64xf32, #tpu.memory_space<vmem>>
        %dma_start3A_1205 = arith.constant 0 : i32
        %dma_start3A_1206 = tpu.memref_slice %arg6[%squeeze3A_1192, %dma_start3A_1205] : memref<1000000x64xf32, #tpu.memory_space<hbm>> -> memref<1x64xf32, #tpu.memory_space<hbm>>
        tpu.enqueue_dma source(%dma_start3A_1206 : memref<1x64xf32, #tpu.memory_space<hbm>>) target(%dma_start3A_1204 : memref<1x64xf32, #tpu.memory_space<vmem>>) target_semaphore(%arg18 : memref<!tpu.dma_semaphore, #tpu.memory_space<semaphore_mem>>)
        %slice3A_1207 = vector.extract_strided_slice %get3A_1190 {offsets = [1], sizes = [1], strides = [1]} : vector<16xi32> to vector<1xi32>
        %squeeze3A_1208 = vector.extract %slice3A_1207[0] : i32 from vector<1xi32>
        %mul3A_1209 = arith.constant 16 : i32
        %mul3A_1210 = arith.muli %scan3A_1184, %mul3A_1209 : i32
        %add3A_1211 = arith.constant 320 : i32
        %add3A_1212 = arith.addi %add3A_1211, %mul3A_1210 : i32
        %add3A_1213 = arith.constant 1 : i32
        %add3A_1214 = arith.addi %add3A_1212, %add3A_1213 : i32
        %dma_start3A_1215 = arith.constant 0 : i32
        %dma_start3A_1216 = tpu.memref_slice %arg14[%add3A_1214, %dma_start3A_1215] : memref<640x64xf32, #tpu.memory_space<vmem>> -> memref<1x64xf32, #tpu.memory_space<vmem>>
        %dma_start3A_1217 = arith.constant 0 : i32
        %dma_start3A_1218 = tpu.memref_slice %arg6[%squeeze3A_1208, %dma_start3A_1217] : memref<1000000x64xf32, #tpu.memory_space<hbm>> -> memref<1x64xf32, #tpu.memory_space<hbm>>
        %dma_start3A_1219 = arith.constant 0 : i32
        %dma_start3A_1220 = tpu.memref_slice %arg14[%add3A_1214, %dma_start3A_1219] : memref<640x64xf32, #tpu.memory_space<vmem>> -> memref<1x64xf32, #tpu.memory_space<vmem>>
        %dma_start3A_1221 = arith.constant 0 : i32
        %dma_start3A_1222 = tpu.memref_slice %arg6[%squeeze3A_1208, %dma_start3A_1221] : memref<1000000x64xf32, #tpu.memory_space<hbm>> -> memref<1x64xf32, #tpu.memory_space<hbm>>
        tpu.enqueue_dma source(%dma_start3A_1222 : memref<1x64xf32, #tpu.memory_space<hbm>>) target(%dma_start3A_1220 : memref<1x64xf32, #tpu.memory_space<vmem>>) target_semaphore(%arg18 : memref<!tpu.dma_semaphore, #tpu.memory_space<semaphore_mem>>)
        %slice3A_1223 = vector.extract_strided_slice %get3A_1190 {offsets = [2], sizes = [1], strides = [1]} : vector<16xi32> to vector<1xi32>
        %squeeze3A_1224 = vector.extract %slice3A_1223[0] : i32 from vector<1xi32>
        %mul3A_1225 = arith.constant 16 : i32
        %mul3A_1226 = arith.muli %scan3A_1184, %mul3A_1225 : i32
        %add3A_1227 = arith.constant 320 : i32
        %add3A_1228 = arith.addi %add3A_1227, %mul3A_1226 : i32
        %add3A_1229 = arith.constant 2 : i32
        %add3A_1230 = arith.addi %add3A_1228, %add3A_1229 : i32
        %dma_start3A_1231 = arith.constant 0 : i32
        %dma_start3A_1232 = tpu.memref_slice %arg14[%add3A_1230, %dma_start3A_1231] : memref<640x64xf32, #tpu.memory_space<vmem>> -> memref<1x64xf32, #tpu.memory_space<vmem>>
        %dma_start3A_1233 = arith.constant 0 : i32
        %dma_start3A_1234 = tpu.memref_slice %arg6[%squeeze3A_1224, %dma_start3A_1233] : memref<1000000x64xf32, #tpu.memory_space<hbm>> -> memref<1x64xf32, #tpu.memory_space<hbm>>
        %dma_start3A_1235 = arith.constant 0 : i32
        %dma_start3A_1236 = tpu.memref_slice %arg14[%add3A_1230, %dma_start3A_1235] : memref<640x64xf32, #tpu.memory_space<vmem>> -> memref<1x64xf32, #tpu.memory_space<vmem>>
        %dma_start3A_1237 = arith.constant 0 : i32
        %dma_start3A_1238 = tpu.memref_slice %arg6[%squeeze3A_1224, %dma_start3A_1237] : memref<1000000x64xf32, #tpu.memory_space<hbm>> -> memref<1x64xf32, #tpu.memory_space<hbm>>
        tpu.enqueue_dma source(%dma_start3A_1238 : memref<1x64xf32, #tpu.memory_space<hbm>>) target(%dma_start3A_1236 : memref<1x64xf32, #tpu.memory_space<vmem>>) target_semaphore(%arg18 : memref<!tpu.dma_semaphore, #tpu.memory_space<semaphore_mem>>)
        %slice3A_1239 = vector.extract_strided_slice %get3A_1190 {offsets = [3], sizes = [1], strides = [1]} : vector<16xi32> to vector<1xi32>
        %squeeze3A_1240 = vector.extract %slice3A_1239[0] : i32 from vector<1xi32>
        %mul3A_1241 = arith.constant 16 : i32
        %mul3A_1242 = arith.muli %scan3A_1184, %mul3A_1241 : i32
        %add3A_1243 = arith.constant 320 : i32
        %add3A_1244 = arith.addi %add3A_1243, %mul3A_1242 : i32
        %add3A_1245 = arith.constant 3 : i32
        %add3A_1246 = arith.addi %add3A_1244, %add3A_1245 : i32
        %dma_start3A_1247 = arith.constant 0 : i32
        %dma_start3A_1248 = tpu.memref_slice %arg14[%add3A_1246, %dma_start3A_1247] : memref<640x64xf32, #tpu.memory_space<vmem>> -> memref<1x64xf32, #tpu.memory_space<vmem>>
        %dma_start3A_1249 = arith.constant 0 : i32
        %dma_start3A_1250 = tpu.memref_slice %arg6[%squeeze3A_1240, %dma_start3A_1249] : memref<1000000x64xf32, #tpu.memory_space<hbm>> -> memref<1x64xf32, #tpu.memory_space<hbm>>
        %dma_start3A_1251 = arith.constant 0 : i32
        %dma_start3A_1252 = tpu.memref_slice %arg14[%add3A_1246, %dma_start3A_1251] : memref<640x64xf32, #tpu.memory_space<vmem>> -> memref<1x64xf32, #tpu.memory_space<vmem>>
        %dma_start3A_1253 = arith.constant 0 : i32
        %dma_start3A_1254 = tpu.memref_slice %arg6[%squeeze3A_1240, %dma_start3A_1253] : memref<1000000x64xf32, #tpu.memory_space<hbm>> -> memref<1x64xf32, #tpu.memory_space<hbm>>
        tpu.enqueue_dma source(%dma_start3A_1254 : memref<1x64xf32, #tpu.memory_space<hbm>>) target(%dma_start3A_1252 : memref<1x64xf32, #tpu.memory_space<vmem>>) target_semaphore(%arg18 : memref<!tpu.dma_semaphore, #tpu.memory_space<semaphore_mem>>)
        %slice3A_1255 = vector.extract_strided_slice %get3A_1190 {offsets = [4], sizes = [1], strides = [1]} : vector<16xi32> to vector<1xi32>
        %squeeze3A_1256 = vector.extract %slice3A_1255[0] : i32 from vector<1xi32>
        %mul3A_1257 = arith.constant 16 : i32
        %mul3A_1258 = arith.muli %scan3A_1184, %mul3A_1257 : i32
        %add3A_1259 = arith.constant 320 : i32
        %add3A_1260 = arith.addi %add3A_1259, %mul3A_1258 : i32
        %add3A_1261 = arith.constant 4 : i32
        %add3A_1262 = arith.addi %add3A_1260, %add3A_1261 : i32
        %dma_start3A_1263 = arith.constant 0 : i32
        %dma_start3A_1264 = tpu.memref_slice %arg14[%add3A_1262, %dma_start3A_1263] : memref<640x64xf32, #tpu.memory_space<vmem>> -> memref<1x64xf32, #tpu.memory_space<vmem>>
        %dma_start3A_1265 = arith.constant 0 : i32
        %dma_start3A_1266 = tpu.memref_slice %arg6[%squeeze3A_1256, %dma_start3A_1265] : memref<1000000x64xf32, #tpu.memory_space<hbm>> -> memref<1x64xf32, #tpu.memory_space<hbm>>
        %dma_start3A_1267 = arith.constant 0 : i32
        %dma_start3A_1268 = tpu.memref_slice %arg14[%add3A_1262, %dma_start3A_1267] : memref<640x64xf32, #tpu.memory_space<vmem>> -> memref<1x64xf32, #tpu.memory_space<vmem>>
        %dma_start3A_1269 = arith.constant 0 : i32
        %dma_start3A_1270 = tpu.memref_slice %arg6[%squeeze3A_1256, %dma_start3A_1269] : memref<1000000x64xf32, #tpu.memory_space<hbm>> -> memref<1x64xf32, #tpu.memory_space<hbm>>
        tpu.enqueue_dma source(%dma_start3A_1270 : memref<1x64xf32, #tpu.memory_space<hbm>>) target(%dma_start3A_1268 : memref<1x64xf32, #tpu.memory_space<vmem>>) target_semaphore(%arg18 : memref<!tpu.dma_semaphore, #tpu.memory_space<semaphore_mem>>)
        %slice3A_1271 = vector.extract_strided_slice %get3A_1190 {offsets = [5], sizes = [1], strides = [1]} : vector<16xi32> to vector<1xi32>
        %squeeze3A_1272 = vector.extract %slice3A_1271[0] : i32 from vector<1xi32>
        %mul3A_1273 = arith.constant 16 : i32
        %mul3A_1274 = arith.muli %scan3A_1184, %mul3A_1273 : i32
        %add3A_1275 = arith.constant 320 : i32
        %add3A_1276 = arith.addi %add3A_1275, %mul3A_1274 : i32
        %add3A_1277 = arith.constant 5 : i32
        %add3A_1278 = arith.addi %add3A_1276, %add3A_1277 : i32
        %dma_start3A_1279 = arith.constant 0 : i32
        %dma_start3A_1280 = tpu.memref_slice %arg14[%add3A_1278, %dma_start3A_1279] : memref<640x64xf32, #tpu.memory_space<vmem>> -> memref<1x64xf32, #tpu.memory_space<vmem>>
        %dma_start3A_1281 = arith.constant 0 : i32
        %dma_start3A_1282 = tpu.memref_slice %arg6[%squeeze3A_1272, %dma_start3A_1281] : memref<1000000x64xf32, #tpu.memory_space<hbm>> -> memref<1x64xf32, #tpu.memory_space<hbm>>
        %dma_start3A_1283 = arith.constant 0 : i32
        %dma_start3A_1284 = tpu.memref_slice %arg14[%add3A_1278, %dma_start3A_1283] : memref<640x64xf32, #tpu.memory_space<vmem>> -> memref<1x64xf32, #tpu.memory_space<vmem>>
        %dma_start3A_1285 = arith.constant 0 : i32
        %dma_start3A_1286 = tpu.memref_slice %arg6[%squeeze3A_1272, %dma_start3A_1285] : memref<1000000x64xf32, #tpu.memory_space<hbm>> -> memref<1x64xf32, #tpu.memory_space<hbm>>
        tpu.enqueue_dma source(%dma_start3A_1286 : memref<1x64xf32, #tpu.memory_space<hbm>>) target(%dma_start3A_1284 : memref<1x64xf32, #tpu.memory_space<vmem>>) target_semaphore(%arg18 : memref<!tpu.dma_semaphore, #tpu.memory_space<semaphore_mem>>)
        %slice3A_1287 = vector.extract_strided_slice %get3A_1190 {offsets = [6], sizes = [1], strides = [1]} : vector<16xi32> to vector<1xi32>
        %squeeze3A_1288 = vector.extract %slice3A_1287[0] : i32 from vector<1xi32>
        %mul3A_1289 = arith.constant 16 : i32
        %mul3A_1290 = arith.muli %scan3A_1184, %mul3A_1289 : i32
        %add3A_1291 = arith.constant 320 : i32
        %add3A_1292 = arith.addi %add3A_1291, %mul3A_1290 : i32
        %add3A_1293 = arith.constant 6 : i32
        %add3A_1294 = arith.addi %add3A_1292, %add3A_1293 : i32
        %dma_start3A_1295 = arith.constant 0 : i32
        %dma_start3A_1296 = tpu.memref_slice %arg14[%add3A_1294, %dma_start3A_1295] : memref<640x64xf32, #tpu.memory_space<vmem>> -> memref<1x64xf32, #tpu.memory_space<vmem>>
        %dma_start3A_1297 = arith.constant 0 : i32
        %dma_start3A_1298 = tpu.memref_slice %arg6[%squeeze3A_1288, %dma_start3A_1297] : memref<1000000x64xf32, #tpu.memory_space<hbm>> -> memref<1x64xf32, #tpu.memory_space<hbm>>
        %dma_start3A_1299 = arith.constant 0 : i32
        %dma_start3A_1300 = tpu.memref_slice %arg14[%add3A_1294, %dma_start3A_1299] : memref<640x64xf32, #tpu.memory_space<vmem>> -> memref<1x64xf32, #tpu.memory_space<vmem>>
        %dma_start3A_1301 = arith.constant 0 : i32
        %dma_start3A_1302 = tpu.memref_slice %arg6[%squeeze3A_1288, %dma_start3A_1301] : memref<1000000x64xf32, #tpu.memory_space<hbm>> -> memref<1x64xf32, #tpu.memory_space<hbm>>
        tpu.enqueue_dma source(%dma_start3A_1302 : memref<1x64xf32, #tpu.memory_space<hbm>>) target(%dma_start3A_1300 : memref<1x64xf32, #tpu.memory_space<vmem>>) target_semaphore(%arg18 : memref<!tpu.dma_semaphore, #tpu.memory_space<semaphore_mem>>)
        %slice3A_1303 = vector.extract_strided_slice %get3A_1190 {offsets = [7], sizes = [1], strides = [1]} : vector<16xi32> to vector<1xi32>
        %squeeze3A_1304 = vector.extract %slice3A_1303[0] : i32 from vector<1xi32>
        %mul3A_1305 = arith.constant 16 : i32
        %mul3A_1306 = arith.muli %scan3A_1184, %mul3A_1305 : i32
        %add3A_1307 = arith.constant 320 : i32
        %add3A_1308 = arith.addi %add3A_1307, %mul3A_1306 : i32
        %add3A_1309 = arith.constant 7 : i32
        %add3A_1310 = arith.addi %add3A_1308, %add3A_1309 : i32
        %dma_start3A_1311 = arith.constant 0 : i32
        %dma_start3A_1312 = tpu.memref_slice %arg14[%add3A_1310, %dma_start3A_1311] : memref<640x64xf32, #tpu.memory_space<vmem>> -> memref<1x64xf32, #tpu.memory_space<vmem>>
        %dma_start3A_1313 = arith.constant 0 : i32
        %dma_start3A_1314 = tpu.memref_slice %arg6[%squeeze3A_1304, %dma_start3A_1313] : memref<1000000x64xf32, #tpu.memory_space<hbm>> -> memref<1x64xf32, #tpu.memory_space<hbm>>
        %dma_start3A_1315 = arith.constant 0 : i32
        %dma_start3A_1316 = tpu.memref_slice %arg14[%add3A_1310, %dma_start3A_1315] : memref<640x64xf32, #tpu.memory_space<vmem>> -> memref<1x64xf32, #tpu.memory_space<vmem>>
        %dma_start3A_1317 = arith.constant 0 : i32
        %dma_start3A_1318 = tpu.memref_slice %arg6[%squeeze3A_1304, %dma_start3A_1317] : memref<1000000x64xf32, #tpu.memory_space<hbm>> -> memref<1x64xf32, #tpu.memory_space<hbm>>
        tpu.enqueue_dma source(%dma_start3A_1318 : memref<1x64xf32, #tpu.memory_space<hbm>>) target(%dma_start3A_1316 : memref<1x64xf32, #tpu.memory_space<vmem>>) target_semaphore(%arg18 : memref<!tpu.dma_semaphore, #tpu.memory_space<semaphore_mem>>)
        %slice3A_1319 = vector.extract_strided_slice %get3A_1190 {offsets = [8], sizes = [1], strides = [1]} : vector<16xi32> to vector<1xi32>
        %squeeze3A_1320 = vector.extract %slice3A_1319[0] : i32 from vector<1xi32>
        %mul3A_1321 = arith.constant 16 : i32
        %mul3A_1322 = arith.muli %scan3A_1184, %mul3A_1321 : i32
        %add3A_1323 = arith.constant 320 : i32
        %add3A_1324 = arith.addi %add3A_1323, %mul3A_1322 : i32
        %add3A_1325 = arith.constant 8 : i32
        %add3A_1326 = arith.addi %add3A_1324, %add3A_1325 : i32
        %dma_start3A_1327 = arith.constant 0 : i32
        %dma_start3A_1328 = tpu.memref_slice %arg14[%add3A_1326, %dma_start3A_1327] : memref<640x64xf32, #tpu.memory_space<vmem>> -> memref<1x64xf32, #tpu.memory_space<vmem>>
        %dma_start3A_1329 = arith.constant 0 : i32
        %dma_start3A_1330 = tpu.memref_slice %arg6[%squeeze3A_1320, %dma_start3A_1329] : memref<1000000x64xf32, #tpu.memory_space<hbm>> -> memref<1x64xf32, #tpu.memory_space<hbm>>
        %dma_start3A_1331 = arith.constant 0 : i32
        %dma_start3A_1332 = tpu.memref_slice %arg14[%add3A_1326, %dma_start3A_1331] : memref<640x64xf32, #tpu.memory_space<vmem>> -> memref<1x64xf32, #tpu.memory_space<vmem>>
        %dma_start3A_1333 = arith.constant 0 : i32
        %dma_start3A_1334 = tpu.memref_slice %arg6[%squeeze3A_1320, %dma_start3A_1333] : memref<1000000x64xf32, #tpu.memory_space<hbm>> -> memref<1x64xf32, #tpu.memory_space<hbm>>
        tpu.enqueue_dma source(%dma_start3A_1334 : memref<1x64xf32, #tpu.memory_space<hbm>>) target(%dma_start3A_1332 : memref<1x64xf32, #tpu.memory_space<vmem>>) target_semaphore(%arg18 : memref<!tpu.dma_semaphore, #tpu.memory_space<semaphore_mem>>)
        %slice3A_1335 = vector.extract_strided_slice %get3A_1190 {offsets = [9], sizes = [1], strides = [1]} : vector<16xi32> to vector<1xi32>
        %squeeze3A_1336 = vector.extract %slice3A_1335[0] : i32 from vector<1xi32>
        %mul3A_1337 = arith.constant 16 : i32
        %mul3A_1338 = arith.muli %scan3A_1184, %mul3A_1337 : i32
        %add3A_1339 = arith.constant 320 : i32
        %add3A_1340 = arith.addi %add3A_1339, %mul3A_1338 : i32
        %add3A_1341 = arith.constant 9 : i32
        %add3A_1342 = arith.addi %add3A_1340, %add3A_1341 : i32
        %dma_start3A_1343 = arith.constant 0 : i32
        %dma_start3A_1344 = tpu.memref_slice %arg14[%add3A_1342, %dma_start3A_1343] : memref<640x64xf32, #tpu.memory_space<vmem>> -> memref<1x64xf32, #tpu.memory_space<vmem>>
        %dma_start3A_1345 = arith.constant 0 : i32
        %dma_start3A_1346 = tpu.memref_slice %arg6[%squeeze3A_1336, %dma_start3A_1345] : memref<1000000x64xf32, #tpu.memory_space<hbm>> -> memref<1x64xf32, #tpu.memory_space<hbm>>
        %dma_start3A_1347 = arith.constant 0 : i32
        %dma_start3A_1348 = tpu.memref_slice %arg14[%add3A_1342, %dma_start3A_1347] : memref<640x64xf32, #tpu.memory_space<vmem>> -> memref<1x64xf32, #tpu.memory_space<vmem>>
        %dma_start3A_1349 = arith.constant 0 : i32
        %dma_start3A_1350 = tpu.memref_slice %arg6[%squeeze3A_1336, %dma_start3A_1349] : memref<1000000x64xf32, #tpu.memory_space<hbm>> -> memref<1x64xf32, #tpu.memory_space<hbm>>
        tpu.enqueue_dma source(%dma_start3A_1350 : memref<1x64xf32, #tpu.memory_space<hbm>>) target(%dma_start3A_1348 : memref<1x64xf32, #tpu.memory_space<vmem>>) target_semaphore(%arg18 : memref<!tpu.dma_semaphore, #tpu.memory_space<semaphore_mem>>)
        %slice3A_1351 = vector.extract_strided_slice %get3A_1190 {offsets = [10], sizes = [1], strides = [1]} : vector<16xi32> to vector<1xi32>
        %squeeze3A_1352 = vector.extract %slice3A_1351[0] : i32 from vector<1xi32>
        %mul3A_1353 = arith.constant 16 : i32
        %mul3A_1354 = arith.muli %scan3A_1184, %mul3A_1353 : i32
        %add3A_1355 = arith.constant 320 : i32
        %add3A_1356 = arith.addi %add3A_1355, %mul3A_1354 : i32
        %add3A_1357 = arith.constant 10 : i32
        %add3A_1358 = arith.addi %add3A_1356, %add3A_1357 : i32
        %dma_start3A_1359 = arith.constant 0 : i32
        %dma_start3A_1360 = tpu.memref_slice %arg14[%add3A_1358, %dma_start3A_1359] : memref<640x64xf32, #tpu.memory_space<vmem>> -> memref<1x64xf32, #tpu.memory_space<vmem>>
        %dma_start3A_1361 = arith.constant 0 : i32
        %dma_start3A_1362 = tpu.memref_slice %arg6[%squeeze3A_1352, %dma_start3A_1361] : memref<1000000x64xf32, #tpu.memory_space<hbm>> -> memref<1x64xf32, #tpu.memory_space<hbm>>
        %dma_start3A_1363 = arith.constant 0 : i32
        %dma_start3A_1364 = tpu.memref_slice %arg14[%add3A_1358, %dma_start3A_1363] : memref<640x64xf32, #tpu.memory_space<vmem>> -> memref<1x64xf32, #tpu.memory_space<vmem>>
        %dma_start3A_1365 = arith.constant 0 : i32
        %dma_start3A_1366 = tpu.memref_slice %arg6[%squeeze3A_1352, %dma_start3A_1365] : memref<1000000x64xf32, #tpu.memory_space<hbm>> -> memref<1x64xf32, #tpu.memory_space<hbm>>
        tpu.enqueue_dma source(%dma_start3A_1366 : memref<1x64xf32, #tpu.memory_space<hbm>>) target(%dma_start3A_1364 : memref<1x64xf32, #tpu.memory_space<vmem>>) target_semaphore(%arg18 : memref<!tpu.dma_semaphore, #tpu.memory_space<semaphore_mem>>)
        %slice3A_1367 = vector.extract_strided_slice %get3A_1190 {offsets = [11], sizes = [1], strides = [1]} : vector<16xi32> to vector<1xi32>
        %squeeze3A_1368 = vector.extract %slice3A_1367[0] : i32 from vector<1xi32>
        %mul3A_1369 = arith.constant 16 : i32
        %mul3A_1370 = arith.muli %scan3A_1184, %mul3A_1369 : i32
        %add3A_1371 = arith.constant 320 : i32
        %add3A_1372 = arith.addi %add3A_1371, %mul3A_1370 : i32
        %add3A_1373 = arith.constant 11 : i32
        %add3A_1374 = arith.addi %add3A_1372, %add3A_1373 : i32
        %dma_start3A_1375 = arith.constant 0 : i32
        %dma_start3A_1376 = tpu.memref_slice %arg14[%add3A_1374, %dma_start3A_1375] : memref<640x64xf32, #tpu.memory_space<vmem>> -> memref<1x64xf32, #tpu.memory_space<vmem>>
        %dma_start3A_1377 = arith.constant 0 : i32
        %dma_start3A_1378 = tpu.memref_slice %arg6[%squeeze3A_1368, %dma_start3A_1377] : memref<1000000x64xf32, #tpu.memory_space<hbm>> -> memref<1x64xf32, #tpu.memory_space<hbm>>
        %dma_start3A_1379 = arith.constant 0 : i32
        %dma_start3A_1380 = tpu.memref_slice %arg14[%add3A_1374, %dma_start3A_1379] : memref<640x64xf32, #tpu.memory_space<vmem>> -> memref<1x64xf32, #tpu.memory_space<vmem>>
        %dma_start3A_1381 = arith.constant 0 : i32
        %dma_start3A_1382 = tpu.memref_slice %arg6[%squeeze3A_1368, %dma_start3A_1381] : memref<1000000x64xf32, #tpu.memory_space<hbm>> -> memref<1x64xf32, #tpu.memory_space<hbm>>
        tpu.enqueue_dma source(%dma_start3A_1382 : memref<1x64xf32, #tpu.memory_space<hbm>>) target(%dma_start3A_1380 : memref<1x64xf32, #tpu.memory_space<vmem>>) target_semaphore(%arg18 : memref<!tpu.dma_semaphore, #tpu.memory_space<semaphore_mem>>)
        %slice3A_1383 = vector.extract_strided_slice %get3A_1190 {offsets = [12], sizes = [1], strides = [1]} : vector<16xi32> to vector<1xi32>
        %squeeze3A_1384 = vector.extract %slice3A_1383[0] : i32 from vector<1xi32>
        %mul3A_1385 = arith.constant 16 : i32
        %mul3A_1386 = arith.muli %scan3A_1184, %mul3A_1385 : i32
        %add3A_1387 = arith.constant 320 : i32
        %add3A_1388 = arith.addi %add3A_1387, %mul3A_1386 : i32
        %add3A_1389 = arith.constant 12 : i32
        %add3A_1390 = arith.addi %add3A_1388, %add3A_1389 : i32
        %dma_start3A_1391 = arith.constant 0 : i32
        %dma_start3A_1392 = tpu.memref_slice %arg14[%add3A_1390, %dma_start3A_1391] : memref<640x64xf32, #tpu.memory_space<vmem>> -> memref<1x64xf32, #tpu.memory_space<vmem>>
        %dma_start3A_1393 = arith.constant 0 : i32
        %dma_start3A_1394 = tpu.memref_slice %arg6[%squeeze3A_1384, %dma_start3A_1393] : memref<1000000x64xf32, #tpu.memory_space<hbm>> -> memref<1x64xf32, #tpu.memory_space<hbm>>
        %dma_start3A_1395 = arith.constant 0 : i32
        %dma_start3A_1396 = tpu.memref_slice %arg14[%add3A_1390, %dma_start3A_1395] : memref<640x64xf32, #tpu.memory_space<vmem>> -> memref<1x64xf32, #tpu.memory_space<vmem>>
        %dma_start3A_1397 = arith.constant 0 : i32
        %dma_start3A_1398 = tpu.memref_slice %arg6[%squeeze3A_1384, %dma_start3A_1397] : memref<1000000x64xf32, #tpu.memory_space<hbm>> -> memref<1x64xf32, #tpu.memory_space<hbm>>
        tpu.enqueue_dma source(%dma_start3A_1398 : memref<1x64xf32, #tpu.memory_space<hbm>>) target(%dma_start3A_1396 : memref<1x64xf32, #tpu.memory_space<vmem>>) target_semaphore(%arg18 : memref<!tpu.dma_semaphore, #tpu.memory_space<semaphore_mem>>)
        %slice3A_1399 = vector.extract_strided_slice %get3A_1190 {offsets = [13], sizes = [1], strides = [1]} : vector<16xi32> to vector<1xi32>
        %squeeze3A_1400 = vector.extract %slice3A_1399[0] : i32 from vector<1xi32>
        %mul3A_1401 = arith.constant 16 : i32
        %mul3A_1402 = arith.muli %scan3A_1184, %mul3A_1401 : i32
        %add3A_1403 = arith.constant 320 : i32
        %add3A_1404 = arith.addi %add3A_1403, %mul3A_1402 : i32
        %add3A_1405 = arith.constant 13 : i32
        %add3A_1406 = arith.addi %add3A_1404, %add3A_1405 : i32
        %dma_start3A_1407 = arith.constant 0 : i32
        %dma_start3A_1408 = tpu.memref_slice %arg14[%add3A_1406, %dma_start3A_1407] : memref<640x64xf32, #tpu.memory_space<vmem>> -> memref<1x64xf32, #tpu.memory_space<vmem>>
        %dma_start3A_1409 = arith.constant 0 : i32
        %dma_start3A_1410 = tpu.memref_slice %arg6[%squeeze3A_1400, %dma_start3A_1409] : memref<1000000x64xf32, #tpu.memory_space<hbm>> -> memref<1x64xf32, #tpu.memory_space<hbm>>
        %dma_start3A_1411 = arith.constant 0 : i32
        %dma_start3A_1412 = tpu.memref_slice %arg14[%add3A_1406, %dma_start3A_1411] : memref<640x64xf32, #tpu.memory_space<vmem>> -> memref<1x64xf32, #tpu.memory_space<vmem>>
        %dma_start3A_1413 = arith.constant 0 : i32
        %dma_start3A_1414 = tpu.memref_slice %arg6[%squeeze3A_1400, %dma_start3A_1413] : memref<1000000x64xf32, #tpu.memory_space<hbm>> -> memref<1x64xf32, #tpu.memory_space<hbm>>
        tpu.enqueue_dma source(%dma_start3A_1414 : memref<1x64xf32, #tpu.memory_space<hbm>>) target(%dma_start3A_1412 : memref<1x64xf32, #tpu.memory_space<vmem>>) target_semaphore(%arg18 : memref<!tpu.dma_semaphore, #tpu.memory_space<semaphore_mem>>)
        %slice3A_1415 = vector.extract_strided_slice %get3A_1190 {offsets = [14], sizes = [1], strides = [1]} : vector<16xi32> to vector<1xi32>
        %squeeze3A_1416 = vector.extract %slice3A_1415[0] : i32 from vector<1xi32>
        %mul3A_1417 = arith.constant 16 : i32
        %mul3A_1418 = arith.muli %scan3A_1184, %mul3A_1417 : i32
        %add3A_1419 = arith.constant 320 : i32
        %add3A_1420 = arith.addi %add3A_1419, %mul3A_1418 : i32
        %add3A_1421 = arith.constant 14 : i32
        %add3A_1422 = arith.addi %add3A_1420, %add3A_1421 : i32
        %dma_start3A_1423 = arith.constant 0 : i32
        %dma_start3A_1424 = tpu.memref_slice %arg14[%add3A_1422, %dma_start3A_1423] : memref<640x64xf32, #tpu.memory_space<vmem>> -> memref<1x64xf32, #tpu.memory_space<vmem>>
        %dma_start3A_1425 = arith.constant 0 : i32
        %dma_start3A_1426 = tpu.memref_slice %arg6[%squeeze3A_1416, %dma_start3A_1425] : memref<1000000x64xf32, #tpu.memory_space<hbm>> -> memref<1x64xf32, #tpu.memory_space<hbm>>
        %dma_start3A_1427 = arith.constant 0 : i32
        %dma_start3A_1428 = tpu.memref_slice %arg14[%add3A_1422, %dma_start3A_1427] : memref<640x64xf32, #tpu.memory_space<vmem>> -> memref<1x64xf32, #tpu.memory_space<vmem>>
        %dma_start3A_1429 = arith.constant 0 : i32
        %dma_start3A_1430 = tpu.memref_slice %arg6[%squeeze3A_1416, %dma_start3A_1429] : memref<1000000x64xf32, #tpu.memory_space<hbm>> -> memref<1x64xf32, #tpu.memory_space<hbm>>
        tpu.enqueue_dma source(%dma_start3A_1430 : memref<1x64xf32, #tpu.memory_space<hbm>>) target(%dma_start3A_1428 : memref<1x64xf32, #tpu.memory_space<vmem>>) target_semaphore(%arg18 : memref<!tpu.dma_semaphore, #tpu.memory_space<semaphore_mem>>)
        %slice3A_1431 = vector.extract_strided_slice %get3A_1190 {offsets = [15], sizes = [1], strides = [1]} : vector<16xi32> to vector<1xi32>
        %squeeze3A_1432 = vector.extract %slice3A_1431[0] : i32 from vector<1xi32>
        %mul3A_1433 = arith.constant 16 : i32
        %mul3A_1434 = arith.muli %scan3A_1184, %mul3A_1433 : i32
        %add3A_1435 = arith.constant 320 : i32
        %add3A_1436 = arith.addi %add3A_1435, %mul3A_1434 : i32
        %add3A_1437 = arith.constant 15 : i32
        %add3A_1438 = arith.addi %add3A_1436, %add3A_1437 : i32
        %dma_start3A_1439 = arith.constant 0 : i32
        %dma_start3A_1440 = tpu.memref_slice %arg14[%add3A_1438, %dma_start3A_1439] : memref<640x64xf32, #tpu.memory_space<vmem>> -> memref<1x64xf32, #tpu.memory_space<vmem>>
        %dma_start3A_1441 = arith.constant 0 : i32
        %dma_start3A_1442 = tpu.memref_slice %arg6[%squeeze3A_1432, %dma_start3A_1441] : memref<1000000x64xf32, #tpu.memory_space<hbm>> -> memref<1x64xf32, #tpu.memory_space<hbm>>
        %dma_start3A_1443 = arith.constant 0 : i32
        %dma_start3A_1444 = tpu.memref_slice %arg14[%add3A_1438, %dma_start3A_1443] : memref<640x64xf32, #tpu.memory_space<vmem>> -> memref<1x64xf32, #tpu.memory_space<vmem>>
        %dma_start3A_1445 = arith.constant 0 : i32
        %dma_start3A_1446 = tpu.memref_slice %arg6[%squeeze3A_1432, %dma_start3A_1445] : memref<1000000x64xf32, #tpu.memory_space<hbm>> -> memref<1x64xf32, #tpu.memory_space<hbm>>
        tpu.enqueue_dma source(%dma_start3A_1446 : memref<1x64xf32, #tpu.memory_space<hbm>>) target(%dma_start3A_1444 : memref<1x64xf32, #tpu.memory_space<vmem>>) target_semaphore(%arg18 : memref<!tpu.dma_semaphore, #tpu.memory_space<semaphore_mem>>)
      }
      %scan3A_1092 = arith.constant 20 : i32
      %dma_wait3A = arith.constant 0 : i32
      %dma_wait3A_1093 = arith.constant 0 : i32
      %dma_wait3A_1094 = tpu.memref_slice %arg12[%dma_wait3A, %dma_wait3A_1093] : memref<32x64xf32, #tpu.memory_space<vmem>> -> memref<16x64xf32, #tpu.memory_space<vmem>>
      %dma_wait3A_1095 = arith.constant 0 : i32
      %dma_wait3A_1096 = arith.constant 0 : i32
      %dma_wait3A_1097 = tpu.memref_slice %arg5[%dma_wait3A_1095, %dma_wait3A_1096] : memref<1000000x64xf32, #tpu.memory_space<hbm>> -> memref<16x64xf32, #tpu.memory_space<hbm>>
      %dma_wait3A_1098 = arith.constant 0 : i32
      %dma_wait3A_1099 = arith.constant 0 : i32
      %dma_wait3A_1100 = tpu.memref_slice %arg12[%dma_wait3A_1098, %dma_wait3A_1099] : memref<32x64xf32, #tpu.memory_space<vmem>> -> memref<16x64xf32, #tpu.memory_space<vmem>>
      %dma_wait3A_1101 = arith.constant 0 : i32
      %dma_wait3A_1102 = arith.constant 0 : i32
      %dma_wait3A_1103 = tpu.memref_slice %arg5[%dma_wait3A_1101, %dma_wait3A_1102] : memref<1000000x64xf32, #tpu.memory_space<hbm>> -> memref<16x64xf32, #tpu.memory_space<hbm>>
      tpu.wait_dma2 semaphore(%arg17 : memref<!tpu.dma_semaphore, #tpu.memory_space<semaphore_mem>>) src(%dma_wait3A_1103 : memref<16x64xf32, #tpu.memory_space<hbm>>) dst(%dma_wait3A_1100 : memref<16x64xf32, #tpu.memory_space<vmem>>)
      %dma_wait3A_1104 = arith.constant 0 : i32
      %dma_wait3A_1105 = arith.constant 0 : i32
      %dma_wait3A_1106 = tpu.memref_slice %arg13[%dma_wait3A_1104, %dma_wait3A_1105] : memref<32x64xf32, #tpu.memory_space<vmem>> -> memref<16x64xf32, #tpu.memory_space<vmem>>
      %dma_wait3A_1107 = arith.constant 0 : i32
      %dma_wait3A_1108 = arith.constant 0 : i32
      %dma_wait3A_1109 = tpu.memref_slice %arg6[%dma_wait3A_1107, %dma_wait3A_1108] : memref<1000000x64xf32, #tpu.memory_space<hbm>> -> memref<16x64xf32, #tpu.memory_space<hbm>>
      %dma_wait3A_1110 = arith.constant 0 : i32
      %dma_wait3A_1111 = arith.constant 0 : i32
      %dma_wait3A_1112 = tpu.memref_slice %arg13[%dma_wait3A_1110, %dma_wait3A_1111] : memref<32x64xf32, #tpu.memory_space<vmem>> -> memref<16x64xf32, #tpu.memory_space<vmem>>
      %dma_wait3A_1113 = arith.constant 0 : i32
      %dma_wait3A_1114 = arith.constant 0 : i32
      %dma_wait3A_1115 = tpu.memref_slice %arg6[%dma_wait3A_1113, %dma_wait3A_1114] : memref<1000000x64xf32, #tpu.memory_space<hbm>> -> memref<16x64xf32, #tpu.memory_space<hbm>>
      tpu.wait_dma2 semaphore(%arg17 : memref<!tpu.dma_semaphore, #tpu.memory_space<semaphore_mem>>) src(%dma_wait3A_1115 : memref<16x64xf32, #tpu.memory_space<hbm>>) dst(%dma_wait3A_1112 : memref<16x64xf32, #tpu.memory_space<vmem>>)
      %dma_wait3A_1116 = arith.constant 0 : i32
      %dma_wait3A_1117 = arith.constant 0 : i32
      %dma_wait3A_1118 = tpu.memref_slice %arg14[%dma_wait3A_1116, %dma_wait3A_1117] : memref<640x64xf32, #tpu.memory_space<vmem>> -> memref<320x64xf32, #tpu.memory_space<vmem>>
      %dma_wait3A_1119 = arith.constant 0 : i32
      %dma_wait3A_1120 = arith.constant 0 : i32
      %dma_wait3A_1121 = tpu.memref_slice %arg6[%dma_wait3A_1119, %dma_wait3A_1120] : memref<1000000x64xf32, #tpu.memory_space<hbm>> -> memref<320x64xf32, #tpu.memory_space<hbm>>
      %dma_wait3A_1122 = arith.constant 0 : i32
      %dma_wait3A_1123 = arith.constant 0 : i32
      %dma_wait3A_1124 = tpu.memref_slice %arg14[%dma_wait3A_1122, %dma_wait3A_1123] : memref<640x64xf32, #tpu.memory_space<vmem>> -> memref<320x64xf32, #tpu.memory_space<vmem>>
      %dma_wait3A_1125 = arith.constant 0 : i32
      %dma_wait3A_1126 = arith.constant 0 : i32
      %dma_wait3A_1127 = tpu.memref_slice %arg6[%dma_wait3A_1125, %dma_wait3A_1126] : memref<1000000x64xf32, #tpu.memory_space<hbm>> -> memref<320x64xf32, #tpu.memory_space<hbm>>
      tpu.wait_dma2 semaphore(%arg17 : memref<!tpu.dma_semaphore, #tpu.memory_space<semaphore_mem>>) src(%dma_wait3A_1127 : memref<320x64xf32, #tpu.memory_space<hbm>>) dst(%dma_wait3A_1124 : memref<320x64xf32, #tpu.memory_space<vmem>>)
      %mul3A_1128 = arith.constant 16 : i32
      %mul3A_1129 = arith.muli %mul3A_550, %mul3A_1128 : i32
      %scan3A_1130 = arith.constant 0 : i32
      %scan3A_1131 = arith.constant 0 : i32
      %scan3A_1132 = arith.constant 16 : i32
      %scan3A_1133 = arith.addi %scan3A_1131, %scan3A_1132 : i32
      %scan3A_1134 = arith.constant 1 : i32
      scf.for %scan3A_1184 = %scan3A_1131 to %scan3A_1133 step %scan3A_1134  : i32 {
        %add3A_1185 = arith.constant 0 : i32
        %add3A_1186 = arith.addi %add3A_1185, %scan3A_1184 : i32
        %get3A_1187 = arith.index_cast %add3A_1186 : i32 to index
        %get3A_1188 = arith.constant 0 : index
        %get3A_1189 = tpu.vector_load %arg12[%get3A_1187, %get3A_1188] {strides = array<i32>} : memref<32x64xf32, #tpu.memory_space<vmem>>, vector<1x16xf32>,
        %get3A_1190 = vector.shape_cast %get3A_1189 : vector<1x16xf32> to vector<16xf32>
        %add3A_1191 = arith.constant 0 : i32
        %add3A_1192 = arith.addi %add3A_1191, %scan3A_1184 : i32
        %get3A_1193 = arith.index_cast %add3A_1192 : i32 to index
        %get3A_1194 = arith.constant 16 : index
        %get3A_1195 = tpu.vector_load %arg12[%get3A_1193, %get3A_1194] {strides = array<i32>} : memref<32x64xf32, #tpu.memory_space<vmem>>, vector<1x16xf32>,
        %get3A_1196 = vector.shape_cast %get3A_1195 : vector<1x16xf32> to vector<16xf32>
        %add3A_1197 = arith.constant 0 : i32
        %add3A_1198 = arith.addi %add3A_1197, %scan3A_1184 : i32
        %get3A_1199 = arith.index_cast %add3A_1198 : i32 to index
        %get3A_1200 = arith.constant 32 : index
        %get3A_1201 = tpu.vector_load %arg12[%get3A_1199, %get3A_1200] {strides = array<i32>} : memref<32x64xf32, #tpu.memory_space<vmem>>, vector<1x16xf32>,
        %get3A_1202 = vector.shape_cast %get3A_1201 : vector<1x16xf32> to vector<16xf32>
        %add3A_1203 = arith.constant 0 : i32
        %add3A_1204 = arith.addi %add3A_1203, %scan3A_1184 : i32
        %get3A_1205 = arith.index_cast %add3A_1204 : i32 to index
        %get3A_1206 = arith.constant 48 : index
        %get3A_1207 = tpu.vector_load %arg12[%get3A_1205, %get3A_1206] {strides = array<i32>} : memref<32x64xf32, #tpu.memory_space<vmem>>, vector<1x16xf32>,
        %get3A_1208 = vector.shape_cast %get3A_1207 : vector<1x16xf32> to vector<16xf32>
        %add3A_1209 = arith.constant 0 : i32
        %add3A_1210 = arith.addi %add3A_1209, %scan3A_1184 : i32
        %get3A_1211 = arith.index_cast %add3A_1210 : i32 to index
        %get3A_1212 = arith.constant 0 : index
        %get3A_1213 = tpu.vector_load %arg13[%get3A_1211, %get3A_1212] {strides = array<i32>} : memref<32x64xf32, #tpu.memory_space<vmem>>, vector<1x16xf32>,
        %get3A_1214 = vector.shape_cast %get3A_1213 : vector<1x16xf32> to vector<16xf32>
        %add3A_1215 = arith.constant 0 : i32
        %add3A_1216 = arith.addi %add3A_1215, %scan3A_1184 : i32
        %get3A_1217 = arith.index_cast %add3A_1216 : i32 to index
        %get3A_1218 = arith.constant 16 : index
        %get3A_1219 = tpu.vector_load %arg13[%get3A_1217, %get3A_1218] {strides = array<i32>} : memref<32x64xf32, #tpu.memory_space<vmem>>, vector<1x16xf32>,
        %get3A_1220 = vector.shape_cast %get3A_1219 : vector<1x16xf32> to vector<16xf32>
        %add3A_1221 = arith.constant 0 : i32
        %add3A_1222 = arith.addi %add3A_1221, %scan3A_1184 : i32
        %get3A_1223 = arith.index_cast %add3A_1222 : i32 to index
        %get3A_1224 = arith.constant 32 : index
        %get3A_1225 = tpu.vector_load %arg13[%get3A_1223, %get3A_1224] {strides = array<i32>} : memref<32x64xf32, #tpu.memory_space<vmem>>, vector<1x16xf32>,
        %get3A_1226 = vector.shape_cast %get3A_1225 : vector<1x16xf32> to vector<16xf32>
        %add3A_1227 = arith.constant 0 : i32
        %add3A_1228 = arith.addi %add3A_1227, %scan3A_1184 : i32
        %get3A_1229 = arith.index_cast %add3A_1228 : i32 to index
        %get3A_1230 = arith.constant 48 : index
        %get3A_1231 = tpu.vector_load %arg13[%get3A_1229, %get3A_1230] {strides = array<i32>} : memref<32x64xf32, #tpu.memory_space<vmem>>, vector<1x16xf32>,
        %get3A_1232 = vector.shape_cast %get3A_1231 : vector<1x16xf32> to vector<16xf32>
        %mul3A_1233 = arith.mulf %get3A_1190, %get3A_1214 : vector<16xf32>
        %mul3A_1234 = arith.mulf %get3A_1196, %get3A_1220 : vector<16xf32>
        %add3A_1235 = arith.addf %mul3A_1233, %mul3A_1234 : vector<16xf32>
        %mul3A_1236 = arith.mulf %get3A_1202, %get3A_1226 : vector<16xf32>
        %mul3A_1237 = arith.mulf %get3A_1208, %get3A_1232 : vector<16xf32>
        %add3A_1238 = arith.addf %mul3A_1236, %mul3A_1237 : vector<16xf32>
        %add3A_1239 = arith.addf %add3A_1235, %add3A_1238 : vector<16xf32>
        %mul3A_1240 = arith.constant 20 : i32
        %mul3A_1241 = arith.muli %scan3A_1184, %mul3A_1240 : i32
        %add3A_1242 = arith.constant 0 : i32
        %add3A_1243 = arith.addi %add3A_1242, %mul3A_1241 : i32
        %get3A_1244 = arith.index_cast %add3A_1243 : i32 to index
        %get3A_1245 = arith.constant 0 : index
        %get3A_1246 = tpu.vector_load %arg14[%get3A_1244, %get3A_1245] {strides = array<i32>} : memref<640x64xf32, #tpu.memory_space<vmem>>, vector<1x16xf32>,
        %get3A_1247 = vector.shape_cast %get3A_1246 : vector<1x16xf32> to vector<16xf32>
        %mul3A_1248 = arith.constant 20 : i32
        %mul3A_1249 = arith.muli %scan3A_1184, %mul3A_1248 : i32
        %add3A_1250 = arith.constant 0 : i32
        %add3A_1251 = arith.addi %add3A_1250, %mul3A_1249 : i32
        %get3A_1252 = arith.index_cast %add3A_1251 : i32 to index
        %get3A_1253 = arith.constant 16 : index
        %get3A_1254 = tpu.vector_load %arg14[%get3A_1252, %get3A_1253] {strides = array<i32>} : memref<640x64xf32, #tpu.memory_space<vmem>>, vector<1x16xf32>,
        %get3A_1255 = vector.shape_cast %get3A_1254 : vector<1x16xf32> to vector<16xf32>
        %mul3A_1256 = arith.constant 20 : i32
        %mul3A_1257 = arith.muli %scan3A_1184, %mul3A_1256 : i32
        %add3A_1258 = arith.constant 0 : i32
        %add3A_1259 = arith.addi %add3A_1258, %mul3A_1257 : i32
        %get3A_1260 = arith.index_cast %add3A_1259 : i32 to index
        %get3A_1261 = arith.constant 32 : index
        %get3A_1262 = tpu.vector_load %arg14[%get3A_1260, %get3A_1261] {strides = array<i32>} : memref<640x64xf32, #tpu.memory_space<vmem>>, vector<1x16xf32>,
        %get3A_1263 = vector.shape_cast %get3A_1262 : vector<1x16xf32> to vector<16xf32>
        %mul3A_1264 = arith.constant 20 : i32
        %mul3A_1265 = arith.muli %scan3A_1184, %mul3A_1264 : i32
        %add3A_1266 = arith.constant 0 : i32
        %add3A_1267 = arith.addi %add3A_1266, %mul3A_1265 : i32
        %get3A_1268 = arith.index_cast %add3A_1267 : i32 to index
        %get3A_1269 = arith.constant 48 : index
        %get3A_1270 = tpu.vector_load %arg14[%get3A_1268, %get3A_1269] {strides = array<i32>} : memref<640x64xf32, #tpu.memory_space<vmem>>, vector<1x16xf32>,
        %get3A_1271 = vector.shape_cast %get3A_1270 : vector<1x16xf32> to vector<16xf32>
        %mul3A_1272 = arith.constant 20 : i32
        %mul3A_1273 = arith.muli %scan3A_1184, %mul3A_1272 : i32
        %add3A_1274 = arith.constant 0 : i32
        %add3A_1275 = arith.addi %add3A_1274, %mul3A_1273 : i32
        %add3A_1276 = arith.constant 1 : i32
        %add3A_1277 = arith.addi %add3A_1275, %add3A_1276 : i32
        %get3A_1278 = arith.index_cast %add3A_1277 : i32 to index
        %get3A_1279 = arith.constant 0 : index
        %get3A_1280 = tpu.vector_load %arg14[%get3A_1278, %get3A_1279] {strides = array<i32>} : memref<640x64xf32, #tpu.memory_space<vmem>>, vector<1x16xf32>,
        %get3A_1281 = vector.shape_cast %get3A_1280 : vector<1x16xf32> to vector<16xf32>
        %add3A_1282 = arith.addf %get3A_1247, %get3A_1281 : vector<16xf32>
        %get3A_1283 = arith.index_cast %add3A_1277 : i32 to index
        %get3A_1284 = arith.constant 16 : index
        %get3A_1285 = tpu.vector_load %arg14[%get3A_1283, %get3A_1284] {strides = array<i32>} : memref<640x64xf32, #tpu.memory_space<vmem>>, vector<1x16xf32>,
        %get3A_1286 = vector.shape_cast %get3A_1285 : vector<1x16xf32> to vector<16xf32>
        %add3A_1287 = arith.addf %get3A_1255, %get3A_1286 : vector<16xf32>
        %get3A_1288 = arith.index_cast %add3A_1277 : i32 to index
        %get3A_1289 = arith.constant 32 : index
        %get3A_1290 = tpu.vector_load %arg14[%get3A_1288, %get3A_1289] {strides = array<i32>} : memref<640x64xf32, #tpu.memory_space<vmem>>, vector<1x16xf32>,
        %get3A_1291 = vector.shape_cast %get3A_1290 : vector<1x16xf32> to vector<16xf32>
        %add3A_1292 = arith.addf %get3A_1263, %get3A_1291 : vector<16xf32>
        %get3A_1293 = arith.index_cast %add3A_1277 : i32 to index
        %get3A_1294 = arith.constant 48 : index
        %get3A_1295 = tpu.vector_load %arg14[%get3A_1293, %get3A_1294] {strides = array<i32>} : memref<640x64xf32, #tpu.memory_space<vmem>>, vector<1x16xf32>,
        %get3A_1296 = vector.shape_cast %get3A_1295 : vector<1x16xf32> to vector<16xf32>
        %add3A_1297 = arith.addf %get3A_1271, %get3A_1296 : vector<16xf32>
        %mul3A_1298 = arith.constant 20 : i32
        %mul3A_1299 = arith.muli %scan3A_1184, %mul3A_1298 : i32
        %add3A_1300 = arith.constant 0 : i32
        %add3A_1301 = arith.addi %add3A_1300, %mul3A_1299 : i32
        %add3A_1302 = arith.constant 2 : i32
        %add3A_1303 = arith.addi %add3A_1301, %add3A_1302 : i32
        %get3A_1304 = arith.index_cast %add3A_1303 : i32 to index
        %get3A_1305 = arith.constant 0 : index
        %get3A_1306 = tpu.vector_load %arg14[%get3A_1304, %get3A_1305] {strides = array<i32>} : memref<640x64xf32, #tpu.memory_space<vmem>>, vector<1x16xf32>,
        %get3A_1307 = vector.shape_cast %get3A_1306 : vector<1x16xf32> to vector<16xf32>
        %add3A_1308 = arith.addf %add3A_1282, %get3A_1307 : vector<16xf32>
        %get3A_1309 = arith.index_cast %add3A_1303 : i32 to index
        %get3A_1310 = arith.constant 16 : index
        %get3A_1311 = tpu.vector_load %arg14[%get3A_1309, %get3A_1310] {strides = array<i32>} : memref<640x64xf32, #tpu.memory_space<vmem>>, vector<1x16xf32>,
        %get3A_1312 = vector.shape_cast %get3A_1311 : vector<1x16xf32> to vector<16xf32>
        %add3A_1313 = arith.addf %add3A_1287, %get3A_1312 : vector<16xf32>
        %get3A_1314 = arith.index_cast %add3A_1303 : i32 to index
        %get3A_1315 = arith.constant 32 : index
        %get3A_1316 = tpu.vector_load %arg14[%get3A_1314, %get3A_1315] {strides = array<i32>} : memref<640x64xf32, #tpu.memory_space<vmem>>, vector<1x16xf32>,
        %get3A_1317 = vector.shape_cast %get3A_1316 : vector<1x16xf32> to vector<16xf32>
        %add3A_1318 = arith.addf %add3A_1292, %get3A_1317 : vector<16xf32>
        %get3A_1319 = arith.index_cast %add3A_1303 : i32 to index
        %get3A_1320 = arith.constant 48 : index
        %get3A_1321 = tpu.vector_load %arg14[%get3A_1319, %get3A_1320] {strides = array<i32>} : memref<640x64xf32, #tpu.memory_space<vmem>>, vector<1x16xf32>,
        %get3A_1322 = vector.shape_cast %get3A_1321 : vector<1x16xf32> to vector<16xf32>
        %add3A_1323 = arith.addf %add3A_1297, %get3A_1322 : vector<16xf32>
        %mul3A_1324 = arith.constant 20 : i32
        %mul3A_1325 = arith.muli %scan3A_1184, %mul3A_1324 : i32
        %add3A_1326 = arith.constant 0 : i32
        %add3A_1327 = arith.addi %add3A_1326, %mul3A_1325 : i32
        %add3A_1328 = arith.constant 3 : i32
        %add3A_1329 = arith.addi %add3A_1327, %add3A_1328 : i32
        %get3A_1330 = arith.index_cast %add3A_1329 : i32 to index
        %get3A_1331 = arith.constant 0 : index
        %get3A_1332 = tpu.vector_load %arg14[%get3A_1330, %get3A_1331] {strides = array<i32>} : memref<640x64xf32, #tpu.memory_space<vmem>>, vector<1x16xf32>,
        %get3A_1333 = vector.shape_cast %get3A_1332 : vector<1x16xf32> to vector<16xf32>
        %add3A_1334 = arith.addf %add3A_1308, %get3A_1333 : vector<16xf32>
        %get3A_1335 = arith.index_cast %add3A_1329 : i32 to index
        %get3A_1336 = arith.constant 16 : index
        %get3A_1337 = tpu.vector_load %arg14[%get3A_1335, %get3A_1336] {strides = array<i32>} : memref<640x64xf32, #tpu.memory_space<vmem>>, vector<1x16xf32>,
        %get3A_1338 = vector.shape_cast %get3A_1337 : vector<1x16xf32> to vector<16xf32>
        %add3A_1339 = arith.addf %add3A_1313, %get3A_1338 : vector<16xf32>
        %get3A_1340 = arith.index_cast %add3A_1329 : i32 to index
        %get3A_1341 = arith.constant 32 : index
        %get3A_1342 = tpu.vector_load %arg14[%get3A_1340, %get3A_1341] {strides = array<i32>} : memref<640x64xf32, #tpu.memory_space<vmem>>, vector<1x16xf32>,
        %get3A_1343 = vector.shape_cast %get3A_1342 : vector<1x16xf32> to vector<16xf32>
        %add3A_1344 = arith.addf %add3A_1318, %get3A_1343 : vector<16xf32>
        %get3A_1345 = arith.index_cast %add3A_1329 : i32 to index
        %get3A_1346 = arith.constant 48 : index
        %get3A_1347 = tpu.vector_load %arg14[%get3A_1345, %get3A_1346] {strides = array<i32>} : memref<640x64xf32, #tpu.memory_space<vmem>>, vector<1x16xf32>,
        %get3A_1348 = vector.shape_cast %get3A_1347 : vector<1x16xf32> to vector<16xf32>
        %add3A_1349 = arith.addf %add3A_1323, %get3A_1348 : vector<16xf32>
        %mul3A_1350 = arith.constant 20 : i32
        %mul3A_1351 = arith.muli %scan3A_1184, %mul3A_1350 : i32
        %add3A_1352 = arith.constant 0 : i32
        %add3A_1353 = arith.addi %add3A_1352, %mul3A_1351 : i32
        %add3A_1354 = arith.constant 4 : i32
        %add3A_1355 = arith.addi %add3A_1353, %add3A_1354 : i32
        %get3A_1356 = arith.index_cast %add3A_1355 : i32 to index
        %get3A_1357 = arith.constant 0 : index
        %get3A_1358 = tpu.vector_load %arg14[%get3A_1356, %get3A_1357] {strides = array<i32>} : memref<640x64xf32, #tpu.memory_space<vmem>>, vector<1x16xf32>,
        %get3A_1359 = vector.shape_cast %get3A_1358 : vector<1x16xf32> to vector<16xf32>
        %add3A_1360 = arith.addf %add3A_1334, %get3A_1359 : vector<16xf32>
        %get3A_1361 = arith.index_cast %add3A_1355 : i32 to index
        %get3A_1362 = arith.constant 16 : index
        %get3A_1363 = tpu.vector_load %arg14[%get3A_1361, %get3A_1362] {strides = array<i32>} : memref<640x64xf32, #tpu.memory_space<vmem>>, vector<1x16xf32>,
        %get3A_1364 = vector.shape_cast %get3A_1363 : vector<1x16xf32> to vector<16xf32>
        %add3A_1365 = arith.addf %add3A_1339, %get3A_1364 : vector<16xf32>
        %get3A_1366 = arith.index_cast %add3A_1355 : i32 to index
        %get3A_1367 = arith.constant 32 : index
        %get3A_1368 = tpu.vector_load %arg14[%get3A_1366, %get3A_1367] {strides = array<i32>} : memref<640x64xf32, #tpu.memory_space<vmem>>, vector<1x16xf32>,
        %get3A_1369 = vector.shape_cast %get3A_1368 : vector<1x16xf32> to vector<16xf32>
        %add3A_1370 = arith.addf %add3A_1344, %get3A_1369 : vector<16xf32>
        %get3A_1371 = arith.index_cast %add3A_1355 : i32 to index
        %get3A_1372 = arith.constant 48 : index
        %get3A_1373 = tpu.vector_load %arg14[%get3A_1371, %get3A_1372] {strides = array<i32>} : memref<640x64xf32, #tpu.memory_space<vmem>>, vector<1x16xf32>,
        %get3A_1374 = vector.shape_cast %get3A_1373 : vector<1x16xf32> to vector<16xf32>
        %add3A_1375 = arith.addf %add3A_1349, %get3A_1374 : vector<16xf32>
        %mul3A_1376 = arith.constant 20 : i32
        %mul3A_1377 = arith.muli %scan3A_1184, %mul3A_1376 : i32
        %add3A_1378 = arith.constant 0 : i32
        %add3A_1379 = arith.addi %add3A_1378, %mul3A_1377 : i32
        %add3A_1380 = arith.constant 5 : i32
        %add3A_1381 = arith.addi %add3A_1379, %add3A_1380 : i32
        %get3A_1382 = arith.index_cast %add3A_1381 : i32 to index
        %get3A_1383 = arith.constant 0 : index
        %get3A_1384 = tpu.vector_load %arg14[%get3A_1382, %get3A_1383] {strides = array<i32>} : memref<640x64xf32, #tpu.memory_space<vmem>>, vector<1x16xf32>,
        %get3A_1385 = vector.shape_cast %get3A_1384 : vector<1x16xf32> to vector<16xf32>
        %add3A_1386 = arith.addf %add3A_1360, %get3A_1385 : vector<16xf32>
        %get3A_1387 = arith.index_cast %add3A_1381 : i32 to index
        %get3A_1388 = arith.constant 16 : index
        %get3A_1389 = tpu.vector_load %arg14[%get3A_1387, %get3A_1388] {strides = array<i32>} : memref<640x64xf32, #tpu.memory_space<vmem>>, vector<1x16xf32>,
        %get3A_1390 = vector.shape_cast %get3A_1389 : vector<1x16xf32> to vector<16xf32>
        %add3A_1391 = arith.addf %add3A_1365, %get3A_1390 : vector<16xf32>
        %get3A_1392 = arith.index_cast %add3A_1381 : i32 to index
        %get3A_1393 = arith.constant 32 : index
        %get3A_1394 = tpu.vector_load %arg14[%get3A_1392, %get3A_1393] {strides = array<i32>} : memref<640x64xf32, #tpu.memory_space<vmem>>, vector<1x16xf32>,
        %get3A_1395 = vector.shape_cast %get3A_1394 : vector<1x16xf32> to vector<16xf32>
        %add3A_1396 = arith.addf %add3A_1370, %get3A_1395 : vector<16xf32>
        %get3A_1397 = arith.index_cast %add3A_1381 : i32 to index
        %get3A_1398 = arith.constant 48 : index
        %get3A_1399 = tpu.vector_load %arg14[%get3A_1397, %get3A_1398] {strides = array<i32>} : memref<640x64xf32, #tpu.memory_space<vmem>>, vector<1x16xf32>,
        %get3A_1400 = vector.shape_cast %get3A_1399 : vector<1x16xf32> to vector<16xf32>
        %add3A_1401 = arith.addf %add3A_1375, %get3A_1400 : vector<16xf32>
        %mul3A_1402 = arith.constant 20 : i32
        %mul3A_1403 = arith.muli %scan3A_1184, %mul3A_1402 : i32
        %add3A_1404 = arith.constant 0 : i32
        %add3A_1405 = arith.addi %add3A_1404, %mul3A_1403 : i32
        %add3A_1406 = arith.constant 6 : i32
        %add3A_1407 = arith.addi %add3A_1405, %add3A_1406 : i32
        %get3A_1408 = arith.index_cast %add3A_1407 : i32 to index
        %get3A_1409 = arith.constant 0 : index
        %get3A_1410 = tpu.vector_load %arg14[%get3A_1408, %get3A_1409] {strides = array<i32>} : memref<640x64xf32, #tpu.memory_space<vmem>>, vector<1x16xf32>,
        %get3A_1411 = vector.shape_cast %get3A_1410 : vector<1x16xf32> to vector<16xf32>
        %add3A_1412 = arith.addf %add3A_1386, %get3A_1411 : vector<16xf32>
        %get3A_1413 = arith.index_cast %add3A_1407 : i32 to index
        %get3A_1414 = arith.constant 16 : index
        %get3A_1415 = tpu.vector_load %arg14[%get3A_1413, %get3A_1414] {strides = array<i32>} : memref<640x64xf32, #tpu.memory_space<vmem>>, vector<1x16xf32>,
        %get3A_1416 = vector.shape_cast %get3A_1415 : vector<1x16xf32> to vector<16xf32>
        %add3A_1417 = arith.addf %add3A_1391, %get3A_1416 : vector<16xf32>
        %get3A_1418 = arith.index_cast %add3A_1407 : i32 to index
        %get3A_1419 = arith.constant 32 : index
        %get3A_1420 = tpu.vector_load %arg14[%get3A_1418, %get3A_1419] {strides = array<i32>} : memref<640x64xf32, #tpu.memory_space<vmem>>, vector<1x16xf32>,
        %get3A_1421 = vector.shape_cast %get3A_1420 : vector<1x16xf32> to vector<16xf32>
        %add3A_1422 = arith.addf %add3A_1396, %get3A_1421 : vector<16xf32>
        %get3A_1423 = arith.index_cast %add3A_1407 : i32 to index
        %get3A_1424 = arith.constant 48 : index
        %get3A_1425 = tpu.vector_load %arg14[%get3A_1423, %get3A_1424] {strides = array<i32>} : memref<640x64xf32, #tpu.memory_space<vmem>>, vector<1x16xf32>,
        %get3A_1426 = vector.shape_cast %get3A_1425 : vector<1x16xf32> to vector<16xf32>
        %add3A_1427 = arith.addf %add3A_1401, %get3A_1426 : vector<16xf32>
        %mul3A_1428 = arith.constant 20 : i32
        %mul3A_1429 = arith.muli %scan3A_1184, %mul3A_1428 : i32
        %add3A_1430 = arith.constant 0 : i32
        %add3A_1431 = arith.addi %add3A_1430, %mul3A_1429 : i32
        %add3A_1432 = arith.constant 7 : i32
        %add3A_1433 = arith.addi %add3A_1431, %add3A_1432 : i32
        %get3A_1434 = arith.index_cast %add3A_1433 : i32 to index
        %get3A_1435 = arith.constant 0 : index
        %get3A_1436 = tpu.vector_load %arg14[%get3A_1434, %get3A_1435] {strides = array<i32>} : memref<640x64xf32, #tpu.memory_space<vmem>>, vector<1x16xf32>,
        %get3A_1437 = vector.shape_cast %get3A_1436 : vector<1x16xf32> to vector<16xf32>
        %add3A_1438 = arith.addf %add3A_1412, %get3A_1437 : vector<16xf32>
        %get3A_1439 = arith.index_cast %add3A_1433 : i32 to index
        %get3A_1440 = arith.constant 16 : index
        %get3A_1441 = tpu.vector_load %arg14[%get3A_1439, %get3A_1440] {strides = array<i32>} : memref<640x64xf32, #tpu.memory_space<vmem>>, vector<1x16xf32>,
        %get3A_1442 = vector.shape_cast %get3A_1441 : vector<1x16xf32> to vector<16xf32>
        %add3A_1443 = arith.addf %add3A_1417, %get3A_1442 : vector<16xf32>
        %get3A_1444 = arith.index_cast %add3A_1433 : i32 to index
        %get3A_1445 = arith.constant 32 : index
        %get3A_1446 = tpu.vector_load %arg14[%get3A_1444, %get3A_1445] {strides = array<i32>} : memref<640x64xf32, #tpu.memory_space<vmem>>, vector<1x16xf32>,
        %get3A_1447 = vector.shape_cast %get3A_1446 : vector<1x16xf32> to vector<16xf32>
        %add3A_1448 = arith.addf %add3A_1422, %get3A_1447 : vector<16xf32>
        %get3A_1449 = arith.index_cast %add3A_1433 : i32 to index
        %get3A_1450 = arith.constant 48 : index
        %get3A_1451 = tpu.vector_load %arg14[%get3A_1449, %get3A_1450] {strides = array<i32>} : memref<640x64xf32, #tpu.memory_space<vmem>>, vector<1x16xf32>,
        %get3A_1452 = vector.shape_cast %get3A_1451 : vector<1x16xf32> to vector<16xf32>
        %add3A_1453 = arith.addf %add3A_1427, %get3A_1452 : vector<16xf32>
        %mul3A_1454 = arith.constant 20 : i32
        %mul3A_1455 = arith.muli %scan3A_1184, %mul3A_1454 : i32
        %add3A_1456 = arith.constant 0 : i32
        %add3A_1457 = arith.addi %add3A_1456, %mul3A_1455 : i32
        %add3A_1458 = arith.constant 8 : i32
        %add3A_1459 = arith.addi %add3A_1457, %add3A_1458 : i32
        %get3A_1460 = arith.index_cast %add3A_1459 : i32 to index
        %get3A_1461 = arith.constant 0 : index
        %get3A_1462 = tpu.vector_load %arg14[%get3A_1460, %get3A_1461] {strides = array<i32>} : memref<640x64xf32, #tpu.memory_space<vmem>>, vector<1x16xf32>,
        %get3A_1463 = vector.shape_cast %get3A_1462 : vector<1x16xf32> to vector<16xf32>
        %add3A_1464 = arith.addf %add3A_1438, %get3A_1463 : vector<16xf32>
        %get3A_1465 = arith.index_cast %add3A_1459 : i32 to index
        %get3A_1466 = arith.constant 16 : index
        %get3A_1467 = tpu.vector_load %arg14[%get3A_1465, %get3A_1466] {strides = array<i32>} : memref<640x64xf32, #tpu.memory_space<vmem>>, vector<1x16xf32>,
        %get3A_1468 = vector.shape_cast %get3A_1467 : vector<1x16xf32> to vector<16xf32>
        %add3A_1469 = arith.addf %add3A_1443, %get3A_1468 : vector<16xf32>
        %get3A_1470 = arith.index_cast %add3A_1459 : i32 to index
        %get3A_1471 = arith.constant 32 : index
        %get3A_1472 = tpu.vector_load %arg14[%get3A_1470, %get3A_1471] {strides = array<i32>} : memref<640x64xf32, #tpu.memory_space<vmem>>, vector<1x16xf32>,
        %get3A_1473 = vector.shape_cast %get3A_1472 : vector<1x16xf32> to vector<16xf32>
        %add3A_1474 = arith.addf %add3A_1448, %get3A_1473 : vector<16xf32>
        %get3A_1475 = arith.index_cast %add3A_1459 : i32 to index
        %get3A_1476 = arith.constant 48 : index
        %get3A_1477 = tpu.vector_load %arg14[%get3A_1475, %get3A_1476] {strides = array<i32>} : memref<640x64xf32, #tpu.memory_space<vmem>>, vector<1x16xf32>,
        %get3A_1478 = vector.shape_cast %get3A_1477 : vector<1x16xf32> to vector<16xf32>
        %add3A_1479 = arith.addf %add3A_1453, %get3A_1478 : vector<16xf32>
        %mul3A_1480 = arith.constant 20 : i32
        %mul3A_1481 = arith.muli %scan3A_1184, %mul3A_1480 : i32
        %add3A_1482 = arith.constant 0 : i32
        %add3A_1483 = arith.addi %add3A_1482, %mul3A_1481 : i32
        %add3A_1484 = arith.constant 9 : i32
        %add3A_1485 = arith.addi %add3A_1483, %add3A_1484 : i32
        %get3A_1486 = arith.index_cast %add3A_1485 : i32 to index
        %get3A_1487 = arith.constant 0 : index
        %get3A_1488 = tpu.vector_load %arg14[%get3A_1486, %get3A_1487] {strides = array<i32>} : memref<640x64xf32, #tpu.memory_space<vmem>>, vector<1x16xf32>,
        %get3A_1489 = vector.shape_cast %get3A_1488 : vector<1x16xf32> to vector<16xf32>
        %add3A_1490 = arith.addf %add3A_1464, %get3A_1489 : vector<16xf32>
        %get3A_1491 = arith.index_cast %add3A_1485 : i32 to index
        %get3A_1492 = arith.constant 16 : index
        %get3A_1493 = tpu.vector_load %arg14[%get3A_1491, %get3A_1492] {strides = array<i32>} : memref<640x64xf32, #tpu.memory_space<vmem>>, vector<1x16xf32>,
        %get3A_1494 = vector.shape_cast %get3A_1493 : vector<1x16xf32> to vector<16xf32>
        %add3A_1495 = arith.addf %add3A_1469, %get3A_1494 : vector<16xf32>
        %get3A_1496 = arith.index_cast %add3A_1485 : i32 to index
        %get3A_1497 = arith.constant 32 : index
        %get3A_1498 = tpu.vector_load %arg14[%get3A_1496, %get3A_1497] {strides = array<i32>} : memref<640x64xf32, #tpu.memory_space<vmem>>, vector<1x16xf32>,
        %get3A_1499 = vector.shape_cast %get3A_1498 : vector<1x16xf32> to vector<16xf32>
        %add3A_1500 = arith.addf %add3A_1474, %get3A_1499 : vector<16xf32>
        %get3A_1501 = arith.index_cast %add3A_1485 : i32 to index
        %get3A_1502 = arith.constant 48 : index
        %get3A_1503 = tpu.vector_load %arg14[%get3A_1501, %get3A_1502] {strides = array<i32>} : memref<640x64xf32, #tpu.memory_space<vmem>>, vector<1x16xf32>,
        %get3A_1504 = vector.shape_cast %get3A_1503 : vector<1x16xf32> to vector<16xf32>
        %add3A_1505 = arith.addf %add3A_1479, %get3A_1504 : vector<16xf32>
        %mul3A_1506 = arith.constant 20 : i32
        %mul3A_1507 = arith.muli %scan3A_1184, %mul3A_1506 : i32
        %add3A_1508 = arith.constant 0 : i32
        %add3A_1509 = arith.addi %add3A_1508, %mul3A_1507 : i32
        %add3A_1510 = arith.constant 10 : i32
        %add3A_1511 = arith.addi %add3A_1509, %add3A_1510 : i32
        %get3A_1512 = arith.index_cast %add3A_1511 : i32 to index
        %get3A_1513 = arith.constant 0 : index
        %get3A_1514 = tpu.vector_load %arg14[%get3A_1512, %get3A_1513] {strides = array<i32>} : memref<640x64xf32, #tpu.memory_space<vmem>>, vector<1x16xf32>,
        %get3A_1515 = vector.shape_cast %get3A_1514 : vector<1x16xf32> to vector<16xf32>
        %add3A_1516 = arith.addf %add3A_1490, %get3A_1515 : vector<16xf32>
        %get3A_1517 = arith.index_cast %add3A_1511 : i32 to index
        %get3A_1518 = arith.constant 16 : index
        %get3A_1519 = tpu.vector_load %arg14[%get3A_1517, %get3A_1518] {strides = array<i32>} : memref<640x64xf32, #tpu.memory_space<vmem>>, vector<1x16xf32>,
        %get3A_1520 = vector.shape_cast %get3A_1519 : vector<1x16xf32> to vector<16xf32>
        %add3A_1521 = arith.addf %add3A_1495, %get3A_1520 : vector<16xf32>
        %get3A_1522 = arith.index_cast %add3A_1511 : i32 to index
        %get3A_1523 = arith.constant 32 : index
        %get3A_1524 = tpu.vector_load %arg14[%get3A_1522, %get3A_1523] {strides = array<i32>} : memref<640x64xf32, #tpu.memory_space<vmem>>, vector<1x16xf32>,
        %get3A_1525 = vector.shape_cast %get3A_1524 : vector<1x16xf32> to vector<16xf32>
        %add3A_1526 = arith.addf %add3A_1500, %get3A_1525 : vector<16xf32>
        %get3A_1527 = arith.index_cast %add3A_1511 : i32 to index
        %get3A_1528 = arith.constant 48 : index
        %get3A_1529 = tpu.vector_load %arg14[%get3A_1527, %get3A_1528] {strides = array<i32>} : memref<640x64xf32, #tpu.memory_space<vmem>>, vector<1x16xf32>,
        %get3A_1530 = vector.shape_cast %get3A_1529 : vector<1x16xf32> to vector<16xf32>
        %add3A_1531 = arith.addf %add3A_1505, %get3A_1530 : vector<16xf32>
        %mul3A_1532 = arith.constant 20 : i32
        %mul3A_1533 = arith.muli %scan3A_1184, %mul3A_1532 : i32
        %add3A_1534 = arith.constant 0 : i32
        %add3A_1535 = arith.addi %add3A_1534, %mul3A_1533 : i32
        %add3A_1536 = arith.constant 11 : i32
        %add3A_1537 = arith.addi %add3A_1535, %add3A_1536 : i32
        %get3A_1538 = arith.index_cast %add3A_1537 : i32 to index
        %get3A_1539 = arith.constant 0 : index
        %get3A_1540 = tpu.vector_load %arg14[%get3A_1538, %get3A_1539] {strides = array<i32>} : memref<640x64xf32, #tpu.memory_space<vmem>>, vector<1x16xf32>,
        %get3A_1541 = vector.shape_cast %get3A_1540 : vector<1x16xf32> to vector<16xf32>
        %add3A_1542 = arith.addf %add3A_1516, %get3A_1541 : vector<16xf32>
        %get3A_1543 = arith.index_cast %add3A_1537 : i32 to index
        %get3A_1544 = arith.constant 16 : index
        %get3A_1545 = tpu.vector_load %arg14[%get3A_1543, %get3A_1544] {strides = array<i32>} : memref<640x64xf32, #tpu.memory_space<vmem>>, vector<1x16xf32>,
        %get3A_1546 = vector.shape_cast %get3A_1545 : vector<1x16xf32> to vector<16xf32>
        %add3A_1547 = arith.addf %add3A_1521, %get3A_1546 : vector<16xf32>
        %get3A_1548 = arith.index_cast %add3A_1537 : i32 to index
        %get3A_1549 = arith.constant 32 : index
        %get3A_1550 = tpu.vector_load %arg14[%get3A_1548, %get3A_1549] {strides = array<i32>} : memref<640x64xf32, #tpu.memory_space<vmem>>, vector<1x16xf32>,
        %get3A_1551 = vector.shape_cast %get3A_1550 : vector<1x16xf32> to vector<16xf32>
        %add3A_1552 = arith.addf %add3A_1526, %get3A_1551 : vector<16xf32>
        %get3A_1553 = arith.index_cast %add3A_1537 : i32 to index
        %get3A_1554 = arith.constant 48 : index
        %get3A_1555 = tpu.vector_load %arg14[%get3A_1553, %get3A_1554] {strides = array<i32>} : memref<640x64xf32, #tpu.memory_space<vmem>>, vector<1x16xf32>,
        %get3A_1556 = vector.shape_cast %get3A_1555 : vector<1x16xf32> to vector<16xf32>
        %add3A_1557 = arith.addf %add3A_1531, %get3A_1556 : vector<16xf32>
        %mul3A_1558 = arith.constant 20 : i32
        %mul3A_1559 = arith.muli %scan3A_1184, %mul3A_1558 : i32
        %add3A_1560 = arith.constant 0 : i32
        %add3A_1561 = arith.addi %add3A_1560, %mul3A_1559 : i32
        %add3A_1562 = arith.constant 12 : i32
        %add3A_1563 = arith.addi %add3A_1561, %add3A_1562 : i32
        %get3A_1564 = arith.index_cast %add3A_1563 : i32 to index
        %get3A_1565 = arith.constant 0 : index
        %get3A_1566 = tpu.vector_load %arg14[%get3A_1564, %get3A_1565] {strides = array<i32>} : memref<640x64xf32, #tpu.memory_space<vmem>>, vector<1x16xf32>,
        %get3A_1567 = vector.shape_cast %get3A_1566 : vector<1x16xf32> to vector<16xf32>
        %add3A_1568 = arith.addf %add3A_1542, %get3A_1567 : vector<16xf32>
        %get3A_1569 = arith.index_cast %add3A_1563 : i32 to index
        %get3A_1570 = arith.constant 16 : index
        %get3A_1571 = tpu.vector_load %arg14[%get3A_1569, %get3A_1570] {strides = array<i32>} : memref<640x64xf32, #tpu.memory_space<vmem>>, vector<1x16xf32>,
        %get3A_1572 = vector.shape_cast %get3A_1571 : vector<1x16xf32> to vector<16xf32>
        %add3A_1573 = arith.addf %add3A_1547, %get3A_1572 : vector<16xf32>
        %get3A_1574 = arith.index_cast %add3A_1563 : i32 to index
        %get3A_1575 = arith.constant 32 : index
        %get3A_1576 = tpu.vector_load %arg14[%get3A_1574, %get3A_1575] {strides = array<i32>} : memref<640x64xf32, #tpu.memory_space<vmem>>, vector<1x16xf32>,
        %get3A_1577 = vector.shape_cast %get3A_1576 : vector<1x16xf32> to vector<16xf32>
        %add3A_1578 = arith.addf %add3A_1552, %get3A_1577 : vector<16xf32>
        %get3A_1579 = arith.index_cast %add3A_1563 : i32 to index
        %get3A_1580 = arith.constant 48 : index
        %get3A_1581 = tpu.vector_load %arg14[%get3A_1579, %get3A_1580] {strides = array<i32>} : memref<640x64xf32, #tpu.memory_space<vmem>>, vector<1x16xf32>,
        %get3A_1582 = vector.shape_cast %get3A_1581 : vector<1x16xf32> to vector<16xf32>
        %add3A_1583 = arith.addf %add3A_1557, %get3A_1582 : vector<16xf32>
        %mul3A_1584 = arith.constant 20 : i32
        %mul3A_1585 = arith.muli %scan3A_1184, %mul3A_1584 : i32
        %add3A_1586 = arith.constant 0 : i32
        %add3A_1587 = arith.addi %add3A_1586, %mul3A_1585 : i32
        %add3A_1588 = arith.constant 13 : i32
        %add3A_1589 = arith.addi %add3A_1587, %add3A_1588 : i32
        %get3A_1590 = arith.index_cast %add3A_1589 : i32 to index
        %get3A_1591 = arith.constant 0 : index
        %get3A_1592 = tpu.vector_load %arg14[%get3A_1590, %get3A_1591] {strides = array<i32>} : memref<640x64xf32, #tpu.memory_space<vmem>>, vector<1x16xf32>,
        %get3A_1593 = vector.shape_cast %get3A_1592 : vector<1x16xf32> to vector<16xf32>
        %add3A_1594 = arith.addf %add3A_1568, %get3A_1593 : vector<16xf32>
        %get3A_1595 = arith.index_cast %add3A_1589 : i32 to index
        %get3A_1596 = arith.constant 16 : index
        %get3A_1597 = tpu.vector_load %arg14[%get3A_1595, %get3A_1596] {strides = array<i32>} : memref<640x64xf32, #tpu.memory_space<vmem>>, vector<1x16xf32>,
        %get3A_1598 = vector.shape_cast %get3A_1597 : vector<1x16xf32> to vector<16xf32>
        %add3A_1599 = arith.addf %add3A_1573, %get3A_1598 : vector<16xf32>
        %get3A_1600 = arith.index_cast %add3A_1589 : i32 to index
        %get3A_1601 = arith.constant 32 : index
        %get3A_1602 = tpu.vector_load %arg14[%get3A_1600, %get3A_1601] {strides = array<i32>} : memref<640x64xf32, #tpu.memory_space<vmem>>, vector<1x16xf32>,
        %get3A_1603 = vector.shape_cast %get3A_1602 : vector<1x16xf32> to vector<16xf32>
        %add3A_1604 = arith.addf %add3A_1578, %get3A_1603 : vector<16xf32>
        %get3A_1605 = arith.index_cast %add3A_1589 : i32 to index
        %get3A_1606 = arith.constant 48 : index
        %get3A_1607 = tpu.vector_load %arg14[%get3A_1605, %get3A_1606] {strides = array<i32>} : memref<640x64xf32, #tpu.memory_space<vmem>>, vector<1x16xf32>,
        %get3A_1608 = vector.shape_cast %get3A_1607 : vector<1x16xf32> to vector<16xf32>
        %add3A_1609 = arith.addf %add3A_1583, %get3A_1608 : vector<16xf32>
        %mul3A_1610 = arith.constant 20 : i32
        %mul3A_1611 = arith.muli %scan3A_1184, %mul3A_1610 : i32
        %add3A_1612 = arith.constant 0 : i32
        %add3A_1613 = arith.addi %add3A_1612, %mul3A_1611 : i32
        %add3A_1614 = arith.constant 14 : i32
        %add3A_1615 = arith.addi %add3A_1613, %add3A_1614 : i32
        %get3A_1616 = arith.index_cast %add3A_1615 : i32 to index
        %get3A_1617 = arith.constant 0 : index
        %get3A_1618 = tpu.vector_load %arg14[%get3A_1616, %get3A_1617] {strides = array<i32>} : memref<640x64xf32, #tpu.memory_space<vmem>>, vector<1x16xf32>,
        %get3A_1619 = vector.shape_cast %get3A_1618 : vector<1x16xf32> to vector<16xf32>
        %add3A_1620 = arith.addf %add3A_1594, %get3A_1619 : vector<16xf32>
        %get3A_1621 = arith.index_cast %add3A_1615 : i32 to index
        %get3A_1622 = arith.constant 16 : index
        %get3A_1623 = tpu.vector_load %arg14[%get3A_1621, %get3A_1622] {strides = array<i32>} : memref<640x64xf32, #tpu.memory_space<vmem>>, vector<1x16xf32>,
        %get3A_1624 = vector.shape_cast %get3A_1623 : vector<1x16xf32> to vector<16xf32>
        %add3A_1625 = arith.addf %add3A_1599, %get3A_1624 : vector<16xf32>
        %get3A_1626 = arith.index_cast %add3A_1615 : i32 to index
        %get3A_1627 = arith.constant 32 : index
        %get3A_1628 = tpu.vector_load %arg14[%get3A_1626, %get3A_1627] {strides = array<i32>} : memref<640x64xf32, #tpu.memory_space<vmem>>, vector<1x16xf32>,
        %get3A_1629 = vector.shape_cast %get3A_1628 : vector<1x16xf32> to vector<16xf32>
        %add3A_1630 = arith.addf %add3A_1604, %get3A_1629 : vector<16xf32>
        %get3A_1631 = arith.index_cast %add3A_1615 : i32 to index
        %get3A_1632 = arith.constant 48 : index
        %get3A_1633 = tpu.vector_load %arg14[%get3A_1631, %get3A_1632] {strides = array<i32>} : memref<640x64xf32, #tpu.memory_space<vmem>>, vector<1x16xf32>,
        %get3A_1634 = vector.shape_cast %get3A_1633 : vector<1x16xf32> to vector<16xf32>
        %add3A_1635 = arith.addf %add3A_1609, %get3A_1634 : vector<16xf32>
        %mul3A_1636 = arith.constant 20 : i32
        %mul3A_1637 = arith.muli %scan3A_1184, %mul3A_1636 : i32
        %add3A_1638 = arith.constant 0 : i32
        %add3A_1639 = arith.addi %add3A_1638, %mul3A_1637 : i32
        %add3A_1640 = arith.constant 15 : i32
        %add3A_1641 = arith.addi %add3A_1639, %add3A_1640 : i32
        %get3A_1642 = arith.index_cast %add3A_1641 : i32 to index
        %get3A_1643 = arith.constant 0 : index
        %get3A_1644 = tpu.vector_load %arg14[%get3A_1642, %get3A_1643] {strides = array<i32>} : memref<640x64xf32, #tpu.memory_space<vmem>>, vector<1x16xf32>,
        %get3A_1645 = vector.shape_cast %get3A_1644 : vector<1x16xf32> to vector<16xf32>
        %add3A_1646 = arith.addf %add3A_1620, %get3A_1645 : vector<16xf32>
        %get3A_1647 = arith.index_cast %add3A_1641 : i32 to index
        %get3A_1648 = arith.constant 16 : index
        %get3A_1649 = tpu.vector_load %arg14[%get3A_1647, %get3A_1648] {strides = array<i32>} : memref<640x64xf32, #tpu.memory_space<vmem>>, vector<1x16xf32>,
        %get3A_1650 = vector.shape_cast %get3A_1649 : vector<1x16xf32> to vector<16xf32>
        %add3A_1651 = arith.addf %add3A_1625, %get3A_1650 : vector<16xf32>
        %get3A_1652 = arith.index_cast %add3A_1641 : i32 to index
        %get3A_1653 = arith.constant 32 : index
        %get3A_1654 = tpu.vector_load %arg14[%get3A_1652, %get3A_1653] {strides = array<i32>} : memref<640x64xf32, #tpu.memory_space<vmem>>, vector<1x16xf32>,
        %get3A_1655 = vector.shape_cast %get3A_1654 : vector<1x16xf32> to vector<16xf32>
        %add3A_1656 = arith.addf %add3A_1630, %get3A_1655 : vector<16xf32>
        %get3A_1657 = arith.index_cast %add3A_1641 : i32 to index
        %get3A_1658 = arith.constant 48 : index
        %get3A_1659 = tpu.vector_load %arg14[%get3A_1657, %get3A_1658] {strides = array<i32>} : memref<640x64xf32, #tpu.memory_space<vmem>>, vector<1x16xf32>,
        %get3A_1660 = vector.shape_cast %get3A_1659 : vector<1x16xf32> to vector<16xf32>
        %add3A_1661 = arith.addf %add3A_1635, %get3A_1660 : vector<16xf32>
        %mul3A_1662 = arith.constant 20 : i32
        %mul3A_1663 = arith.muli %scan3A_1184, %mul3A_1662 : i32
        %add3A_1664 = arith.constant 0 : i32
        %add3A_1665 = arith.addi %add3A_1664, %mul3A_1663 : i32
        %add3A_1666 = arith.constant 16 : i32
        %add3A_1667 = arith.addi %add3A_1665, %add3A_1666 : i32
        %get3A_1668 = arith.index_cast %add3A_1667 : i32 to index
        %get3A_1669 = arith.constant 0 : index
        %get3A_1670 = tpu.vector_load %arg14[%get3A_1668, %get3A_1669] {strides = array<i32>} : memref<640x64xf32, #tpu.memory_space<vmem>>, vector<1x16xf32>,
        %get3A_1671 = vector.shape_cast %get3A_1670 : vector<1x16xf32> to vector<16xf32>
        %add3A_1672 = arith.addf %add3A_1646, %get3A_1671 : vector<16xf32>
        %get3A_1673 = arith.index_cast %add3A_1667 : i32 to index
        %get3A_1674 = arith.constant 16 : index
        %get3A_1675 = tpu.vector_load %arg14[%get3A_1673, %get3A_1674] {strides = array<i32>} : memref<640x64xf32, #tpu.memory_space<vmem>>, vector<1x16xf32>,
        %get3A_1676 = vector.shape_cast %get3A_1675 : vector<1x16xf32> to vector<16xf32>
        %add3A_1677 = arith.addf %add3A_1651, %get3A_1676 : vector<16xf32>
        %get3A_1678 = arith.index_cast %add3A_1667 : i32 to index
        %get3A_1679 = arith.constant 32 : index
        %get3A_1680 = tpu.vector_load %arg14[%get3A_1678, %get3A_1679] {strides = array<i32>} : memref<640x64xf32, #tpu.memory_space<vmem>>, vector<1x16xf32>,
        %get3A_1681 = vector.shape_cast %get3A_1680 : vector<1x16xf32> to vector<16xf32>
        %add3A_1682 = arith.addf %add3A_1656, %get3A_1681 : vector<16xf32>
        %get3A_1683 = arith.index_cast %add3A_1667 : i32 to index
        %get3A_1684 = arith.constant 48 : index
        %get3A_1685 = tpu.vector_load %arg14[%get3A_1683, %get3A_1684] {strides = array<i32>} : memref<640x64xf32, #tpu.memory_space<vmem>>, vector<1x16xf32>,
        %get3A_1686 = vector.shape_cast %get3A_1685 : vector<1x16xf32> to vector<16xf32>
        %add3A_1687 = arith.addf %add3A_1661, %get3A_1686 : vector<16xf32>
        %mul3A_1688 = arith.constant 20 : i32
        %mul3A_1689 = arith.muli %scan3A_1184, %mul3A_1688 : i32
        %add3A_1690 = arith.constant 0 : i32
        %add3A_1691 = arith.addi %add3A_1690, %mul3A_1689 : i32
        %add3A_1692 = arith.constant 17 : i32
        %add3A_1693 = arith.addi %add3A_1691, %add3A_1692 : i32
        %get3A_1694 = arith.index_cast %add3A_1693 : i32 to index
        %get3A_1695 = arith.constant 0 : index
        %get3A_1696 = tpu.vector_load %arg14[%get3A_1694, %get3A_1695] {strides = array<i32>} : memref<640x64xf32, #tpu.memory_space<vmem>>, vector<1x16xf32>,
        %get3A_1697 = vector.shape_cast %get3A_1696 : vector<1x16xf32> to vector<16xf32>
        %add3A_1698 = arith.addf %add3A_1672, %get3A_1697 : vector<16xf32>
        %get3A_1699 = arith.index_cast %add3A_1693 : i32 to index
        %get3A_1700 = arith.constant 16 : index
        %get3A_1701 = tpu.vector_load %arg14[%get3A_1699, %get3A_1700] {strides = array<i32>} : memref<640x64xf32, #tpu.memory_space<vmem>>, vector<1x16xf32>,
        %get3A_1702 = vector.shape_cast %get3A_1701 : vector<1x16xf32> to vector<16xf32>
        %add3A_1703 = arith.addf %add3A_1677, %get3A_1702 : vector<16xf32>
        %get3A_1704 = arith.index_cast %add3A_1693 : i32 to index
        %get3A_1705 = arith.constant 32 : index
        %get3A_1706 = tpu.vector_load %arg14[%get3A_1704, %get3A_1705] {strides = array<i32>} : memref<640x64xf32, #tpu.memory_space<vmem>>, vector<1x16xf32>,
        %get3A_1707 = vector.shape_cast %get3A_1706 : vector<1x16xf32> to vector<16xf32>
        %add3A_1708 = arith.addf %add3A_1682, %get3A_1707 : vector<16xf32>
        %get3A_1709 = arith.index_cast %add3A_1693 : i32 to index
        %get3A_1710 = arith.constant 48 : index
        %get3A_1711 = tpu.vector_load %arg14[%get3A_1709, %get3A_1710] {strides = array<i32>} : memref<640x64xf32, #tpu.memory_space<vmem>>, vector<1x16xf32>,
        %get3A_1712 = vector.shape_cast %get3A_1711 : vector<1x16xf32> to vector<16xf32>
        %add3A_1713 = arith.addf %add3A_1687, %get3A_1712 : vector<16xf32>
        %mul3A_1714 = arith.constant 20 : i32
        %mul3A_1715 = arith.muli %scan3A_1184, %mul3A_1714 : i32
        %add3A_1716 = arith.constant 0 : i32
        %add3A_1717 = arith.addi %add3A_1716, %mul3A_1715 : i32
        %add3A_1718 = arith.constant 18 : i32
        %add3A_1719 = arith.addi %add3A_1717, %add3A_1718 : i32
        %get3A_1720 = arith.index_cast %add3A_1719 : i32 to index
        %get3A_1721 = arith.constant 0 : index
        %get3A_1722 = tpu.vector_load %arg14[%get3A_1720, %get3A_1721] {strides = array<i32>} : memref<640x64xf32, #tpu.memory_space<vmem>>, vector<1x16xf32>,
        %get3A_1723 = vector.shape_cast %get3A_1722 : vector<1x16xf32> to vector<16xf32>
        %add3A_1724 = arith.addf %add3A_1698, %get3A_1723 : vector<16xf32>
        %get3A_1725 = arith.index_cast %add3A_1719 : i32 to index
        %get3A_1726 = arith.constant 16 : index
        %get3A_1727 = tpu.vector_load %arg14[%get3A_1725, %get3A_1726] {strides = array<i32>} : memref<640x64xf32, #tpu.memory_space<vmem>>, vector<1x16xf32>,
        %get3A_1728 = vector.shape_cast %get3A_1727 : vector<1x16xf32> to vector<16xf32>
        %add3A_1729 = arith.addf %add3A_1703, %get3A_1728 : vector<16xf32>
        %get3A_1730 = arith.index_cast %add3A_1719 : i32 to index
        %get3A_1731 = arith.constant 32 : index
        %get3A_1732 = tpu.vector_load %arg14[%get3A_1730, %get3A_1731] {strides = array<i32>} : memref<640x64xf32, #tpu.memory_space<vmem>>, vector<1x16xf32>,
        %get3A_1733 = vector.shape_cast %get3A_1732 : vector<1x16xf32> to vector<16xf32>
        %add3A_1734 = arith.addf %add3A_1708, %get3A_1733 : vector<16xf32>
        %get3A_1735 = arith.index_cast %add3A_1719 : i32 to index
        %get3A_1736 = arith.constant 48 : index
        %get3A_1737 = tpu.vector_load %arg14[%get3A_1735, %get3A_1736] {strides = array<i32>} : memref<640x64xf32, #tpu.memory_space<vmem>>, vector<1x16xf32>,
        %get3A_1738 = vector.shape_cast %get3A_1737 : vector<1x16xf32> to vector<16xf32>
        %add3A_1739 = arith.addf %add3A_1713, %get3A_1738 : vector<16xf32>
        %mul3A_1740 = arith.constant 20 : i32
        %mul3A_1741 = arith.muli %scan3A_1184, %mul3A_1740 : i32
        %add3A_1742 = arith.constant 0 : i32
        %add3A_1743 = arith.addi %add3A_1742, %mul3A_1741 : i32
        %add3A_1744 = arith.constant 19 : i32
        %add3A_1745 = arith.addi %add3A_1743, %add3A_1744 : i32
        %get3A_1746 = arith.index_cast %add3A_1745 : i32 to index
        %get3A_1747 = arith.constant 0 : index
        %get3A_1748 = tpu.vector_load %arg14[%get3A_1746, %get3A_1747] {strides = array<i32>} : memref<640x64xf32, #tpu.memory_space<vmem>>, vector<1x16xf32>,
        %get3A_1749 = vector.shape_cast %get3A_1748 : vector<1x16xf32> to vector<16xf32>
        %add3A_1750 = arith.addf %add3A_1724, %get3A_1749 : vector<16xf32>
        %get3A_1751 = arith.index_cast %add3A_1745 : i32 to index
        %get3A_1752 = arith.constant 16 : index
        %get3A_1753 = tpu.vector_load %arg14[%get3A_1751, %get3A_1752] {strides = array<i32>} : memref<640x64xf32, #tpu.memory_space<vmem>>, vector<1x16xf32>,
        %get3A_1754 = vector.shape_cast %get3A_1753 : vector<1x16xf32> to vector<16xf32>
        %add3A_1755 = arith.addf %add3A_1729, %get3A_1754 : vector<16xf32>
        %get3A_1756 = arith.index_cast %add3A_1745 : i32 to index
        %get3A_1757 = arith.constant 32 : index
        %get3A_1758 = tpu.vector_load %arg14[%get3A_1756, %get3A_1757] {strides = array<i32>} : memref<640x64xf32, #tpu.memory_space<vmem>>, vector<1x16xf32>,
        %get3A_1759 = vector.shape_cast %get3A_1758 : vector<1x16xf32> to vector<16xf32>
        %add3A_1760 = arith.addf %add3A_1734, %get3A_1759 : vector<16xf32>
        %get3A_1761 = arith.index_cast %add3A_1745 : i32 to index
        %get3A_1762 = arith.constant 48 : index
        %get3A_1763 = tpu.vector_load %arg14[%get3A_1761, %get3A_1762] {strides = array<i32>} : memref<640x64xf32, #tpu.memory_space<vmem>>, vector<1x16xf32>,
        %get3A_1764 = vector.shape_cast %get3A_1763 : vector<1x16xf32> to vector<16xf32>
        %add3A_1765 = arith.addf %add3A_1739, %get3A_1764 : vector<16xf32>
        %mul3A_1766 = arith.mulf %add3A_1750, %get3A_1190 : vector<16xf32>
        %mul3A_1767 = arith.mulf %add3A_1755, %get3A_1196 : vector<16xf32>
        %add3A_1768 = arith.addf %mul3A_1766, %mul3A_1767 : vector<16xf32>
        %mul3A_1769 = arith.mulf %add3A_1760, %get3A_1202 : vector<16xf32>
        %mul3A_1770 = arith.mulf %add3A_1765, %get3A_1208 : vector<16xf32>
        %add3A_1771 = arith.addf %mul3A_1769, %mul3A_1770 : vector<16xf32>
        %add3A_1772 = arith.addf %add3A_1768, %add3A_1771 : vector<16xf32>
        %add3A_1773 = arith.addi %mul3A_1129, %scan3A_1184 : i32
        %mul3A_1774 = arith.constant 16 : i32
        %mul3A_1775 = arith.muli %add3A_1773, %mul3A_1774 : i32
        %swap3A = arith.index_cast %mul3A_1775 : i32 to index
        %swap3A_1776 = tpu.vector_load %arg15[%swap3A] {strides = array<i32>} : memref<8192xf32, #tpu.memory_space<vmem>>, vector<16xf32>,
        %swap3A_1777 = vector.shape_cast %swap3A_1776 : vector<16xf32> to vector<16xf32>
        %swap3A_1778 = vector.shape_cast %add3A_1239 : vector<16xf32> to vector<16xf32>
        tpu.vector_store %arg15[%swap3A], %swap3A_1778 {strides = array<i32>} : memref<8192xf32, #tpu.memory_space<vmem>>, vector<16xf32>,
        %add3A_1779 = arith.addi %mul3A_1129, %scan3A_1184 : i32
        %mul3A_1780 = arith.constant 16 : i32
        %mul3A_1781 = arith.muli %add3A_1779, %mul3A_1780 : i32
        %swap3A_1782 = arith.index_cast %mul3A_1781 : i32 to index
        %swap3A_1783 = tpu.vector_load %arg16[%swap3A_1782] {strides = array<i32>} : memref<8192xf32, #tpu.memory_space<vmem>>, vector<16xf32>,
        %swap3A_1784 = vector.shape_cast %swap3A_1783 : vector<16xf32> to vector<16xf32>
        %swap3A_1785 = vector.shape_cast %add3A_1772 : vector<16xf32> to vector<16xf32>
        tpu.vector_store %arg16[%swap3A_1782], %swap3A_1785 {strides = array<i32>} : memref<8192xf32, #tpu.memory_space<vmem>>, vector<16xf32>,
      }
      %scan3A_1135 = arith.constant 16 : i32
      %lt3A = arith.constant 15 : i32
      %lt3A_1136 = arith.cmpi slt, %scan3A_548, %lt3A : i32
      %convert_element_type3A = arith.extui %lt3A_1136 : i1 to i32
      %cond3A = arith.constant 0 : i32
      %cond3A_1137 = arith.cmpi ne, %convert_element_type3A, %cond3A : i32
      scf.if %cond3A_1137 {
        %add3A_1184 = arith.constant 2 : i32
        %add3A_1185 = arith.addi %mul3A_550, %add3A_1184 : i32
        %mul3A_1186 = arith.constant 16 : i32
        %mul3A_1187 = arith.muli %add3A_1185, %mul3A_1186 : i32
        %scan3A_1188 = arith.constant 0 : i32
        %scan3A_1189 = arith.constant 0 : i32
        %mul3A_1190 = arith.constant 16 : i32
        %mul3A_1191 = arith.muli %scan3A_1189, %mul3A_1190 : i32
        %add3A_1192 = arith.addi %mul3A_1187, %mul3A_1191 : i32
        %get3A_1193 = arith.index_cast %add3A_1192 : i32 to index
        %get3A_1194 = tpu.vector_load %arg9[%get3A_1193] {strides = array<i32>} : memref<528xi32, #tpu.memory_space<vmem>>, vector<16xi32>,
        %get3A_1195 = vector.shape_cast %get3A_1194 : vector<16xi32> to vector<16xi32>
        %slice3A_1196 = vector.extract_strided_slice %get3A_1195 {offsets = [0], sizes = [1], strides = [1]} : vector<16xi32> to vector<1xi32>
        %squeeze3A_1197 = vector.extract %slice3A_1196[0] : i32 from vector<1xi32>
        %mul3A_1198 = arith.constant 16 : i32
        %mul3A_1199 = arith.muli %scan3A_1189, %mul3A_1198 : i32
        %add3A_1200 = arith.constant 0 : i32
        %add3A_1201 = arith.addi %add3A_1200, %mul3A_1199 : i32
        %add3A_1202 = arith.constant 0 : i32
        %add3A_1203 = arith.addi %add3A_1201, %add3A_1202 : i32
        %dma_start3A_1204 = arith.constant 0 : i32
        %dma_start3A_1205 = tpu.memref_slice %arg12[%add3A_1203, %dma_start3A_1204] : memref<32x64xf32, #tpu.memory_space<vmem>> -> memref<1x64xf32, #tpu.memory_space<vmem>>
        %dma_start3A_1206 = arith.constant 0 : i32
        %dma_start3A_1207 = tpu.memref_slice %arg5[%squeeze3A_1197, %dma_start3A_1206] : memref<1000000x64xf32, #tpu.memory_space<hbm>> -> memref<1x64xf32, #tpu.memory_space<hbm>>
        %dma_start3A_1208 = arith.constant 0 : i32
        %dma_start3A_1209 = tpu.memref_slice %arg12[%add3A_1203, %dma_start3A_1208] : memref<32x64xf32, #tpu.memory_space<vmem>> -> memref<1x64xf32, #tpu.memory_space<vmem>>
        %dma_start3A_1210 = arith.constant 0 : i32
        %dma_start3A_1211 = tpu.memref_slice %arg5[%squeeze3A_1197, %dma_start3A_1210] : memref<1000000x64xf32, #tpu.memory_space<hbm>> -> memref<1x64xf32, #tpu.memory_space<hbm>>
        tpu.enqueue_dma source(%dma_start3A_1211 : memref<1x64xf32, #tpu.memory_space<hbm>>) target(%dma_start3A_1209 : memref<1x64xf32, #tpu.memory_space<vmem>>) target_semaphore(%arg17 : memref<!tpu.dma_semaphore, #tpu.memory_space<semaphore_mem>>)
        %slice3A_1212 = vector.extract_strided_slice %get3A_1195 {offsets = [1], sizes = [1], strides = [1]} : vector<16xi32> to vector<1xi32>
        %squeeze3A_1213 = vector.extract %slice3A_1212[0] : i32 from vector<1xi32>
        %mul3A_1214 = arith.constant 16 : i32
        %mul3A_1215 = arith.muli %scan3A_1189, %mul3A_1214 : i32
        %add3A_1216 = arith.constant 0 : i32
        %add3A_1217 = arith.addi %add3A_1216, %mul3A_1215 : i32
        %add3A_1218 = arith.constant 1 : i32
        %add3A_1219 = arith.addi %add3A_1217, %add3A_1218 : i32
        %dma_start3A_1220 = arith.constant 0 : i32
        %dma_start3A_1221 = tpu.memref_slice %arg12[%add3A_1219, %dma_start3A_1220] : memref<32x64xf32, #tpu.memory_space<vmem>> -> memref<1x64xf32, #tpu.memory_space<vmem>>
        %dma_start3A_1222 = arith.constant 0 : i32
        %dma_start3A_1223 = tpu.memref_slice %arg5[%squeeze3A_1213, %dma_start3A_1222] : memref<1000000x64xf32, #tpu.memory_space<hbm>> -> memref<1x64xf32, #tpu.memory_space<hbm>>
        %dma_start3A_1224 = arith.constant 0 : i32
        %dma_start3A_1225 = tpu.memref_slice %arg12[%add3A_1219, %dma_start3A_1224] : memref<32x64xf32, #tpu.memory_space<vmem>> -> memref<1x64xf32, #tpu.memory_space<vmem>>
        %dma_start3A_1226 = arith.constant 0 : i32
        %dma_start3A_1227 = tpu.memref_slice %arg5[%squeeze3A_1213, %dma_start3A_1226] : memref<1000000x64xf32, #tpu.memory_space<hbm>> -> memref<1x64xf32, #tpu.memory_space<hbm>>
        tpu.enqueue_dma source(%dma_start3A_1227 : memref<1x64xf32, #tpu.memory_space<hbm>>) target(%dma_start3A_1225 : memref<1x64xf32, #tpu.memory_space<vmem>>) target_semaphore(%arg17 : memref<!tpu.dma_semaphore, #tpu.memory_space<semaphore_mem>>)
        %slice3A_1228 = vector.extract_strided_slice %get3A_1195 {offsets = [2], sizes = [1], strides = [1]} : vector<16xi32> to vector<1xi32>
        %squeeze3A_1229 = vector.extract %slice3A_1228[0] : i32 from vector<1xi32>
        %mul3A_1230 = arith.constant 16 : i32
        %mul3A_1231 = arith.muli %scan3A_1189, %mul3A_1230 : i32
        %add3A_1232 = arith.constant 0 : i32
        %add3A_1233 = arith.addi %add3A_1232, %mul3A_1231 : i32
        %add3A_1234 = arith.constant 2 : i32
        %add3A_1235 = arith.addi %add3A_1233, %add3A_1234 : i32
        %dma_start3A_1236 = arith.constant 0 : i32
        %dma_start3A_1237 = tpu.memref_slice %arg12[%add3A_1235, %dma_start3A_1236] : memref<32x64xf32, #tpu.memory_space<vmem>> -> memref<1x64xf32, #tpu.memory_space<vmem>>
        %dma_start3A_1238 = arith.constant 0 : i32
        %dma_start3A_1239 = tpu.memref_slice %arg5[%squeeze3A_1229, %dma_start3A_1238] : memref<1000000x64xf32, #tpu.memory_space<hbm>> -> memref<1x64xf32, #tpu.memory_space<hbm>>
        %dma_start3A_1240 = arith.constant 0 : i32
        %dma_start3A_1241 = tpu.memref_slice %arg12[%add3A_1235, %dma_start3A_1240] : memref<32x64xf32, #tpu.memory_space<vmem>> -> memref<1x64xf32, #tpu.memory_space<vmem>>
        %dma_start3A_1242 = arith.constant 0 : i32
        %dma_start3A_1243 = tpu.memref_slice %arg5[%squeeze3A_1229, %dma_start3A_1242] : memref<1000000x64xf32, #tpu.memory_space<hbm>> -> memref<1x64xf32, #tpu.memory_space<hbm>>
        tpu.enqueue_dma source(%dma_start3A_1243 : memref<1x64xf32, #tpu.memory_space<hbm>>) target(%dma_start3A_1241 : memref<1x64xf32, #tpu.memory_space<vmem>>) target_semaphore(%arg17 : memref<!tpu.dma_semaphore, #tpu.memory_space<semaphore_mem>>)
        %slice3A_1244 = vector.extract_strided_slice %get3A_1195 {offsets = [3], sizes = [1], strides = [1]} : vector<16xi32> to vector<1xi32>
        %squeeze3A_1245 = vector.extract %slice3A_1244[0] : i32 from vector<1xi32>
        %mul3A_1246 = arith.constant 16 : i32
        %mul3A_1247 = arith.muli %scan3A_1189, %mul3A_1246 : i32
        %add3A_1248 = arith.constant 0 : i32
        %add3A_1249 = arith.addi %add3A_1248, %mul3A_1247 : i32
        %add3A_1250 = arith.constant 3 : i32
        %add3A_1251 = arith.addi %add3A_1249, %add3A_1250 : i32
        %dma_start3A_1252 = arith.constant 0 : i32
        %dma_start3A_1253 = tpu.memref_slice %arg12[%add3A_1251, %dma_start3A_1252] : memref<32x64xf32, #tpu.memory_space<vmem>> -> memref<1x64xf32, #tpu.memory_space<vmem>>
        %dma_start3A_1254 = arith.constant 0 : i32
        %dma_start3A_1255 = tpu.memref_slice %arg5[%squeeze3A_1245, %dma_start3A_1254] : memref<1000000x64xf32, #tpu.memory_space<hbm>> -> memref<1x64xf32, #tpu.memory_space<hbm>>
        %dma_start3A_1256 = arith.constant 0 : i32
        %dma_start3A_1257 = tpu.memref_slice %arg12[%add3A_1251, %dma_start3A_1256] : memref<32x64xf32, #tpu.memory_space<vmem>> -> memref<1x64xf32, #tpu.memory_space<vmem>>
        %dma_start3A_1258 = arith.constant 0 : i32
        %dma_start3A_1259 = tpu.memref_slice %arg5[%squeeze3A_1245, %dma_start3A_1258] : memref<1000000x64xf32, #tpu.memory_space<hbm>> -> memref<1x64xf32, #tpu.memory_space<hbm>>
        tpu.enqueue_dma source(%dma_start3A_1259 : memref<1x64xf32, #tpu.memory_space<hbm>>) target(%dma_start3A_1257 : memref<1x64xf32, #tpu.memory_space<vmem>>) target_semaphore(%arg17 : memref<!tpu.dma_semaphore, #tpu.memory_space<semaphore_mem>>)
        %slice3A_1260 = vector.extract_strided_slice %get3A_1195 {offsets = [4], sizes = [1], strides = [1]} : vector<16xi32> to vector<1xi32>
        %squeeze3A_1261 = vector.extract %slice3A_1260[0] : i32 from vector<1xi32>
        %mul3A_1262 = arith.constant 16 : i32
        %mul3A_1263 = arith.muli %scan3A_1189, %mul3A_1262 : i32
        %add3A_1264 = arith.constant 0 : i32
        %add3A_1265 = arith.addi %add3A_1264, %mul3A_1263 : i32
        %add3A_1266 = arith.constant 4 : i32
        %add3A_1267 = arith.addi %add3A_1265, %add3A_1266 : i32
        %dma_start3A_1268 = arith.constant 0 : i32
        %dma_start3A_1269 = tpu.memref_slice %arg12[%add3A_1267, %dma_start3A_1268] : memref<32x64xf32, #tpu.memory_space<vmem>> -> memref<1x64xf32, #tpu.memory_space<vmem>>
        %dma_start3A_1270 = arith.constant 0 : i32
        %dma_start3A_1271 = tpu.memref_slice %arg5[%squeeze3A_1261, %dma_start3A_1270] : memref<1000000x64xf32, #tpu.memory_space<hbm>> -> memref<1x64xf32, #tpu.memory_space<hbm>>
        %dma_start3A_1272 = arith.constant 0 : i32
        %dma_start3A_1273 = tpu.memref_slice %arg12[%add3A_1267, %dma_start3A_1272] : memref<32x64xf32, #tpu.memory_space<vmem>> -> memref<1x64xf32, #tpu.memory_space<vmem>>
        %dma_start3A_1274 = arith.constant 0 : i32
        %dma_start3A_1275 = tpu.memref_slice %arg5[%squeeze3A_1261, %dma_start3A_1274] : memref<1000000x64xf32, #tpu.memory_space<hbm>> -> memref<1x64xf32, #tpu.memory_space<hbm>>
        tpu.enqueue_dma source(%dma_start3A_1275 : memref<1x64xf32, #tpu.memory_space<hbm>>) target(%dma_start3A_1273 : memref<1x64xf32, #tpu.memory_space<vmem>>) target_semaphore(%arg17 : memref<!tpu.dma_semaphore, #tpu.memory_space<semaphore_mem>>)
        %slice3A_1276 = vector.extract_strided_slice %get3A_1195 {offsets = [5], sizes = [1], strides = [1]} : vector<16xi32> to vector<1xi32>
        %squeeze3A_1277 = vector.extract %slice3A_1276[0] : i32 from vector<1xi32>
        %mul3A_1278 = arith.constant 16 : i32
        %mul3A_1279 = arith.muli %scan3A_1189, %mul3A_1278 : i32
        %add3A_1280 = arith.constant 0 : i32
        %add3A_1281 = arith.addi %add3A_1280, %mul3A_1279 : i32
        %add3A_1282 = arith.constant 5 : i32
        %add3A_1283 = arith.addi %add3A_1281, %add3A_1282 : i32
        %dma_start3A_1284 = arith.constant 0 : i32
        %dma_start3A_1285 = tpu.memref_slice %arg12[%add3A_1283, %dma_start3A_1284] : memref<32x64xf32, #tpu.memory_space<vmem>> -> memref<1x64xf32, #tpu.memory_space<vmem>>
        %dma_start3A_1286 = arith.constant 0 : i32
        %dma_start3A_1287 = tpu.memref_slice %arg5[%squeeze3A_1277, %dma_start3A_1286] : memref<1000000x64xf32, #tpu.memory_space<hbm>> -> memref<1x64xf32, #tpu.memory_space<hbm>>
        %dma_start3A_1288 = arith.constant 0 : i32
        %dma_start3A_1289 = tpu.memref_slice %arg12[%add3A_1283, %dma_start3A_1288] : memref<32x64xf32, #tpu.memory_space<vmem>> -> memref<1x64xf32, #tpu.memory_space<vmem>>
        %dma_start3A_1290 = arith.constant 0 : i32
        %dma_start3A_1291 = tpu.memref_slice %arg5[%squeeze3A_1277, %dma_start3A_1290] : memref<1000000x64xf32, #tpu.memory_space<hbm>> -> memref<1x64xf32, #tpu.memory_space<hbm>>
        tpu.enqueue_dma source(%dma_start3A_1291 : memref<1x64xf32, #tpu.memory_space<hbm>>) target(%dma_start3A_1289 : memref<1x64xf32, #tpu.memory_space<vmem>>) target_semaphore(%arg17 : memref<!tpu.dma_semaphore, #tpu.memory_space<semaphore_mem>>)
        %slice3A_1292 = vector.extract_strided_slice %get3A_1195 {offsets = [6], sizes = [1], strides = [1]} : vector<16xi32> to vector<1xi32>
        %squeeze3A_1293 = vector.extract %slice3A_1292[0] : i32 from vector<1xi32>
        %mul3A_1294 = arith.constant 16 : i32
        %mul3A_1295 = arith.muli %scan3A_1189, %mul3A_1294 : i32
        %add3A_1296 = arith.constant 0 : i32
        %add3A_1297 = arith.addi %add3A_1296, %mul3A_1295 : i32
        %add3A_1298 = arith.constant 6 : i32
        %add3A_1299 = arith.addi %add3A_1297, %add3A_1298 : i32
        %dma_start3A_1300 = arith.constant 0 : i32
        %dma_start3A_1301 = tpu.memref_slice %arg12[%add3A_1299, %dma_start3A_1300] : memref<32x64xf32, #tpu.memory_space<vmem>> -> memref<1x64xf32, #tpu.memory_space<vmem>>
        %dma_start3A_1302 = arith.constant 0 : i32
        %dma_start3A_1303 = tpu.memref_slice %arg5[%squeeze3A_1293, %dma_start3A_1302] : memref<1000000x64xf32, #tpu.memory_space<hbm>> -> memref<1x64xf32, #tpu.memory_space<hbm>>
        %dma_start3A_1304 = arith.constant 0 : i32
        %dma_start3A_1305 = tpu.memref_slice %arg12[%add3A_1299, %dma_start3A_1304] : memref<32x64xf32, #tpu.memory_space<vmem>> -> memref<1x64xf32, #tpu.memory_space<vmem>>
        %dma_start3A_1306 = arith.constant 0 : i32
        %dma_start3A_1307 = tpu.memref_slice %arg5[%squeeze3A_1293, %dma_start3A_1306] : memref<1000000x64xf32, #tpu.memory_space<hbm>> -> memref<1x64xf32, #tpu.memory_space<hbm>>
        tpu.enqueue_dma source(%dma_start3A_1307 : memref<1x64xf32, #tpu.memory_space<hbm>>) target(%dma_start3A_1305 : memref<1x64xf32, #tpu.memory_space<vmem>>) target_semaphore(%arg17 : memref<!tpu.dma_semaphore, #tpu.memory_space<semaphore_mem>>)
        %slice3A_1308 = vector.extract_strided_slice %get3A_1195 {offsets = [7], sizes = [1], strides = [1]} : vector<16xi32> to vector<1xi32>
        %squeeze3A_1309 = vector.extract %slice3A_1308[0] : i32 from vector<1xi32>
        %mul3A_1310 = arith.constant 16 : i32
        %mul3A_1311 = arith.muli %scan3A_1189, %mul3A_1310 : i32
        %add3A_1312 = arith.constant 0 : i32
        %add3A_1313 = arith.addi %add3A_1312, %mul3A_1311 : i32
        %add3A_1314 = arith.constant 7 : i32
        %add3A_1315 = arith.addi %add3A_1313, %add3A_1314 : i32
        %dma_start3A_1316 = arith.constant 0 : i32
        %dma_start3A_1317 = tpu.memref_slice %arg12[%add3A_1315, %dma_start3A_1316] : memref<32x64xf32, #tpu.memory_space<vmem>> -> memref<1x64xf32, #tpu.memory_space<vmem>>
        %dma_start3A_1318 = arith.constant 0 : i32
        %dma_start3A_1319 = tpu.memref_slice %arg5[%squeeze3A_1309, %dma_start3A_1318] : memref<1000000x64xf32, #tpu.memory_space<hbm>> -> memref<1x64xf32, #tpu.memory_space<hbm>>
        %dma_start3A_1320 = arith.constant 0 : i32
        %dma_start3A_1321 = tpu.memref_slice %arg12[%add3A_1315, %dma_start3A_1320] : memref<32x64xf32, #tpu.memory_space<vmem>> -> memref<1x64xf32, #tpu.memory_space<vmem>>
        %dma_start3A_1322 = arith.constant 0 : i32
        %dma_start3A_1323 = tpu.memref_slice %arg5[%squeeze3A_1309, %dma_start3A_1322] : memref<1000000x64xf32, #tpu.memory_space<hbm>> -> memref<1x64xf32, #tpu.memory_space<hbm>>
        tpu.enqueue_dma source(%dma_start3A_1323 : memref<1x64xf32, #tpu.memory_space<hbm>>) target(%dma_start3A_1321 : memref<1x64xf32, #tpu.memory_space<vmem>>) target_semaphore(%arg17 : memref<!tpu.dma_semaphore, #tpu.memory_space<semaphore_mem>>)
        %slice3A_1324 = vector.extract_strided_slice %get3A_1195 {offsets = [8], sizes = [1], strides = [1]} : vector<16xi32> to vector<1xi32>
        %squeeze3A_1325 = vector.extract %slice3A_1324[0] : i32 from vector<1xi32>
        %mul3A_1326 = arith.constant 16 : i32
        %mul3A_1327 = arith.muli %scan3A_1189, %mul3A_1326 : i32
        %add3A_1328 = arith.constant 0 : i32
        %add3A_1329 = arith.addi %add3A_1328, %mul3A_1327 : i32
        %add3A_1330 = arith.constant 8 : i32
        %add3A_1331 = arith.addi %add3A_1329, %add3A_1330 : i32
        %dma_start3A_1332 = arith.constant 0 : i32
        %dma_start3A_1333 = tpu.memref_slice %arg12[%add3A_1331, %dma_start3A_1332] : memref<32x64xf32, #tpu.memory_space<vmem>> -> memref<1x64xf32, #tpu.memory_space<vmem>>
        %dma_start3A_1334 = arith.constant 0 : i32
        %dma_start3A_1335 = tpu.memref_slice %arg5[%squeeze3A_1325, %dma_start3A_1334] : memref<1000000x64xf32, #tpu.memory_space<hbm>> -> memref<1x64xf32, #tpu.memory_space<hbm>>
        %dma_start3A_1336 = arith.constant 0 : i32
        %dma_start3A_1337 = tpu.memref_slice %arg12[%add3A_1331, %dma_start3A_1336] : memref<32x64xf32, #tpu.memory_space<vmem>> -> memref<1x64xf32, #tpu.memory_space<vmem>>
        %dma_start3A_1338 = arith.constant 0 : i32
        %dma_start3A_1339 = tpu.memref_slice %arg5[%squeeze3A_1325, %dma_start3A_1338] : memref<1000000x64xf32, #tpu.memory_space<hbm>> -> memref<1x64xf32, #tpu.memory_space<hbm>>
        tpu.enqueue_dma source(%dma_start3A_1339 : memref<1x64xf32, #tpu.memory_space<hbm>>) target(%dma_start3A_1337 : memref<1x64xf32, #tpu.memory_space<vmem>>) target_semaphore(%arg17 : memref<!tpu.dma_semaphore, #tpu.memory_space<semaphore_mem>>)
        %slice3A_1340 = vector.extract_strided_slice %get3A_1195 {offsets = [9], sizes = [1], strides = [1]} : vector<16xi32> to vector<1xi32>
        %squeeze3A_1341 = vector.extract %slice3A_1340[0] : i32 from vector<1xi32>
        %mul3A_1342 = arith.constant 16 : i32
        %mul3A_1343 = arith.muli %scan3A_1189, %mul3A_1342 : i32
        %add3A_1344 = arith.constant 0 : i32
        %add3A_1345 = arith.addi %add3A_1344, %mul3A_1343 : i32
        %add3A_1346 = arith.constant 9 : i32
        %add3A_1347 = arith.addi %add3A_1345, %add3A_1346 : i32
        %dma_start3A_1348 = arith.constant 0 : i32
        %dma_start3A_1349 = tpu.memref_slice %arg12[%add3A_1347, %dma_start3A_1348] : memref<32x64xf32, #tpu.memory_space<vmem>> -> memref<1x64xf32, #tpu.memory_space<vmem>>
        %dma_start3A_1350 = arith.constant 0 : i32
        %dma_start3A_1351 = tpu.memref_slice %arg5[%squeeze3A_1341, %dma_start3A_1350] : memref<1000000x64xf32, #tpu.memory_space<hbm>> -> memref<1x64xf32, #tpu.memory_space<hbm>>
        %dma_start3A_1352 = arith.constant 0 : i32
        %dma_start3A_1353 = tpu.memref_slice %arg12[%add3A_1347, %dma_start3A_1352] : memref<32x64xf32, #tpu.memory_space<vmem>> -> memref<1x64xf32, #tpu.memory_space<vmem>>
        %dma_start3A_1354 = arith.constant 0 : i32
        %dma_start3A_1355 = tpu.memref_slice %arg5[%squeeze3A_1341, %dma_start3A_1354] : memref<1000000x64xf32, #tpu.memory_space<hbm>> -> memref<1x64xf32, #tpu.memory_space<hbm>>
        tpu.enqueue_dma source(%dma_start3A_1355 : memref<1x64xf32, #tpu.memory_space<hbm>>) target(%dma_start3A_1353 : memref<1x64xf32, #tpu.memory_space<vmem>>) target_semaphore(%arg17 : memref<!tpu.dma_semaphore, #tpu.memory_space<semaphore_mem>>)
        %slice3A_1356 = vector.extract_strided_slice %get3A_1195 {offsets = [10], sizes = [1], strides = [1]} : vector<16xi32> to vector<1xi32>
        %squeeze3A_1357 = vector.extract %slice3A_1356[0] : i32 from vector<1xi32>
        %mul3A_1358 = arith.constant 16 : i32
        %mul3A_1359 = arith.muli %scan3A_1189, %mul3A_1358 : i32
        %add3A_1360 = arith.constant 0 : i32
        %add3A_1361 = arith.addi %add3A_1360, %mul3A_1359 : i32
        %add3A_1362 = arith.constant 10 : i32
        %add3A_1363 = arith.addi %add3A_1361, %add3A_1362 : i32
        %dma_start3A_1364 = arith.constant 0 : i32
        %dma_start3A_1365 = tpu.memref_slice %arg12[%add3A_1363, %dma_start3A_1364] : memref<32x64xf32, #tpu.memory_space<vmem>> -> memref<1x64xf32, #tpu.memory_space<vmem>>
        %dma_start3A_1366 = arith.constant 0 : i32
        %dma_start3A_1367 = tpu.memref_slice %arg5[%squeeze3A_1357, %dma_start3A_1366] : memref<1000000x64xf32, #tpu.memory_space<hbm>> -> memref<1x64xf32, #tpu.memory_space<hbm>>
        %dma_start3A_1368 = arith.constant 0 : i32
        %dma_start3A_1369 = tpu.memref_slice %arg12[%add3A_1363, %dma_start3A_1368] : memref<32x64xf32, #tpu.memory_space<vmem>> -> memref<1x64xf32, #tpu.memory_space<vmem>>
        %dma_start3A_1370 = arith.constant 0 : i32
        %dma_start3A_1371 = tpu.memref_slice %arg5[%squeeze3A_1357, %dma_start3A_1370] : memref<1000000x64xf32, #tpu.memory_space<hbm>> -> memref<1x64xf32, #tpu.memory_space<hbm>>
        tpu.enqueue_dma source(%dma_start3A_1371 : memref<1x64xf32, #tpu.memory_space<hbm>>) target(%dma_start3A_1369 : memref<1x64xf32, #tpu.memory_space<vmem>>) target_semaphore(%arg17 : memref<!tpu.dma_semaphore, #tpu.memory_space<semaphore_mem>>)
        %slice3A_1372 = vector.extract_strided_slice %get3A_1195 {offsets = [11], sizes = [1], strides = [1]} : vector<16xi32> to vector<1xi32>
        %squeeze3A_1373 = vector.extract %slice3A_1372[0] : i32 from vector<1xi32>
        %mul3A_1374 = arith.constant 16 : i32
        %mul3A_1375 = arith.muli %scan3A_1189, %mul3A_1374 : i32
        %add3A_1376 = arith.constant 0 : i32
        %add3A_1377 = arith.addi %add3A_1376, %mul3A_1375 : i32
        %add3A_1378 = arith.constant 11 : i32
        %add3A_1379 = arith.addi %add3A_1377, %add3A_1378 : i32
        %dma_start3A_1380 = arith.constant 0 : i32
        %dma_start3A_1381 = tpu.memref_slice %arg12[%add3A_1379, %dma_start3A_1380] : memref<32x64xf32, #tpu.memory_space<vmem>> -> memref<1x64xf32, #tpu.memory_space<vmem>>
        %dma_start3A_1382 = arith.constant 0 : i32
        %dma_start3A_1383 = tpu.memref_slice %arg5[%squeeze3A_1373, %dma_start3A_1382] : memref<1000000x64xf32, #tpu.memory_space<hbm>> -> memref<1x64xf32, #tpu.memory_space<hbm>>
        %dma_start3A_1384 = arith.constant 0 : i32
        %dma_start3A_1385 = tpu.memref_slice %arg12[%add3A_1379, %dma_start3A_1384] : memref<32x64xf32, #tpu.memory_space<vmem>> -> memref<1x64xf32, #tpu.memory_space<vmem>>
        %dma_start3A_1386 = arith.constant 0 : i32
        %dma_start3A_1387 = tpu.memref_slice %arg5[%squeeze3A_1373, %dma_start3A_1386] : memref<1000000x64xf32, #tpu.memory_space<hbm>> -> memref<1x64xf32, #tpu.memory_space<hbm>>
        tpu.enqueue_dma source(%dma_start3A_1387 : memref<1x64xf32, #tpu.memory_space<hbm>>) target(%dma_start3A_1385 : memref<1x64xf32, #tpu.memory_space<vmem>>) target_semaphore(%arg17 : memref<!tpu.dma_semaphore, #tpu.memory_space<semaphore_mem>>)
        %slice3A_1388 = vector.extract_strided_slice %get3A_1195 {offsets = [12], sizes = [1], strides = [1]} : vector<16xi32> to vector<1xi32>
        %squeeze3A_1389 = vector.extract %slice3A_1388[0] : i32 from vector<1xi32>
        %mul3A_1390 = arith.constant 16 : i32
        %mul3A_1391 = arith.muli %scan3A_1189, %mul3A_1390 : i32
        %add3A_1392 = arith.constant 0 : i32
        %add3A_1393 = arith.addi %add3A_1392, %mul3A_1391 : i32
        %add3A_1394 = arith.constant 12 : i32
        %add3A_1395 = arith.addi %add3A_1393, %add3A_1394 : i32
        %dma_start3A_1396 = arith.constant 0 : i32
        %dma_start3A_1397 = tpu.memref_slice %arg12[%add3A_1395, %dma_start3A_1396] : memref<32x64xf32, #tpu.memory_space<vmem>> -> memref<1x64xf32, #tpu.memory_space<vmem>>
        %dma_start3A_1398 = arith.constant 0 : i32
        %dma_start3A_1399 = tpu.memref_slice %arg5[%squeeze3A_1389, %dma_start3A_1398] : memref<1000000x64xf32, #tpu.memory_space<hbm>> -> memref<1x64xf32, #tpu.memory_space<hbm>>
        %dma_start3A_1400 = arith.constant 0 : i32
        %dma_start3A_1401 = tpu.memref_slice %arg12[%add3A_1395, %dma_start3A_1400] : memref<32x64xf32, #tpu.memory_space<vmem>> -> memref<1x64xf32, #tpu.memory_space<vmem>>
        %dma_start3A_1402 = arith.constant 0 : i32
        %dma_start3A_1403 = tpu.memref_slice %arg5[%squeeze3A_1389, %dma_start3A_1402] : memref<1000000x64xf32, #tpu.memory_space<hbm>> -> memref<1x64xf32, #tpu.memory_space<hbm>>
        tpu.enqueue_dma source(%dma_start3A_1403 : memref<1x64xf32, #tpu.memory_space<hbm>>) target(%dma_start3A_1401 : memref<1x64xf32, #tpu.memory_space<vmem>>) target_semaphore(%arg17 : memref<!tpu.dma_semaphore, #tpu.memory_space<semaphore_mem>>)
        %slice3A_1404 = vector.extract_strided_slice %get3A_1195 {offsets = [13], sizes = [1], strides = [1]} : vector<16xi32> to vector<1xi32>
        %squeeze3A_1405 = vector.extract %slice3A_1404[0] : i32 from vector<1xi32>
        %mul3A_1406 = arith.constant 16 : i32
        %mul3A_1407 = arith.muli %scan3A_1189, %mul3A_1406 : i32
        %add3A_1408 = arith.constant 0 : i32
        %add3A_1409 = arith.addi %add3A_1408, %mul3A_1407 : i32
        %add3A_1410 = arith.constant 13 : i32
        %add3A_1411 = arith.addi %add3A_1409, %add3A_1410 : i32
        %dma_start3A_1412 = arith.constant 0 : i32
        %dma_start3A_1413 = tpu.memref_slice %arg12[%add3A_1411, %dma_start3A_1412] : memref<32x64xf32, #tpu.memory_space<vmem>> -> memref<1x64xf32, #tpu.memory_space<vmem>>
        %dma_start3A_1414 = arith.constant 0 : i32
        %dma_start3A_1415 = tpu.memref_slice %arg5[%squeeze3A_1405, %dma_start3A_1414] : memref<1000000x64xf32, #tpu.memory_space<hbm>> -> memref<1x64xf32, #tpu.memory_space<hbm>>
        %dma_start3A_1416 = arith.constant 0 : i32
        %dma_start3A_1417 = tpu.memref_slice %arg12[%add3A_1411, %dma_start3A_1416] : memref<32x64xf32, #tpu.memory_space<vmem>> -> memref<1x64xf32, #tpu.memory_space<vmem>>
        %dma_start3A_1418 = arith.constant 0 : i32
        %dma_start3A_1419 = tpu.memref_slice %arg5[%squeeze3A_1405, %dma_start3A_1418] : memref<1000000x64xf32, #tpu.memory_space<hbm>> -> memref<1x64xf32, #tpu.memory_space<hbm>>
        tpu.enqueue_dma source(%dma_start3A_1419 : memref<1x64xf32, #tpu.memory_space<hbm>>) target(%dma_start3A_1417 : memref<1x64xf32, #tpu.memory_space<vmem>>) target_semaphore(%arg17 : memref<!tpu.dma_semaphore, #tpu.memory_space<semaphore_mem>>)
        %slice3A_1420 = vector.extract_strided_slice %get3A_1195 {offsets = [14], sizes = [1], strides = [1]} : vector<16xi32> to vector<1xi32>
        %squeeze3A_1421 = vector.extract %slice3A_1420[0] : i32 from vector<1xi32>
        %mul3A_1422 = arith.constant 16 : i32
        %mul3A_1423 = arith.muli %scan3A_1189, %mul3A_1422 : i32
        %add3A_1424 = arith.constant 0 : i32
        %add3A_1425 = arith.addi %add3A_1424, %mul3A_1423 : i32
        %add3A_1426 = arith.constant 14 : i32
        %add3A_1427 = arith.addi %add3A_1425, %add3A_1426 : i32
        %dma_start3A_1428 = arith.constant 0 : i32
        %dma_start3A_1429 = tpu.memref_slice %arg12[%add3A_1427, %dma_start3A_1428] : memref<32x64xf32, #tpu.memory_space<vmem>> -> memref<1x64xf32, #tpu.memory_space<vmem>>
        %dma_start3A_1430 = arith.constant 0 : i32
        %dma_start3A_1431 = tpu.memref_slice %arg5[%squeeze3A_1421, %dma_start3A_1430] : memref<1000000x64xf32, #tpu.memory_space<hbm>> -> memref<1x64xf32, #tpu.memory_space<hbm>>
        %dma_start3A_1432 = arith.constant 0 : i32
        %dma_start3A_1433 = tpu.memref_slice %arg12[%add3A_1427, %dma_start3A_1432] : memref<32x64xf32, #tpu.memory_space<vmem>> -> memref<1x64xf32, #tpu.memory_space<vmem>>
        %dma_start3A_1434 = arith.constant 0 : i32
        %dma_start3A_1435 = tpu.memref_slice %arg5[%squeeze3A_1421, %dma_start3A_1434] : memref<1000000x64xf32, #tpu.memory_space<hbm>> -> memref<1x64xf32, #tpu.memory_space<hbm>>
        tpu.enqueue_dma source(%dma_start3A_1435 : memref<1x64xf32, #tpu.memory_space<hbm>>) target(%dma_start3A_1433 : memref<1x64xf32, #tpu.memory_space<vmem>>) target_semaphore(%arg17 : memref<!tpu.dma_semaphore, #tpu.memory_space<semaphore_mem>>)
        %slice3A_1436 = vector.extract_strided_slice %get3A_1195 {offsets = [15], sizes = [1], strides = [1]} : vector<16xi32> to vector<1xi32>
        %squeeze3A_1437 = vector.extract %slice3A_1436[0] : i32 from vector<1xi32>
        %mul3A_1438 = arith.constant 16 : i32
        %mul3A_1439 = arith.muli %scan3A_1189, %mul3A_1438 : i32
        %add3A_1440 = arith.constant 0 : i32
        %add3A_1441 = arith.addi %add3A_1440, %mul3A_1439 : i32
        %add3A_1442 = arith.constant 15 : i32
        %add3A_1443 = arith.addi %add3A_1441, %add3A_1442 : i32
        %dma_start3A_1444 = arith.constant 0 : i32
        %dma_start3A_1445 = tpu.memref_slice %arg12[%add3A_1443, %dma_start3A_1444] : memref<32x64xf32, #tpu.memory_space<vmem>> -> memref<1x64xf32, #tpu.memory_space<vmem>>
        %dma_start3A_1446 = arith.constant 0 : i32
        %dma_start3A_1447 = tpu.memref_slice %arg5[%squeeze3A_1437, %dma_start3A_1446] : memref<1000000x64xf32, #tpu.memory_space<hbm>> -> memref<1x64xf32, #tpu.memory_space<hbm>>
        %dma_start3A_1448 = arith.constant 0 : i32
        %dma_start3A_1449 = tpu.memref_slice %arg12[%add3A_1443, %dma_start3A_1448] : memref<32x64xf32, #tpu.memory_space<vmem>> -> memref<1x64xf32, #tpu.memory_space<vmem>>
        %dma_start3A_1450 = arith.constant 0 : i32
        %dma_start3A_1451 = tpu.memref_slice %arg5[%squeeze3A_1437, %dma_start3A_1450] : memref<1000000x64xf32, #tpu.memory_space<hbm>> -> memref<1x64xf32, #tpu.memory_space<hbm>>
        tpu.enqueue_dma source(%dma_start3A_1451 : memref<1x64xf32, #tpu.memory_space<hbm>>) target(%dma_start3A_1449 : memref<1x64xf32, #tpu.memory_space<vmem>>) target_semaphore(%arg17 : memref<!tpu.dma_semaphore, #tpu.memory_space<semaphore_mem>>)
        %scan3A_1452 = arith.constant 1 : i32
        %scan3A_1453 = arith.constant 0 : i32
        %scan3A_1454 = arith.constant 0 : i32
        %mul3A_1455 = arith.constant 16 : i32
        %mul3A_1456 = arith.muli %scan3A_1454, %mul3A_1455 : i32
        %add3A_1457 = arith.addi %mul3A_1187, %mul3A_1456 : i32
        %get3A_1458 = arith.index_cast %add3A_1457 : i32 to index
        %get3A_1459 = tpu.vector_load %arg10[%get3A_1458] {strides = array<i32>} : memref<528xi32, #tpu.memory_space<vmem>>, vector<16xi32>,
        %get3A_1460 = vector.shape_cast %get3A_1459 : vector<16xi32> to vector<16xi32>
        %slice3A_1461 = vector.extract_strided_slice %get3A_1460 {offsets = [0], sizes = [1], strides = [1]} : vector<16xi32> to vector<1xi32>
        %squeeze3A_1462 = vector.extract %slice3A_1461[0] : i32 from vector<1xi32>
        %mul3A_1463 = arith.constant 16 : i32
        %mul3A_1464 = arith.muli %scan3A_1454, %mul3A_1463 : i32
        %add3A_1465 = arith.constant 0 : i32
        %add3A_1466 = arith.addi %add3A_1465, %mul3A_1464 : i32
        %add3A_1467 = arith.constant 0 : i32
        %add3A_1468 = arith.addi %add3A_1466, %add3A_1467 : i32
        %dma_start3A_1469 = arith.constant 0 : i32
        %dma_start3A_1470 = tpu.memref_slice %arg13[%add3A_1468, %dma_start3A_1469] : memref<32x64xf32, #tpu.memory_space<vmem>> -> memref<1x64xf32, #tpu.memory_space<vmem>>
        %dma_start3A_1471 = arith.constant 0 : i32
        %dma_start3A_1472 = tpu.memref_slice %arg6[%squeeze3A_1462, %dma_start3A_1471] : memref<1000000x64xf32, #tpu.memory_space<hbm>> -> memref<1x64xf32, #tpu.memory_space<hbm>>
        %dma_start3A_1473 = arith.constant 0 : i32
        %dma_start3A_1474 = tpu.memref_slice %arg13[%add3A_1468, %dma_start3A_1473] : memref<32x64xf32, #tpu.memory_space<vmem>> -> memref<1x64xf32, #tpu.memory_space<vmem>>
        %dma_start3A_1475 = arith.constant 0 : i32
        %dma_start3A_1476 = tpu.memref_slice %arg6[%squeeze3A_1462, %dma_start3A_1475] : memref<1000000x64xf32, #tpu.memory_space<hbm>> -> memref<1x64xf32, #tpu.memory_space<hbm>>
        tpu.enqueue_dma source(%dma_start3A_1476 : memref<1x64xf32, #tpu.memory_space<hbm>>) target(%dma_start3A_1474 : memref<1x64xf32, #tpu.memory_space<vmem>>) target_semaphore(%arg17 : memref<!tpu.dma_semaphore, #tpu.memory_space<semaphore_mem>>)
        %slice3A_1477 = vector.extract_strided_slice %get3A_1460 {offsets = [1], sizes = [1], strides = [1]} : vector<16xi32> to vector<1xi32>
        %squeeze3A_1478 = vector.extract %slice3A_1477[0] : i32 from vector<1xi32>
        %mul3A_1479 = arith.constant 16 : i32
        %mul3A_1480 = arith.muli %scan3A_1454, %mul3A_1479 : i32
        %add3A_1481 = arith.constant 0 : i32
        %add3A_1482 = arith.addi %add3A_1481, %mul3A_1480 : i32
        %add3A_1483 = arith.constant 1 : i32
        %add3A_1484 = arith.addi %add3A_1482, %add3A_1483 : i32
        %dma_start3A_1485 = arith.constant 0 : i32
        %dma_start3A_1486 = tpu.memref_slice %arg13[%add3A_1484, %dma_start3A_1485] : memref<32x64xf32, #tpu.memory_space<vmem>> -> memref<1x64xf32, #tpu.memory_space<vmem>>
        %dma_start3A_1487 = arith.constant 0 : i32
        %dma_start3A_1488 = tpu.memref_slice %arg6[%squeeze3A_1478, %dma_start3A_1487] : memref<1000000x64xf32, #tpu.memory_space<hbm>> -> memref<1x64xf32, #tpu.memory_space<hbm>>
        %dma_start3A_1489 = arith.constant 0 : i32
        %dma_start3A_1490 = tpu.memref_slice %arg13[%add3A_1484, %dma_start3A_1489] : memref<32x64xf32, #tpu.memory_space<vmem>> -> memref<1x64xf32, #tpu.memory_space<vmem>>
        %dma_start3A_1491 = arith.constant 0 : i32
        %dma_start3A_1492 = tpu.memref_slice %arg6[%squeeze3A_1478, %dma_start3A_1491] : memref<1000000x64xf32, #tpu.memory_space<hbm>> -> memref<1x64xf32, #tpu.memory_space<hbm>>
        tpu.enqueue_dma source(%dma_start3A_1492 : memref<1x64xf32, #tpu.memory_space<hbm>>) target(%dma_start3A_1490 : memref<1x64xf32, #tpu.memory_space<vmem>>) target_semaphore(%arg17 : memref<!tpu.dma_semaphore, #tpu.memory_space<semaphore_mem>>)
        %slice3A_1493 = vector.extract_strided_slice %get3A_1460 {offsets = [2], sizes = [1], strides = [1]} : vector<16xi32> to vector<1xi32>
        %squeeze3A_1494 = vector.extract %slice3A_1493[0] : i32 from vector<1xi32>
        %mul3A_1495 = arith.constant 16 : i32
        %mul3A_1496 = arith.muli %scan3A_1454, %mul3A_1495 : i32
        %add3A_1497 = arith.constant 0 : i32
        %add3A_1498 = arith.addi %add3A_1497, %mul3A_1496 : i32
        %add3A_1499 = arith.constant 2 : i32
        %add3A_1500 = arith.addi %add3A_1498, %add3A_1499 : i32
        %dma_start3A_1501 = arith.constant 0 : i32
        %dma_start3A_1502 = tpu.memref_slice %arg13[%add3A_1500, %dma_start3A_1501] : memref<32x64xf32, #tpu.memory_space<vmem>> -> memref<1x64xf32, #tpu.memory_space<vmem>>
        %dma_start3A_1503 = arith.constant 0 : i32
        %dma_start3A_1504 = tpu.memref_slice %arg6[%squeeze3A_1494, %dma_start3A_1503] : memref<1000000x64xf32, #tpu.memory_space<hbm>> -> memref<1x64xf32, #tpu.memory_space<hbm>>
        %dma_start3A_1505 = arith.constant 0 : i32
        %dma_start3A_1506 = tpu.memref_slice %arg13[%add3A_1500, %dma_start3A_1505] : memref<32x64xf32, #tpu.memory_space<vmem>> -> memref<1x64xf32, #tpu.memory_space<vmem>>
        %dma_start3A_1507 = arith.constant 0 : i32
        %dma_start3A_1508 = tpu.memref_slice %arg6[%squeeze3A_1494, %dma_start3A_1507] : memref<1000000x64xf32, #tpu.memory_space<hbm>> -> memref<1x64xf32, #tpu.memory_space<hbm>>
        tpu.enqueue_dma source(%dma_start3A_1508 : memref<1x64xf32, #tpu.memory_space<hbm>>) target(%dma_start3A_1506 : memref<1x64xf32, #tpu.memory_space<vmem>>) target_semaphore(%arg17 : memref<!tpu.dma_semaphore, #tpu.memory_space<semaphore_mem>>)
        %slice3A_1509 = vector.extract_strided_slice %get3A_1460 {offsets = [3], sizes = [1], strides = [1]} : vector<16xi32> to vector<1xi32>
        %squeeze3A_1510 = vector.extract %slice3A_1509[0] : i32 from vector<1xi32>
        %mul3A_1511 = arith.constant 16 : i32
        %mul3A_1512 = arith.muli %scan3A_1454, %mul3A_1511 : i32
        %add3A_1513 = arith.constant 0 : i32
        %add3A_1514 = arith.addi %add3A_1513, %mul3A_1512 : i32
        %add3A_1515 = arith.constant 3 : i32
        %add3A_1516 = arith.addi %add3A_1514, %add3A_1515 : i32
        %dma_start3A_1517 = arith.constant 0 : i32
        %dma_start3A_1518 = tpu.memref_slice %arg13[%add3A_1516, %dma_start3A_1517] : memref<32x64xf32, #tpu.memory_space<vmem>> -> memref<1x64xf32, #tpu.memory_space<vmem>>
        %dma_start3A_1519 = arith.constant 0 : i32
        %dma_start3A_1520 = tpu.memref_slice %arg6[%squeeze3A_1510, %dma_start3A_1519] : memref<1000000x64xf32, #tpu.memory_space<hbm>> -> memref<1x64xf32, #tpu.memory_space<hbm>>
        %dma_start3A_1521 = arith.constant 0 : i32
        %dma_start3A_1522 = tpu.memref_slice %arg13[%add3A_1516, %dma_start3A_1521] : memref<32x64xf32, #tpu.memory_space<vmem>> -> memref<1x64xf32, #tpu.memory_space<vmem>>
        %dma_start3A_1523 = arith.constant 0 : i32
        %dma_start3A_1524 = tpu.memref_slice %arg6[%squeeze3A_1510, %dma_start3A_1523] : memref<1000000x64xf32, #tpu.memory_space<hbm>> -> memref<1x64xf32, #tpu.memory_space<hbm>>
        tpu.enqueue_dma source(%dma_start3A_1524 : memref<1x64xf32, #tpu.memory_space<hbm>>) target(%dma_start3A_1522 : memref<1x64xf32, #tpu.memory_space<vmem>>) target_semaphore(%arg17 : memref<!tpu.dma_semaphore, #tpu.memory_space<semaphore_mem>>)
        %slice3A_1525 = vector.extract_strided_slice %get3A_1460 {offsets = [4], sizes = [1], strides = [1]} : vector<16xi32> to vector<1xi32>
        %squeeze3A_1526 = vector.extract %slice3A_1525[0] : i32 from vector<1xi32>
        %mul3A_1527 = arith.constant 16 : i32
        %mul3A_1528 = arith.muli %scan3A_1454, %mul3A_1527 : i32
        %add3A_1529 = arith.constant 0 : i32
        %add3A_1530 = arith.addi %add3A_1529, %mul3A_1528 : i32
        %add3A_1531 = arith.constant 4 : i32
        %add3A_1532 = arith.addi %add3A_1530, %add3A_1531 : i32
        %dma_start3A_1533 = arith.constant 0 : i32
        %dma_start3A_1534 = tpu.memref_slice %arg13[%add3A_1532, %dma_start3A_1533] : memref<32x64xf32, #tpu.memory_space<vmem>> -> memref<1x64xf32, #tpu.memory_space<vmem>>
        %dma_start3A_1535 = arith.constant 0 : i32
        %dma_start3A_1536 = tpu.memref_slice %arg6[%squeeze3A_1526, %dma_start3A_1535] : memref<1000000x64xf32, #tpu.memory_space<hbm>> -> memref<1x64xf32, #tpu.memory_space<hbm>>
        %dma_start3A_1537 = arith.constant 0 : i32
        %dma_start3A_1538 = tpu.memref_slice %arg13[%add3A_1532, %dma_start3A_1537] : memref<32x64xf32, #tpu.memory_space<vmem>> -> memref<1x64xf32, #tpu.memory_space<vmem>>
        %dma_start3A_1539 = arith.constant 0 : i32
        %dma_start3A_1540 = tpu.memref_slice %arg6[%squeeze3A_1526, %dma_start3A_1539] : memref<1000000x64xf32, #tpu.memory_space<hbm>> -> memref<1x64xf32, #tpu.memory_space<hbm>>
        tpu.enqueue_dma source(%dma_start3A_1540 : memref<1x64xf32, #tpu.memory_space<hbm>>) target(%dma_start3A_1538 : memref<1x64xf32, #tpu.memory_space<vmem>>) target_semaphore(%arg17 : memref<!tpu.dma_semaphore, #tpu.memory_space<semaphore_mem>>)
        %slice3A_1541 = vector.extract_strided_slice %get3A_1460 {offsets = [5], sizes = [1], strides = [1]} : vector<16xi32> to vector<1xi32>
        %squeeze3A_1542 = vector.extract %slice3A_1541[0] : i32 from vector<1xi32>
        %mul3A_1543 = arith.constant 16 : i32
        %mul3A_1544 = arith.muli %scan3A_1454, %mul3A_1543 : i32
        %add3A_1545 = arith.constant 0 : i32
        %add3A_1546 = arith.addi %add3A_1545, %mul3A_1544 : i32
        %add3A_1547 = arith.constant 5 : i32
        %add3A_1548 = arith.addi %add3A_1546, %add3A_1547 : i32
        %dma_start3A_1549 = arith.constant 0 : i32
        %dma_start3A_1550 = tpu.memref_slice %arg13[%add3A_1548, %dma_start3A_1549] : memref<32x64xf32, #tpu.memory_space<vmem>> -> memref<1x64xf32, #tpu.memory_space<vmem>>
        %dma_start3A_1551 = arith.constant 0 : i32
        %dma_start3A_1552 = tpu.memref_slice %arg6[%squeeze3A_1542, %dma_start3A_1551] : memref<1000000x64xf32, #tpu.memory_space<hbm>> -> memref<1x64xf32, #tpu.memory_space<hbm>>
        %dma_start3A_1553 = arith.constant 0 : i32
        %dma_start3A_1554 = tpu.memref_slice %arg13[%add3A_1548, %dma_start3A_1553] : memref<32x64xf32, #tpu.memory_space<vmem>> -> memref<1x64xf32, #tpu.memory_space<vmem>>
        %dma_start3A_1555 = arith.constant 0 : i32
        %dma_start3A_1556 = tpu.memref_slice %arg6[%squeeze3A_1542, %dma_start3A_1555] : memref<1000000x64xf32, #tpu.memory_space<hbm>> -> memref<1x64xf32, #tpu.memory_space<hbm>>
        tpu.enqueue_dma source(%dma_start3A_1556 : memref<1x64xf32, #tpu.memory_space<hbm>>) target(%dma_start3A_1554 : memref<1x64xf32, #tpu.memory_space<vmem>>) target_semaphore(%arg17 : memref<!tpu.dma_semaphore, #tpu.memory_space<semaphore_mem>>)
        %slice3A_1557 = vector.extract_strided_slice %get3A_1460 {offsets = [6], sizes = [1], strides = [1]} : vector<16xi32> to vector<1xi32>
        %squeeze3A_1558 = vector.extract %slice3A_1557[0] : i32 from vector<1xi32>
        %mul3A_1559 = arith.constant 16 : i32
        %mul3A_1560 = arith.muli %scan3A_1454, %mul3A_1559 : i32
        %add3A_1561 = arith.constant 0 : i32
        %add3A_1562 = arith.addi %add3A_1561, %mul3A_1560 : i32
        %add3A_1563 = arith.constant 6 : i32
        %add3A_1564 = arith.addi %add3A_1562, %add3A_1563 : i32
        %dma_start3A_1565 = arith.constant 0 : i32
        %dma_start3A_1566 = tpu.memref_slice %arg13[%add3A_1564, %dma_start3A_1565] : memref<32x64xf32, #tpu.memory_space<vmem>> -> memref<1x64xf32, #tpu.memory_space<vmem>>
        %dma_start3A_1567 = arith.constant 0 : i32
        %dma_start3A_1568 = tpu.memref_slice %arg6[%squeeze3A_1558, %dma_start3A_1567] : memref<1000000x64xf32, #tpu.memory_space<hbm>> -> memref<1x64xf32, #tpu.memory_space<hbm>>
        %dma_start3A_1569 = arith.constant 0 : i32
        %dma_start3A_1570 = tpu.memref_slice %arg13[%add3A_1564, %dma_start3A_1569] : memref<32x64xf32, #tpu.memory_space<vmem>> -> memref<1x64xf32, #tpu.memory_space<vmem>>
        %dma_start3A_1571 = arith.constant 0 : i32
        %dma_start3A_1572 = tpu.memref_slice %arg6[%squeeze3A_1558, %dma_start3A_1571] : memref<1000000x64xf32, #tpu.memory_space<hbm>> -> memref<1x64xf32, #tpu.memory_space<hbm>>
        tpu.enqueue_dma source(%dma_start3A_1572 : memref<1x64xf32, #tpu.memory_space<hbm>>) target(%dma_start3A_1570 : memref<1x64xf32, #tpu.memory_space<vmem>>) target_semaphore(%arg17 : memref<!tpu.dma_semaphore, #tpu.memory_space<semaphore_mem>>)
        %slice3A_1573 = vector.extract_strided_slice %get3A_1460 {offsets = [7], sizes = [1], strides = [1]} : vector<16xi32> to vector<1xi32>
        %squeeze3A_1574 = vector.extract %slice3A_1573[0] : i32 from vector<1xi32>
        %mul3A_1575 = arith.constant 16 : i32
        %mul3A_1576 = arith.muli %scan3A_1454, %mul3A_1575 : i32
        %add3A_1577 = arith.constant 0 : i32
        %add3A_1578 = arith.addi %add3A_1577, %mul3A_1576 : i32
        %add3A_1579 = arith.constant 7 : i32
        %add3A_1580 = arith.addi %add3A_1578, %add3A_1579 : i32
        %dma_start3A_1581 = arith.constant 0 : i32
        %dma_start3A_1582 = tpu.memref_slice %arg13[%add3A_1580, %dma_start3A_1581] : memref<32x64xf32, #tpu.memory_space<vmem>> -> memref<1x64xf32, #tpu.memory_space<vmem>>
        %dma_start3A_1583 = arith.constant 0 : i32
        %dma_start3A_1584 = tpu.memref_slice %arg6[%squeeze3A_1574, %dma_start3A_1583] : memref<1000000x64xf32, #tpu.memory_space<hbm>> -> memref<1x64xf32, #tpu.memory_space<hbm>>
        %dma_start3A_1585 = arith.constant 0 : i32
        %dma_start3A_1586 = tpu.memref_slice %arg13[%add3A_1580, %dma_start3A_1585] : memref<32x64xf32, #tpu.memory_space<vmem>> -> memref<1x64xf32, #tpu.memory_space<vmem>>
        %dma_start3A_1587 = arith.constant 0 : i32
        %dma_start3A_1588 = tpu.memref_slice %arg6[%squeeze3A_1574, %dma_start3A_1587] : memref<1000000x64xf32, #tpu.memory_space<hbm>> -> memref<1x64xf32, #tpu.memory_space<hbm>>
        tpu.enqueue_dma source(%dma_start3A_1588 : memref<1x64xf32, #tpu.memory_space<hbm>>) target(%dma_start3A_1586 : memref<1x64xf32, #tpu.memory_space<vmem>>) target_semaphore(%arg17 : memref<!tpu.dma_semaphore, #tpu.memory_space<semaphore_mem>>)
        %slice3A_1589 = vector.extract_strided_slice %get3A_1460 {offsets = [8], sizes = [1], strides = [1]} : vector<16xi32> to vector<1xi32>
        %squeeze3A_1590 = vector.extract %slice3A_1589[0] : i32 from vector<1xi32>
        %mul3A_1591 = arith.constant 16 : i32
        %mul3A_1592 = arith.muli %scan3A_1454, %mul3A_1591 : i32
        %add3A_1593 = arith.constant 0 : i32
        %add3A_1594 = arith.addi %add3A_1593, %mul3A_1592 : i32
        %add3A_1595 = arith.constant 8 : i32
        %add3A_1596 = arith.addi %add3A_1594, %add3A_1595 : i32
        %dma_start3A_1597 = arith.constant 0 : i32
        %dma_start3A_1598 = tpu.memref_slice %arg13[%add3A_1596, %dma_start3A_1597] : memref<32x64xf32, #tpu.memory_space<vmem>> -> memref<1x64xf32, #tpu.memory_space<vmem>>
        %dma_start3A_1599 = arith.constant 0 : i32
        %dma_start3A_1600 = tpu.memref_slice %arg6[%squeeze3A_1590, %dma_start3A_1599] : memref<1000000x64xf32, #tpu.memory_space<hbm>> -> memref<1x64xf32, #tpu.memory_space<hbm>>
        %dma_start3A_1601 = arith.constant 0 : i32
        %dma_start3A_1602 = tpu.memref_slice %arg13[%add3A_1596, %dma_start3A_1601] : memref<32x64xf32, #tpu.memory_space<vmem>> -> memref<1x64xf32, #tpu.memory_space<vmem>>
        %dma_start3A_1603 = arith.constant 0 : i32
        %dma_start3A_1604 = tpu.memref_slice %arg6[%squeeze3A_1590, %dma_start3A_1603] : memref<1000000x64xf32, #tpu.memory_space<hbm>> -> memref<1x64xf32, #tpu.memory_space<hbm>>
        tpu.enqueue_dma source(%dma_start3A_1604 : memref<1x64xf32, #tpu.memory_space<hbm>>) target(%dma_start3A_1602 : memref<1x64xf32, #tpu.memory_space<vmem>>) target_semaphore(%arg17 : memref<!tpu.dma_semaphore, #tpu.memory_space<semaphore_mem>>)
        %slice3A_1605 = vector.extract_strided_slice %get3A_1460 {offsets = [9], sizes = [1], strides = [1]} : vector<16xi32> to vector<1xi32>
        %squeeze3A_1606 = vector.extract %slice3A_1605[0] : i32 from vector<1xi32>
        %mul3A_1607 = arith.constant 16 : i32
        %mul3A_1608 = arith.muli %scan3A_1454, %mul3A_1607 : i32
        %add3A_1609 = arith.constant 0 : i32
        %add3A_1610 = arith.addi %add3A_1609, %mul3A_1608 : i32
        %add3A_1611 = arith.constant 9 : i32
        %add3A_1612 = arith.addi %add3A_1610, %add3A_1611 : i32
        %dma_start3A_1613 = arith.constant 0 : i32
        %dma_start3A_1614 = tpu.memref_slice %arg13[%add3A_1612, %dma_start3A_1613] : memref<32x64xf32, #tpu.memory_space<vmem>> -> memref<1x64xf32, #tpu.memory_space<vmem>>
        %dma_start3A_1615 = arith.constant 0 : i32
        %dma_start3A_1616 = tpu.memref_slice %arg6[%squeeze3A_1606, %dma_start3A_1615] : memref<1000000x64xf32, #tpu.memory_space<hbm>> -> memref<1x64xf32, #tpu.memory_space<hbm>>
        %dma_start3A_1617 = arith.constant 0 : i32
        %dma_start3A_1618 = tpu.memref_slice %arg13[%add3A_1612, %dma_start3A_1617] : memref<32x64xf32, #tpu.memory_space<vmem>> -> memref<1x64xf32, #tpu.memory_space<vmem>>
        %dma_start3A_1619 = arith.constant 0 : i32
        %dma_start3A_1620 = tpu.memref_slice %arg6[%squeeze3A_1606, %dma_start3A_1619] : memref<1000000x64xf32, #tpu.memory_space<hbm>> -> memref<1x64xf32, #tpu.memory_space<hbm>>
        tpu.enqueue_dma source(%dma_start3A_1620 : memref<1x64xf32, #tpu.memory_space<hbm>>) target(%dma_start3A_1618 : memref<1x64xf32, #tpu.memory_space<vmem>>) target_semaphore(%arg17 : memref<!tpu.dma_semaphore, #tpu.memory_space<semaphore_mem>>)
        %slice3A_1621 = vector.extract_strided_slice %get3A_1460 {offsets = [10], sizes = [1], strides = [1]} : vector<16xi32> to vector<1xi32>
        %squeeze3A_1622 = vector.extract %slice3A_1621[0] : i32 from vector<1xi32>
        %mul3A_1623 = arith.constant 16 : i32
        %mul3A_1624 = arith.muli %scan3A_1454, %mul3A_1623 : i32
        %add3A_1625 = arith.constant 0 : i32
        %add3A_1626 = arith.addi %add3A_1625, %mul3A_1624 : i32
        %add3A_1627 = arith.constant 10 : i32
        %add3A_1628 = arith.addi %add3A_1626, %add3A_1627 : i32
        %dma_start3A_1629 = arith.constant 0 : i32
        %dma_start3A_1630 = tpu.memref_slice %arg13[%add3A_1628, %dma_start3A_1629] : memref<32x64xf32, #tpu.memory_space<vmem>> -> memref<1x64xf32, #tpu.memory_space<vmem>>
        %dma_start3A_1631 = arith.constant 0 : i32
        %dma_start3A_1632 = tpu.memref_slice %arg6[%squeeze3A_1622, %dma_start3A_1631] : memref<1000000x64xf32, #tpu.memory_space<hbm>> -> memref<1x64xf32, #tpu.memory_space<hbm>>
        %dma_start3A_1633 = arith.constant 0 : i32
        %dma_start3A_1634 = tpu.memref_slice %arg13[%add3A_1628, %dma_start3A_1633] : memref<32x64xf32, #tpu.memory_space<vmem>> -> memref<1x64xf32, #tpu.memory_space<vmem>>
        %dma_start3A_1635 = arith.constant 0 : i32
        %dma_start3A_1636 = tpu.memref_slice %arg6[%squeeze3A_1622, %dma_start3A_1635] : memref<1000000x64xf32, #tpu.memory_space<hbm>> -> memref<1x64xf32, #tpu.memory_space<hbm>>
        tpu.enqueue_dma source(%dma_start3A_1636 : memref<1x64xf32, #tpu.memory_space<hbm>>) target(%dma_start3A_1634 : memref<1x64xf32, #tpu.memory_space<vmem>>) target_semaphore(%arg17 : memref<!tpu.dma_semaphore, #tpu.memory_space<semaphore_mem>>)
        %slice3A_1637 = vector.extract_strided_slice %get3A_1460 {offsets = [11], sizes = [1], strides = [1]} : vector<16xi32> to vector<1xi32>
        %squeeze3A_1638 = vector.extract %slice3A_1637[0] : i32 from vector<1xi32>
        %mul3A_1639 = arith.constant 16 : i32
        %mul3A_1640 = arith.muli %scan3A_1454, %mul3A_1639 : i32
        %add3A_1641 = arith.constant 0 : i32
        %add3A_1642 = arith.addi %add3A_1641, %mul3A_1640 : i32
        %add3A_1643 = arith.constant 11 : i32
        %add3A_1644 = arith.addi %add3A_1642, %add3A_1643 : i32
        %dma_start3A_1645 = arith.constant 0 : i32
        %dma_start3A_1646 = tpu.memref_slice %arg13[%add3A_1644, %dma_start3A_1645] : memref<32x64xf32, #tpu.memory_space<vmem>> -> memref<1x64xf32, #tpu.memory_space<vmem>>
        %dma_start3A_1647 = arith.constant 0 : i32
        %dma_start3A_1648 = tpu.memref_slice %arg6[%squeeze3A_1638, %dma_start3A_1647] : memref<1000000x64xf32, #tpu.memory_space<hbm>> -> memref<1x64xf32, #tpu.memory_space<hbm>>
        %dma_start3A_1649 = arith.constant 0 : i32
        %dma_start3A_1650 = tpu.memref_slice %arg13[%add3A_1644, %dma_start3A_1649] : memref<32x64xf32, #tpu.memory_space<vmem>> -> memref<1x64xf32, #tpu.memory_space<vmem>>
        %dma_start3A_1651 = arith.constant 0 : i32
        %dma_start3A_1652 = tpu.memref_slice %arg6[%squeeze3A_1638, %dma_start3A_1651] : memref<1000000x64xf32, #tpu.memory_space<hbm>> -> memref<1x64xf32, #tpu.memory_space<hbm>>
        tpu.enqueue_dma source(%dma_start3A_1652 : memref<1x64xf32, #tpu.memory_space<hbm>>) target(%dma_start3A_1650 : memref<1x64xf32, #tpu.memory_space<vmem>>) target_semaphore(%arg17 : memref<!tpu.dma_semaphore, #tpu.memory_space<semaphore_mem>>)
        %slice3A_1653 = vector.extract_strided_slice %get3A_1460 {offsets = [12], sizes = [1], strides = [1]} : vector<16xi32> to vector<1xi32>
        %squeeze3A_1654 = vector.extract %slice3A_1653[0] : i32 from vector<1xi32>
        %mul3A_1655 = arith.constant 16 : i32
        %mul3A_1656 = arith.muli %scan3A_1454, %mul3A_1655 : i32
        %add3A_1657 = arith.constant 0 : i32
        %add3A_1658 = arith.addi %add3A_1657, %mul3A_1656 : i32
        %add3A_1659 = arith.constant 12 : i32
        %add3A_1660 = arith.addi %add3A_1658, %add3A_1659 : i32
        %dma_start3A_1661 = arith.constant 0 : i32
        %dma_start3A_1662 = tpu.memref_slice %arg13[%add3A_1660, %dma_start3A_1661] : memref<32x64xf32, #tpu.memory_space<vmem>> -> memref<1x64xf32, #tpu.memory_space<vmem>>
        %dma_start3A_1663 = arith.constant 0 : i32
        %dma_start3A_1664 = tpu.memref_slice %arg6[%squeeze3A_1654, %dma_start3A_1663] : memref<1000000x64xf32, #tpu.memory_space<hbm>> -> memref<1x64xf32, #tpu.memory_space<hbm>>
        %dma_start3A_1665 = arith.constant 0 : i32
        %dma_start3A_1666 = tpu.memref_slice %arg13[%add3A_1660, %dma_start3A_1665] : memref<32x64xf32, #tpu.memory_space<vmem>> -> memref<1x64xf32, #tpu.memory_space<vmem>>
        %dma_start3A_1667 = arith.constant 0 : i32
        %dma_start3A_1668 = tpu.memref_slice %arg6[%squeeze3A_1654, %dma_start3A_1667] : memref<1000000x64xf32, #tpu.memory_space<hbm>> -> memref<1x64xf32, #tpu.memory_space<hbm>>
        tpu.enqueue_dma source(%dma_start3A_1668 : memref<1x64xf32, #tpu.memory_space<hbm>>) target(%dma_start3A_1666 : memref<1x64xf32, #tpu.memory_space<vmem>>) target_semaphore(%arg17 : memref<!tpu.dma_semaphore, #tpu.memory_space<semaphore_mem>>)
        %slice3A_1669 = vector.extract_strided_slice %get3A_1460 {offsets = [13], sizes = [1], strides = [1]} : vector<16xi32> to vector<1xi32>
        %squeeze3A_1670 = vector.extract %slice3A_1669[0] : i32 from vector<1xi32>
        %mul3A_1671 = arith.constant 16 : i32
        %mul3A_1672 = arith.muli %scan3A_1454, %mul3A_1671 : i32
        %add3A_1673 = arith.constant 0 : i32
        %add3A_1674 = arith.addi %add3A_1673, %mul3A_1672 : i32
        %add3A_1675 = arith.constant 13 : i32
        %add3A_1676 = arith.addi %add3A_1674, %add3A_1675 : i32
        %dma_start3A_1677 = arith.constant 0 : i32
        %dma_start3A_1678 = tpu.memref_slice %arg13[%add3A_1676, %dma_start3A_1677] : memref<32x64xf32, #tpu.memory_space<vmem>> -> memref<1x64xf32, #tpu.memory_space<vmem>>
        %dma_start3A_1679 = arith.constant 0 : i32
        %dma_start3A_1680 = tpu.memref_slice %arg6[%squeeze3A_1670, %dma_start3A_1679] : memref<1000000x64xf32, #tpu.memory_space<hbm>> -> memref<1x64xf32, #tpu.memory_space<hbm>>
        %dma_start3A_1681 = arith.constant 0 : i32
        %dma_start3A_1682 = tpu.memref_slice %arg13[%add3A_1676, %dma_start3A_1681] : memref<32x64xf32, #tpu.memory_space<vmem>> -> memref<1x64xf32, #tpu.memory_space<vmem>>
        %dma_start3A_1683 = arith.constant 0 : i32
        %dma_start3A_1684 = tpu.memref_slice %arg6[%squeeze3A_1670, %dma_start3A_1683] : memref<1000000x64xf32, #tpu.memory_space<hbm>> -> memref<1x64xf32, #tpu.memory_space<hbm>>
        tpu.enqueue_dma source(%dma_start3A_1684 : memref<1x64xf32, #tpu.memory_space<hbm>>) target(%dma_start3A_1682 : memref<1x64xf32, #tpu.memory_space<vmem>>) target_semaphore(%arg17 : memref<!tpu.dma_semaphore, #tpu.memory_space<semaphore_mem>>)
        %slice3A_1685 = vector.extract_strided_slice %get3A_1460 {offsets = [14], sizes = [1], strides = [1]} : vector<16xi32> to vector<1xi32>
        %squeeze3A_1686 = vector.extract %slice3A_1685[0] : i32 from vector<1xi32>
        %mul3A_1687 = arith.constant 16 : i32
        %mul3A_1688 = arith.muli %scan3A_1454, %mul3A_1687 : i32
        %add3A_1689 = arith.constant 0 : i32
        %add3A_1690 = arith.addi %add3A_1689, %mul3A_1688 : i32
        %add3A_1691 = arith.constant 14 : i32
        %add3A_1692 = arith.addi %add3A_1690, %add3A_1691 : i32
        %dma_start3A_1693 = arith.constant 0 : i32
        %dma_start3A_1694 = tpu.memref_slice %arg13[%add3A_1692, %dma_start3A_1693] : memref<32x64xf32, #tpu.memory_space<vmem>> -> memref<1x64xf32, #tpu.memory_space<vmem>>
        %dma_start3A_1695 = arith.constant 0 : i32
        %dma_start3A_1696 = tpu.memref_slice %arg6[%squeeze3A_1686, %dma_start3A_1695] : memref<1000000x64xf32, #tpu.memory_space<hbm>> -> memref<1x64xf32, #tpu.memory_space<hbm>>
        %dma_start3A_1697 = arith.constant 0 : i32
        %dma_start3A_1698 = tpu.memref_slice %arg13[%add3A_1692, %dma_start3A_1697] : memref<32x64xf32, #tpu.memory_space<vmem>> -> memref<1x64xf32, #tpu.memory_space<vmem>>
        %dma_start3A_1699 = arith.constant 0 : i32
        %dma_start3A_1700 = tpu.memref_slice %arg6[%squeeze3A_1686, %dma_start3A_1699] : memref<1000000x64xf32, #tpu.memory_space<hbm>> -> memref<1x64xf32, #tpu.memory_space<hbm>>
        tpu.enqueue_dma source(%dma_start3A_1700 : memref<1x64xf32, #tpu.memory_space<hbm>>) target(%dma_start3A_1698 : memref<1x64xf32, #tpu.memory_space<vmem>>) target_semaphore(%arg17 : memref<!tpu.dma_semaphore, #tpu.memory_space<semaphore_mem>>)
        %slice3A_1701 = vector.extract_strided_slice %get3A_1460 {offsets = [15], sizes = [1], strides = [1]} : vector<16xi32> to vector<1xi32>
        %squeeze3A_1702 = vector.extract %slice3A_1701[0] : i32 from vector<1xi32>
        %mul3A_1703 = arith.constant 16 : i32
        %mul3A_1704 = arith.muli %scan3A_1454, %mul3A_1703 : i32
        %add3A_1705 = arith.constant 0 : i32
        %add3A_1706 = arith.addi %add3A_1705, %mul3A_1704 : i32
        %add3A_1707 = arith.constant 15 : i32
        %add3A_1708 = arith.addi %add3A_1706, %add3A_1707 : i32
        %dma_start3A_1709 = arith.constant 0 : i32
        %dma_start3A_1710 = tpu.memref_slice %arg13[%add3A_1708, %dma_start3A_1709] : memref<32x64xf32, #tpu.memory_space<vmem>> -> memref<1x64xf32, #tpu.memory_space<vmem>>
        %dma_start3A_1711 = arith.constant 0 : i32
        %dma_start3A_1712 = tpu.memref_slice %arg6[%squeeze3A_1702, %dma_start3A_1711] : memref<1000000x64xf32, #tpu.memory_space<hbm>> -> memref<1x64xf32, #tpu.memory_space<hbm>>
        %dma_start3A_1713 = arith.constant 0 : i32
        %dma_start3A_1714 = tpu.memref_slice %arg13[%add3A_1708, %dma_start3A_1713] : memref<32x64xf32, #tpu.memory_space<vmem>> -> memref<1x64xf32, #tpu.memory_space<vmem>>
        %dma_start3A_1715 = arith.constant 0 : i32
        %dma_start3A_1716 = tpu.memref_slice %arg6[%squeeze3A_1702, %dma_start3A_1715] : memref<1000000x64xf32, #tpu.memory_space<hbm>> -> memref<1x64xf32, #tpu.memory_space<hbm>>
        tpu.enqueue_dma source(%dma_start3A_1716 : memref<1x64xf32, #tpu.memory_space<hbm>>) target(%dma_start3A_1714 : memref<1x64xf32, #tpu.memory_space<vmem>>) target_semaphore(%arg17 : memref<!tpu.dma_semaphore, #tpu.memory_space<semaphore_mem>>)
        %scan3A_1717 = arith.constant 1 : i32
        %mul3A_1718 = arith.constant 20 : i32
        %mul3A_1719 = arith.muli %mul3A_1187, %mul3A_1718 : i32
        %scan3A_1720 = arith.constant 0 : i32
        %scan3A_1721 = arith.constant 0 : i32
        %scan3A_1722 = arith.constant 20 : i32
        %scan3A_1723 = arith.addi %scan3A_1721, %scan3A_1722 : i32
        %scan3A_1724 = arith.constant 1 : i32
        scf.for %scan3A_1726 = %scan3A_1721 to %scan3A_1723 step %scan3A_1724  : i32 {
          %mul3A_1727 = arith.constant 16 : i32
          %mul3A_1728 = arith.muli %scan3A_1726, %mul3A_1727 : i32
          %add3A_1729 = arith.addi %mul3A_1719, %mul3A_1728 : i32
          %get3A_1730 = arith.index_cast %add3A_1729 : i32 to index
          %get3A_1731 = tpu.vector_load %arg11[%get3A_1730] {strides = array<i32>} : memref<10256xi32, #tpu.memory_space<vmem>>, vector<16xi32>,
          %get3A_1732 = vector.shape_cast %get3A_1731 : vector<16xi32> to vector<16xi32>
          %slice3A_1733 = vector.extract_strided_slice %get3A_1732 {offsets = [0], sizes = [1], strides = [1]} : vector<16xi32> to vector<1xi32>
          %squeeze3A_1734 = vector.extract %slice3A_1733[0] : i32 from vector<1xi32>
          %mul3A_1735 = arith.constant 16 : i32
          %mul3A_1736 = arith.muli %scan3A_1726, %mul3A_1735 : i32
          %add3A_1737 = arith.constant 0 : i32
          %add3A_1738 = arith.addi %add3A_1737, %mul3A_1736 : i32
          %add3A_1739 = arith.constant 0 : i32
          %add3A_1740 = arith.addi %add3A_1738, %add3A_1739 : i32
          %dma_start3A_1741 = arith.constant 0 : i32
          %dma_start3A_1742 = tpu.memref_slice %arg14[%add3A_1740, %dma_start3A_1741] : memref<640x64xf32, #tpu.memory_space<vmem>> -> memref<1x64xf32, #tpu.memory_space<vmem>>
          %dma_start3A_1743 = arith.constant 0 : i32
          %dma_start3A_1744 = tpu.memref_slice %arg6[%squeeze3A_1734, %dma_start3A_1743] : memref<1000000x64xf32, #tpu.memory_space<hbm>> -> memref<1x64xf32, #tpu.memory_space<hbm>>
          %dma_start3A_1745 = arith.constant 0 : i32
          %dma_start3A_1746 = tpu.memref_slice %arg14[%add3A_1740, %dma_start3A_1745] : memref<640x64xf32, #tpu.memory_space<vmem>> -> memref<1x64xf32, #tpu.memory_space<vmem>>
          %dma_start3A_1747 = arith.constant 0 : i32
          %dma_start3A_1748 = tpu.memref_slice %arg6[%squeeze3A_1734, %dma_start3A_1747] : memref<1000000x64xf32, #tpu.memory_space<hbm>> -> memref<1x64xf32, #tpu.memory_space<hbm>>
          tpu.enqueue_dma source(%dma_start3A_1748 : memref<1x64xf32, #tpu.memory_space<hbm>>) target(%dma_start3A_1746 : memref<1x64xf32, #tpu.memory_space<vmem>>) target_semaphore(%arg17 : memref<!tpu.dma_semaphore, #tpu.memory_space<semaphore_mem>>)
          %slice3A_1749 = vector.extract_strided_slice %get3A_1732 {offsets = [1], sizes = [1], strides = [1]} : vector<16xi32> to vector<1xi32>
          %squeeze3A_1750 = vector.extract %slice3A_1749[0] : i32 from vector<1xi32>
          %mul3A_1751 = arith.constant 16 : i32
          %mul3A_1752 = arith.muli %scan3A_1726, %mul3A_1751 : i32
          %add3A_1753 = arith.constant 0 : i32
          %add3A_1754 = arith.addi %add3A_1753, %mul3A_1752 : i32
          %add3A_1755 = arith.constant 1 : i32
          %add3A_1756 = arith.addi %add3A_1754, %add3A_1755 : i32
          %dma_start3A_1757 = arith.constant 0 : i32
          %dma_start3A_1758 = tpu.memref_slice %arg14[%add3A_1756, %dma_start3A_1757] : memref<640x64xf32, #tpu.memory_space<vmem>> -> memref<1x64xf32, #tpu.memory_space<vmem>>
          %dma_start3A_1759 = arith.constant 0 : i32
          %dma_start3A_1760 = tpu.memref_slice %arg6[%squeeze3A_1750, %dma_start3A_1759] : memref<1000000x64xf32, #tpu.memory_space<hbm>> -> memref<1x64xf32, #tpu.memory_space<hbm>>
          %dma_start3A_1761 = arith.constant 0 : i32
          %dma_start3A_1762 = tpu.memref_slice %arg14[%add3A_1756, %dma_start3A_1761] : memref<640x64xf32, #tpu.memory_space<vmem>> -> memref<1x64xf32, #tpu.memory_space<vmem>>
          %dma_start3A_1763 = arith.constant 0 : i32
          %dma_start3A_1764 = tpu.memref_slice %arg6[%squeeze3A_1750, %dma_start3A_1763] : memref<1000000x64xf32, #tpu.memory_space<hbm>> -> memref<1x64xf32, #tpu.memory_space<hbm>>
          tpu.enqueue_dma source(%dma_start3A_1764 : memref<1x64xf32, #tpu.memory_space<hbm>>) target(%dma_start3A_1762 : memref<1x64xf32, #tpu.memory_space<vmem>>) target_semaphore(%arg17 : memref<!tpu.dma_semaphore, #tpu.memory_space<semaphore_mem>>)
          %slice3A_1765 = vector.extract_strided_slice %get3A_1732 {offsets = [2], sizes = [1], strides = [1]} : vector<16xi32> to vector<1xi32>
          %squeeze3A_1766 = vector.extract %slice3A_1765[0] : i32 from vector<1xi32>
          %mul3A_1767 = arith.constant 16 : i32
          %mul3A_1768 = arith.muli %scan3A_1726, %mul3A_1767 : i32
          %add3A_1769 = arith.constant 0 : i32
          %add3A_1770 = arith.addi %add3A_1769, %mul3A_1768 : i32
          %add3A_1771 = arith.constant 2 : i32
          %add3A_1772 = arith.addi %add3A_1770, %add3A_1771 : i32
          %dma_start3A_1773 = arith.constant 0 : i32
          %dma_start3A_1774 = tpu.memref_slice %arg14[%add3A_1772, %dma_start3A_1773] : memref<640x64xf32, #tpu.memory_space<vmem>> -> memref<1x64xf32, #tpu.memory_space<vmem>>
          %dma_start3A_1775 = arith.constant 0 : i32
          %dma_start3A_1776 = tpu.memref_slice %arg6[%squeeze3A_1766, %dma_start3A_1775] : memref<1000000x64xf32, #tpu.memory_space<hbm>> -> memref<1x64xf32, #tpu.memory_space<hbm>>
          %dma_start3A_1777 = arith.constant 0 : i32
          %dma_start3A_1778 = tpu.memref_slice %arg14[%add3A_1772, %dma_start3A_1777] : memref<640x64xf32, #tpu.memory_space<vmem>> -> memref<1x64xf32, #tpu.memory_space<vmem>>
          %dma_start3A_1779 = arith.constant 0 : i32
          %dma_start3A_1780 = tpu.memref_slice %arg6[%squeeze3A_1766, %dma_start3A_1779] : memref<1000000x64xf32, #tpu.memory_space<hbm>> -> memref<1x64xf32, #tpu.memory_space<hbm>>
          tpu.enqueue_dma source(%dma_start3A_1780 : memref<1x64xf32, #tpu.memory_space<hbm>>) target(%dma_start3A_1778 : memref<1x64xf32, #tpu.memory_space<vmem>>) target_semaphore(%arg17 : memref<!tpu.dma_semaphore, #tpu.memory_space<semaphore_mem>>)
          %slice3A_1781 = vector.extract_strided_slice %get3A_1732 {offsets = [3], sizes = [1], strides = [1]} : vector<16xi32> to vector<1xi32>
          %squeeze3A_1782 = vector.extract %slice3A_1781[0] : i32 from vector<1xi32>
          %mul3A_1783 = arith.constant 16 : i32
          %mul3A_1784 = arith.muli %scan3A_1726, %mul3A_1783 : i32
          %add3A_1785 = arith.constant 0 : i32
          %add3A_1786 = arith.addi %add3A_1785, %mul3A_1784 : i32
          %add3A_1787 = arith.constant 3 : i32
          %add3A_1788 = arith.addi %add3A_1786, %add3A_1787 : i32
          %dma_start3A_1789 = arith.constant 0 : i32
          %dma_start3A_1790 = tpu.memref_slice %arg14[%add3A_1788, %dma_start3A_1789] : memref<640x64xf32, #tpu.memory_space<vmem>> -> memref<1x64xf32, #tpu.memory_space<vmem>>
          %dma_start3A_1791 = arith.constant 0 : i32
          %dma_start3A_1792 = tpu.memref_slice %arg6[%squeeze3A_1782, %dma_start3A_1791] : memref<1000000x64xf32, #tpu.memory_space<hbm>> -> memref<1x64xf32, #tpu.memory_space<hbm>>
          %dma_start3A_1793 = arith.constant 0 : i32
          %dma_start3A_1794 = tpu.memref_slice %arg14[%add3A_1788, %dma_start3A_1793] : memref<640x64xf32, #tpu.memory_space<vmem>> -> memref<1x64xf32, #tpu.memory_space<vmem>>
          %dma_start3A_1795 = arith.constant 0 : i32
          %dma_start3A_1796 = tpu.memref_slice %arg6[%squeeze3A_1782, %dma_start3A_1795] : memref<1000000x64xf32, #tpu.memory_space<hbm>> -> memref<1x64xf32, #tpu.memory_space<hbm>>
          tpu.enqueue_dma source(%dma_start3A_1796 : memref<1x64xf32, #tpu.memory_space<hbm>>) target(%dma_start3A_1794 : memref<1x64xf32, #tpu.memory_space<vmem>>) target_semaphore(%arg17 : memref<!tpu.dma_semaphore, #tpu.memory_space<semaphore_mem>>)
          %slice3A_1797 = vector.extract_strided_slice %get3A_1732 {offsets = [4], sizes = [1], strides = [1]} : vector<16xi32> to vector<1xi32>
          %squeeze3A_1798 = vector.extract %slice3A_1797[0] : i32 from vector<1xi32>
          %mul3A_1799 = arith.constant 16 : i32
          %mul3A_1800 = arith.muli %scan3A_1726, %mul3A_1799 : i32
          %add3A_1801 = arith.constant 0 : i32
          %add3A_1802 = arith.addi %add3A_1801, %mul3A_1800 : i32
          %add3A_1803 = arith.constant 4 : i32
          %add3A_1804 = arith.addi %add3A_1802, %add3A_1803 : i32
          %dma_start3A_1805 = arith.constant 0 : i32
          %dma_start3A_1806 = tpu.memref_slice %arg14[%add3A_1804, %dma_start3A_1805] : memref<640x64xf32, #tpu.memory_space<vmem>> -> memref<1x64xf32, #tpu.memory_space<vmem>>
          %dma_start3A_1807 = arith.constant 0 : i32
          %dma_start3A_1808 = tpu.memref_slice %arg6[%squeeze3A_1798, %dma_start3A_1807] : memref<1000000x64xf32, #tpu.memory_space<hbm>> -> memref<1x64xf32, #tpu.memory_space<hbm>>
          %dma_start3A_1809 = arith.constant 0 : i32
          %dma_start3A_1810 = tpu.memref_slice %arg14[%add3A_1804, %dma_start3A_1809] : memref<640x64xf32, #tpu.memory_space<vmem>> -> memref<1x64xf32, #tpu.memory_space<vmem>>
          %dma_start3A_1811 = arith.constant 0 : i32
          %dma_start3A_1812 = tpu.memref_slice %arg6[%squeeze3A_1798, %dma_start3A_1811] : memref<1000000x64xf32, #tpu.memory_space<hbm>> -> memref<1x64xf32, #tpu.memory_space<hbm>>
          tpu.enqueue_dma source(%dma_start3A_1812 : memref<1x64xf32, #tpu.memory_space<hbm>>) target(%dma_start3A_1810 : memref<1x64xf32, #tpu.memory_space<vmem>>) target_semaphore(%arg17 : memref<!tpu.dma_semaphore, #tpu.memory_space<semaphore_mem>>)
          %slice3A_1813 = vector.extract_strided_slice %get3A_1732 {offsets = [5], sizes = [1], strides = [1]} : vector<16xi32> to vector<1xi32>
          %squeeze3A_1814 = vector.extract %slice3A_1813[0] : i32 from vector<1xi32>
          %mul3A_1815 = arith.constant 16 : i32
          %mul3A_1816 = arith.muli %scan3A_1726, %mul3A_1815 : i32
          %add3A_1817 = arith.constant 0 : i32
          %add3A_1818 = arith.addi %add3A_1817, %mul3A_1816 : i32
          %add3A_1819 = arith.constant 5 : i32
          %add3A_1820 = arith.addi %add3A_1818, %add3A_1819 : i32
          %dma_start3A_1821 = arith.constant 0 : i32
          %dma_start3A_1822 = tpu.memref_slice %arg14[%add3A_1820, %dma_start3A_1821] : memref<640x64xf32, #tpu.memory_space<vmem>> -> memref<1x64xf32, #tpu.memory_space<vmem>>
          %dma_start3A_1823 = arith.constant 0 : i32
          %dma_start3A_1824 = tpu.memref_slice %arg6[%squeeze3A_1814, %dma_start3A_1823] : memref<1000000x64xf32, #tpu.memory_space<hbm>> -> memref<1x64xf32, #tpu.memory_space<hbm>>
          %dma_start3A_1825 = arith.constant 0 : i32
          %dma_start3A_1826 = tpu.memref_slice %arg14[%add3A_1820, %dma_start3A_1825] : memref<640x64xf32, #tpu.memory_space<vmem>> -> memref<1x64xf32, #tpu.memory_space<vmem>>
          %dma_start3A_1827 = arith.constant 0 : i32
          %dma_start3A_1828 = tpu.memref_slice %arg6[%squeeze3A_1814, %dma_start3A_1827] : memref<1000000x64xf32, #tpu.memory_space<hbm>> -> memref<1x64xf32, #tpu.memory_space<hbm>>
          tpu.enqueue_dma source(%dma_start3A_1828 : memref<1x64xf32, #tpu.memory_space<hbm>>) target(%dma_start3A_1826 : memref<1x64xf32, #tpu.memory_space<vmem>>) target_semaphore(%arg17 : memref<!tpu.dma_semaphore, #tpu.memory_space<semaphore_mem>>)
          %slice3A_1829 = vector.extract_strided_slice %get3A_1732 {offsets = [6], sizes = [1], strides = [1]} : vector<16xi32> to vector<1xi32>
          %squeeze3A_1830 = vector.extract %slice3A_1829[0] : i32 from vector<1xi32>
          %mul3A_1831 = arith.constant 16 : i32
          %mul3A_1832 = arith.muli %scan3A_1726, %mul3A_1831 : i32
          %add3A_1833 = arith.constant 0 : i32
          %add3A_1834 = arith.addi %add3A_1833, %mul3A_1832 : i32
          %add3A_1835 = arith.constant 6 : i32
          %add3A_1836 = arith.addi %add3A_1834, %add3A_1835 : i32
          %dma_start3A_1837 = arith.constant 0 : i32
          %dma_start3A_1838 = tpu.memref_slice %arg14[%add3A_1836, %dma_start3A_1837] : memref<640x64xf32, #tpu.memory_space<vmem>> -> memref<1x64xf32, #tpu.memory_space<vmem>>
          %dma_start3A_1839 = arith.constant 0 : i32
          %dma_start3A_1840 = tpu.memref_slice %arg6[%squeeze3A_1830, %dma_start3A_1839] : memref<1000000x64xf32, #tpu.memory_space<hbm>> -> memref<1x64xf32, #tpu.memory_space<hbm>>
          %dma_start3A_1841 = arith.constant 0 : i32
          %dma_start3A_1842 = tpu.memref_slice %arg14[%add3A_1836, %dma_start3A_1841] : memref<640x64xf32, #tpu.memory_space<vmem>> -> memref<1x64xf32, #tpu.memory_space<vmem>>
          %dma_start3A_1843 = arith.constant 0 : i32
          %dma_start3A_1844 = tpu.memref_slice %arg6[%squeeze3A_1830, %dma_start3A_1843] : memref<1000000x64xf32, #tpu.memory_space<hbm>> -> memref<1x64xf32, #tpu.memory_space<hbm>>
          tpu.enqueue_dma source(%dma_start3A_1844 : memref<1x64xf32, #tpu.memory_space<hbm>>) target(%dma_start3A_1842 : memref<1x64xf32, #tpu.memory_space<vmem>>) target_semaphore(%arg17 : memref<!tpu.dma_semaphore, #tpu.memory_space<semaphore_mem>>)
          %slice3A_1845 = vector.extract_strided_slice %get3A_1732 {offsets = [7], sizes = [1], strides = [1]} : vector<16xi32> to vector<1xi32>
          %squeeze3A_1846 = vector.extract %slice3A_1845[0] : i32 from vector<1xi32>
          %mul3A_1847 = arith.constant 16 : i32
          %mul3A_1848 = arith.muli %scan3A_1726, %mul3A_1847 : i32
          %add3A_1849 = arith.constant 0 : i32
          %add3A_1850 = arith.addi %add3A_1849, %mul3A_1848 : i32
          %add3A_1851 = arith.constant 7 : i32
          %add3A_1852 = arith.addi %add3A_1850, %add3A_1851 : i32
          %dma_start3A_1853 = arith.constant 0 : i32
          %dma_start3A_1854 = tpu.memref_slice %arg14[%add3A_1852, %dma_start3A_1853] : memref<640x64xf32, #tpu.memory_space<vmem>> -> memref<1x64xf32, #tpu.memory_space<vmem>>
          %dma_start3A_1855 = arith.constant 0 : i32
          %dma_start3A_1856 = tpu.memref_slice %arg6[%squeeze3A_1846, %dma_start3A_1855] : memref<1000000x64xf32, #tpu.memory_space<hbm>> -> memref<1x64xf32, #tpu.memory_space<hbm>>
          %dma_start3A_1857 = arith.constant 0 : i32
          %dma_start3A_1858 = tpu.memref_slice %arg14[%add3A_1852, %dma_start3A_1857] : memref<640x64xf32, #tpu.memory_space<vmem>> -> memref<1x64xf32, #tpu.memory_space<vmem>>
          %dma_start3A_1859 = arith.constant 0 : i32
          %dma_start3A_1860 = tpu.memref_slice %arg6[%squeeze3A_1846, %dma_start3A_1859] : memref<1000000x64xf32, #tpu.memory_space<hbm>> -> memref<1x64xf32, #tpu.memory_space<hbm>>
          tpu.enqueue_dma source(%dma_start3A_1860 : memref<1x64xf32, #tpu.memory_space<hbm>>) target(%dma_start3A_1858 : memref<1x64xf32, #tpu.memory_space<vmem>>) target_semaphore(%arg17 : memref<!tpu.dma_semaphore, #tpu.memory_space<semaphore_mem>>)
          %slice3A_1861 = vector.extract_strided_slice %get3A_1732 {offsets = [8], sizes = [1], strides = [1]} : vector<16xi32> to vector<1xi32>
          %squeeze3A_1862 = vector.extract %slice3A_1861[0] : i32 from vector<1xi32>
          %mul3A_1863 = arith.constant 16 : i32
          %mul3A_1864 = arith.muli %scan3A_1726, %mul3A_1863 : i32
          %add3A_1865 = arith.constant 0 : i32
          %add3A_1866 = arith.addi %add3A_1865, %mul3A_1864 : i32
          %add3A_1867 = arith.constant 8 : i32
          %add3A_1868 = arith.addi %add3A_1866, %add3A_1867 : i32
          %dma_start3A_1869 = arith.constant 0 : i32
          %dma_start3A_1870 = tpu.memref_slice %arg14[%add3A_1868, %dma_start3A_1869] : memref<640x64xf32, #tpu.memory_space<vmem>> -> memref<1x64xf32, #tpu.memory_space<vmem>>
          %dma_start3A_1871 = arith.constant 0 : i32
          %dma_start3A_1872 = tpu.memref_slice %arg6[%squeeze3A_1862, %dma_start3A_1871] : memref<1000000x64xf32, #tpu.memory_space<hbm>> -> memref<1x64xf32, #tpu.memory_space<hbm>>
          %dma_start3A_1873 = arith.constant 0 : i32
          %dma_start3A_1874 = tpu.memref_slice %arg14[%add3A_1868, %dma_start3A_1873] : memref<640x64xf32, #tpu.memory_space<vmem>> -> memref<1x64xf32, #tpu.memory_space<vmem>>
          %dma_start3A_1875 = arith.constant 0 : i32
          %dma_start3A_1876 = tpu.memref_slice %arg6[%squeeze3A_1862, %dma_start3A_1875] : memref<1000000x64xf32, #tpu.memory_space<hbm>> -> memref<1x64xf32, #tpu.memory_space<hbm>>
          tpu.enqueue_dma source(%dma_start3A_1876 : memref<1x64xf32, #tpu.memory_space<hbm>>) target(%dma_start3A_1874 : memref<1x64xf32, #tpu.memory_space<vmem>>) target_semaphore(%arg17 : memref<!tpu.dma_semaphore, #tpu.memory_space<semaphore_mem>>)
          %slice3A_1877 = vector.extract_strided_slice %get3A_1732 {offsets = [9], sizes = [1], strides = [1]} : vector<16xi32> to vector<1xi32>
          %squeeze3A_1878 = vector.extract %slice3A_1877[0] : i32 from vector<1xi32>
          %mul3A_1879 = arith.constant 16 : i32
          %mul3A_1880 = arith.muli %scan3A_1726, %mul3A_1879 : i32
          %add3A_1881 = arith.constant 0 : i32
          %add3A_1882 = arith.addi %add3A_1881, %mul3A_1880 : i32
          %add3A_1883 = arith.constant 9 : i32
          %add3A_1884 = arith.addi %add3A_1882, %add3A_1883 : i32
          %dma_start3A_1885 = arith.constant 0 : i32
          %dma_start3A_1886 = tpu.memref_slice %arg14[%add3A_1884, %dma_start3A_1885] : memref<640x64xf32, #tpu.memory_space<vmem>> -> memref<1x64xf32, #tpu.memory_space<vmem>>
          %dma_start3A_1887 = arith.constant 0 : i32
          %dma_start3A_1888 = tpu.memref_slice %arg6[%squeeze3A_1878, %dma_start3A_1887] : memref<1000000x64xf32, #tpu.memory_space<hbm>> -> memref<1x64xf32, #tpu.memory_space<hbm>>
          %dma_start3A_1889 = arith.constant 0 : i32
          %dma_start3A_1890 = tpu.memref_slice %arg14[%add3A_1884, %dma_start3A_1889] : memref<640x64xf32, #tpu.memory_space<vmem>> -> memref<1x64xf32, #tpu.memory_space<vmem>>
          %dma_start3A_1891 = arith.constant 0 : i32
          %dma_start3A_1892 = tpu.memref_slice %arg6[%squeeze3A_1878, %dma_start3A_1891] : memref<1000000x64xf32, #tpu.memory_space<hbm>> -> memref<1x64xf32, #tpu.memory_space<hbm>>
          tpu.enqueue_dma source(%dma_start3A_1892 : memref<1x64xf32, #tpu.memory_space<hbm>>) target(%dma_start3A_1890 : memref<1x64xf32, #tpu.memory_space<vmem>>) target_semaphore(%arg17 : memref<!tpu.dma_semaphore, #tpu.memory_space<semaphore_mem>>)
          %slice3A_1893 = vector.extract_strided_slice %get3A_1732 {offsets = [10], sizes = [1], strides = [1]} : vector<16xi32> to vector<1xi32>
          %squeeze3A_1894 = vector.extract %slice3A_1893[0] : i32 from vector<1xi32>
          %mul3A_1895 = arith.constant 16 : i32
          %mul3A_1896 = arith.muli %scan3A_1726, %mul3A_1895 : i32
          %add3A_1897 = arith.constant 0 : i32
          %add3A_1898 = arith.addi %add3A_1897, %mul3A_1896 : i32
          %add3A_1899 = arith.constant 10 : i32
          %add3A_1900 = arith.addi %add3A_1898, %add3A_1899 : i32
          %dma_start3A_1901 = arith.constant 0 : i32
          %dma_start3A_1902 = tpu.memref_slice %arg14[%add3A_1900, %dma_start3A_1901] : memref<640x64xf32, #tpu.memory_space<vmem>> -> memref<1x64xf32, #tpu.memory_space<vmem>>
          %dma_start3A_1903 = arith.constant 0 : i32
          %dma_start3A_1904 = tpu.memref_slice %arg6[%squeeze3A_1894, %dma_start3A_1903] : memref<1000000x64xf32, #tpu.memory_space<hbm>> -> memref<1x64xf32, #tpu.memory_space<hbm>>
          %dma_start3A_1905 = arith.constant 0 : i32
          %dma_start3A_1906 = tpu.memref_slice %arg14[%add3A_1900, %dma_start3A_1905] : memref<640x64xf32, #tpu.memory_space<vmem>> -> memref<1x64xf32, #tpu.memory_space<vmem>>
          %dma_start3A_1907 = arith.constant 0 : i32
          %dma_start3A_1908 = tpu.memref_slice %arg6[%squeeze3A_1894, %dma_start3A_1907] : memref<1000000x64xf32, #tpu.memory_space<hbm>> -> memref<1x64xf32, #tpu.memory_space<hbm>>
          tpu.enqueue_dma source(%dma_start3A_1908 : memref<1x64xf32, #tpu.memory_space<hbm>>) target(%dma_start3A_1906 : memref<1x64xf32, #tpu.memory_space<vmem>>) target_semaphore(%arg17 : memref<!tpu.dma_semaphore, #tpu.memory_space<semaphore_mem>>)
          %slice3A_1909 = vector.extract_strided_slice %get3A_1732 {offsets = [11], sizes = [1], strides = [1]} : vector<16xi32> to vector<1xi32>
          %squeeze3A_1910 = vector.extract %slice3A_1909[0] : i32 from vector<1xi32>
          %mul3A_1911 = arith.constant 16 : i32
          %mul3A_1912 = arith.muli %scan3A_1726, %mul3A_1911 : i32
          %add3A_1913 = arith.constant 0 : i32
          %add3A_1914 = arith.addi %add3A_1913, %mul3A_1912 : i32
          %add3A_1915 = arith.constant 11 : i32
          %add3A_1916 = arith.addi %add3A_1914, %add3A_1915 : i32
          %dma_start3A_1917 = arith.constant 0 : i32
          %dma_start3A_1918 = tpu.memref_slice %arg14[%add3A_1916, %dma_start3A_1917] : memref<640x64xf32, #tpu.memory_space<vmem>> -> memref<1x64xf32, #tpu.memory_space<vmem>>
          %dma_start3A_1919 = arith.constant 0 : i32
          %dma_start3A_1920 = tpu.memref_slice %arg6[%squeeze3A_1910, %dma_start3A_1919] : memref<1000000x64xf32, #tpu.memory_space<hbm>> -> memref<1x64xf32, #tpu.memory_space<hbm>>
          %dma_start3A_1921 = arith.constant 0 : i32
          %dma_start3A_1922 = tpu.memref_slice %arg14[%add3A_1916, %dma_start3A_1921] : memref<640x64xf32, #tpu.memory_space<vmem>> -> memref<1x64xf32, #tpu.memory_space<vmem>>
          %dma_start3A_1923 = arith.constant 0 : i32
          %dma_start3A_1924 = tpu.memref_slice %arg6[%squeeze3A_1910, %dma_start3A_1923] : memref<1000000x64xf32, #tpu.memory_space<hbm>> -> memref<1x64xf32, #tpu.memory_space<hbm>>
          tpu.enqueue_dma source(%dma_start3A_1924 : memref<1x64xf32, #tpu.memory_space<hbm>>) target(%dma_start3A_1922 : memref<1x64xf32, #tpu.memory_space<vmem>>) target_semaphore(%arg17 : memref<!tpu.dma_semaphore, #tpu.memory_space<semaphore_mem>>)
          %slice3A_1925 = vector.extract_strided_slice %get3A_1732 {offsets = [12], sizes = [1], strides = [1]} : vector<16xi32> to vector<1xi32>
          %squeeze3A_1926 = vector.extract %slice3A_1925[0] : i32 from vector<1xi32>
          %mul3A_1927 = arith.constant 16 : i32
          %mul3A_1928 = arith.muli %scan3A_1726, %mul3A_1927 : i32
          %add3A_1929 = arith.constant 0 : i32
          %add3A_1930 = arith.addi %add3A_1929, %mul3A_1928 : i32
          %add3A_1931 = arith.constant 12 : i32
          %add3A_1932 = arith.addi %add3A_1930, %add3A_1931 : i32
          %dma_start3A_1933 = arith.constant 0 : i32
          %dma_start3A_1934 = tpu.memref_slice %arg14[%add3A_1932, %dma_start3A_1933] : memref<640x64xf32, #tpu.memory_space<vmem>> -> memref<1x64xf32, #tpu.memory_space<vmem>>
          %dma_start3A_1935 = arith.constant 0 : i32
          %dma_start3A_1936 = tpu.memref_slice %arg6[%squeeze3A_1926, %dma_start3A_1935] : memref<1000000x64xf32, #tpu.memory_space<hbm>> -> memref<1x64xf32, #tpu.memory_space<hbm>>
          %dma_start3A_1937 = arith.constant 0 : i32
          %dma_start3A_1938 = tpu.memref_slice %arg14[%add3A_1932, %dma_start3A_1937] : memref<640x64xf32, #tpu.memory_space<vmem>> -> memref<1x64xf32, #tpu.memory_space<vmem>>
          %dma_start3A_1939 = arith.constant 0 : i32
          %dma_start3A_1940 = tpu.memref_slice %arg6[%squeeze3A_1926, %dma_start3A_1939] : memref<1000000x64xf32, #tpu.memory_space<hbm>> -> memref<1x64xf32, #tpu.memory_space<hbm>>
          tpu.enqueue_dma source(%dma_start3A_1940 : memref<1x64xf32, #tpu.memory_space<hbm>>) target(%dma_start3A_1938 : memref<1x64xf32, #tpu.memory_space<vmem>>) target_semaphore(%arg17 : memref<!tpu.dma_semaphore, #tpu.memory_space<semaphore_mem>>)
          %slice3A_1941 = vector.extract_strided_slice %get3A_1732 {offsets = [13], sizes = [1], strides = [1]} : vector<16xi32> to vector<1xi32>
          %squeeze3A_1942 = vector.extract %slice3A_1941[0] : i32 from vector<1xi32>
          %mul3A_1943 = arith.constant 16 : i32
          %mul3A_1944 = arith.muli %scan3A_1726, %mul3A_1943 : i32
          %add3A_1945 = arith.constant 0 : i32
          %add3A_1946 = arith.addi %add3A_1945, %mul3A_1944 : i32
          %add3A_1947 = arith.constant 13 : i32
          %add3A_1948 = arith.addi %add3A_1946, %add3A_1947 : i32
          %dma_start3A_1949 = arith.constant 0 : i32
          %dma_start3A_1950 = tpu.memref_slice %arg14[%add3A_1948, %dma_start3A_1949] : memref<640x64xf32, #tpu.memory_space<vmem>> -> memref<1x64xf32, #tpu.memory_space<vmem>>
          %dma_start3A_1951 = arith.constant 0 : i32
          %dma_start3A_1952 = tpu.memref_slice %arg6[%squeeze3A_1942, %dma_start3A_1951] : memref<1000000x64xf32, #tpu.memory_space<hbm>> -> memref<1x64xf32, #tpu.memory_space<hbm>>
          %dma_start3A_1953 = arith.constant 0 : i32
          %dma_start3A_1954 = tpu.memref_slice %arg14[%add3A_1948, %dma_start3A_1953] : memref<640x64xf32, #tpu.memory_space<vmem>> -> memref<1x64xf32, #tpu.memory_space<vmem>>
          %dma_start3A_1955 = arith.constant 0 : i32
          %dma_start3A_1956 = tpu.memref_slice %arg6[%squeeze3A_1942, %dma_start3A_1955] : memref<1000000x64xf32, #tpu.memory_space<hbm>> -> memref<1x64xf32, #tpu.memory_space<hbm>>
          tpu.enqueue_dma source(%dma_start3A_1956 : memref<1x64xf32, #tpu.memory_space<hbm>>) target(%dma_start3A_1954 : memref<1x64xf32, #tpu.memory_space<vmem>>) target_semaphore(%arg17 : memref<!tpu.dma_semaphore, #tpu.memory_space<semaphore_mem>>)
          %slice3A_1957 = vector.extract_strided_slice %get3A_1732 {offsets = [14], sizes = [1], strides = [1]} : vector<16xi32> to vector<1xi32>
          %squeeze3A_1958 = vector.extract %slice3A_1957[0] : i32 from vector<1xi32>
          %mul3A_1959 = arith.constant 16 : i32
          %mul3A_1960 = arith.muli %scan3A_1726, %mul3A_1959 : i32
          %add3A_1961 = arith.constant 0 : i32
          %add3A_1962 = arith.addi %add3A_1961, %mul3A_1960 : i32
          %add3A_1963 = arith.constant 14 : i32
          %add3A_1964 = arith.addi %add3A_1962, %add3A_1963 : i32
          %dma_start3A_1965 = arith.constant 0 : i32
          %dma_start3A_1966 = tpu.memref_slice %arg14[%add3A_1964, %dma_start3A_1965] : memref<640x64xf32, #tpu.memory_space<vmem>> -> memref<1x64xf32, #tpu.memory_space<vmem>>
          %dma_start3A_1967 = arith.constant 0 : i32
          %dma_start3A_1968 = tpu.memref_slice %arg6[%squeeze3A_1958, %dma_start3A_1967] : memref<1000000x64xf32, #tpu.memory_space<hbm>> -> memref<1x64xf32, #tpu.memory_space<hbm>>
          %dma_start3A_1969 = arith.constant 0 : i32
          %dma_start3A_1970 = tpu.memref_slice %arg14[%add3A_1964, %dma_start3A_1969] : memref<640x64xf32, #tpu.memory_space<vmem>> -> memref<1x64xf32, #tpu.memory_space<vmem>>
          %dma_start3A_1971 = arith.constant 0 : i32
          %dma_start3A_1972 = tpu.memref_slice %arg6[%squeeze3A_1958, %dma_start3A_1971] : memref<1000000x64xf32, #tpu.memory_space<hbm>> -> memref<1x64xf32, #tpu.memory_space<hbm>>
          tpu.enqueue_dma source(%dma_start3A_1972 : memref<1x64xf32, #tpu.memory_space<hbm>>) target(%dma_start3A_1970 : memref<1x64xf32, #tpu.memory_space<vmem>>) target_semaphore(%arg17 : memref<!tpu.dma_semaphore, #tpu.memory_space<semaphore_mem>>)
          %slice3A_1973 = vector.extract_strided_slice %get3A_1732 {offsets = [15], sizes = [1], strides = [1]} : vector<16xi32> to vector<1xi32>
          %squeeze3A_1974 = vector.extract %slice3A_1973[0] : i32 from vector<1xi32>
          %mul3A_1975 = arith.constant 16 : i32
          %mul3A_1976 = arith.muli %scan3A_1726, %mul3A_1975 : i32
          %add3A_1977 = arith.constant 0 : i32
          %add3A_1978 = arith.addi %add3A_1977, %mul3A_1976 : i32
          %add3A_1979 = arith.constant 15 : i32
          %add3A_1980 = arith.addi %add3A_1978, %add3A_1979 : i32
          %dma_start3A_1981 = arith.constant 0 : i32
          %dma_start3A_1982 = tpu.memref_slice %arg14[%add3A_1980, %dma_start3A_1981] : memref<640x64xf32, #tpu.memory_space<vmem>> -> memref<1x64xf32, #tpu.memory_space<vmem>>
          %dma_start3A_1983 = arith.constant 0 : i32
          %dma_start3A_1984 = tpu.memref_slice %arg6[%squeeze3A_1974, %dma_start3A_1983] : memref<1000000x64xf32, #tpu.memory_space<hbm>> -> memref<1x64xf32, #tpu.memory_space<hbm>>
          %dma_start3A_1985 = arith.constant 0 : i32
          %dma_start3A_1986 = tpu.memref_slice %arg14[%add3A_1980, %dma_start3A_1985] : memref<640x64xf32, #tpu.memory_space<vmem>> -> memref<1x64xf32, #tpu.memory_space<vmem>>
          %dma_start3A_1987 = arith.constant 0 : i32
          %dma_start3A_1988 = tpu.memref_slice %arg6[%squeeze3A_1974, %dma_start3A_1987] : memref<1000000x64xf32, #tpu.memory_space<hbm>> -> memref<1x64xf32, #tpu.memory_space<hbm>>
          tpu.enqueue_dma source(%dma_start3A_1988 : memref<1x64xf32, #tpu.memory_space<hbm>>) target(%dma_start3A_1986 : memref<1x64xf32, #tpu.memory_space<vmem>>) target_semaphore(%arg17 : memref<!tpu.dma_semaphore, #tpu.memory_space<semaphore_mem>>)
        }
        %scan3A_1725 = arith.constant 20 : i32
      } else {
      }
      %dma_wait3A_1138 = arith.constant 16 : i32
      %dma_wait3A_1139 = arith.constant 0 : i32
      %dma_wait3A_1140 = tpu.memref_slice %arg12[%dma_wait3A_1138, %dma_wait3A_1139] : memref<32x64xf32, #tpu.memory_space<vmem>> -> memref<16x64xf32, #tpu.memory_space<vmem>>
      %dma_wait3A_1141 = arith.constant 0 : i32
      %dma_wait3A_1142 = arith.constant 0 : i32
      %dma_wait3A_1143 = tpu.memref_slice %arg5[%dma_wait3A_1141, %dma_wait3A_1142] : memref<1000000x64xf32, #tpu.memory_space<hbm>> -> memref<16x64xf32, #tpu.memory_space<hbm>>
      %dma_wait3A_1144 = arith.constant 16 : i32
      %dma_wait3A_1145 = arith.constant 0 : i32
      %dma_wait3A_1146 = tpu.memref_slice %arg12[%dma_wait3A_1144, %dma_wait3A_1145] : memref<32x64xf32, #tpu.memory_space<vmem>> -> memref<16x64xf32, #tpu.memory_space<vmem>>
      %dma_wait3A_1147 = arith.constant 0 : i32
      %dma_wait3A_1148 = arith.constant 0 : i32
      %dma_wait3A_1149 = tpu.memref_slice %arg5[%dma_wait3A_1147, %dma_wait3A_1148] : memref<1000000x64xf32, #tpu.memory_space<hbm>> -> memref<16x64xf32, #tpu.memory_space<hbm>>
      tpu.wait_dma2 semaphore(%arg18 : memref<!tpu.dma_semaphore, #tpu.memory_space<semaphore_mem>>) src(%dma_wait3A_1149 : memref<16x64xf32, #tpu.memory_space<hbm>>) dst(%dma_wait3A_1146 : memref<16x64xf32, #tpu.memory_space<vmem>>)
      %dma_wait3A_1150 = arith.constant 16 : i32
      %dma_wait3A_1151 = arith.constant 0 : i32
      %dma_wait3A_1152 = tpu.memref_slice %arg13[%dma_wait3A_1150, %dma_wait3A_1151] : memref<32x64xf32, #tpu.memory_space<vmem>> -> memref<16x64xf32, #tpu.memory_space<vmem>>
      %dma_wait3A_1153 = arith.constant 0 : i32
      %dma_wait3A_1154 = arith.constant 0 : i32
      %dma_wait3A_1155 = tpu.memref_slice %arg6[%dma_wait3A_1153, %dma_wait3A_1154] : memref<1000000x64xf32, #tpu.memory_space<hbm>> -> memref<16x64xf32, #tpu.memory_space<hbm>>
      %dma_wait3A_1156 = arith.constant 16 : i32
      %dma_wait3A_1157 = arith.constant 0 : i32
      %dma_wait3A_1158 = tpu.memref_slice %arg13[%dma_wait3A_1156, %dma_wait3A_1157] : memref<32x64xf32, #tpu.memory_space<vmem>> -> memref<16x64xf32, #tpu.memory_space<vmem>>
      %dma_wait3A_1159 = arith.constant 0 : i32
      %dma_wait3A_1160 = arith.constant 0 : i32
      %dma_wait3A_1161 = tpu.memref_slice %arg6[%dma_wait3A_1159, %dma_wait3A_1160] : memref<1000000x64xf32, #tpu.memory_space<hbm>> -> memref<16x64xf32, #tpu.memory_space<hbm>>
      tpu.wait_dma2 semaphore(%arg18 : memref<!tpu.dma_semaphore, #tpu.memory_space<semaphore_mem>>) src(%dma_wait3A_1161 : memref<16x64xf32, #tpu.memory_space<hbm>>) dst(%dma_wait3A_1158 : memref<16x64xf32, #tpu.memory_space<vmem>>)
      %dma_wait3A_1162 = arith.constant 320 : i32
      %dma_wait3A_1163 = arith.constant 0 : i32
      %dma_wait3A_1164 = tpu.memref_slice %arg14[%dma_wait3A_1162, %dma_wait3A_1163] : memref<640x64xf32, #tpu.memory_space<vmem>> -> memref<320x64xf32, #tpu.memory_space<vmem>>
      %dma_wait3A_1165 = arith.constant 0 : i32
      %dma_wait3A_1166 = arith.constant 0 : i32
      %dma_wait3A_1167 = tpu.memref_slice %arg6[%dma_wait3A_1165, %dma_wait3A_1166] : memref<1000000x64xf32, #tpu.memory_space<hbm>> -> memref<320x64xf32, #tpu.memory_space<hbm>>
      %dma_wait3A_1168 = arith.constant 320 : i32
      %dma_wait3A_1169 = arith.constant 0 : i32
      %dma_wait3A_1170 = tpu.memref_slice %arg14[%dma_wait3A_1168, %dma_wait3A_1169] : memref<640x64xf32, #tpu.memory_space<vmem>> -> memref<320x64xf32, #tpu.memory_space<vmem>>
      %dma_wait3A_1171 = arith.constant 0 : i32
      %dma_wait3A_1172 = arith.constant 0 : i32
      %dma_wait3A_1173 = tpu.memref_slice %arg6[%dma_wait3A_1171, %dma_wait3A_1172] : memref<1000000x64xf32, #tpu.memory_space<hbm>> -> memref<320x64xf32, #tpu.memory_space<hbm>>
      tpu.wait_dma2 semaphore(%arg18 : memref<!tpu.dma_semaphore, #tpu.memory_space<semaphore_mem>>) src(%dma_wait3A_1173 : memref<320x64xf32, #tpu.memory_space<hbm>>) dst(%dma_wait3A_1170 : memref<320x64xf32, #tpu.memory_space<vmem>>)
      %add3A_1174 = arith.constant 1 : i32
      %add3A_1175 = arith.addi %mul3A_550, %add3A_1174 : i32
      %mul3A_1176 = arith.constant 16 : i32
      %mul3A_1177 = arith.muli %add3A_1175, %mul3A_1176 : i32
      %scan3A_1178 = arith.constant 0 : i32
      %scan3A_1179 = arith.constant 0 : i32
      %scan3A_1180 = arith.constant 16 : i32
      %scan3A_1181 = arith.addi %scan3A_1179, %scan3A_1180 : i32
      %scan3A_1182 = arith.constant 1 : i32
      scf.for %scan3A_1184 = %scan3A_1179 to %scan3A_1181 step %scan3A_1182  : i32 {
        %add3A_1185 = arith.constant 16 : i32
        %add3A_1186 = arith.addi %add3A_1185, %scan3A_1184 : i32
        %get3A_1187 = arith.index_cast %add3A_1186 : i32 to index
        %get3A_1188 = arith.constant 0 : index
        %get3A_1189 = tpu.vector_load %arg12[%get3A_1187, %get3A_1188] {strides = array<i32>} : memref<32x64xf32, #tpu.memory_space<vmem>>, vector<1x16xf32>,
        %get3A_1190 = vector.shape_cast %get3A_1189 : vector<1x16xf32> to vector<16xf32>
        %add3A_1191 = arith.constant 16 : i32
        %add3A_1192 = arith.addi %add3A_1191, %scan3A_1184 : i32
        %get3A_1193 = arith.index_cast %add3A_1192 : i32 to index
        %get3A_1194 = arith.constant 16 : index
        %get3A_1195 = tpu.vector_load %arg12[%get3A_1193, %get3A_1194] {strides = array<i32>} : memref<32x64xf32, #tpu.memory_space<vmem>>, vector<1x16xf32>,
        %get3A_1196 = vector.shape_cast %get3A_1195 : vector<1x16xf32> to vector<16xf32>
        %add3A_1197 = arith.constant 16 : i32
        %add3A_1198 = arith.addi %add3A_1197, %scan3A_1184 : i32
        %get3A_1199 = arith.index_cast %add3A_1198 : i32 to index
        %get3A_1200 = arith.constant 32 : index
        %get3A_1201 = tpu.vector_load %arg12[%get3A_1199, %get3A_1200] {strides = array<i32>} : memref<32x64xf32, #tpu.memory_space<vmem>>, vector<1x16xf32>,
        %get3A_1202 = vector.shape_cast %get3A_1201 : vector<1x16xf32> to vector<16xf32>
        %add3A_1203 = arith.constant 16 : i32
        %add3A_1204 = arith.addi %add3A_1203, %scan3A_1184 : i32
        %get3A_1205 = arith.index_cast %add3A_1204 : i32 to index
        %get3A_1206 = arith.constant 48 : index
        %get3A_1207 = tpu.vector_load %arg12[%get3A_1205, %get3A_1206] {strides = array<i32>} : memref<32x64xf32, #tpu.memory_space<vmem>>, vector<1x16xf32>,
        %get3A_1208 = vector.shape_cast %get3A_1207 : vector<1x16xf32> to vector<16xf32>
        %add3A_1209 = arith.constant 16 : i32
        %add3A_1210 = arith.addi %add3A_1209, %scan3A_1184 : i32
        %get3A_1211 = arith.index_cast %add3A_1210 : i32 to index
        %get3A_1212 = arith.constant 0 : index
        %get3A_1213 = tpu.vector_load %arg13[%get3A_1211, %get3A_1212] {strides = array<i32>} : memref<32x64xf32, #tpu.memory_space<vmem>>, vector<1x16xf32>,
        %get3A_1214 = vector.shape_cast %get3A_1213 : vector<1x16xf32> to vector<16xf32>
        %add3A_1215 = arith.constant 16 : i32
        %add3A_1216 = arith.addi %add3A_1215, %scan3A_1184 : i32
        %get3A_1217 = arith.index_cast %add3A_1216 : i32 to index
        %get3A_1218 = arith.constant 16 : index
        %get3A_1219 = tpu.vector_load %arg13[%get3A_1217, %get3A_1218] {strides = array<i32>} : memref<32x64xf32, #tpu.memory_space<vmem>>, vector<1x16xf32>,
        %get3A_1220 = vector.shape_cast %get3A_1219 : vector<1x16xf32> to vector<16xf32>
        %add3A_1221 = arith.constant 16 : i32
        %add3A_1222 = arith.addi %add3A_1221, %scan3A_1184 : i32
        %get3A_1223 = arith.index_cast %add3A_1222 : i32 to index
        %get3A_1224 = arith.constant 32 : index
        %get3A_1225 = tpu.vector_load %arg13[%get3A_1223, %get3A_1224] {strides = array<i32>} : memref<32x64xf32, #tpu.memory_space<vmem>>, vector<1x16xf32>,
        %get3A_1226 = vector.shape_cast %get3A_1225 : vector<1x16xf32> to vector<16xf32>
        %add3A_1227 = arith.constant 16 : i32
        %add3A_1228 = arith.addi %add3A_1227, %scan3A_1184 : i32
        %get3A_1229 = arith.index_cast %add3A_1228 : i32 to index
        %get3A_1230 = arith.constant 48 : index
        %get3A_1231 = tpu.vector_load %arg13[%get3A_1229, %get3A_1230] {strides = array<i32>} : memref<32x64xf32, #tpu.memory_space<vmem>>, vector<1x16xf32>,
        %get3A_1232 = vector.shape_cast %get3A_1231 : vector<1x16xf32> to vector<16xf32>
        %mul3A_1233 = arith.mulf %get3A_1190, %get3A_1214 : vector<16xf32>
        %mul3A_1234 = arith.mulf %get3A_1196, %get3A_1220 : vector<16xf32>
        %add3A_1235 = arith.addf %mul3A_1233, %mul3A_1234 : vector<16xf32>
        %mul3A_1236 = arith.mulf %get3A_1202, %get3A_1226 : vector<16xf32>
        %mul3A_1237 = arith.mulf %get3A_1208, %get3A_1232 : vector<16xf32>
        %add3A_1238 = arith.addf %mul3A_1236, %mul3A_1237 : vector<16xf32>
        %add3A_1239 = arith.addf %add3A_1235, %add3A_1238 : vector<16xf32>
        %mul3A_1240 = arith.constant 20 : i32
        %mul3A_1241 = arith.muli %scan3A_1184, %mul3A_1240 : i32
        %add3A_1242 = arith.constant 320 : i32
        %add3A_1243 = arith.addi %add3A_1242, %mul3A_1241 : i32
        %get3A_1244 = arith.index_cast %add3A_1243 : i32 to index
        %get3A_1245 = arith.constant 0 : index
        %get3A_1246 = tpu.vector_load %arg14[%get3A_1244, %get3A_1245] {strides = array<i32>} : memref<640x64xf32, #tpu.memory_space<vmem>>, vector<1x16xf32>,
        %get3A_1247 = vector.shape_cast %get3A_1246 : vector<1x16xf32> to vector<16xf32>
        %mul3A_1248 = arith.constant 20 : i32
        %mul3A_1249 = arith.muli %scan3A_1184, %mul3A_1248 : i32
        %add3A_1250 = arith.constant 320 : i32
        %add3A_1251 = arith.addi %add3A_1250, %mul3A_1249 : i32
        %get3A_1252 = arith.index_cast %add3A_1251 : i32 to index
        %get3A_1253 = arith.constant 16 : index
        %get3A_1254 = tpu.vector_load %arg14[%get3A_1252, %get3A_1253] {strides = array<i32>} : memref<640x64xf32, #tpu.memory_space<vmem>>, vector<1x16xf32>,
        %get3A_1255 = vector.shape_cast %get3A_1254 : vector<1x16xf32> to vector<16xf32>
        %mul3A_1256 = arith.constant 20 : i32
        %mul3A_1257 = arith.muli %scan3A_1184, %mul3A_1256 : i32
        %add3A_1258 = arith.constant 320 : i32
        %add3A_1259 = arith.addi %add3A_1258, %mul3A_1257 : i32
        %get3A_1260 = arith.index_cast %add3A_1259 : i32 to index
        %get3A_1261 = arith.constant 32 : index
        %get3A_1262 = tpu.vector_load %arg14[%get3A_1260, %get3A_1261] {strides = array<i32>} : memref<640x64xf32, #tpu.memory_space<vmem>>, vector<1x16xf32>,
        %get3A_1263 = vector.shape_cast %get3A_1262 : vector<1x16xf32> to vector<16xf32>
        %mul3A_1264 = arith.constant 20 : i32
        %mul3A_1265 = arith.muli %scan3A_1184, %mul3A_1264 : i32
        %add3A_1266 = arith.constant 320 : i32
        %add3A_1267 = arith.addi %add3A_1266, %mul3A_1265 : i32
        %get3A_1268 = arith.index_cast %add3A_1267 : i32 to index
        %get3A_1269 = arith.constant 48 : index
        %get3A_1270 = tpu.vector_load %arg14[%get3A_1268, %get3A_1269] {strides = array<i32>} : memref<640x64xf32, #tpu.memory_space<vmem>>, vector<1x16xf32>,
        %get3A_1271 = vector.shape_cast %get3A_1270 : vector<1x16xf32> to vector<16xf32>
        %mul3A_1272 = arith.constant 20 : i32
        %mul3A_1273 = arith.muli %scan3A_1184, %mul3A_1272 : i32
        %add3A_1274 = arith.constant 320 : i32
        %add3A_1275 = arith.addi %add3A_1274, %mul3A_1273 : i32
        %add3A_1276 = arith.constant 1 : i32
        %add3A_1277 = arith.addi %add3A_1275, %add3A_1276 : i32
        %get3A_1278 = arith.index_cast %add3A_1277 : i32 to index
        %get3A_1279 = arith.constant 0 : index
        %get3A_1280 = tpu.vector_load %arg14[%get3A_1278, %get3A_1279] {strides = array<i32>} : memref<640x64xf32, #tpu.memory_space<vmem>>, vector<1x16xf32>,
        %get3A_1281 = vector.shape_cast %get3A_1280 : vector<1x16xf32> to vector<16xf32>
        %add3A_1282 = arith.addf %get3A_1247, %get3A_1281 : vector<16xf32>
        %get3A_1283 = arith.index_cast %add3A_1277 : i32 to index
        %get3A_1284 = arith.constant 16 : index
        %get3A_1285 = tpu.vector_load %arg14[%get3A_1283, %get3A_1284] {strides = array<i32>} : memref<640x64xf32, #tpu.memory_space<vmem>>, vector<1x16xf32>,
        %get3A_1286 = vector.shape_cast %get3A_1285 : vector<1x16xf32> to vector<16xf32>
        %add3A_1287 = arith.addf %get3A_1255, %get3A_1286 : vector<16xf32>
        %get3A_1288 = arith.index_cast %add3A_1277 : i32 to index
        %get3A_1289 = arith.constant 32 : index
        %get3A_1290 = tpu.vector_load %arg14[%get3A_1288, %get3A_1289] {strides = array<i32>} : memref<640x64xf32, #tpu.memory_space<vmem>>, vector<1x16xf32>,
        %get3A_1291 = vector.shape_cast %get3A_1290 : vector<1x16xf32> to vector<16xf32>
        %add3A_1292 = arith.addf %get3A_1263, %get3A_1291 : vector<16xf32>
        %get3A_1293 = arith.index_cast %add3A_1277 : i32 to index
        %get3A_1294 = arith.constant 48 : index
        %get3A_1295 = tpu.vector_load %arg14[%get3A_1293, %get3A_1294] {strides = array<i32>} : memref<640x64xf32, #tpu.memory_space<vmem>>, vector<1x16xf32>,
        %get3A_1296 = vector.shape_cast %get3A_1295 : vector<1x16xf32> to vector<16xf32>
        %add3A_1297 = arith.addf %get3A_1271, %get3A_1296 : vector<16xf32>
        %mul3A_1298 = arith.constant 20 : i32
        %mul3A_1299 = arith.muli %scan3A_1184, %mul3A_1298 : i32
        %add3A_1300 = arith.constant 320 : i32
        %add3A_1301 = arith.addi %add3A_1300, %mul3A_1299 : i32
        %add3A_1302 = arith.constant 2 : i32
        %add3A_1303 = arith.addi %add3A_1301, %add3A_1302 : i32
        %get3A_1304 = arith.index_cast %add3A_1303 : i32 to index
        %get3A_1305 = arith.constant 0 : index
        %get3A_1306 = tpu.vector_load %arg14[%get3A_1304, %get3A_1305] {strides = array<i32>} : memref<640x64xf32, #tpu.memory_space<vmem>>, vector<1x16xf32>,
        %get3A_1307 = vector.shape_cast %get3A_1306 : vector<1x16xf32> to vector<16xf32>
        %add3A_1308 = arith.addf %add3A_1282, %get3A_1307 : vector<16xf32>
        %get3A_1309 = arith.index_cast %add3A_1303 : i32 to index
        %get3A_1310 = arith.constant 16 : index
        %get3A_1311 = tpu.vector_load %arg14[%get3A_1309, %get3A_1310] {strides = array<i32>} : memref<640x64xf32, #tpu.memory_space<vmem>>, vector<1x16xf32>,
        %get3A_1312 = vector.shape_cast %get3A_1311 : vector<1x16xf32> to vector<16xf32>
        %add3A_1313 = arith.addf %add3A_1287, %get3A_1312 : vector<16xf32>
        %get3A_1314 = arith.index_cast %add3A_1303 : i32 to index
        %get3A_1315 = arith.constant 32 : index
        %get3A_1316 = tpu.vector_load %arg14[%get3A_1314, %get3A_1315] {strides = array<i32>} : memref<640x64xf32, #tpu.memory_space<vmem>>, vector<1x16xf32>,
        %get3A_1317 = vector.shape_cast %get3A_1316 : vector<1x16xf32> to vector<16xf32>
        %add3A_1318 = arith.addf %add3A_1292, %get3A_1317 : vector<16xf32>
        %get3A_1319 = arith.index_cast %add3A_1303 : i32 to index
        %get3A_1320 = arith.constant 48 : index
        %get3A_1321 = tpu.vector_load %arg14[%get3A_1319, %get3A_1320] {strides = array<i32>} : memref<640x64xf32, #tpu.memory_space<vmem>>, vector<1x16xf32>,
        %get3A_1322 = vector.shape_cast %get3A_1321 : vector<1x16xf32> to vector<16xf32>
        %add3A_1323 = arith.addf %add3A_1297, %get3A_1322 : vector<16xf32>
        %mul3A_1324 = arith.constant 20 : i32
        %mul3A_1325 = arith.muli %scan3A_1184, %mul3A_1324 : i32
        %add3A_1326 = arith.constant 320 : i32
        %add3A_1327 = arith.addi %add3A_1326, %mul3A_1325 : i32
        %add3A_1328 = arith.constant 3 : i32
        %add3A_1329 = arith.addi %add3A_1327, %add3A_1328 : i32
        %get3A_1330 = arith.index_cast %add3A_1329 : i32 to index
        %get3A_1331 = arith.constant 0 : index
        %get3A_1332 = tpu.vector_load %arg14[%get3A_1330, %get3A_1331] {strides = array<i32>} : memref<640x64xf32, #tpu.memory_space<vmem>>, vector<1x16xf32>,
        %get3A_1333 = vector.shape_cast %get3A_1332 : vector<1x16xf32> to vector<16xf32>
        %add3A_1334 = arith.addf %add3A_1308, %get3A_1333 : vector<16xf32>
        %get3A_1335 = arith.index_cast %add3A_1329 : i32 to index
        %get3A_1336 = arith.constant 16 : index
        %get3A_1337 = tpu.vector_load %arg14[%get3A_1335, %get3A_1336] {strides = array<i32>} : memref<640x64xf32, #tpu.memory_space<vmem>>, vector<1x16xf32>,
        %get3A_1338 = vector.shape_cast %get3A_1337 : vector<1x16xf32> to vector<16xf32>
        %add3A_1339 = arith.addf %add3A_1313, %get3A_1338 : vector<16xf32>
        %get3A_1340 = arith.index_cast %add3A_1329 : i32 to index
        %get3A_1341 = arith.constant 32 : index
        %get3A_1342 = tpu.vector_load %arg14[%get3A_1340, %get3A_1341] {strides = array<i32>} : memref<640x64xf32, #tpu.memory_space<vmem>>, vector<1x16xf32>,
        %get3A_1343 = vector.shape_cast %get3A_1342 : vector<1x16xf32> to vector<16xf32>
        %add3A_1344 = arith.addf %add3A_1318, %get3A_1343 : vector<16xf32>
        %get3A_1345 = arith.index_cast %add3A_1329 : i32 to index
        %get3A_1346 = arith.constant 48 : index
        %get3A_1347 = tpu.vector_load %arg14[%get3A_1345, %get3A_1346] {strides = array<i32>} : memref<640x64xf32, #tpu.memory_space<vmem>>, vector<1x16xf32>,
        %get3A_1348 = vector.shape_cast %get3A_1347 : vector<1x16xf32> to vector<16xf32>
        %add3A_1349 = arith.addf %add3A_1323, %get3A_1348 : vector<16xf32>
        %mul3A_1350 = arith.constant 20 : i32
        %mul3A_1351 = arith.muli %scan3A_1184, %mul3A_1350 : i32
        %add3A_1352 = arith.constant 320 : i32
        %add3A_1353 = arith.addi %add3A_1352, %mul3A_1351 : i32
        %add3A_1354 = arith.constant 4 : i32
        %add3A_1355 = arith.addi %add3A_1353, %add3A_1354 : i32
        %get3A_1356 = arith.index_cast %add3A_1355 : i32 to index
        %get3A_1357 = arith.constant 0 : index
        %get3A_1358 = tpu.vector_load %arg14[%get3A_1356, %get3A_1357] {strides = array<i32>} : memref<640x64xf32, #tpu.memory_space<vmem>>, vector<1x16xf32>,
        %get3A_1359 = vector.shape_cast %get3A_1358 : vector<1x16xf32> to vector<16xf32>
        %add3A_1360 = arith.addf %add3A_1334, %get3A_1359 : vector<16xf32>
        %get3A_1361 = arith.index_cast %add3A_1355 : i32 to index
        %get3A_1362 = arith.constant 16 : index
        %get3A_1363 = tpu.vector_load %arg14[%get3A_1361, %get3A_1362] {strides = array<i32>} : memref<640x64xf32, #tpu.memory_space<vmem>>, vector<1x16xf32>,
        %get3A_1364 = vector.shape_cast %get3A_1363 : vector<1x16xf32> to vector<16xf32>
        %add3A_1365 = arith.addf %add3A_1339, %get3A_1364 : vector<16xf32>
        %get3A_1366 = arith.index_cast %add3A_1355 : i32 to index
        %get3A_1367 = arith.constant 32 : index
        %get3A_1368 = tpu.vector_load %arg14[%get3A_1366, %get3A_1367] {strides = array<i32>} : memref<640x64xf32, #tpu.memory_space<vmem>>, vector<1x16xf32>,
        %get3A_1369 = vector.shape_cast %get3A_1368 : vector<1x16xf32> to vector<16xf32>
        %add3A_1370 = arith.addf %add3A_1344, %get3A_1369 : vector<16xf32>
        %get3A_1371 = arith.index_cast %add3A_1355 : i32 to index
        %get3A_1372 = arith.constant 48 : index
        %get3A_1373 = tpu.vector_load %arg14[%get3A_1371, %get3A_1372] {strides = array<i32>} : memref<640x64xf32, #tpu.memory_space<vmem>>, vector<1x16xf32>,
        %get3A_1374 = vector.shape_cast %get3A_1373 : vector<1x16xf32> to vector<16xf32>
        %add3A_1375 = arith.addf %add3A_1349, %get3A_1374 : vector<16xf32>
        %mul3A_1376 = arith.constant 20 : i32
        %mul3A_1377 = arith.muli %scan3A_1184, %mul3A_1376 : i32
        %add3A_1378 = arith.constant 320 : i32
        %add3A_1379 = arith.addi %add3A_1378, %mul3A_1377 : i32
        %add3A_1380 = arith.constant 5 : i32
        %add3A_1381 = arith.addi %add3A_1379, %add3A_1380 : i32
        %get3A_1382 = arith.index_cast %add3A_1381 : i32 to index
        %get3A_1383 = arith.constant 0 : index
        %get3A_1384 = tpu.vector_load %arg14[%get3A_1382, %get3A_1383] {strides = array<i32>} : memref<640x64xf32, #tpu.memory_space<vmem>>, vector<1x16xf32>,
        %get3A_1385 = vector.shape_cast %get3A_1384 : vector<1x16xf32> to vector<16xf32>
        %add3A_1386 = arith.addf %add3A_1360, %get3A_1385 : vector<16xf32>
        %get3A_1387 = arith.index_cast %add3A_1381 : i32 to index
        %get3A_1388 = arith.constant 16 : index
        %get3A_1389 = tpu.vector_load %arg14[%get3A_1387, %get3A_1388] {strides = array<i32>} : memref<640x64xf32, #tpu.memory_space<vmem>>, vector<1x16xf32>,
        %get3A_1390 = vector.shape_cast %get3A_1389 : vector<1x16xf32> to vector<16xf32>
        %add3A_1391 = arith.addf %add3A_1365, %get3A_1390 : vector<16xf32>
        %get3A_1392 = arith.index_cast %add3A_1381 : i32 to index
        %get3A_1393 = arith.constant 32 : index
        %get3A_1394 = tpu.vector_load %arg14[%get3A_1392, %get3A_1393] {strides = array<i32>} : memref<640x64xf32, #tpu.memory_space<vmem>>, vector<1x16xf32>,
        %get3A_1395 = vector.shape_cast %get3A_1394 : vector<1x16xf32> to vector<16xf32>
        %add3A_1396 = arith.addf %add3A_1370, %get3A_1395 : vector<16xf32>
        %get3A_1397 = arith.index_cast %add3A_1381 : i32 to index
        %get3A_1398 = arith.constant 48 : index
        %get3A_1399 = tpu.vector_load %arg14[%get3A_1397, %get3A_1398] {strides = array<i32>} : memref<640x64xf32, #tpu.memory_space<vmem>>, vector<1x16xf32>,
        %get3A_1400 = vector.shape_cast %get3A_1399 : vector<1x16xf32> to vector<16xf32>
        %add3A_1401 = arith.addf %add3A_1375, %get3A_1400 : vector<16xf32>
        %mul3A_1402 = arith.constant 20 : i32
        %mul3A_1403 = arith.muli %scan3A_1184, %mul3A_1402 : i32
        %add3A_1404 = arith.constant 320 : i32
        %add3A_1405 = arith.addi %add3A_1404, %mul3A_1403 : i32
        %add3A_1406 = arith.constant 6 : i32
        %add3A_1407 = arith.addi %add3A_1405, %add3A_1406 : i32
        %get3A_1408 = arith.index_cast %add3A_1407 : i32 to index
        %get3A_1409 = arith.constant 0 : index
        %get3A_1410 = tpu.vector_load %arg14[%get3A_1408, %get3A_1409] {strides = array<i32>} : memref<640x64xf32, #tpu.memory_space<vmem>>, vector<1x16xf32>,
        %get3A_1411 = vector.shape_cast %get3A_1410 : vector<1x16xf32> to vector<16xf32>
        %add3A_1412 = arith.addf %add3A_1386, %get3A_1411 : vector<16xf32>
        %get3A_1413 = arith.index_cast %add3A_1407 : i32 to index
        %get3A_1414 = arith.constant 16 : index
        %get3A_1415 = tpu.vector_load %arg14[%get3A_1413, %get3A_1414] {strides = array<i32>} : memref<640x64xf32, #tpu.memory_space<vmem>>, vector<1x16xf32>,
        %get3A_1416 = vector.shape_cast %get3A_1415 : vector<1x16xf32> to vector<16xf32>
        %add3A_1417 = arith.addf %add3A_1391, %get3A_1416 : vector<16xf32>
        %get3A_1418 = arith.index_cast %add3A_1407 : i32 to index
        %get3A_1419 = arith.constant 32 : index
        %get3A_1420 = tpu.vector_load %arg14[%get3A_1418, %get3A_1419] {strides = array<i32>} : memref<640x64xf32, #tpu.memory_space<vmem>>, vector<1x16xf32>,
        %get3A_1421 = vector.shape_cast %get3A_1420 : vector<1x16xf32> to vector<16xf32>
        %add3A_1422 = arith.addf %add3A_1396, %get3A_1421 : vector<16xf32>
        %get3A_1423 = arith.index_cast %add3A_1407 : i32 to index
        %get3A_1424 = arith.constant 48 : index
        %get3A_1425 = tpu.vector_load %arg14[%get3A_1423, %get3A_1424] {strides = array<i32>} : memref<640x64xf32, #tpu.memory_space<vmem>>, vector<1x16xf32>,
        %get3A_1426 = vector.shape_cast %get3A_1425 : vector<1x16xf32> to vector<16xf32>
        %add3A_1427 = arith.addf %add3A_1401, %get3A_1426 : vector<16xf32>
        %mul3A_1428 = arith.constant 20 : i32
        %mul3A_1429 = arith.muli %scan3A_1184, %mul3A_1428 : i32
        %add3A_1430 = arith.constant 320 : i32
        %add3A_1431 = arith.addi %add3A_1430, %mul3A_1429 : i32
        %add3A_1432 = arith.constant 7 : i32
        %add3A_1433 = arith.addi %add3A_1431, %add3A_1432 : i32
        %get3A_1434 = arith.index_cast %add3A_1433 : i32 to index
        %get3A_1435 = arith.constant 0 : index
        %get3A_1436 = tpu.vector_load %arg14[%get3A_1434, %get3A_1435] {strides = array<i32>} : memref<640x64xf32, #tpu.memory_space<vmem>>, vector<1x16xf32>,
        %get3A_1437 = vector.shape_cast %get3A_1436 : vector<1x16xf32> to vector<16xf32>
        %add3A_1438 = arith.addf %add3A_1412, %get3A_1437 : vector<16xf32>
        %get3A_1439 = arith.index_cast %add3A_1433 : i32 to index
        %get3A_1440 = arith.constant 16 : index
        %get3A_1441 = tpu.vector_load %arg14[%get3A_1439, %get3A_1440] {strides = array<i32>} : memref<640x64xf32, #tpu.memory_space<vmem>>, vector<1x16xf32>,
        %get3A_1442 = vector.shape_cast %get3A_1441 : vector<1x16xf32> to vector<16xf32>
        %add3A_1443 = arith.addf %add3A_1417, %get3A_1442 : vector<16xf32>
        %get3A_1444 = arith.index_cast %add3A_1433 : i32 to index
        %get3A_1445 = arith.constant 32 : index
        %get3A_1446 = tpu.vector_load %arg14[%get3A_1444, %get3A_1445] {strides = array<i32>} : memref<640x64xf32, #tpu.memory_space<vmem>>, vector<1x16xf32>,
        %get3A_1447 = vector.shape_cast %get3A_1446 : vector<1x16xf32> to vector<16xf32>
        %add3A_1448 = arith.addf %add3A_1422, %get3A_1447 : vector<16xf32>
        %get3A_1449 = arith.index_cast %add3A_1433 : i32 to index
        %get3A_1450 = arith.constant 48 : index
        %get3A_1451 = tpu.vector_load %arg14[%get3A_1449, %get3A_1450] {strides = array<i32>} : memref<640x64xf32, #tpu.memory_space<vmem>>, vector<1x16xf32>,
        %get3A_1452 = vector.shape_cast %get3A_1451 : vector<1x16xf32> to vector<16xf32>
        %add3A_1453 = arith.addf %add3A_1427, %get3A_1452 : vector<16xf32>
        %mul3A_1454 = arith.constant 20 : i32
        %mul3A_1455 = arith.muli %scan3A_1184, %mul3A_1454 : i32
        %add3A_1456 = arith.constant 320 : i32
        %add3A_1457 = arith.addi %add3A_1456, %mul3A_1455 : i32
        %add3A_1458 = arith.constant 8 : i32
        %add3A_1459 = arith.addi %add3A_1457, %add3A_1458 : i32
        %get3A_1460 = arith.index_cast %add3A_1459 : i32 to index
        %get3A_1461 = arith.constant 0 : index
        %get3A_1462 = tpu.vector_load %arg14[%get3A_1460, %get3A_1461] {strides = array<i32>} : memref<640x64xf32, #tpu.memory_space<vmem>>, vector<1x16xf32>,
        %get3A_1463 = vector.shape_cast %get3A_1462 : vector<1x16xf32> to vector<16xf32>
        %add3A_1464 = arith.addf %add3A_1438, %get3A_1463 : vector<16xf32>
        %get3A_1465 = arith.index_cast %add3A_1459 : i32 to index
        %get3A_1466 = arith.constant 16 : index
        %get3A_1467 = tpu.vector_load %arg14[%get3A_1465, %get3A_1466] {strides = array<i32>} : memref<640x64xf32, #tpu.memory_space<vmem>>, vector<1x16xf32>,
        %get3A_1468 = vector.shape_cast %get3A_1467 : vector<1x16xf32> to vector<16xf32>
        %add3A_1469 = arith.addf %add3A_1443, %get3A_1468 : vector<16xf32>
        %get3A_1470 = arith.index_cast %add3A_1459 : i32 to index
        %get3A_1471 = arith.constant 32 : index
        %get3A_1472 = tpu.vector_load %arg14[%get3A_1470, %get3A_1471] {strides = array<i32>} : memref<640x64xf32, #tpu.memory_space<vmem>>, vector<1x16xf32>,
        %get3A_1473 = vector.shape_cast %get3A_1472 : vector<1x16xf32> to vector<16xf32>
        %add3A_1474 = arith.addf %add3A_1448, %get3A_1473 : vector<16xf32>
        %get3A_1475 = arith.index_cast %add3A_1459 : i32 to index
        %get3A_1476 = arith.constant 48 : index
        %get3A_1477 = tpu.vector_load %arg14[%get3A_1475, %get3A_1476] {strides = array<i32>} : memref<640x64xf32, #tpu.memory_space<vmem>>, vector<1x16xf32>,
        %get3A_1478 = vector.shape_cast %get3A_1477 : vector<1x16xf32> to vector<16xf32>
        %add3A_1479 = arith.addf %add3A_1453, %get3A_1478 : vector<16xf32>
        %mul3A_1480 = arith.constant 20 : i32
        %mul3A_1481 = arith.muli %scan3A_1184, %mul3A_1480 : i32
        %add3A_1482 = arith.constant 320 : i32
        %add3A_1483 = arith.addi %add3A_1482, %mul3A_1481 : i32
        %add3A_1484 = arith.constant 9 : i32
        %add3A_1485 = arith.addi %add3A_1483, %add3A_1484 : i32
        %get3A_1486 = arith.index_cast %add3A_1485 : i32 to index
        %get3A_1487 = arith.constant 0 : index
        %get3A_1488 = tpu.vector_load %arg14[%get3A_1486, %get3A_1487] {strides = array<i32>} : memref<640x64xf32, #tpu.memory_space<vmem>>, vector<1x16xf32>,
        %get3A_1489 = vector.shape_cast %get3A_1488 : vector<1x16xf32> to vector<16xf32>
        %add3A_1490 = arith.addf %add3A_1464, %get3A_1489 : vector<16xf32>
        %get3A_1491 = arith.index_cast %add3A_1485 : i32 to index
        %get3A_1492 = arith.constant 16 : index
        %get3A_1493 = tpu.vector_load %arg14[%get3A_1491, %get3A_1492] {strides = array<i32>} : memref<640x64xf32, #tpu.memory_space<vmem>>, vector<1x16xf32>,
        %get3A_1494 = vector.shape_cast %get3A_1493 : vector<1x16xf32> to vector<16xf32>
        %add3A_1495 = arith.addf %add3A_1469, %get3A_1494 : vector<16xf32>
        %get3A_1496 = arith.index_cast %add3A_1485 : i32 to index
        %get3A_1497 = arith.constant 32 : index
        %get3A_1498 = tpu.vector_load %arg14[%get3A_1496, %get3A_1497] {strides = array<i32>} : memref<640x64xf32, #tpu.memory_space<vmem>>, vector<1x16xf32>,
        %get3A_1499 = vector.shape_cast %get3A_1498 : vector<1x16xf32> to vector<16xf32>
        %add3A_1500 = arith.addf %add3A_1474, %get3A_1499 : vector<16xf32>
        %get3A_1501 = arith.index_cast %add3A_1485 : i32 to index
        %get3A_1502 = arith.constant 48 : index
        %get3A_1503 = tpu.vector_load %arg14[%get3A_1501, %get3A_1502] {strides = array<i32>} : memref<640x64xf32, #tpu.memory_space<vmem>>, vector<1x16xf32>,
        %get3A_1504 = vector.shape_cast %get3A_1503 : vector<1x16xf32> to vector<16xf32>
        %add3A_1505 = arith.addf %add3A_1479, %get3A_1504 : vector<16xf32>
        %mul3A_1506 = arith.constant 20 : i32
        %mul3A_1507 = arith.muli %scan3A_1184, %mul3A_1506 : i32
        %add3A_1508 = arith.constant 320 : i32
        %add3A_1509 = arith.addi %add3A_1508, %mul3A_1507 : i32
        %add3A_1510 = arith.constant 10 : i32
        %add3A_1511 = arith.addi %add3A_1509, %add3A_1510 : i32
        %get3A_1512 = arith.index_cast %add3A_1511 : i32 to index
        %get3A_1513 = arith.constant 0 : index
        %get3A_1514 = tpu.vector_load %arg14[%get3A_1512, %get3A_1513] {strides = array<i32>} : memref<640x64xf32, #tpu.memory_space<vmem>>, vector<1x16xf32>,
        %get3A_1515 = vector.shape_cast %get3A_1514 : vector<1x16xf32> to vector<16xf32>
        %add3A_1516 = arith.addf %add3A_1490, %get3A_1515 : vector<16xf32>
        %get3A_1517 = arith.index_cast %add3A_1511 : i32 to index
        %get3A_1518 = arith.constant 16 : index
        %get3A_1519 = tpu.vector_load %arg14[%get3A_1517, %get3A_1518] {strides = array<i32>} : memref<640x64xf32, #tpu.memory_space<vmem>>, vector<1x16xf32>,
        %get3A_1520 = vector.shape_cast %get3A_1519 : vector<1x16xf32> to vector<16xf32>
        %add3A_1521 = arith.addf %add3A_1495, %get3A_1520 : vector<16xf32>
        %get3A_1522 = arith.index_cast %add3A_1511 : i32 to index
        %get3A_1523 = arith.constant 32 : index
        %get3A_1524 = tpu.vector_load %arg14[%get3A_1522, %get3A_1523] {strides = array<i32>} : memref<640x64xf32, #tpu.memory_space<vmem>>, vector<1x16xf32>,
        %get3A_1525 = vector.shape_cast %get3A_1524 : vector<1x16xf32> to vector<16xf32>
        %add3A_1526 = arith.addf %add3A_1500, %get3A_1525 : vector<16xf32>
        %get3A_1527 = arith.index_cast %add3A_1511 : i32 to index
        %get3A_1528 = arith.constant 48 : index
        %get3A_1529 = tpu.vector_load %arg14[%get3A_1527, %get3A_1528] {strides = array<i32>} : memref<640x64xf32, #tpu.memory_space<vmem>>, vector<1x16xf32>,
        %get3A_1530 = vector.shape_cast %get3A_1529 : vector<1x16xf32> to vector<16xf32>
        %add3A_1531 = arith.addf %add3A_1505, %get3A_1530 : vector<16xf32>
        %mul3A_1532 = arith.constant 20 : i32
        %mul3A_1533 = arith.muli %scan3A_1184, %mul3A_1532 : i32
        %add3A_1534 = arith.constant 320 : i32
        %add3A_1535 = arith.addi %add3A_1534, %mul3A_1533 : i32
        %add3A_1536 = arith.constant 11 : i32
        %add3A_1537 = arith.addi %add3A_1535, %add3A_1536 : i32
        %get3A_1538 = arith.index_cast %add3A_1537 : i32 to index
        %get3A_1539 = arith.constant 0 : index
        %get3A_1540 = tpu.vector_load %arg14[%get3A_1538, %get3A_1539] {strides = array<i32>} : memref<640x64xf32, #tpu.memory_space<vmem>>, vector<1x16xf32>,
        %get3A_1541 = vector.shape_cast %get3A_1540 : vector<1x16xf32> to vector<16xf32>
        %add3A_1542 = arith.addf %add3A_1516, %get3A_1541 : vector<16xf32>
        %get3A_1543 = arith.index_cast %add3A_1537 : i32 to index
        %get3A_1544 = arith.constant 16 : index
        %get3A_1545 = tpu.vector_load %arg14[%get3A_1543, %get3A_1544] {strides = array<i32>} : memref<640x64xf32, #tpu.memory_space<vmem>>, vector<1x16xf32>,
        %get3A_1546 = vector.shape_cast %get3A_1545 : vector<1x16xf32> to vector<16xf32>
        %add3A_1547 = arith.addf %add3A_1521, %get3A_1546 : vector<16xf32>
        %get3A_1548 = arith.index_cast %add3A_1537 : i32 to index
        %get3A_1549 = arith.constant 32 : index
        %get3A_1550 = tpu.vector_load %arg14[%get3A_1548, %get3A_1549] {strides = array<i32>} : memref<640x64xf32, #tpu.memory_space<vmem>>, vector<1x16xf32>,
        %get3A_1551 = vector.shape_cast %get3A_1550 : vector<1x16xf32> to vector<16xf32>
        %add3A_1552 = arith.addf %add3A_1526, %get3A_1551 : vector<16xf32>
        %get3A_1553 = arith.index_cast %add3A_1537 : i32 to index
        %get3A_1554 = arith.constant 48 : index
        %get3A_1555 = tpu.vector_load %arg14[%get3A_1553, %get3A_1554] {strides = array<i32>} : memref<640x64xf32, #tpu.memory_space<vmem>>, vector<1x16xf32>,
        %get3A_1556 = vector.shape_cast %get3A_1555 : vector<1x16xf32> to vector<16xf32>
        %add3A_1557 = arith.addf %add3A_1531, %get3A_1556 : vector<16xf32>
        %mul3A_1558 = arith.constant 20 : i32
        %mul3A_1559 = arith.muli %scan3A_1184, %mul3A_1558 : i32
        %add3A_1560 = arith.constant 320 : i32
        %add3A_1561 = arith.addi %add3A_1560, %mul3A_1559 : i32
        %add3A_1562 = arith.constant 12 : i32
        %add3A_1563 = arith.addi %add3A_1561, %add3A_1562 : i32
        %get3A_1564 = arith.index_cast %add3A_1563 : i32 to index
        %get3A_1565 = arith.constant 0 : index
        %get3A_1566 = tpu.vector_load %arg14[%get3A_1564, %get3A_1565] {strides = array<i32>} : memref<640x64xf32, #tpu.memory_space<vmem>>, vector<1x16xf32>,
        %get3A_1567 = vector.shape_cast %get3A_1566 : vector<1x16xf32> to vector<16xf32>
        %add3A_1568 = arith.addf %add3A_1542, %get3A_1567 : vector<16xf32>
        %get3A_1569 = arith.index_cast %add3A_1563 : i32 to index
        %get3A_1570 = arith.constant 16 : index
        %get3A_1571 = tpu.vector_load %arg14[%get3A_1569, %get3A_1570] {strides = array<i32>} : memref<640x64xf32, #tpu.memory_space<vmem>>, vector<1x16xf32>,
        %get3A_1572 = vector.shape_cast %get3A_1571 : vector<1x16xf32> to vector<16xf32>
        %add3A_1573 = arith.addf %add3A_1547, %get3A_1572 : vector<16xf32>
        %get3A_1574 = arith.index_cast %add3A_1563 : i32 to index
        %get3A_1575 = arith.constant 32 : index
        %get3A_1576 = tpu.vector_load %arg14[%get3A_1574, %get3A_1575] {strides = array<i32>} : memref<640x64xf32, #tpu.memory_space<vmem>>, vector<1x16xf32>,
        %get3A_1577 = vector.shape_cast %get3A_1576 : vector<1x16xf32> to vector<16xf32>
        %add3A_1578 = arith.addf %add3A_1552, %get3A_1577 : vector<16xf32>
        %get3A_1579 = arith.index_cast %add3A_1563 : i32 to index
        %get3A_1580 = arith.constant 48 : index
        %get3A_1581 = tpu.vector_load %arg14[%get3A_1579, %get3A_1580] {strides = array<i32>} : memref<640x64xf32, #tpu.memory_space<vmem>>, vector<1x16xf32>,
        %get3A_1582 = vector.shape_cast %get3A_1581 : vector<1x16xf32> to vector<16xf32>
        %add3A_1583 = arith.addf %add3A_1557, %get3A_1582 : vector<16xf32>
        %mul3A_1584 = arith.constant 20 : i32
        %mul3A_1585 = arith.muli %scan3A_1184, %mul3A_1584 : i32
        %add3A_1586 = arith.constant 320 : i32
        %add3A_1587 = arith.addi %add3A_1586, %mul3A_1585 : i32
        %add3A_1588 = arith.constant 13 : i32
        %add3A_1589 = arith.addi %add3A_1587, %add3A_1588 : i32
        %get3A_1590 = arith.index_cast %add3A_1589 : i32 to index
        %get3A_1591 = arith.constant 0 : index
        %get3A_1592 = tpu.vector_load %arg14[%get3A_1590, %get3A_1591] {strides = array<i32>} : memref<640x64xf32, #tpu.memory_space<vmem>>, vector<1x16xf32>,
        %get3A_1593 = vector.shape_cast %get3A_1592 : vector<1x16xf32> to vector<16xf32>
        %add3A_1594 = arith.addf %add3A_1568, %get3A_1593 : vector<16xf32>
        %get3A_1595 = arith.index_cast %add3A_1589 : i32 to index
        %get3A_1596 = arith.constant 16 : index
        %get3A_1597 = tpu.vector_load %arg14[%get3A_1595, %get3A_1596] {strides = array<i32>} : memref<640x64xf32, #tpu.memory_space<vmem>>, vector<1x16xf32>,
        %get3A_1598 = vector.shape_cast %get3A_1597 : vector<1x16xf32> to vector<16xf32>
        %add3A_1599 = arith.addf %add3A_1573, %get3A_1598 : vector<16xf32>
        %get3A_1600 = arith.index_cast %add3A_1589 : i32 to index
        %get3A_1601 = arith.constant 32 : index
        %get3A_1602 = tpu.vector_load %arg14[%get3A_1600, %get3A_1601] {strides = array<i32>} : memref<640x64xf32, #tpu.memory_space<vmem>>, vector<1x16xf32>,
        %get3A_1603 = vector.shape_cast %get3A_1602 : vector<1x16xf32> to vector<16xf32>
        %add3A_1604 = arith.addf %add3A_1578, %get3A_1603 : vector<16xf32>
        %get3A_1605 = arith.index_cast %add3A_1589 : i32 to index
        %get3A_1606 = arith.constant 48 : index
        %get3A_1607 = tpu.vector_load %arg14[%get3A_1605, %get3A_1606] {strides = array<i32>} : memref<640x64xf32, #tpu.memory_space<vmem>>, vector<1x16xf32>,
        %get3A_1608 = vector.shape_cast %get3A_1607 : vector<1x16xf32> to vector<16xf32>
        %add3A_1609 = arith.addf %add3A_1583, %get3A_1608 : vector<16xf32>
        %mul3A_1610 = arith.constant 20 : i32
        %mul3A_1611 = arith.muli %scan3A_1184, %mul3A_1610 : i32
        %add3A_1612 = arith.constant 320 : i32
        %add3A_1613 = arith.addi %add3A_1612, %mul3A_1611 : i32
        %add3A_1614 = arith.constant 14 : i32
        %add3A_1615 = arith.addi %add3A_1613, %add3A_1614 : i32
        %get3A_1616 = arith.index_cast %add3A_1615 : i32 to index
        %get3A_1617 = arith.constant 0 : index
        %get3A_1618 = tpu.vector_load %arg14[%get3A_1616, %get3A_1617] {strides = array<i32>} : memref<640x64xf32, #tpu.memory_space<vmem>>, vector<1x16xf32>,
        %get3A_1619 = vector.shape_cast %get3A_1618 : vector<1x16xf32> to vector<16xf32>
        %add3A_1620 = arith.addf %add3A_1594, %get3A_1619 : vector<16xf32>
        %get3A_1621 = arith.index_cast %add3A_1615 : i32 to index
        %get3A_1622 = arith.constant 16 : index
        %get3A_1623 = tpu.vector_load %arg14[%get3A_1621, %get3A_1622] {strides = array<i32>} : memref<640x64xf32, #tpu.memory_space<vmem>>, vector<1x16xf32>,
        %get3A_1624 = vector.shape_cast %get3A_1623 : vector<1x16xf32> to vector<16xf32>
        %add3A_1625 = arith.addf %add3A_1599, %get3A_1624 : vector<16xf32>
        %get3A_1626 = arith.index_cast %add3A_1615 : i32 to index
        %get3A_1627 = arith.constant 32 : index
        %get3A_1628 = tpu.vector_load %arg14[%get3A_1626, %get3A_1627] {strides = array<i32>} : memref<640x64xf32, #tpu.memory_space<vmem>>, vector<1x16xf32>,
        %get3A_1629 = vector.shape_cast %get3A_1628 : vector<1x16xf32> to vector<16xf32>
        %add3A_1630 = arith.addf %add3A_1604, %get3A_1629 : vector<16xf32>
        %get3A_1631 = arith.index_cast %add3A_1615 : i32 to index
        %get3A_1632 = arith.constant 48 : index
        %get3A_1633 = tpu.vector_load %arg14[%get3A_1631, %get3A_1632] {strides = array<i32>} : memref<640x64xf32, #tpu.memory_space<vmem>>, vector<1x16xf32>,
        %get3A_1634 = vector.shape_cast %get3A_1633 : vector<1x16xf32> to vector<16xf32>
        %add3A_1635 = arith.addf %add3A_1609, %get3A_1634 : vector<16xf32>
        %mul3A_1636 = arith.constant 20 : i32
        %mul3A_1637 = arith.muli %scan3A_1184, %mul3A_1636 : i32
        %add3A_1638 = arith.constant 320 : i32
        %add3A_1639 = arith.addi %add3A_1638, %mul3A_1637 : i32
        %add3A_1640 = arith.constant 15 : i32
        %add3A_1641 = arith.addi %add3A_1639, %add3A_1640 : i32
        %get3A_1642 = arith.index_cast %add3A_1641 : i32 to index
        %get3A_1643 = arith.constant 0 : index
        %get3A_1644 = tpu.vector_load %arg14[%get3A_1642, %get3A_1643] {strides = array<i32>} : memref<640x64xf32, #tpu.memory_space<vmem>>, vector<1x16xf32>,
        %get3A_1645 = vector.shape_cast %get3A_1644 : vector<1x16xf32> to vector<16xf32>
        %add3A_1646 = arith.addf %add3A_1620, %get3A_1645 : vector<16xf32>
        %get3A_1647 = arith.index_cast %add3A_1641 : i32 to index
        %get3A_1648 = arith.constant 16 : index
        %get3A_1649 = tpu.vector_load %arg14[%get3A_1647, %get3A_1648] {strides = array<i32>} : memref<640x64xf32, #tpu.memory_space<vmem>>, vector<1x16xf32>,
        %get3A_1650 = vector.shape_cast %get3A_1649 : vector<1x16xf32> to vector<16xf32>
        %add3A_1651 = arith.addf %add3A_1625, %get3A_1650 : vector<16xf32>
        %get3A_1652 = arith.index_cast %add3A_1641 : i32 to index
        %get3A_1653 = arith.constant 32 : index
        %get3A_1654 = tpu.vector_load %arg14[%get3A_1652, %get3A_1653] {strides = array<i32>} : memref<640x64xf32, #tpu.memory_space<vmem>>, vector<1x16xf32>,
        %get3A_1655 = vector.shape_cast %get3A_1654 : vector<1x16xf32> to vector<16xf32>
        %add3A_1656 = arith.addf %add3A_1630, %get3A_1655 : vector<16xf32>
        %get3A_1657 = arith.index_cast %add3A_1641 : i32 to index
        %get3A_1658 = arith.constant 48 : index
        %get3A_1659 = tpu.vector_load %arg14[%get3A_1657, %get3A_1658] {strides = array<i32>} : memref<640x64xf32, #tpu.memory_space<vmem>>, vector<1x16xf32>,
        %get3A_1660 = vector.shape_cast %get3A_1659 : vector<1x16xf32> to vector<16xf32>
        %add3A_1661 = arith.addf %add3A_1635, %get3A_1660 : vector<16xf32>
        %mul3A_1662 = arith.constant 20 : i32
        %mul3A_1663 = arith.muli %scan3A_1184, %mul3A_1662 : i32
        %add3A_1664 = arith.constant 320 : i32
        %add3A_1665 = arith.addi %add3A_1664, %mul3A_1663 : i32
        %add3A_1666 = arith.constant 16 : i32
        %add3A_1667 = arith.addi %add3A_1665, %add3A_1666 : i32
        %get3A_1668 = arith.index_cast %add3A_1667 : i32 to index
        %get3A_1669 = arith.constant 0 : index
        %get3A_1670 = tpu.vector_load %arg14[%get3A_1668, %get3A_1669] {strides = array<i32>} : memref<640x64xf32, #tpu.memory_space<vmem>>, vector<1x16xf32>,
        %get3A_1671 = vector.shape_cast %get3A_1670 : vector<1x16xf32> to vector<16xf32>
        %add3A_1672 = arith.addf %add3A_1646, %get3A_1671 : vector<16xf32>
        %get3A_1673 = arith.index_cast %add3A_1667 : i32 to index
        %get3A_1674 = arith.constant 16 : index
        %get3A_1675 = tpu.vector_load %arg14[%get3A_1673, %get3A_1674] {strides = array<i32>} : memref<640x64xf32, #tpu.memory_space<vmem>>, vector<1x16xf32>,
        %get3A_1676 = vector.shape_cast %get3A_1675 : vector<1x16xf32> to vector<16xf32>
        %add3A_1677 = arith.addf %add3A_1651, %get3A_1676 : vector<16xf32>
        %get3A_1678 = arith.index_cast %add3A_1667 : i32 to index
        %get3A_1679 = arith.constant 32 : index
        %get3A_1680 = tpu.vector_load %arg14[%get3A_1678, %get3A_1679] {strides = array<i32>} : memref<640x64xf32, #tpu.memory_space<vmem>>, vector<1x16xf32>,
        %get3A_1681 = vector.shape_cast %get3A_1680 : vector<1x16xf32> to vector<16xf32>
        %add3A_1682 = arith.addf %add3A_1656, %get3A_1681 : vector<16xf32>
        %get3A_1683 = arith.index_cast %add3A_1667 : i32 to index
        %get3A_1684 = arith.constant 48 : index
        %get3A_1685 = tpu.vector_load %arg14[%get3A_1683, %get3A_1684] {strides = array<i32>} : memref<640x64xf32, #tpu.memory_space<vmem>>, vector<1x16xf32>,
        %get3A_1686 = vector.shape_cast %get3A_1685 : vector<1x16xf32> to vector<16xf32>
        %add3A_1687 = arith.addf %add3A_1661, %get3A_1686 : vector<16xf32>
        %mul3A_1688 = arith.constant 20 : i32
        %mul3A_1689 = arith.muli %scan3A_1184, %mul3A_1688 : i32
        %add3A_1690 = arith.constant 320 : i32
        %add3A_1691 = arith.addi %add3A_1690, %mul3A_1689 : i32
        %add3A_1692 = arith.constant 17 : i32
        %add3A_1693 = arith.addi %add3A_1691, %add3A_1692 : i32
        %get3A_1694 = arith.index_cast %add3A_1693 : i32 to index
        %get3A_1695 = arith.constant 0 : index
        %get3A_1696 = tpu.vector_load %arg14[%get3A_1694, %get3A_1695] {strides = array<i32>} : memref<640x64xf32, #tpu.memory_space<vmem>>, vector<1x16xf32>,
        %get3A_1697 = vector.shape_cast %get3A_1696 : vector<1x16xf32> to vector<16xf32>
        %add3A_1698 = arith.addf %add3A_1672, %get3A_1697 : vector<16xf32>
        %get3A_1699 = arith.index_cast %add3A_1693 : i32 to index
        %get3A_1700 = arith.constant 16 : index
        %get3A_1701 = tpu.vector_load %arg14[%get3A_1699, %get3A_1700] {strides = array<i32>} : memref<640x64xf32, #tpu.memory_space<vmem>>, vector<1x16xf32>,
        %get3A_1702 = vector.shape_cast %get3A_1701 : vector<1x16xf32> to vector<16xf32>
        %add3A_1703 = arith.addf %add3A_1677, %get3A_1702 : vector<16xf32>
        %get3A_1704 = arith.index_cast %add3A_1693 : i32 to index
        %get3A_1705 = arith.constant 32 : index
        %get3A_1706 = tpu.vector_load %arg14[%get3A_1704, %get3A_1705] {strides = array<i32>} : memref<640x64xf32, #tpu.memory_space<vmem>>, vector<1x16xf32>,
        %get3A_1707 = vector.shape_cast %get3A_1706 : vector<1x16xf32> to vector<16xf32>
        %add3A_1708 = arith.addf %add3A_1682, %get3A_1707 : vector<16xf32>
        %get3A_1709 = arith.index_cast %add3A_1693 : i32 to index
        %get3A_1710 = arith.constant 48 : index
        %get3A_1711 = tpu.vector_load %arg14[%get3A_1709, %get3A_1710] {strides = array<i32>} : memref<640x64xf32, #tpu.memory_space<vmem>>, vector<1x16xf32>,
        %get3A_1712 = vector.shape_cast %get3A_1711 : vector<1x16xf32> to vector<16xf32>
        %add3A_1713 = arith.addf %add3A_1687, %get3A_1712 : vector<16xf32>
        %mul3A_1714 = arith.constant 20 : i32
        %mul3A_1715 = arith.muli %scan3A_1184, %mul3A_1714 : i32
        %add3A_1716 = arith.constant 320 : i32
        %add3A_1717 = arith.addi %add3A_1716, %mul3A_1715 : i32
        %add3A_1718 = arith.constant 18 : i32
        %add3A_1719 = arith.addi %add3A_1717, %add3A_1718 : i32
        %get3A_1720 = arith.index_cast %add3A_1719 : i32 to index
        %get3A_1721 = arith.constant 0 : index
        %get3A_1722 = tpu.vector_load %arg14[%get3A_1720, %get3A_1721] {strides = array<i32>} : memref<640x64xf32, #tpu.memory_space<vmem>>, vector<1x16xf32>,
        %get3A_1723 = vector.shape_cast %get3A_1722 : vector<1x16xf32> to vector<16xf32>
        %add3A_1724 = arith.addf %add3A_1698, %get3A_1723 : vector<16xf32>
        %get3A_1725 = arith.index_cast %add3A_1719 : i32 to index
        %get3A_1726 = arith.constant 16 : index
        %get3A_1727 = tpu.vector_load %arg14[%get3A_1725, %get3A_1726] {strides = array<i32>} : memref<640x64xf32, #tpu.memory_space<vmem>>, vector<1x16xf32>,
        %get3A_1728 = vector.shape_cast %get3A_1727 : vector<1x16xf32> to vector<16xf32>
        %add3A_1729 = arith.addf %add3A_1703, %get3A_1728 : vector<16xf32>
        %get3A_1730 = arith.index_cast %add3A_1719 : i32 to index
        %get3A_1731 = arith.constant 32 : index
        %get3A_1732 = tpu.vector_load %arg14[%get3A_1730, %get3A_1731] {strides = array<i32>} : memref<640x64xf32, #tpu.memory_space<vmem>>, vector<1x16xf32>,
        %get3A_1733 = vector.shape_cast %get3A_1732 : vector<1x16xf32> to vector<16xf32>
        %add3A_1734 = arith.addf %add3A_1708, %get3A_1733 : vector<16xf32>
        %get3A_1735 = arith.index_cast %add3A_1719 : i32 to index
        %get3A_1736 = arith.constant 48 : index
        %get3A_1737 = tpu.vector_load %arg14[%get3A_1735, %get3A_1736] {strides = array<i32>} : memref<640x64xf32, #tpu.memory_space<vmem>>, vector<1x16xf32>,
        %get3A_1738 = vector.shape_cast %get3A_1737 : vector<1x16xf32> to vector<16xf32>
        %add3A_1739 = arith.addf %add3A_1713, %get3A_1738 : vector<16xf32>
        %mul3A_1740 = arith.constant 20 : i32
        %mul3A_1741 = arith.muli %scan3A_1184, %mul3A_1740 : i32
        %add3A_1742 = arith.constant 320 : i32
        %add3A_1743 = arith.addi %add3A_1742, %mul3A_1741 : i32
        %add3A_1744 = arith.constant 19 : i32
        %add3A_1745 = arith.addi %add3A_1743, %add3A_1744 : i32
        %get3A_1746 = arith.index_cast %add3A_1745 : i32 to index
        %get3A_1747 = arith.constant 0 : index
        %get3A_1748 = tpu.vector_load %arg14[%get3A_1746, %get3A_1747] {strides = array<i32>} : memref<640x64xf32, #tpu.memory_space<vmem>>, vector<1x16xf32>,
        %get3A_1749 = vector.shape_cast %get3A_1748 : vector<1x16xf32> to vector<16xf32>
        %add3A_1750 = arith.addf %add3A_1724, %get3A_1749 : vector<16xf32>
        %get3A_1751 = arith.index_cast %add3A_1745 : i32 to index
        %get3A_1752 = arith.constant 16 : index
        %get3A_1753 = tpu.vector_load %arg14[%get3A_1751, %get3A_1752] {strides = array<i32>} : memref<640x64xf32, #tpu.memory_space<vmem>>, vector<1x16xf32>,
        %get3A_1754 = vector.shape_cast %get3A_1753 : vector<1x16xf32> to vector<16xf32>
        %add3A_1755 = arith.addf %add3A_1729, %get3A_1754 : vector<16xf32>
        %get3A_1756 = arith.index_cast %add3A_1745 : i32 to index
        %get3A_1757 = arith.constant 32 : index
        %get3A_1758 = tpu.vector_load %arg14[%get3A_1756, %get3A_1757] {strides = array<i32>} : memref<640x64xf32, #tpu.memory_space<vmem>>, vector<1x16xf32>,
        %get3A_1759 = vector.shape_cast %get3A_1758 : vector<1x16xf32> to vector<16xf32>
        %add3A_1760 = arith.addf %add3A_1734, %get3A_1759 : vector<16xf32>
        %get3A_1761 = arith.index_cast %add3A_1745 : i32 to index
        %get3A_1762 = arith.constant 48 : index
        %get3A_1763 = tpu.vector_load %arg14[%get3A_1761, %get3A_1762] {strides = array<i32>} : memref<640x64xf32, #tpu.memory_space<vmem>>, vector<1x16xf32>,
        %get3A_1764 = vector.shape_cast %get3A_1763 : vector<1x16xf32> to vector<16xf32>
        %add3A_1765 = arith.addf %add3A_1739, %get3A_1764 : vector<16xf32>
        %mul3A_1766 = arith.mulf %add3A_1750, %get3A_1190 : vector<16xf32>
        %mul3A_1767 = arith.mulf %add3A_1755, %get3A_1196 : vector<16xf32>
        %add3A_1768 = arith.addf %mul3A_1766, %mul3A_1767 : vector<16xf32>
        %mul3A_1769 = arith.mulf %add3A_1760, %get3A_1202 : vector<16xf32>
        %mul3A_1770 = arith.mulf %add3A_1765, %get3A_1208 : vector<16xf32>
        %add3A_1771 = arith.addf %mul3A_1769, %mul3A_1770 : vector<16xf32>
        %add3A_1772 = arith.addf %add3A_1768, %add3A_1771 : vector<16xf32>
        %add3A_1773 = arith.addi %mul3A_1177, %scan3A_1184 : i32
        %mul3A_1774 = arith.constant 16 : i32
        %mul3A_1775 = arith.muli %add3A_1773, %mul3A_1774 : i32
        %swap3A = arith.index_cast %mul3A_1775 : i32 to index
        %swap3A_1776 = tpu.vector_load %arg15[%swap3A] {strides = array<i32>} : memref<8192xf32, #tpu.memory_space<vmem>>, vector<16xf32>,
        %swap3A_1777 = vector.shape_cast %swap3A_1776 : vector<16xf32> to vector<16xf32>
        %swap3A_1778 = vector.shape_cast %add3A_1239 : vector<16xf32> to vector<16xf32>
        tpu.vector_store %arg15[%swap3A], %swap3A_1778 {strides = array<i32>} : memref<8192xf32, #tpu.memory_space<vmem>>, vector<16xf32>,
        %add3A_1779 = arith.addi %mul3A_1177, %scan3A_1184 : i32
        %mul3A_1780 = arith.constant 16 : i32
        %mul3A_1781 = arith.muli %add3A_1779, %mul3A_1780 : i32
        %swap3A_1782 = arith.index_cast %mul3A_1781 : i32 to index
        %swap3A_1783 = tpu.vector_load %arg16[%swap3A_1782] {strides = array<i32>} : memref<8192xf32, #tpu.memory_space<vmem>>, vector<16xf32>,
        %swap3A_1784 = vector.shape_cast %swap3A_1783 : vector<16xf32> to vector<16xf32>
        %swap3A_1785 = vector.shape_cast %add3A_1772 : vector<16xf32> to vector<16xf32>
        tpu.vector_store %arg16[%swap3A_1782], %swap3A_1785 {strides = array<i32>} : memref<8192xf32, #tpu.memory_space<vmem>>, vector<16xf32>,
      }
      %scan3A_1183 = arith.constant 16 : i32
    }
    %scan3A_543 = arith.constant 16 : i32
    %mul3A_544 = arith.constant 16 : i32
    %mul3A_545 = arith.muli %mul3A_2, %mul3A_544 : i32
    "tpu.region"() ({
      %run_scoped3A = tpu.sem_alloc : memref<!tpu.dma_semaphore, #tpu.memory_space<semaphore_mem>>
      %dma_start3A_548 = tpu.memref_slice %arg7[%mul3A_545] : memref<262144xf32, #tpu.memory_space<hbm>> -> memref<8192xf32, #tpu.memory_space<hbm>>
      %dma_start3A_549 = tpu.memref_slice %arg7[%mul3A_545] : memref<262144xf32, #tpu.memory_space<hbm>> -> memref<8192xf32, #tpu.memory_space<hbm>>
      tpu.enqueue_dma source(%arg15 : memref<8192xf32, #tpu.memory_space<vmem>>) target(%dma_start3A_549 : memref<8192xf32, #tpu.memory_space<hbm>>) target_semaphore(%run_scoped3A : memref<!tpu.dma_semaphore, #tpu.memory_space<semaphore_mem>>)
      %dma_wait3A = tpu.memref_slice %arg7[%mul3A_545] : memref<262144xf32, #tpu.memory_space<hbm>> -> memref<8192xf32, #tpu.memory_space<hbm>>
      %dma_wait3A_550 = tpu.memref_slice %arg7[%mul3A_545] : memref<262144xf32, #tpu.memory_space<hbm>> -> memref<8192xf32, #tpu.memory_space<hbm>>
      tpu.wait_dma2 semaphore(%run_scoped3A : memref<!tpu.dma_semaphore, #tpu.memory_space<semaphore_mem>>) src(%arg15 : memref<8192xf32, #tpu.memory_space<vmem>>) dst(%dma_wait3A_550 : memref<8192xf32, #tpu.memory_space<hbm>>)
      tpu.yield
    }) : () -> ()
    %mul3A_546 = arith.constant 16 : i32
    %mul3A_547 = arith.muli %mul3A_2, %mul3A_546 : i32
    "tpu.region"() ({
      %run_scoped3A = tpu.sem_alloc : memref<!tpu.dma_semaphore, #tpu.memory_space<semaphore_mem>>
      %dma_start3A_548 = tpu.memref_slice %arg8[%mul3A_547] : memref<262144xf32, #tpu.memory_space<hbm>> -> memref<8192xf32, #tpu.memory_space<hbm>>
      %dma_start3A_549 = tpu.memref_slice %arg8[%mul3A_547] : memref<262144xf32, #tpu.memory_space<hbm>> -> memref<8192xf32, #tpu.memory_space<hbm>>
      tpu.enqueue_dma source(%arg16 : memref<8192xf32, #tpu.memory_space<vmem>>) target(%dma_start3A_549 : memref<8192xf32, #tpu.memory_space<hbm>>) target_semaphore(%run_scoped3A : memref<!tpu.dma_semaphore, #tpu.memory_space<semaphore_mem>>)
      %dma_wait3A = tpu.memref_slice %arg8[%mul3A_547] : memref<262144xf32, #tpu.memory_space<hbm>> -> memref<8192xf32, #tpu.memory_space<hbm>>
      %dma_wait3A_550 = tpu.memref_slice %arg8[%mul3A_547] : memref<262144xf32, #tpu.memory_space<hbm>> -> memref<8192xf32, #tpu.memory_space<hbm>>
      tpu.wait_dma2 semaphore(%run_scoped3A : memref<!tpu.dma_semaphore, #tpu.memory_space<semaphore_mem>>) src(%arg16 : memref<8192xf32, #tpu.memory_space<vmem>>) dst(%dma_wait3A_550 : memref<8192xf32, #tpu.memory_space<hbm>>)
      tpu.yield
    }) : () -> ()
    return
  }
}

module attributes {stable_mosaic.version = 14 : i64} {
  func.func @_loss_body(%arg0: memref<128x2048xf32, #tpu.memory_space<vmem>>, %arg1: memref<128x2048xf32, #tpu.memory_space<vmem>>, %arg2: memref<1x1xf32, #tpu.memory_space<vmem>>) attributes {dimension_semantics = [], scalar_prefetch = 0 : i64, scratch_operands = 0 : i64, tpu.core_type = #tpu.core_type<tc>} {
    %iota3A = tpu.iota {dimensions = array<i32: 0>} : vector<2048x128xi32>
    %iota3A_0 = tpu.iota {dimensions = array<i32: 1>} : vector<2048x128xi32>
    %jit3A = arith.constant 16 : i32
    %div3A = vector.broadcast %jit3A : i32 to vector<2048x128xi32>
    %div3A_1 = arith.divsi %iota3A, %div3A : vector<2048x128xi32>
    %sign3A = arith.constant 0 : i32
    %sign3A_2 = vector.broadcast %sign3A : i32 to vector<2048x128xi32>
    %sign3A_3 = arith.cmpi sgt, %iota3A, %sign3A_2 : vector<2048x128xi32>
    %sign3A_4 = arith.extui %sign3A_3 : vector<2048x128xi1> to vector<2048x128xi32>
    %sign3A_5 = arith.constant 0 : i32
    %sign3A_6 = vector.broadcast %sign3A_5 : i32 to vector<2048x128xi32>
    %sign3A_7 = arith.cmpi slt, %iota3A, %sign3A_6 : vector<2048x128xi32>
    %sign3A_8 = arith.extui %sign3A_7 : vector<2048x128xi1> to vector<2048x128xi32>
    %sign3A_9 = arith.subi %sign3A_4, %sign3A_8 : vector<2048x128xi32>
    %sign3A_10 = arith.constant 0 : i32
    %sign3A_11 = arith.cmpi sgt, %jit3A, %sign3A_10 : i32
    %sign3A_12 = arith.extui %sign3A_11 : i1 to i32
    %sign3A_13 = arith.constant 0 : i32
    %sign3A_14 = arith.cmpi slt, %jit3A, %sign3A_13 : i32
    %sign3A_15 = arith.extui %sign3A_14 : i1 to i32
    %sign3A_16 = arith.subi %sign3A_12, %sign3A_15 : i32
    %ne3A = vector.broadcast %sign3A_16 : i32 to vector<2048x128xi32>
    %ne3A_17 = arith.cmpi ne, %sign3A_9, %ne3A : vector<2048x128xi32>
    %rem3A = vector.broadcast %jit3A : i32 to vector<2048x128xi32>
    %rem3A_18 = arith.remsi %iota3A, %rem3A : vector<2048x128xi32>
    %ne3A_19 = arith.constant 0 : i32
    %ne3A_20 = vector.broadcast %ne3A_19 : i32 to vector<2048x128xi32>
    %ne3A_21 = arith.cmpi ne, %rem3A_18, %ne3A_20 : vector<2048x128xi32>
    %and3A = arith.andi %ne3A_17, %ne3A_21 : vector<2048x128xi1>
    %sub3A = arith.constant 1 : i32
    %sub3A_22 = vector.broadcast %sub3A : i32 to vector<2048x128xi32>
    %sub3A_23 = arith.subi %div3A_1, %sub3A_22 : vector<2048x128xi32>
    %select_n3A = arith.select %and3A, %sub3A_23, %div3A_1 : vector<2048x128xi1>, vector<2048x128xi32>
    %eq3A = arith.cmpi eq, %select_n3A, %iota3A_0 : vector<2048x128xi32>
    %jit3A_24 = arith.constant 1.000000e+00 : f32
    %jit3A_25 = arith.constant 0.000000e+00 : f32
    %broadcast_in_dim3A = vector.broadcast %jit3A_24 : f32 to vector<2048x128xf32>
    %broadcast_in_dim3A_26 = vector.broadcast %jit3A_25 : f32 to vector<2048x128xf32>
    %select_n3A_27 = arith.select %eq3A, %broadcast_in_dim3A, %broadcast_in_dim3A_26 : vector<2048x128xi1>, vector<2048x128xf32>
    %get3A = arith.constant 0 : index
    %get3A_28 = arith.constant 0 : index
    %get3A_29 = vector.load %arg0[%get3A, %get3A_28] : memref<128x2048xf32, #tpu.memory_space<vmem>>, vector<128x2048xf32>
    %dot_general3A = arith.constant dense<0.000000e+00> : vector<128x128xf32>
    %dot_general3A_30 = tpu.matmul %get3A_29, %select_n3A_27, %dot_general3A {dimension_numbers = #tpu.dot_dimension_numbers<[1], [0], [0], [1], [0, 0, 1, 1], [], []>, transpose_lhs_hint = false} : vector<128x2048xf32>, vector<2048x128xf32>, vector<128x128xf32> -> vector<128x128xf32>
    %get3A_31 = arith.constant 0 : index
    %get3A_32 = arith.constant 0 : index
    %get3A_33 = vector.load %arg1[%get3A_31, %get3A_32] : memref<128x2048xf32, #tpu.memory_space<vmem>>, vector<128x2048xf32>
    %dot_general3A_34 = arith.constant dense<0.000000e+00> : vector<128x128xf32>
    %dot_general3A_35 = tpu.matmul %get3A_33, %select_n3A_27, %dot_general3A_34 {dimension_numbers = #tpu.dot_dimension_numbers<[1], [0], [0], [1], [0, 0, 1, 1], [], []>, transpose_lhs_hint = false} : vector<128x2048xf32>, vector<2048x128xf32>, vector<128x128xf32> -> vector<128x128xf32>
    %min3A = arith.constant 0.000000e+00 : f32
    %min3A_36 = vector.broadcast %min3A : f32 to vector<128x128xf32>
    %min3A_37 = arith.minimumf %dot_general3A_30, %min3A_36 : vector<128x128xf32>
    %abs3A = math.absf %dot_general3A_30 : vector<128x128xf32>
    %neg3A = arith.constant 0.000000e+00 : f32
    %neg3A_38 = vector.broadcast %neg3A : f32 to vector<128x128xf32>
    %neg3A_39 = arith.subf %neg3A_38, %abs3A : vector<128x128xf32>
    %exp3A = math.exp %neg3A_39 : vector<128x128xf32>
    %log1p3A = math.log1p %exp3A : vector<128x128xf32>
    %sub3A_40 = arith.subf %min3A_37, %log1p3A : vector<128x128xf32>
    %neg3A_41 = arith.constant 0.000000e+00 : f32
    %neg3A_42 = vector.broadcast %neg3A_41 : f32 to vector<128x128xf32>
    %neg3A_43 = arith.subf %neg3A_42, %dot_general3A_35 : vector<128x128xf32>
    %min3A_44 = arith.constant 0.000000e+00 : f32
    %min3A_45 = vector.broadcast %min3A_44 : f32 to vector<128x128xf32>
    %min3A_46 = arith.minimumf %neg3A_43, %min3A_45 : vector<128x128xf32>
    %abs3A_47 = math.absf %neg3A_43 : vector<128x128xf32>
    %neg3A_48 = arith.constant 0.000000e+00 : f32
    %neg3A_49 = vector.broadcast %neg3A_48 : f32 to vector<128x128xf32>
    %neg3A_50 = arith.subf %neg3A_49, %abs3A_47 : vector<128x128xf32>
    %exp3A_51 = math.exp %neg3A_50 : vector<128x128xf32>
    %log1p3A_52 = math.log1p %exp3A_51 : vector<128x128xf32>
    %sub3A_53 = arith.subf %min3A_46, %log1p3A_52 : vector<128x128xf32>
    %reduce_sum3A = vector.shape_cast %sub3A_40 : vector<128x128xf32> to vector<1x128x128xf32>
    %reduce_sum3A_54 = arith.constant dense<0.000000e+00> : vector<1xf32>
    %reduce_sum3A_55 = vector.multi_reduction <add>, %reduce_sum3A, %reduce_sum3A_54 [1, 2] : vector<1x128x128xf32> to vector<1xf32>
    %reduce_sum3A_56 = vector.shape_cast %reduce_sum3A_55 : vector<1xf32> to vector<1x1x1xf32>
    %reduce_sum3A_57 = vector.extract %reduce_sum3A_56[0, 0, 0] : f32 from vector<1x1x1xf32>
    %broadcast_in_dim3A_58 = vector.broadcast %reduce_sum3A_57 : f32 to vector<1x1xf32>
    %reduce_sum3A_59 = vector.shape_cast %sub3A_53 : vector<128x128xf32> to vector<1x128x128xf32>
    %reduce_sum3A_60 = arith.constant dense<0.000000e+00> : vector<1xf32>
    %reduce_sum3A_61 = vector.multi_reduction <add>, %reduce_sum3A_59, %reduce_sum3A_60 [1, 2] : vector<1x128x128xf32> to vector<1xf32>
    %reduce_sum3A_62 = vector.shape_cast %reduce_sum3A_61 : vector<1xf32> to vector<1x1x1xf32>
    %reduce_sum3A_63 = vector.extract %reduce_sum3A_62[0, 0, 0] : f32 from vector<1x1x1xf32>
    %broadcast_in_dim3A_64 = vector.broadcast %reduce_sum3A_63 : f32 to vector<1x1xf32>
    %add3A = arith.addf %broadcast_in_dim3A_58, %broadcast_in_dim3A_64 : vector<1x1xf32>
    %neg3A_65 = arith.constant 0.000000e+00 : f32
    %neg3A_66 = vector.broadcast %neg3A_65 : f32 to vector<1x1xf32>
    %neg3A_67 = arith.subf %neg3A_66, %add3A : vector<1x1xf32>
    %div3A_68 = arith.constant 1.638400e+04 : f32
    %div3A_69 = vector.broadcast %div3A_68 : f32 to vector<1x1xf32>
    %div3A_70 = arith.divf %neg3A_67, %div3A_69 : vector<1x1xf32>
    %swap3A = arith.constant 0 : index
    %swap3A_71 = arith.constant 0 : index
    %swap3A_72 = vector.load %arg2[%swap3A, %swap3A_71] : memref<1x1xf32, #tpu.memory_space<vmem>>, vector<1x1xf32>
    tpu.vector_store %arg2[%swap3A, %swap3A_71], %div3A_70 {strides = array<i32>} : memref<1x1xf32, #tpu.memory_space<vmem>>, vector<1x1xf32>,
    return
  }
}

</mosaic_0001>

<sc_bundles>
// kernel: kernel.4.cloned.1.call-start
scs
__scs_entry_jumppad:
0x0: {  	(pc) =	sbr.rel $0x88, $3  }
0x1: {  	(tag) =	ssettag $0x0;
	lr =	simm.s32 $0x1  }
0x2: {  	[smem:$0x3F9C] =	sst lr;
	_ =	strace $0xD0000000  }
0x3: {  	_ = 	snop  }
0x4: {  	_ = 	snop  }
0x5: {  	_ = 	snop  }
0x6: {  	_ = 	snop  }
0x7: {  	_ = 	snop  }
__scs_overlays_trampoline_lowered:
0x8: {  	[smem:$0x3FAB] =	sst s0  }
0x9: {  	[smem:$0x3FAC] =	sst s1  }
0xa: {  	[smem:$0x3FAD] =	sst s2  }
0xb: {  	[smem:$0x3FAE] =	sst s3  }
0xc: {  	[smem:$0x3FAF] =	sst s4  }
0xd: {  	[smem:$0x3FB0] =	sst s5  }
0xe: {  	[smem:$0x3FB1] =	sst s6  }
0xf: {  	[smem:$0x3FB2] =	sst s7  }
0x10: {  	[smem:$0x3FB3] =	sst s8  }
0x11: {  	[smem:$0x3FB4] =	sst s9;
	s0 =	simm.s32 @!p0 $0x0  }
0x12: {  	s1 =	sld [smem:$0x3F9A];
	s0 =	simm.s32 @p0 $0x1  }
0x13: {  	[smem:$0x3FB5] =	sst s0;
	s0 =	simm.s32 @!p1 $0x0  }
0x14: {  	s2 =	sld [smem:$0x3F99];
	s0 =	simm.s32 @p1 $0x1  }
0x15: {  	[smem:$0x3FB6] =	sst s0;
	s0 =	simm.s32 @!p2 $0x0  }
0x16: {  	s3 =	sld [smem:$0x3FDB];
	s0 =	simm.s32 @p2 $0x1  }
0x17: {  	s4 =	simm.s32 $0x1BF5;
	[smem:$0x3FB8] =	sst s0  }
0x18: {  	s0 =	sld [smem:$0x3F9B];
	_ =	swait.ge [sflag:s4], $0x0  }
0x19: {  	s7 =	sld [smem:$0x3F9C]  }
0x1a: {  	s8 =	sadd.s32 $0xFFFFE003, lr  }
0x1b: {  	s9 =	sadd.s32 $0xFFFFFEF7, lr;
	s5 =	simm.s32 $0xFFFFFFFF;
	p2 =	slt.u32 s8, $0xFFFFF086  }
0x1c: {  	p1 =	slt.u32 s9, $0xF7A;
	s5 =	simm.s32 @!p2 $0x0  }
0x1d: {  	s5 =	simm.s32 @p1 $0x1;
	p0 =	seq.s32 s7, s2  }
0x1e: {  	s7 =	smul.u32 @!p0 $0xF7A, s2;
	p2 =	seq.s32 @!p0 s5, $0x0  }
0x1f: {  	s9 =	smul.u32 $0xF7A, s1;
	s8 =	simm.s32 @!p0 $0x1BF5;
	p2 =	por !p2, p0  }
0x20: {  	[sflag:s8] =	ssyncset.s32 @!p0 $0xFFFFF086;
	s6 =	sadd.s32 @!p0 s3, s7;
	s7 =	simm.s32 @!p0 $0x108  }
0x21: {  	s3 =	sadd.s32 s3, s9;
	s6 =	sadd.s32 @!p0 $0x88, s6;
	s7 =	simm.s32 @p2 $0x1082  }
0x22: {  	[simem:s7], [sflag:s8] =	dma.local @!p0 [hbm:s6], $0xF7A  }
0x23: {  	s9 =	sor.u32 $0xD0000000, s2;
	s6 =	simm.s32 $0x108;
	_ =	swait.ge @!p0 [sflag:s8], $0x0  }
0x24: {  	s3 =	sadd.s32 $0x88, s3;
	s6 =	simm.s32 @!p1 $0x1082;
	[sflag:s4] =	ssyncset.s32 $0xFFFFF086  }
0x25: {  	[simem:s6], [sflag:s4] =	dma.local [hbm:s3], $0xF7A  }
0x26: {  	[smem:$0x3F9C] =	sst s1;
	(tag) =	ssettag s2;
	_ =	strace s9  }
0x27: {  	s1 =	sld [smem:$0x3FAC]  }
0x28: {  	s2 =	sld [smem:$0x3FAD]  }
0x29: {  	s4 =	sld [smem:$0x3FAF]  }
0x2a: {  	p0 =	seq.s32 s5, $0x0;
	s5 =	sld [smem:$0x3FB0]  }
0x2b: {  	s6 =	sld [smem:$0x3FB1]  }
0x2c: {  	s7 =	sld [smem:$0x3FB2]  }
0x2d: {  	s3 =	simm.s32 $0x108;
	s8 =	sld [smem:$0x3FB3]  }
0x2e: {  	s3 =	simm.s32 @!p0 $0x1082;
	s9 =	sld [smem:$0x3FB4]  }
0x2f: {  	lr =	sadd.s32 s0, s3;
	s0 =	sld [smem:$0x3FAB]  }
0x30: {  	s3 =	sld [smem:$0x3FAE]  }
0x31: {  	[smem:$0x3FB7] =	sst s10  }
0x32: {  	s10 =	sld [smem:$0x3FB5];
	_ =	sdelay $0x3  }
0x33: {  	p0 =	seq.s32 s10, $0x1;
	s10 =	sld [smem:$0x3FB7];
	_ =	sdelay $0x3  }
0x34: {  	[smem:$0x3FB7] =	sst s10  }
0x35: {  	s10 =	sld [smem:$0x3FB6];
	_ =	sdelay $0x3  }
0x36: {  	p1 =	seq.s32 s10, $0x1;
	s10 =	sld [smem:$0x3FB7];
	_ =	sdelay $0x3  }
0x37: {  	[smem:$0x3FB7] =	sst s10  }
0x38: {  	s10 =	sld [smem:$0x3FB8]  }
0x39: {  	_ = 	snop;
	(pc) =	sbr.ind lr, $3  }
0x3a: {  	_ = 	snop  }
0x3b: {  	_ = 	snop  }
0x3c: {  	p2 =	seq.s32 s10, $0x1;
	s10 =	sld [smem:$0x3FB7]  }
0x3d: {  	_ =	shalt  }
0x3e: {  	_ =	shalt  }
0x3f: {  	_ =	shalt  }
0x40: {  	_ =	shalt  }
0x41: {  	_ =	shalt  }
0x42: {  	_ =	shalt  }
0x43: {  	_ =	shalt  }
0x44: {  	_ =	shalt  }
0x45: {  	_ =	shalt  }
0x46: {  	_ =	shalt  }
0x47: {  	_ =	shalt  }
0x48: {  	_ =	shalt  }
0x49: {  	_ =	shalt  }
0x4a: {  	_ =	shalt  }
0x4b: {  	_ =	shalt  }
0x4c: {  	_ =	shalt  }
0x4d: {  	_ =	shalt  }
0x4e: {  	_ =	shalt  }
0x4f: {  	_ =	shalt  }
0x50: {  	_ =	shalt  }
0x51: {  	_ =	shalt  }
0x52: {  	_ =	shalt  }
0x53: {  	_ =	shalt  }
0x54: {  	_ =	shalt  }
0x55: {  	_ =	shalt  }
0x56: {  	_ =	shalt  }
0x57: {  	_ =	shalt  }
0x58: {  	_ =	shalt  }
0x59: {  	_ =	shalt  }
0x5a: {  	_ =	shalt  }
0x5b: {  	_ =	shalt  }
0x5c: {  	_ =	shalt  }
0x5d: {  	_ =	shalt  }
0x5e: {  	_ =	shalt  }
0x5f: {  	_ =	shalt  }
0x60: {  	_ =	shalt  }
0x61: {  	_ =	shalt  }
0x62: {  	_ =	shalt  }
0x63: {  	_ =	shalt  }
0x64: {  	_ =	shalt  }
0x65: {  	_ =	shalt  }
0x66: {  	_ =	shalt  }
0x67: {  	_ =	shalt  }
0x68: {  	_ =	shalt  }
0x69: {  	_ =	shalt  }
0x6a: {  	_ =	shalt  }
0x6b: {  	_ =	shalt  }
0x6c: {  	_ =	shalt  }
0x6d: {  	_ =	shalt  }
0x6e: {  	_ =	shalt  }
0x6f: {  	_ =	shalt  }
0x70: {  	_ =	shalt  }
0x71: {  	_ =	shalt  }
0x72: {  	_ =	shalt  }
0x73: {  	_ =	shalt  }
0x74: {  	_ =	shalt  }
0x75: {  	_ =	shalt  }
0x76: {  	_ =	shalt  }
0x77: {  	_ =	shalt  }
0x78: {  	_ =	shalt  }
0x79: {  	_ =	shalt  }
0x7a: {  	_ =	shalt  }
0x7b: {  	_ =	shalt  }
0x7c: {  	_ =	shalt  }
0x7d: {  	_ =	shalt  }
0x7e: {  	_ =	shalt  }
0x7f: {  	_ =	shalt  }
0x80: {  	_ =	shalt  }
0x81: {  	_ =	shalt  }
0x82: {  	_ =	shalt  }
0x83: {  	_ =	shalt  }
0x84: {  	_ =	shalt  }
0x85: {  	_ =	shalt  }
0x86: {  	_ =	shalt  }
0x87: {  	_ =	shalt  }
.Lfunc_end0:
.L_simem_size_0:
called_computation_lowered:
.L_overlay_start_0:
0x88: {  	s2 =	sld [smem:$0x3FD9]  }
0x89: {  	s3 =	sld [smem:$0x3FFE];
	_ =	sdelay $0x1  }
0x8a: {  	s1 =	srdreg.scid  }
0x8b: {  	s0 =	sand.u32 $0x1, s1  }
0x8c: {  	s17 =	sshll.u32 s0, $0xA;
	s2 =	sadd.s32 s3, s2  }
0x8d: {  	s2 =	sadd.s32 s2, s17  }
0x8e: {  	[smem:$0x3FC3] =	sst s2  }
0x8f: {  	_ = 	snop  }
0x90: {  	s2 =	sld [smem:$0x3FC9]  }
0x91: {  	s18 =	sld [smem:$0x3FC8];
	(tm) =	ssettm $0x1  }
0x92: {  	s4 =	sld [smem:$0x3FFB];
	_ =	sdelay $0x3  }
0x93: {  	_ =	strace s4  }
0x94: {  	s4 =	sld [smem:$0x3FFC];
	_ =	sdelay $0x3  }
0x95: {  	_ =	strace s4  }
0x96: {  	s4 =	sld [smem:$0x3FFD];
	_ =	sdelay $0x3  }
0x97: {  	_ =	strace s4  }
0x98: {  	_ =	strace $0x8FFFFFFF  }
0x99: {  	s19 =	sld [smem:$0x3FDB];
	_ =	sdelay $0x1  }
0x9a: {  	s5 =	simm.s32 $_scs_section_size  }
0x9b: {  	s6 =	simm.s32 $_size__tile_overlayer_lowered;
	s7 =	simm.s32 $_tile_overlayer_lowered  }
0x9c: {  	s22 =	simm.s32 $0x1BFF;
	s21 =	sshll.u32 s7, $0x1;
	s4 =	sadd.s32 s5, s19  }
0x9d: {  	s8 =	simm.s32 $0x0;
	s20 =	sshll.u32 s6, $0x1;
	s6 =	sadd.s32 s21, s4  }
0x9e: {  	[timem:s8], [sflag:s22] =	dma.local [hbm:s6], s20  }
0x9f: {  	_ =	swait.ge [sflag:s22], s20  }
0xa0: {  	s5 =	ssub.s32 $0x0, s20;
	[sflag:s22] =	ssyncset.done $0x0  }
0xa1: {  	[sflag:s22] =	ssyncadd.s32 s5;
	_ =	sdelay $0x1  }
0xa2: {  	s23 =	simm.s32 $0x1B8B  }
0xa3: {  	_ =	swait.ge [sflag:s23], $0x1  }
0xa4: {  	[sflag:s23] =	ssyncset.done $0x0  }
0xa5: {  	s25 =	simm.s32 $0x1B8E;
	s24 =	sld [smem:$0x3FFE];
	[sflag:s23] =	ssyncadd.s32 $0xFFFFFFFF  }
0xa6: {  	s26 =	simm.s32 $execute0_lowered;
	[smem:$0x3FD2] =	sst s25  }
0xa7: {  	s6 =	sshll.u32 s26, $0x1;
	_ =	strace $0x80000046;
	[dreg:$0x1] =	wrdreg $0xFFFFFFFF  }
0xa8: {  	s28 =	simm.s32 $_size_execute0_lowered;
	s4 =	sadd.s32 s4, s6;
	[dreg:$0x0] =	wrdreg $0x0  }
0xa9: {  	s6 =	sshll.u32 s28, $0x1;
	[dreg:$0x2] =	wrdreg s4  }
0xaa: {  	[dreg:$0x3] =	wrdreg s6  }
0xab: {  	[dreg:$0x4] =	wrdreg $0xC0  }
0xac: {  	_ =	task [dreg:s8], $0x5FFFF  }
0xad: {  	[dreg:$0x1] =	wrdreg $0xFFFFFFFF  }
0xae: {  	[dreg:$0x0] =	wrdreg $0x60  }
0xaf: {  	[dreg:$0x2] =	wrdreg s2  }
0xb0: {  	[dreg:$0x3] =	wrdreg s18  }
0xb1: {  	[dreg:$0x4] =	wrdreg s24  }
0xb2: {  	[dreg:$0x5] =	wrdreg $0x9  }
0xb3: {  	_ =	task.clear_ibuf [dreg:s8], $0x6FFFF;
	_ =	strace $0x90000046  }
0xb4: {  	s29 =	simm.s32 $0x9;
	_ =	strace $0x80000048  }
0xb5: {  	_ =	swait.ge [sflag:s29], $0x1  }
0xb6: {  	[sflag:s29] =	ssyncadd.s32 $0xFFFFFFFF  }
0xb7: {  	_ =	strace $0x90000048  }
0xb8: {  	_ =	sfence  }
0xb9: {  	s30 =	sld [smem:$0x0];
	_ =	sdelay $0x2  }
0xba: {  	s31 =	sshll.u32 s1, $0xD;
	s1 =	sshrl.u32 s1, $0x2  }
0xbb: {  	s3 =	sand.u32 $0x4000, s31;
	s1 =	sadd.s32 s1, s30  }
0xbc: {  	s0 =	sor.u32 s3, s0;
	s1 =	sshll.u32 s1, $0x11  }
0xbd: {  	s0 =	sor.u32 s1, s0  }
0xbe: {  	s0 =	sadd.s32 $0x8F2B, s0  }
0xbf: {  	[sflag:s0] =	ssyncadd.remote.s32 $0x1  }
0xc0: {  	_ =	sfence.sel $0xFFFF  }
0xc1: {  	[dreg:$0x0] =	wrdreg $0xFFFFFFFF;
	(pc) =	sbr.abs _section_cstart, $3  }
0xc2: {  	[dreg:$0x1] =	wrdreg $0xFFFFFFFF  }
0xc3: {  	_ =	task.clear_ibuf [dreg:s8], $0x2FFFF;
	_ =	strace $0x9FFFFFFF  }
0xc4: {  	(tm) =	ssettm $0x7FFFFFFF  }
0xc5: {  	_ =	shalt  }
tec
execute0_lowered:
.L_overlay_start_1:
0x0: {  	(tag) =	ssettag $0x1  }
0x1: {  	s0 =	rddreg [dreg:$0x0];
	s1 =	srdreg.scid  }
0x2: {  	s2 =	stileid.u32;
	s5 =	rddreg [dreg:$0x1]  }
0x3: {  	s6 =	rddreg [dreg:$0x2];
	s1 =	sand.u32 $0x1, s1;
	s2 =	sshll.u32 s2, $0x1  }
0x4: {  	s4 =	sadd.s32 $0xF4CC00, s6;
	s7 =	sor.u32 s1, s2;
	s2 =	simm.s32 $0x0  }
0x5: {  	s1 =	ssub.s32 $0x2, s1;
	s3 =	smul.u32 $0x500, s7;
	[smem:$0x7FF] =	sst s2  }
0x6: {  	s9 =	sshll.u32 s7, $0xA;
	s25 =	sshrl.u32 s1, $0x1;
	s7 =	sshll.u32 s7, $0x6  }
0x7: {  	_ =	strace $0x80000047;
	s1 =	ssub.s32 s1, s25;
	s0 =	sadd.s32 s0, s7  }
0x8: {  	s26 =	sadd.s32 s5, s7;
	s8 =	sadd.s32 s3, s6;
	[dreg:$0x4] =	wrdreg s0  }
0x9: {  	s3 =	sadd.s32 $0xA800, s6;
	[dreg:$0x5] =	wrdreg s26;
	s31 =	smax.u32 s1, $0x1  }
0xa: {  	s6 =	sadd.s32 s9, s6;
	s28 =	sadd.s32 $0x800, s8;
	[dreg:$0x9] =	wrdreg s31  }
0xb: {  	s29 =	sadd.s32 $0x1E8F000, s6;
	[dreg:$0x6] =	wrdreg s28  }
0xc: {  	s23 =	simm.s32 $0x0;
	s30 =	sadd.s32 $0x1E97000, s6;
	[dreg:$0x7] =	wrdreg s29  }
0xd: {  	s5 =	simm.s32 $0x3;
	s1 =	simm.s32 $0x0;
	[dreg:$0x8] =	wrdreg s30  }
.LBB2_1:
0xe: {  	[dreg:$0xa] =	wrdreg s1  }
0xf: {  	s0 =	rddreg [dreg:$0x4]  }
0x10: {  	[tilespmem:s2], [sflag:$0x3] =	stream.linear.gather [hbm4b:s0+s2], $0x200, $0x38;
	[tilespmem:$0x1CD80] =	vst v63  }
0x11: {  	_ =	swait.ge [sflag:s5], $0x200  }
0x12: {  	[sflag:s5] =	ssyncset.done $0x0  }
0x13: {  	s12 =	simm.s32 $0x280;
	s11 =	rddreg [dreg:$0x5];
	[sflag:s5] =	ssyncadd.s32 $0xFFFFFE00  }
0x14: {  	[tilespmem:s12], [sflag:$0x3] =	stream.linear.gather [hbm4b:s11+s2], $0x200, $0x38;
	[tilespmem:$0x1CD80] =	vst v63  }
0x15: {  	_ =	swait.ge [sflag:s5], $0x200  }
0x16: {  	[sflag:s5] =	ssyncset.done $0x0  }
0x17: {  	s0 =	simm.s32 $0x500;
	s13 =	rddreg [dreg:$0x6];
	[sflag:s5] =	ssyncadd.s32 $0xFFFFFE00  }
0x18: {  	[tilespmem:s0], [sflag:$0x3] =	stream.linear.gather [hbm4b:s13+s2], $0x2800, $0x38;
	[tilespmem:$0x1CD80] =	vst v63  }
0x19: {  	_ =	swait.ge [sflag:s5], $0x2800  }
0x1a: {  	[sflag:s5] =	ssyncset.done $0x0  }
0x1b: {  	[sflag:s5] =	ssyncadd.s32 $0xFFFFD800  }
0x1c: {  	v0 =	vld [tilespmem:$0x0];
	_ =	sdelay $0x4  }
0x1d: {  	v0 =	vshll.u32 v0, $0x4  }
0x1e: {  	(v2sf) =	vpush v0, $0x0;
	_ =	sdelay $0x6  }
0x1f: {  	(v2sf) =	vpush v0, $0x1;
	_ =	sdelay $0x2  }
0x20: {  	(v2sf) =	vpush v0, $0x2;
	_ =	sdelay $0x2  }
0x21: {  	(v2sf) =	vpush v0, $0x3;
	_ =	sdelay $0x1  }
0x22: {  	s14 =	spop (v2sf);
	(v2sf) =	vpush v0, $0x4;
	_ =	sdelay $0x1  }
0x23: {  	(v2sf) =	vpush v0, $0x5;
	_ =	sdelay $0x1  }
0x24: {  	(v2sf) =	vpush v0, $0x6;
	_ =	sdelay $0x1  }
0x25: {  	s1 =	sand.u32 $0x1FFFFFF0, s14  }
0x26: {  	s15 =	simm.s32 $0x2D80;
	s16 =	spop (v2sf);
	s1 =	sadd.s32 s3, s1;
	(v2sf) =	vpush v0, $0x7  }
0x27: {  	[tilespmem:s15], [sflag:$0x1] =	stream.linear.gather [hbm4b:s1+s2], $0x80, $0x38;
	[tilespmem:$0x1CD80] =	vst v63  }
0x28: {  	s1 =	sand.u32 $0x1FFFFFF0, s16  }
0x29: {  	s17 =	simm.s32 $0x2E00;
	s18 =	spop (v2sf);
	s1 =	sadd.s32 s3, s1  }
0x2a: {  	[tilespmem:s17], [sflag:$0x1] =	stream.linear.gather [hbm4b:s1+s2], $0x80, $0x38;
	[tilespmem:$0x1CD80] =	vst v63  }
0x2b: {  	s1 =	sand.u32 $0x1FFFFFF0, s18  }
0x2c: {  	s19 =	simm.s32 $0x2E80;
	s20 =	spop (v2sf);
	s1 =	sadd.s32 s3, s1  }
0x2d: {  	[tilespmem:s19], [sflag:$0x1] =	stream.linear.gather [hbm4b:s1+s2], $0x80, $0x38;
	[tilespmem:$0x1CD80] =	vst v63  }
0x2e: {  	s22 =	spop (v2sf);
	(v2sf) =	vpush v0, $0x8  }
0x2f: {  	s1 =	sand.u32 $0x1FFFFFF0, s20  }
0x30: {  	s21 =	simm.s32 $0x2F00;
	s1 =	sadd.s32 s3, s1;
	s25 =	spop (v2sf);
	(v2sf) =	vpush v0, $0x9  }
0x31: {  	[tilespmem:s21], [sflag:$0x1] =	stream.linear.gather [hbm4b:s1+s2], $0x80, $0x38;
	[tilespmem:$0x1CD80] =	vst v63  }
0x32: {  	s1 =	sand.u32 $0x1FFFFFF0, s22;
	s28 =	spop (v2sf);
	(v2sf) =	vpush v0, $0xA  }
0x33: {  	s24 =	simm.s32 $0x2F80;
	s1 =	sadd.s32 s3, s1  }
0x34: {  	[tilespmem:s24], [sflag:$0x1] =	stream.linear.gather [hbm4b:s1+s2], $0x80, $0x38;
	[tilespmem:$0x1CD80] =	vst v63  }
0x35: {  	s30 =	spop (v2sf);
	(v2sf) =	vpush v0, $0xB  }
0x36: {  	s1 =	sand.u32 $0x1FFFFFF0, s25  }
0x37: {  	s26 =	simm.s32 $0x3000;
	s1 =	sadd.s32 s3, s1  }
0x38: {  	[tilespmem:s26], [sflag:$0x1] =	stream.linear.gather [hbm4b:s1+s2], $0x80, $0x38;
	[tilespmem:$0x1CD80] =	vst v63  }
0x39: {  	s1 =	sand.u32 $0x1FFFFFF0, s28  }
0x3a: {  	s29 =	simm.s32 $0x3080;
	s1 =	sadd.s32 s3, s1  }
0x3b: {  	[tilespmem:s29], [sflag:$0x1] =	stream.linear.gather [hbm4b:s1+s2], $0x80, $0x38;
	[tilespmem:$0x1CD80] =	vst v63  }
0x3c: {  	s1 =	sand.u32 $0x1FFFFFF0, s30  }
0x3d: {  	s31 =	simm.s32 $0x3100;
	s1 =	sadd.s32 s3, s1;
	s6 =	spop (v2sf);
	(v2sf) =	vpush v0, $0xC  }
0x3e: {  	[tilespmem:s31], [sflag:$0x1] =	stream.linear.gather [hbm4b:s1+s2], $0x80, $0x38;
	[tilespmem:$0x1CD80] =	vst v63  }
0x3f: {  	s8 =	spop (v2sf);
	(v2sf) =	vpush v0, $0xD  }
0x40: {  	s1 =	sand.u32 $0x1FFFFFF0, s6  }
0x41: {  	s7 =	simm.s32 $0x3180;
	s1 =	sadd.s32 s3, s1;
	s10 =	spop (v2sf)  }
0x42: {  	(v2sf) =	vpush v0, $0xE;
	[tilespmem:s7], [sflag:$0x1] =	stream.linear.gather [hbm4b:s1+s2], $0x80, $0x38;
	[tilespmem:$0x1CD80] =	vst v63  }
0x43: {  	s1 =	sand.u32 $0x1FFFFFF0, s8  }
0x44: {  	s9 =	simm.s32 $0x3200;
	s12 =	spop (v2sf);
	s1 =	sadd.s32 s3, s1  }
0x45: {  	(v2sf) =	vpush v0, $0xF;
	[tilespmem:s9], [sflag:$0x1] =	stream.linear.gather [hbm4b:s1+s2], $0x80, $0x38;
	[tilespmem:$0x1CD80] =	vst v63  }
0x46: {  	s1 =	sand.u32 $0x1FFFFFF0, s10  }
0x47: {  	s11 =	simm.s32 $0x3280;
	s1 =	sadd.s32 s3, s1  }
0x48: {  	[tilespmem:s11], [sflag:$0x1] =	stream.linear.gather [hbm4b:s1+s2], $0x80, $0x38;
	[tilespmem:$0x1CD80] =	vst v63  }
0x49: {  	s1 =	sand.u32 $0x1FFFFFF0, s12  }
0x4a: {  	s13 =	simm.s32 $0x3300;
	s1 =	sadd.s32 s3, s1  }
0x4b: {  	[tilespmem:s13], [sflag:$0x1] =	stream.linear.gather [hbm4b:s1+s2], $0x80, $0x38;
	[tilespmem:$0x1CD80] =	vst v63  }
0x4c: {  	s14 =	spop (v2sf)  }
0x4d: {  	s1 =	sand.u32 $0x1FFFFFF0, s14  }
0x4e: {  	s15 =	simm.s32 $0x3380;
	s16 =	spop (v2sf);
	s1 =	sadd.s32 s3, s1  }
0x4f: {  	[tilespmem:s15], [sflag:$0x1] =	stream.linear.gather [hbm4b:s1+s2], $0x80, $0x38;
	[tilespmem:$0x1CD80] =	vst v63  }
0x50: {  	s1 =	sand.u32 $0x1FFFFFF0, s16  }
0x51: {  	s17 =	simm.s32 $0x3400;
	s18 =	spop (v2sf);
	s1 =	sadd.s32 s3, s1  }
0x52: {  	[tilespmem:s17], [sflag:$0x1] =	stream.linear.gather [hbm4b:s1+s2], $0x80, $0x38;
	[tilespmem:$0x1CD80] =	vst v63  }
0x53: {  	s1 =	sand.u32 $0x1FFFFFF0, s18  }
0x54: {  	s19 =	simm.s32 $0x3480;
	s20 =	spop (v2sf);
	s1 =	sadd.s32 s3, s1  }
0x55: {  	[tilespmem:s19], [sflag:$0x1] =	stream.linear.gather [hbm4b:s1+s2], $0x80, $0x38;
	[tilespmem:$0x1CD80] =	vst v63  }
0x56: {  	s1 =	sand.u32 $0x1FFFFFF0, s20  }
0x57: {  	s21 =	simm.s32 $0x3500;
	s1 =	sadd.s32 s3, s1  }
0x58: {  	[tilespmem:s21], [sflag:$0x1] =	stream.linear.gather [hbm4b:s1+s2], $0x80, $0x38;
	[tilespmem:$0x1CD80] =	vst v63  }
0x59: {  	v0 =	vld [tilespmem:$0x280];
	_ =	sdelay $0x4  }
0x5a: {  	v0 =	vshll.u32 v0, $0x4  }
0x5b: {  	(v2sf) =	vpush v0, $0x0  }
0x5c: {  	(v2sf) =	vpush v0, $0x1;
	_ =	sdelay $0x1  }
0x5d: {  	(v2sf) =	vpush v0, $0x2;
	_ =	sdelay $0x1  }
0x5e: {  	(v2sf) =	vpush v0, $0x3;
	_ =	sdelay $0x4  }
0x5f: {  	(v2sf) =	vpush v0, $0x4;
	_ =	sdelay $0x4  }
0x60: {  	s22 =	spop (v2sf)  }
0x61: {  	s25 =	spop (v2sf);
	(v2sf) =	vpush v0, $0x5;
	_ =	sdelay $0x1  }
0x62: {  	s28 =	spop (v2sf);
	(v2sf) =	vpush v0, $0x6  }
0x63: {  	s1 =	sand.u32 $0x1FFFFFF0, s22  }
0x64: {  	s24 =	simm.s32 $0x3D80;
	s1 =	sadd.s32 s4, s1;
	s30 =	spop (v2sf);
	(v2sf) =	vpush v0, $0x7  }
0x65: {  	[tilespmem:s24], [sflag:$0x1] =	stream.linear.gather [hbm4b:s1+s2], $0x80, $0x38;
	[tilespmem:$0x1CD80] =	vst v63  }
0x66: {  	s1 =	sand.u32 $0x1FFFFFF0, s25  }
0x67: {  	s26 =	simm.s32 $0x3E00;
	s1 =	sadd.s32 s4, s1  }
0x68: {  	[tilespmem:s26], [sflag:$0x1] =	stream.linear.gather [hbm4b:s1+s2], $0x80, $0x38;
	[tilespmem:$0x1CD80] =	vst v63  }
0x69: {  	s6 =	spop (v2sf);
	(v2sf) =	vpush v0, $0x8;
	s1 =	sand.u32 $0x1FFFFFF0, s28  }
0x6a: {  	s29 =	simm.s32 $0x3E80;
	s1 =	sadd.s32 s4, s1  }
0x6b: {  	[tilespmem:s29], [sflag:$0x1] =	stream.linear.gather [hbm4b:s1+s2], $0x80, $0x38;
	[tilespmem:$0x1CD80] =	vst v63  }
0x6c: {  	s1 =	sand.u32 $0x1FFFFFF0, s30  }
0x6d: {  	s31 =	simm.s32 $0x3F00;
	s1 =	sadd.s32 s4, s1  }
0x6e: {  	[tilespmem:s31], [sflag:$0x1] =	stream.linear.gather [hbm4b:s1+s2], $0x80, $0x38;
	[tilespmem:$0x1CD80] =	vst v63  }
0x6f: {  	s8 =	spop (v2sf);
	(v2sf) =	vpush v0, $0x9  }
0x70: {  	s1 =	sand.u32 $0x1FFFFFF0, s6  }
0x71: {  	s7 =	simm.s32 $0x3F80;
	s1 =	sadd.s32 s4, s1;
	s10 =	spop (v2sf);
	(v2sf) =	vpush v0, $0xA  }
0x72: {  	[tilespmem:s7], [sflag:$0x1] =	stream.linear.gather [hbm4b:s1+s2], $0x80, $0x38;
	[tilespmem:$0x1CD80] =	vst v63  }
0x73: {  	s12 =	spop (v2sf);
	(v2sf) =	vpush v0, $0xB  }
0x74: {  	s1 =	sand.u32 $0x1FFFFFF0, s8  }
0x75: {  	s9 =	simm.s32 $0x4000;
	s1 =	sadd.s32 s4, s1  }
0x76: {  	[tilespmem:s9], [sflag:$0x1] =	stream.linear.gather [hbm4b:s1+s2], $0x80, $0x38;
	[tilespmem:$0x1CD80] =	vst v63  }
0x77: {  	s1 =	sand.u32 $0x1FFFFFF0, s10  }
0x78: {  	s11 =	simm.s32 $0x4080;
	s14 =	spop (v2sf);
	s1 =	sadd.s32 s4, s1  }
0x79: {  	(v2sf) =	vpush v0, $0xC;
	[tilespmem:s11], [sflag:$0x1] =	stream.linear.gather [hbm4b:s1+s2], $0x80, $0x38;
	[tilespmem:$0x1CD80] =	vst v63  }
0x7a: {  	s1 =	sand.u32 $0x1FFFFFF0, s12  }
0x7b: {  	s13 =	simm.s32 $0x4100;
	s1 =	sadd.s32 s4, s1  }
0x7c: {  	[tilespmem:s13], [sflag:$0x1] =	stream.linear.gather [hbm4b:s1+s2], $0x80, $0x38;
	[tilespmem:$0x1CD80] =	vst v63  }
0x7d: {  	s1 =	sand.u32 $0x1FFFFFF0, s14  }
0x7e: {  	s15 =	simm.s32 $0x4180;
	s1 =	sadd.s32 s4, s1;
	s16 =	spop (v2sf);
	(v2sf) =	vpush v0, $0xD  }
0x7f: {  	[tilespmem:s15], [sflag:$0x1] =	stream.linear.gather [hbm4b:s1+s2], $0x80, $0x38;
	[tilespmem:$0x1CD80] =	vst v63  }
0x80: {  	s18 =	spop (v2sf);
	(v2sf) =	vpush v0, $0xE  }
0x81: {  	s1 =	sand.u32 $0x1FFFFFF0, s16  }
0x82: {  	s17 =	simm.s32 $0x4200;
	s1 =	sadd.s32 s4, s1;
	s20 =	spop (v2sf)  }
0x83: {  	(v2sf) =	vpush v0, $0xF;
	[tilespmem:s17], [sflag:$0x1] =	stream.linear.gather [hbm4b:s1+s2], $0x80, $0x38;
	[tilespmem:$0x1CD80] =	vst v63  }
0x84: {  	s1 =	sand.u32 $0x1FFFFFF0, s18  }
0x85: {  	s19 =	simm.s32 $0x4280;
	s1 =	sadd.s32 s4, s1  }
0x86: {  	[tilespmem:s19], [sflag:$0x1] =	stream.linear.gather [hbm4b:s1+s2], $0x80, $0x38;
	[tilespmem:$0x1CD80] =	vst v63  }
0x87: {  	s1 =	sand.u32 $0x1FFFFFF0, s20  }
0x88: {  	s21 =	simm.s32 $0x4300;
	s22 =	spop (v2sf);
	s1 =	sadd.s32 s4, s1  }
0x89: {  	[tilespmem:s21], [sflag:$0x1] =	stream.linear.gather [hbm4b:s1+s2], $0x80, $0x38;
	[tilespmem:$0x1CD80] =	vst v63  }
0x8a: {  	s1 =	sand.u32 $0x1FFFFFF0, s22  }
0x8b: {  	s24 =	simm.s32 $0x4380;
	s1 =	sadd.s32 s4, s1  }
0x8c: {  	[tilespmem:s24], [sflag:$0x1] =	stream.linear.gather [hbm4b:s1+s2], $0x80, $0x38;
	[tilespmem:$0x1CD80] =	vst v63  }
0x8d: {  	s25 =	spop (v2sf)  }
0x8e: {  	s1 =	sand.u32 $0x1FFFFFF0, s25  }
0x8f: {  	s26 =	simm.s32 $0x4400;
	s28 =	spop (v2sf);
	s1 =	sadd.s32 s4, s1  }
0x90: {  	[tilespmem:s26], [sflag:$0x1] =	stream.linear.gather [hbm4b:s1+s2], $0x80, $0x38;
	[tilespmem:$0x1CD80] =	vst v63  }
0x91: {  	s1 =	sand.u32 $0x1FFFFFF0, s28  }
0x92: {  	s29 =	simm.s32 $0x4480;
	s30 =	spop (v2sf);
	s1 =	sadd.s32 s4, s1  }
0x93: {  	[tilespmem:s29], [sflag:$0x1] =	stream.linear.gather [hbm4b:s1+s2], $0x80, $0x38;
	[tilespmem:$0x1CD80] =	vst v63  }
0x94: {  	s1 =	sand.u32 $0x1FFFFFF0, s30  }
0x95: {  	s31 =	simm.s32 $0x4500;
	s1 =	sadd.s32 s4, s1  }
0x96: {  	[tilespmem:s31], [sflag:$0x1] =	stream.linear.gather [hbm4b:s1+s2], $0x80, $0x38;
	[tilespmem:$0x1CD80] =	vst v63  }
0x97: {  	v0 =	vld [tilespmem:s0+$0x0];
	_ =	sdelay $0x4  }
0x98: {  	v0 =	vshll.u32 v0, $0x4  }
0x99: {  	(v2sf) =	vpush v0, $0x0  }
0x9a: {  	(v2sf) =	vpush v0, $0x1  }
0x9b: {  	(v2sf) =	vpush v0, $0x2;
	_ =	sdelay $0x1  }
0x9c: {  	(v2sf) =	vpush v0, $0x4;
	_ =	sdelay $0x1  }
0x9d: {  	(v2sf) =	vpush v0, $0x3  }
0x9e: {  	(v2sf) =	vpush v0, $0x5  }
0x9f: {  	s5 =	simm.s32 $0x2000;
	s1 =	simm.s32 $0x0;
	(v2sf) =	vpush v0, $0x6  }
.LBB2_2:
0xa0: {  	p0 =	sne.s32 s5, $0x26000  }
0xa1: {  	s15 =	sadd.s32 $0x4E00, s1;
	s9 =	sadd.s32 $0x5300, s1;
	s6 =	smov.u32 s5  }
0xa2: {  	s5 =	sadd.s32 $0x2000, s5;
	s12 =	sadd.s32 $0x5100, s1;
	s7 =	sadd.s32 $0x5380, s1;
	(v2sf) =	vpush v0, $0x7  }
0xa3: {  	s14 =	sadd.s32 $0x5000, s1;
	s10 =	sadd.s32 $0x5180, s1;
	s8 =	sadd.s32 $0x5400, s1  }
0xa4: {  	s16 =	sadd.s32 $0x4D80, s1;
	s17 =	sadd.s32 $0x4F80, s1;
	(v2sf) =	vpush v0, $0x8  }
0xa5: {  	s24 =	sadd.s32 $0x5080, s1;
	s0 =	sadd.s32 $0x10, s0  }
0xa6: {  	s25 =	sadd.s32 $0x4E80, s1;
	s11 =	sadd.s32 $0x5280, s1;
	s13 =	spop (v2sf);
	(v2sf) =	vpush v0, $0x9  }
0xa7: {  	s26 =	sand.u32 $0x1FFFFFF0, s13;
	s13 =	sadd.s32 $0x5200, s1;
	s28 =	spop (v2sf)  }
0xa8: {  	s26 =	sadd.s32 s4, s26;
	s28 =	sand.u32 $0x1FFFFFF0, s28;
	s29 =	spop (v2sf);
	(v2sf) =	vpush v0, $0xA  }
0xa9: {  	[tilespmem:s16], [sflag:$0x1] =	stream.linear.gather [hbm4b:s26+s23], $0x80, $0x38;
	[tilespmem:$0x1CD80] =	vst v63  }
0xaa: {  	s16 =	sadd.s32 s4, s28;
	s26 =	sadd.s32 $0x4F00, s1;
	s28 =	spop (v2sf);
	(v2sf) =	vpush v0, $0xB  }
0xab: {  	[tilespmem:s15], [sflag:$0x1] =	stream.linear.gather [hbm4b:s16+s23], $0x80, $0x38;
	[tilespmem:$0x1CD80] =	vst v63  }
0xac: {  	s15 =	sand.u32 $0x1FFFFFF0, s29;
	s16 =	sand.u32 $0x1FFFFFF0, s28;
	s28 =	spop (v2sf);
	(v2sf) =	vpush v0, $0xC  }
0xad: {  	s15 =	sadd.s32 s4, s15;
	s28 =	sand.u32 $0x1FFFFFF0, s28;
	s29 =	spop (v2sf)  }
0xae: {  	[tilespmem:s25], [sflag:$0x1] =	stream.linear.gather [hbm4b:s15+s23], $0x80, $0x38;
	(v2sf) =	vpush v0, $0xD;
	[tilespmem:$0x1CD80] =	vst v63  }
0xaf: {  	s15 =	sadd.s32 s4, s28;
	s25 =	sand.u32 $0x1FFFFFF0, s29;
	s28 =	spop (v2sf)  }
0xb0: {  	[tilespmem:s26], [sflag:$0x1] =	stream.linear.gather [hbm4b:s15+s23], $0x80, $0x38;
	(v2sf) =	vpush v0, $0xE;
	[tilespmem:$0x1CD80] =	vst v63  }
0xb1: {  	s15 =	sadd.s32 s4, s16;
	s16 =	sand.u32 $0x1FFFFFF0, s28;
	s26 =	spop (v2sf)  }
0xb2: {  	[tilespmem:s17], [sflag:$0x1] =	stream.linear.gather [hbm4b:s15+s23], $0x80, $0x38;
	(v2sf) =	vpush v0, $0xF;
	[tilespmem:$0x1CD80] =	vst v63  }
0xb3: {  	s15 =	sadd.s32 s4, s25;
	s17 =	sand.u32 $0x1FFFFFF0, s26;
	s25 =	spop (v2sf)  }
0xb4: {  	[tilespmem:s14], [sflag:$0x1] =	stream.linear.gather [hbm4b:s15+s23], $0x80, $0x38;
	[tilespmem:$0x1CD80] =	vst v63  }
0xb5: {  	s14 =	sadd.s32 s4, s16;
	s15 =	sand.u32 $0x1FFFFFF0, s25;
	s16 =	spop (v2sf)  }
0xb6: {  	[tilespmem:s24], [sflag:$0x1] =	stream.linear.gather [hbm4b:s14+s23], $0x80, $0x38;
	[tilespmem:$0x1CD80] =	vst v63  }
0xb7: {  	s14 =	sadd.s32 s4, s17;
	s16 =	sand.u32 $0x1FFFFFF0, s16;
	s17 =	spop (v2sf)  }
0xb8: {  	[tilespmem:s12], [sflag:$0x1] =	stream.linear.gather [hbm4b:s14+s23], $0x80, $0x38;
	[tilespmem:$0x1CD80] =	vst v63  }
0xb9: {  	s12 =	sadd.s32 s4, s15;
	s14 =	sand.u32 $0x1FFFFFF0, s17;
	s15 =	spop (v2sf)  }
0xba: {  	[tilespmem:s10], [sflag:$0x1] =	stream.linear.gather [hbm4b:s12+s23], $0x80, $0x38;
	[tilespmem:$0x1CD80] =	vst v63  }
0xbb: {  	s10 =	sadd.s32 s4, s16;
	s12 =	sand.u32 $0x1FFFFFF0, s15;
	s15 =	spop (v2sf)  }
0xbc: {  	[tilespmem:s13], [sflag:$0x1] =	stream.linear.gather [hbm4b:s10+s23], $0x80, $0x38;
	[tilespmem:$0x1CD80] =	vst v63  }
0xbd: {  	s10 =	sadd.s32 s4, s14;
	s13 =	sand.u32 $0x1FFFFFF0, s15;
	s14 =	spop (v2sf)  }
0xbe: {  	[tilespmem:s11], [sflag:$0x1] =	stream.linear.gather [hbm4b:s10+s23], $0x80, $0x38;
	[tilespmem:$0x1CD80] =	vst v63  }
0xbf: {  	s10 =	sadd.s32 s4, s12;
	s11 =	sand.u32 $0x1FFFFFF0, s14;
	s12 =	spop (v2sf)  }
0xc0: {  	[tilespmem:s9], [sflag:$0x1] =	stream.linear.gather [hbm4b:s10+s23], $0x80, $0x38;
	[tilespmem:$0x1CD80] =	vst v63  }
0xc1: {  	s9 =	sadd.s32 s4, s13;
	s10 =	sand.u32 $0x1FFFFFF0, s12;
	s12 =	spop (v2sf)  }
0xc2: {  	[tilespmem:s7], [sflag:$0x1] =	stream.linear.gather [hbm4b:s9+s23], $0x80, $0x38;
	[tilespmem:$0x1CD80] =	vst v63  }
0xc3: {  	s7 =	sadd.s32 s4, s11;
	s9 =	sand.u32 $0x1FFFFFF0, s12  }
0xc4: {  	[tilespmem:s8], [sflag:$0x1] =	stream.linear.gather [hbm4b:s7+s23], $0x80, $0x38;
	[tilespmem:$0x1CD80] =	vst v63  }
0xc5: {  	s7 =	sadd.s32 $0x5480, s1;
	s8 =	sadd.s32 s4, s10  }
0xc6: {  	[tilespmem:s7], [sflag:$0x1] =	stream.linear.gather [hbm4b:s8+s23], $0x80, $0x38;
	[tilespmem:$0x1CD80] =	vst v63  }
0xc7: {  	s1 =	sadd.s32 $0x5500, s1;
	s7 =	sadd.s32 s4, s9  }
0xc8: {  	[tilespmem:s1], [sflag:$0x1] =	stream.linear.gather [hbm4b:s7+s23], $0x80, $0x38;
	[tilespmem:$0x1CD80] =	vst v63  }
0xc9: {  	v0 =	vld [tilespmem:s0+$0x0];
	_ =	sdelay $0x4  }
0xca: {  	v0 =	vshll.u32 v0, $0x4  }
0xcb: {  	(v2sf) =	vpush v0, $0x0  }
0xcc: {  	(v2sf) =	vpush v0, $0x1  }
0xcd: {  	(v2sf) =	vpush v0, $0x2;
	_ =	sdelay $0x1  }
0xce: {  	(v2sf) =	vpush v0, $0x4  }
.Ltmp0:
0xcf: {  	(pc) =	sbr.rel @p0 .LBB2_2-.Ltmp0, $3  }
0xd0: {  	(v2sf) =	vpush v0, $0x3  }
0xd1: {  	(v2sf) =	vpush v0, $0x5;
	_ =	sdelay $0x1  }
0xd2: {  	s1 =	sshra.s32 s6, $0x2;
	(v2sf) =	vpush v0, $0x6  }
0xd3: {  	_ = 	snop  }
0xd4: {  	s7 =	sadd.s32 $0x4E00, s1;
	s6 =	sadd.s32 $0x5300, s1  }
0xd5: {  	s8 =	sadd.s32 $0x5100, s1;
	s0 =	sadd.s32 $0x5380, s1;
	s9 =	sadd.s32 $0x5000, s1  }
0xd6: {  	(v2sf) =	vpush v0, $0x7;
	s10 =	sadd.s32 $0x5180, s1;
	s5 =	sadd.s32 $0x5400, s1;
	s11 =	sadd.s32 $0x4D80, s1  }
0xd7: {  	s12 =	sadd.s32 $0x4F80, s1;
	s13 =	sadd.s32 $0x5080, s1;
	s15 =	sadd.s32 $0x4E80, s1  }
0xd8: {  	s24 =	sadd.s32 $0x4F00, s1;
	s28 =	simm.s32 $0x280;
	(v2sf) =	vpush v0, $0x8;
	s14 =	spop (v2sf)  }
0xd9: {  	s29 =	simm.s32 $0x18E80;
	s14 =	sand.u32 $0x1FFFFFF0, s14;
	s16 =	spop (v2sf)  }
0xda: {  	(v2sf) =	vpush v0, $0x9;
	s14 =	sadd.s32 s4, s14;
	s16 =	sand.u32 $0x1FFFFFF0, s16;
	s17 =	spop (v2sf)  }
0xdb: {  	[tilespmem:s11], [sflag:$0x1] =	stream.linear.gather [hbm4b:s14+s23], $0x80, $0x38;
	[tilespmem:$0x1CD80] =	vst v63  }
0xdc: {  	s30 =	simm.s32 $0x1AE80;
	(v2sf) =	vpush v0, $0xA;
	s19 =	sadd.s32 s4, s16;
	s20 =	spop (v2sf)  }
0xdd: {  	[tilespmem:s7], [sflag:$0x1] =	stream.linear.gather [hbm4b:s19+s23], $0x80, $0x38;
	[tilespmem:$0x1CD80] =	vst v63  }
0xde: {  	s11 =	sadd.s32 $0x5280, s1;
	s21 =	sand.u32 $0x1FFFFFF0, s17;
	(v2sf) =	vpush v0, $0xB;
	s22 =	spop (v2sf)  }
0xdf: {  	s14 =	sadd.s32 s4, s21;
	s7 =	sadd.s32 $0x5200, s1;
	s17 =	sand.u32 $0x1FFFFFF0, s22  }
0xe0: {  	(v2sf) =	vpush v0, $0xC;
	[tilespmem:s15], [sflag:$0x1] =	stream.linear.gather [hbm4b:s14+s23], $0x80, $0x38;
	[tilespmem:$0x1CD80] =	vst v63  }
0xe1: {  	s25 =	sand.u32 $0x1FFFFFF0, s20;
	s26 =	spop (v2sf);
	s17 =	sadd.s32 s4, s17  }
0xe2: {  	(v2sf) =	vpush v0, $0xD;
	[tilespmem:s24], [sflag:$0x1] =	stream.linear.gather [hbm4b:s17+s23], $0x80, $0x38;
	[tilespmem:$0x1CD80] =	vst v63  }
0xe3: {  	s14 =	sadd.s32 s4, s25;
	s15 =	sand.u32 $0x1FFFFFF0, s26;
	s18 =	spop (v2sf)  }
0xe4: {  	(v2sf) =	vpush v0, $0xE;
	[tilespmem:s12], [sflag:$0x1] =	stream.linear.gather [hbm4b:s14+s23], $0x80, $0x38;
	[tilespmem:$0x1CD80] =	vst v63  }
0xe5: {  	s15 =	sadd.s32 s4, s15;
	s19 =	sand.u32 $0x1FFFFFF0, s18;
	s20 =	spop (v2sf)  }
0xe6: {  	(v2sf) =	vpush v0, $0xF;
	[tilespmem:s9], [sflag:$0x1] =	stream.linear.gather [hbm4b:s15+s23], $0x80, $0x38;
	[tilespmem:$0x1CD80] =	vst v63  }
0xe7: {  	s21 =	sand.u32 $0x1FFFFFF0, s20;
	s22 =	spop (v2sf);
	s12 =	sadd.s32 s4, s19  }
0xe8: {  	[tilespmem:s13], [sflag:$0x1] =	stream.linear.gather [hbm4b:s12+s23], $0x80, $0x38;
	[tilespmem:$0x1CD80] =	vst v63  }
0xe9: {  	s24 =	sand.u32 $0x1FFFFFF0, s22;
	s9 =	sadd.s32 s4, s21;
	s25 =	spop (v2sf)  }
0xea: {  	[tilespmem:s8], [sflag:$0x1] =	stream.linear.gather [hbm4b:s9+s23], $0x80, $0x38;
	[tilespmem:$0x1CD80] =	vst v63  }
0xeb: {  	s12 =	sadd.s32 s4, s24;
	s26 =	sand.u32 $0x1FFFFFF0, s25;
	s13 =	spop (v2sf)  }
0xec: {  	[tilespmem:s10], [sflag:$0x1] =	stream.linear.gather [hbm4b:s12+s23], $0x80, $0x38;
	[tilespmem:$0x1CD80] =	vst v63  }
0xed: {  	s9 =	sand.u32 $0x1FFFFFF0, s13;
	s8 =	sadd.s32 s4, s26;
	s14 =	spop (v2sf)  }
0xee: {  	[tilespmem:s7], [sflag:$0x1] =	stream.linear.gather [hbm4b:s8+s23], $0x80, $0x38;
	[tilespmem:$0x1CD80] =	vst v63  }
0xef: {  	s9 =	sadd.s32 s4, s9;
	s15 =	sand.u32 $0x1FFFFFF0, s14;
	s16 =	spop (v2sf)  }
0xf0: {  	[tilespmem:s11], [sflag:$0x1] =	stream.linear.gather [hbm4b:s9+s23], $0x80, $0x38;
	[tilespmem:$0x1CD80] =	vst v63  }
0xf1: {  	s7 =	sadd.s32 s4, s15;
	s8 =	sand.u32 $0x1FFFFFF0, s16;
	s17 =	spop (v2sf)  }
0xf2: {  	[tilespmem:s6], [sflag:$0x1] =	stream.linear.gather [hbm4b:s7+s23], $0x80, $0x38;
	[tilespmem:$0x1CD80] =	vst v63  }
0xf3: {  	s18 =	sand.u32 $0x1FFFFFF0, s17;
	s8 =	sadd.s32 s4, s8;
	s19 =	spop (v2sf)  }
0xf4: {  	[tilespmem:s0], [sflag:$0x1] =	stream.linear.gather [hbm4b:s8+s23], $0x80, $0x38;
	[tilespmem:$0x1CD80] =	vst v63  }
0xf5: {  	s20 =	sand.u32 $0x1FFFFFF0, s19;
	s21 =	spop (v2sf);
	s6 =	sadd.s32 s4, s18  }
0xf6: {  	[tilespmem:s5], [sflag:$0x1] =	stream.linear.gather [hbm4b:s6+s23], $0x80, $0x38;
	[tilespmem:$0x1CD80] =	vst v63  }
0xf7: {  	s24 =	sadd.s32 $0x5480, s1;
	s22 =	sand.u32 $0x1FFFFFF0, s21;
	s0 =	sadd.s32 s4, s20  }
0xf8: {  	[tilespmem:s24], [sflag:$0x1] =	stream.linear.gather [hbm4b:s0+s23], $0x80, $0x38;
	[tilespmem:$0x1CD80] =	vst v63  }
0xf9: {  	s31 =	simm.s32 $0x0;
	s25 =	sadd.s32 $0x5500, s1;
	s26 =	sadd.s32 s4, s22  }
0xfa: {  	[tilespmem:s25], [sflag:$0x1] =	stream.linear.gather [hbm4b:s26+s23], $0x80, $0x38;
	[tilespmem:$0x1CD80] =	vst v63  }
0xfb: {  	s24 =	simm.s32 $0x640;
	s25 =	simm.s32 $0x18D80;
	s26 =	simm.s32 $0x1AD80  }
.LBB2_4:
0xfc: {  	s0 =	sshll.u32 s31, $0x5  }
0xfd: {  	v0 =	vld [tilespmem:s0+$0x10];
	_ =	sdelay $0x4  }
0xfe: {  	v0 =	vshll.u32 v0, $0x4  }
0xff: {  	(v2sf) =	vpush v0, $0x0;
	_ =	sdelay $0x6  }
0x100: {  	(v2sf) =	vpush v0, $0x1;
	_ =	sdelay $0x2  }
0x101: {  	(v2sf) =	vpush v0, $0x2;
	_ =	sdelay $0x2  }
0x102: {  	(v2sf) =	vpush v0, $0x3;
	_ =	sdelay $0x1  }
0x103: {  	s1 =	spop (v2sf);
	(v2sf) =	vpush v0, $0x4;
	_ =	sdelay $0x1  }
0x104: {  	(v2sf) =	vpush v0, $0x5;
	_ =	sdelay $0x1  }
0x105: {  	(v2sf) =	vpush v0, $0x6;
	_ =	sdelay $0x1  }
0x106: {  	s1 =	sand.u32 $0x1FFFFFF0, s1  }
0x107: {  	s5 =	simm.s32 $0x3580;
	s15 =	spop (v2sf);
	s1 =	sadd.s32 s3, s1;
	(v2sf) =	vpush v0, $0x7  }
0x108: {  	[tilespmem:s5], [sflag:$0x2] =	stream.linear.gather [hbm4b:s1+s23], $0x80, $0x38;
	[tilespmem:$0x1CD80] =	vst v63  }
0x109: {  	s1 =	sand.u32 $0x1FFFFFF0, s15  }
0x10a: {  	s16 =	simm.s32 $0x3600;
	s17 =	spop (v2sf);
	s1 =	sadd.s32 s3, s1  }
0x10b: {  	[tilespmem:s16], [sflag:$0x2] =	stream.linear.gather [hbm4b:s1+s23], $0x80, $0x38;
	[tilespmem:$0x1CD80] =	vst v63  }
0x10c: {  	s1 =	sand.u32 $0x1FFFFFF0, s17  }
0x10d: {  	s18 =	simm.s32 $0x3680;
	s19 =	spop (v2sf);
	s1 =	sadd.s32 s3, s1  }
0x10e: {  	[tilespmem:s18], [sflag:$0x2] =	stream.linear.gather [hbm4b:s1+s23], $0x80, $0x38;
	[tilespmem:$0x1CD80] =	vst v63  }
0x10f: {  	s21 =	spop (v2sf);
	(v2sf) =	vpush v0, $0x8  }
0x110: {  	s1 =	sand.u32 $0x1FFFFFF0, s19  }
0x111: {  	s20 =	simm.s32 $0x3700;
	s1 =	sadd.s32 s3, s1;
	s5 =	spop (v2sf);
	(v2sf) =	vpush v0, $0x9  }
0x112: {  	[tilespmem:s20], [sflag:$0x2] =	stream.linear.gather [hbm4b:s1+s23], $0x80, $0x38;
	[tilespmem:$0x1CD80] =	vst v63  }
0x113: {  	s1 =	sand.u32 $0x1FFFFFF0, s21;
	s7 =	spop (v2sf);
	(v2sf) =	vpush v0, $0xA  }
0x114: {  	s22 =	simm.s32 $0x3780;
	s1 =	sadd.s32 s3, s1  }
0x115: {  	[tilespmem:s22], [sflag:$0x2] =	stream.linear.gather [hbm4b:s1+s23], $0x80, $0x38;
	[tilespmem:$0x1CD80] =	vst v63  }
0x116: {  	s9 =	spop (v2sf);
	(v2sf) =	vpush v0, $0xB  }
0x117: {  	s1 =	sand.u32 $0x1FFFFFF0, s5  }
0x118: {  	s6 =	simm.s32 $0x3800;
	s1 =	sadd.s32 s3, s1  }
0x119: {  	[tilespmem:s6], [sflag:$0x2] =	stream.linear.gather [hbm4b:s1+s23], $0x80, $0x38;
	[tilespmem:$0x1CD80] =	vst v63  }
0x11a: {  	s1 =	sand.u32 $0x1FFFFFF0, s7  }
0x11b: {  	s8 =	simm.s32 $0x3880;
	s1 =	sadd.s32 s3, s1  }
0x11c: {  	[tilespmem:s8], [sflag:$0x2] =	stream.linear.gather [hbm4b:s1+s23], $0x80, $0x38;
	[tilespmem:$0x1CD80] =	vst v63  }
0x11d: {  	s1 =	sand.u32 $0x1FFFFFF0, s9  }
0x11e: {  	s10 =	simm.s32 $0x3900;
	s1 =	sadd.s32 s3, s1;
	s11 =	spop (v2sf);
	(v2sf) =	vpush v0, $0xC  }
0x11f: {  	[tilespmem:s10], [sflag:$0x2] =	stream.linear.gather [hbm4b:s1+s23], $0x80, $0x38;
	[tilespmem:$0x1CD80] =	vst v63  }
0x120: {  	s13 =	spop (v2sf);
	(v2sf) =	vpush v0, $0xD  }
0x121: {  	s1 =	sand.u32 $0x1FFFFFF0, s11  }
0x122: {  	s12 =	simm.s32 $0x3980;
	s1 =	sadd.s32 s3, s1;
	s15 =	spop (v2sf)  }
0x123: {  	(v2sf) =	vpush v0, $0xE;
	[tilespmem:s12], [sflag:$0x2] =	stream.linear.gather [hbm4b:s1+s23], $0x80, $0x38;
	[tilespmem:$0x1CD80] =	vst v63  }
0x124: {  	s1 =	sand.u32 $0x1FFFFFF0, s13  }
0x125: {  	s14 =	simm.s32 $0x3A00;
	s17 =	spop (v2sf);
	s1 =	sadd.s32 s3, s1  }
0x126: {  	(v2sf) =	vpush v0, $0xF;
	[tilespmem:s14], [sflag:$0x2] =	stream.linear.gather [hbm4b:s1+s23], $0x80, $0x38;
	[tilespmem:$0x1CD80] =	vst v63  }
0x127: {  	s1 =	sand.u32 $0x1FFFFFF0, s15  }
0x128: {  	s16 =	simm.s32 $0x3A80;
	s1 =	sadd.s32 s3, s1  }
0x129: {  	[tilespmem:s16], [sflag:$0x2] =	stream.linear.gather [hbm4b:s1+s23], $0x80, $0x38;
	[tilespmem:$0x1CD80] =	vst v63  }
0x12a: {  	s1 =	sand.u32 $0x1FFFFFF0, s17  }
0x12b: {  	s18 =	simm.s32 $0x3B00;
	s1 =	sadd.s32 s3, s1  }
0x12c: {  	[tilespmem:s18], [sflag:$0x2] =	stream.linear.gather [hbm4b:s1+s23], $0x80, $0x38;
	[tilespmem:$0x1CD80] =	vst v63  }
0x12d: {  	s19 =	spop (v2sf)  }
0x12e: {  	s1 =	sand.u32 $0x1FFFFFF0, s19  }
0x12f: {  	s20 =	simm.s32 $0x3B80;
	s21 =	spop (v2sf);
	s1 =	sadd.s32 s3, s1  }
0x130: {  	[tilespmem:s20], [sflag:$0x2] =	stream.linear.gather [hbm4b:s1+s23], $0x80, $0x38;
	[tilespmem:$0x1CD80] =	vst v63  }
0x131: {  	s1 =	sand.u32 $0x1FFFFFF0, s21  }
0x132: {  	s22 =	simm.s32 $0x3C00;
	s5 =	spop (v2sf);
	s1 =	sadd.s32 s3, s1  }
0x133: {  	[tilespmem:s22], [sflag:$0x2] =	stream.linear.gather [hbm4b:s1+s23], $0x80, $0x38;
	[tilespmem:$0x1CD80] =	vst v63  }
0x134: {  	s1 =	sand.u32 $0x1FFFFFF0, s5  }
0x135: {  	s6 =	simm.s32 $0x3C80;
	s7 =	spop (v2sf);
	s1 =	sadd.s32 s3, s1  }
0x136: {  	[tilespmem:s6], [sflag:$0x2] =	stream.linear.gather [hbm4b:s1+s23], $0x80, $0x38;
	[tilespmem:$0x1CD80] =	vst v63  }
0x137: {  	s1 =	sand.u32 $0x1FFFFFF0, s7  }
0x138: {  	s8 =	simm.s32 $0x3D00;
	s1 =	sadd.s32 s3, s1  }
0x139: {  	[tilespmem:s8], [sflag:$0x2] =	stream.linear.gather [hbm4b:s1+s23], $0x80, $0x38;
	[tilespmem:$0x1CD80] =	vst v63  }
0x13a: {  	v0 =	vld [tilespmem:s0+$0x290];
	_ =	sdelay $0x4  }
0x13b: {  	v0 =	vshll.u32 v0, $0x4  }
0x13c: {  	(v2sf) =	vpush v0, $0x0  }
0x13d: {  	(v2sf) =	vpush v0, $0x1;
	_ =	sdelay $0x1  }
0x13e: {  	(v2sf) =	vpush v0, $0x2;
	_ =	sdelay $0x1  }
0x13f: {  	(v2sf) =	vpush v0, $0x3;
	_ =	sdelay $0x4  }
0x140: {  	(v2sf) =	vpush v0, $0x4;
	_ =	sdelay $0x4  }
0x141: {  	s9 =	spop (v2sf)  }
0x142: {  	s11 =	spop (v2sf);
	(v2sf) =	vpush v0, $0x5;
	_ =	sdelay $0x1  }
0x143: {  	s13 =	spop (v2sf);
	(v2sf) =	vpush v0, $0x6  }
0x144: {  	s0 =	sand.u32 $0x1FFFFFF0, s9  }
0x145: {  	s10 =	simm.s32 $0x4580;
	s0 =	sadd.s32 s4, s0;
	s15 =	spop (v2sf);
	(v2sf) =	vpush v0, $0x7  }
0x146: {  	[tilespmem:s10], [sflag:$0x2] =	stream.linear.gather [hbm4b:s0+s23], $0x80, $0x38;
	[tilespmem:$0x1CD80] =	vst v63  }
0x147: {  	s0 =	sand.u32 $0x1FFFFFF0, s11  }
0x148: {  	s12 =	simm.s32 $0x4600;
	s0 =	sadd.s32 s4, s0  }
0x149: {  	[tilespmem:s12], [sflag:$0x2] =	stream.linear.gather [hbm4b:s0+s23], $0x80, $0x38;
	[tilespmem:$0x1CD80] =	vst v63  }
0x14a: {  	s17 =	spop (v2sf);
	(v2sf) =	vpush v0, $0x8;
	s0 =	sand.u32 $0x1FFFFFF0, s13  }
0x14b: {  	s14 =	simm.s32 $0x4680;
	s0 =	sadd.s32 s4, s0  }
0x14c: {  	[tilespmem:s14], [sflag:$0x2] =	stream.linear.gather [hbm4b:s0+s23], $0x80, $0x38;
	[tilespmem:$0x1CD80] =	vst v63  }
0x14d: {  	s0 =	sand.u32 $0x1FFFFFF0, s15  }
0x14e: {  	s16 =	simm.s32 $0x4700;
	s0 =	sadd.s32 s4, s0  }
0x14f: {  	[tilespmem:s16], [sflag:$0x2] =	stream.linear.gather [hbm4b:s0+s23], $0x80, $0x38;
	[tilespmem:$0x1CD80] =	vst v63  }
0x150: {  	s19 =	spop (v2sf);
	(v2sf) =	vpush v0, $0x9  }
0x151: {  	s0 =	sand.u32 $0x1FFFFFF0, s17  }
0x152: {  	s18 =	simm.s32 $0x4780;
	s0 =	sadd.s32 s4, s0;
	s21 =	spop (v2sf);
	(v2sf) =	vpush v0, $0xA  }
0x153: {  	[tilespmem:s18], [sflag:$0x2] =	stream.linear.gather [hbm4b:s0+s23], $0x80, $0x38;
	[tilespmem:$0x1CD80] =	vst v63  }
0x154: {  	s1 =	spop (v2sf);
	(v2sf) =	vpush v0, $0xB  }
0x155: {  	s0 =	sand.u32 $0x1FFFFFF0, s19  }
0x156: {  	s20 =	simm.s32 $0x4800;
	s0 =	sadd.s32 s4, s0  }
0x157: {  	[tilespmem:s20], [sflag:$0x2] =	stream.linear.gather [hbm4b:s0+s23], $0x80, $0x38;
	[tilespmem:$0x1CD80] =	vst v63  }
0x158: {  	s0 =	sand.u32 $0x1FFFFFF0, s21  }
0x159: {  	s22 =	simm.s32 $0x4880;
	s6 =	spop (v2sf);
	s0 =	sadd.s32 s4, s0  }
0x15a: {  	(v2sf) =	vpush v0, $0xC;
	[tilespmem:s22], [sflag:$0x2] =	stream.linear.gather [hbm4b:s0+s23], $0x80, $0x38;
	[tilespmem:$0x1CD80] =	vst v63  }
0x15b: {  	s0 =	sand.u32 $0x1FFFFFF0, s1  }
0x15c: {  	s5 =	simm.s32 $0x4900;
	s0 =	sadd.s32 s4, s0  }
0x15d: {  	[tilespmem:s5], [sflag:$0x2] =	stream.linear.gather [hbm4b:s0+s23], $0x80, $0x38;
	[tilespmem:$0x1CD80] =	vst v63  }
0x15e: {  	s0 =	sand.u32 $0x1FFFFFF0, s6  }
0x15f: {  	s7 =	simm.s32 $0x4980;
	s0 =	sadd.s32 s4, s0;
	s8 =	spop (v2sf);
	(v2sf) =	vpush v0, $0xD  }
0x160: {  	[tilespmem:s7], [sflag:$0x2] =	stream.linear.gather [hbm4b:s0+s23], $0x80, $0x38;
	[tilespmem:$0x1CD80] =	vst v63  }
0x161: {  	s10 =	spop (v2sf);
	(v2sf) =	vpush v0, $0xE  }
0x162: {  	s0 =	sand.u32 $0x1FFFFFF0, s8  }
0x163: {  	s9 =	simm.s32 $0x4A00;
	s0 =	sadd.s32 s4, s0;
	s12 =	spop (v2sf)  }
0x164: {  	(v2sf) =	vpush v0, $0xF;
	[tilespmem:s9], [sflag:$0x2] =	stream.linear.gather [hbm4b:s0+s23], $0x80, $0x38;
	[tilespmem:$0x1CD80] =	vst v63  }
0x165: {  	s0 =	sand.u32 $0x1FFFFFF0, s10  }
0x166: {  	s11 =	simm.s32 $0x4A80;
	s0 =	sadd.s32 s4, s0  }
0x167: {  	[tilespmem:s11], [sflag:$0x2] =	stream.linear.gather [hbm4b:s0+s23], $0x80, $0x38;
	[tilespmem:$0x1CD80] =	vst v63  }
0x168: {  	s0 =	sand.u32 $0x1FFFFFF0, s12  }
0x169: {  	s13 =	simm.s32 $0x4B00;
	s14 =	spop (v2sf);
	s0 =	sadd.s32 s4, s0  }
0x16a: {  	[tilespmem:s13], [sflag:$0x2] =	stream.linear.gather [hbm4b:s0+s23], $0x80, $0x38;
	[tilespmem:$0x1CD80] =	vst v63  }
0x16b: {  	s0 =	sand.u32 $0x1FFFFFF0, s14  }
0x16c: {  	s15 =	simm.s32 $0x4B80;
	s0 =	sadd.s32 s4, s0  }
0x16d: {  	[tilespmem:s15], [sflag:$0x2] =	stream.linear.gather [hbm4b:s0+s23], $0x80, $0x38;
	[tilespmem:$0x1CD80] =	vst v63  }
0x16e: {  	s16 =	spop (v2sf)  }
0x16f: {  	s0 =	sand.u32 $0x1FFFFFF0, s16  }
0x170: {  	s17 =	simm.s32 $0x4C00;
	s18 =	spop (v2sf);
	s0 =	sadd.s32 s4, s0  }
0x171: {  	[tilespmem:s17], [sflag:$0x2] =	stream.linear.gather [hbm4b:s0+s23], $0x80, $0x38;
	[tilespmem:$0x1CD80] =	vst v63  }
0x172: {  	s0 =	sand.u32 $0x1FFFFFF0, s18  }
0x173: {  	s19 =	simm.s32 $0x4C80;
	s20 =	spop (v2sf);
	s0 =	sadd.s32 s4, s0  }
0x174: {  	[tilespmem:s19], [sflag:$0x2] =	stream.linear.gather [hbm4b:s0+s23], $0x80, $0x38;
	[tilespmem:$0x1CD80] =	vst v63  }
0x175: {  	s0 =	sand.u32 $0x1FFFFFF0, s20  }
0x176: {  	s21 =	simm.s32 $0x4D00;
	s0 =	sadd.s32 s4, s0  }
0x177: {  	[tilespmem:s21], [sflag:$0x2] =	stream.linear.gather [hbm4b:s0+s23], $0x80, $0x38;
	[tilespmem:$0x1CD80] =	vst v63  }
0x178: {  	v0 =	vld [tilespmem:s24+$0x0];
	_ =	sdelay $0x4  }
0x179: {  	v0 =	vshll.u32 v0, $0x4  }
0x17a: {  	(v2sf) =	vpush v0, $0x0  }
0x17b: {  	(v2sf) =	vpush v0, $0x1  }
0x17c: {  	(v2sf) =	vpush v0, $0x2;
	_ =	sdelay $0x1  }
0x17d: {  	(v2sf) =	vpush v0, $0x4;
	_ =	sdelay $0x1  }
0x17e: {  	s22 =	sshll.u32 s31, $0x1;
	(v2sf) =	vpush v0, $0x3  }
0x17f: {  	[dreg:$0xf] =	wrdreg s22;
	(v2sf) =	vpush v0, $0x5  }
0x180: {  	s5 =	simm.s32 $0x2000;
	s6 =	smov.u32 s24;
	s0 =	simm.s32 $0x0;
	(v2sf) =	vpush v0, $0x6  }
.LBB2_5:
0x181: {  	p0 =	sne.s32 s5, $0x26000  }
0x182: {  	s16 =	sadd.s32 $0xEE00, s0;
	s10 =	sadd.s32 $0xF300, s0;
	s7 =	smov.u32 s5  }
0x183: {  	s5 =	sadd.s32 $0x2000, s5;
	s13 =	sadd.s32 $0xF100, s0;
	s8 =	sadd.s32 $0xF380, s0;
	(v2sf) =	vpush v0, $0x7  }
0x184: {  	s15 =	sadd.s32 $0xF000, s0;
	s12 =	sadd.s32 $0xF180, s0;
	s9 =	sadd.s32 $0xF400, s0  }
0x185: {  	s17 =	sadd.s32 $0xED80, s0;
	s18 =	sadd.s32 $0xEF80, s0;
	(v2sf) =	vpush v0, $0x8  }
0x186: {  	s19 =	sadd.s32 $0xF080, s0;
	s6 =	sadd.s32 $0x10, s6  }
0x187: {  	s20 =	sadd.s32 $0xEE80, s0;
	s11 =	sadd.s32 $0xF280, s0;
	s14 =	spop (v2sf);
	(v2sf) =	vpush v0, $0x9  }
0x188: {  	s1 =	sand.u32 $0x1FFFFFF0, s14;
	s14 =	sadd.s32 $0xF200, s0;
	s21 =	spop (v2sf)  }
0x189: {  	s1 =	sadd.s32 s4, s1;
	s21 =	sand.u32 $0x1FFFFFF0, s21;
	s22 =	spop (v2sf);
	(v2sf) =	vpush v0, $0xA  }
0x18a: {  	[tilespmem:s17], [sflag:$0x2] =	stream.linear.gather [hbm4b:s1+s2], $0x80, $0x38;
	[tilespmem:$0x1CD80] =	vst v63  }
0x18b: {  	s1 =	sadd.s32 s4, s21;
	s17 =	sadd.s32 $0xEF00, s0;
	s21 =	spop (v2sf);
	(v2sf) =	vpush v0, $0xB  }
0x18c: {  	[tilespmem:s16], [sflag:$0x2] =	stream.linear.gather [hbm4b:s1+s2], $0x80, $0x38;
	[tilespmem:$0x1CD80] =	vst v63  }
0x18d: {  	s1 =	sand.u32 $0x1FFFFFF0, s22;
	s16 =	sand.u32 $0x1FFFFFF0, s21;
	s21 =	spop (v2sf);
	(v2sf) =	vpush v0, $0xC  }
0x18e: {  	s1 =	sadd.s32 s4, s1;
	s21 =	sand.u32 $0x1FFFFFF0, s21;
	s22 =	spop (v2sf)  }
0x18f: {  	[tilespmem:s20], [sflag:$0x2] =	stream.linear.gather [hbm4b:s1+s2], $0x80, $0x38;
	(v2sf) =	vpush v0, $0xD;
	[tilespmem:$0x1CD80] =	vst v63  }
0x190: {  	s1 =	sadd.s32 s4, s21;
	s20 =	sand.u32 $0x1FFFFFF0, s22;
	s21 =	spop (v2sf)  }
0x191: {  	[tilespmem:s17], [sflag:$0x2] =	stream.linear.gather [hbm4b:s1+s2], $0x80, $0x38;
	(v2sf) =	vpush v0, $0xE;
	[tilespmem:$0x1CD80] =	vst v63  }
0x192: {  	s1 =	sadd.s32 s4, s16;
	s16 =	sand.u32 $0x1FFFFFF0, s21;
	s17 =	spop (v2sf)  }
0x193: {  	[tilespmem:s18], [sflag:$0x2] =	stream.linear.gather [hbm4b:s1+s2], $0x80, $0x38;
	(v2sf) =	vpush v0, $0xF;
	[tilespmem:$0x1CD80] =	vst v63  }
0x194: {  	s1 =	sadd.s32 s4, s20;
	s17 =	sand.u32 $0x1FFFFFF0, s17;
	s18 =	spop (v2sf)  }
0x195: {  	[tilespmem:s15], [sflag:$0x2] =	stream.linear.gather [hbm4b:s1+s2], $0x80, $0x38;
	[tilespmem:$0x1CD80] =	vst v63  }
0x196: {  	s1 =	sadd.s32 s4, s16;
	s15 =	sand.u32 $0x1FFFFFF0, s18;
	s16 =	spop (v2sf)  }
0x197: {  	[tilespmem:s19], [sflag:$0x2] =	stream.linear.gather [hbm4b:s1+s2], $0x80, $0x38;
	[tilespmem:$0x1CD80] =	vst v63  }
0x198: {  	s1 =	sadd.s32 s4, s17;
	s16 =	sand.u32 $0x1FFFFFF0, s16;
	s17 =	spop (v2sf)  }
0x199: {  	[tilespmem:s13], [sflag:$0x2] =	stream.linear.gather [hbm4b:s1+s2], $0x80, $0x38;
	[tilespmem:$0x1CD80] =	vst v63  }
0x19a: {  	s1 =	sadd.s32 s4, s15;
	s13 =	sand.u32 $0x1FFFFFF0, s17;
	s15 =	spop (v2sf)  }
0x19b: {  	[tilespmem:s12], [sflag:$0x2] =	stream.linear.gather [hbm4b:s1+s2], $0x80, $0x38;
	[tilespmem:$0x1CD80] =	vst v63  }
0x19c: {  	s1 =	sadd.s32 s4, s16;
	s12 =	sand.u32 $0x1FFFFFF0, s15;
	s15 =	spop (v2sf)  }
0x19d: {  	[tilespmem:s14], [sflag:$0x2] =	stream.linear.gather [hbm4b:s1+s2], $0x80, $0x38;
	[tilespmem:$0x1CD80] =	vst v63  }
0x19e: {  	s1 =	sadd.s32 s4, s13;
	s13 =	sand.u32 $0x1FFFFFF0, s15;
	s14 =	spop (v2sf)  }
0x19f: {  	[tilespmem:s11], [sflag:$0x2] =	stream.linear.gather [hbm4b:s1+s2], $0x80, $0x38;
	[tilespmem:$0x1CD80] =	vst v63  }
0x1a0: {  	s1 =	sadd.s32 s4, s12;
	s11 =	sand.u32 $0x1FFFFFF0, s14;
	s12 =	spop (v2sf)  }
0x1a1: {  	[tilespmem:s10], [sflag:$0x2] =	stream.linear.gather [hbm4b:s1+s2], $0x80, $0x38;
	[tilespmem:$0x1CD80] =	vst v63  }
0x1a2: {  	s1 =	sadd.s32 s4, s13;
	s10 =	sand.u32 $0x1FFFFFF0, s12;
	s12 =	spop (v2sf)  }
0x1a3: {  	[tilespmem:s8], [sflag:$0x2] =	stream.linear.gather [hbm4b:s1+s2], $0x80, $0x38;
	[tilespmem:$0x1CD80] =	vst v63  }
0x1a4: {  	s1 =	sadd.s32 s4, s11;
	s8 =	sand.u32 $0x1FFFFFF0, s12  }
0x1a5: {  	[tilespmem:s9], [sflag:$0x2] =	stream.linear.gather [hbm4b:s1+s2], $0x80, $0x38;
	[tilespmem:$0x1CD80] =	vst v63  }
0x1a6: {  	s1 =	sadd.s32 $0xF480, s0;
	s9 =	sadd.s32 s4, s10  }
0x1a7: {  	[tilespmem:s1], [sflag:$0x2] =	stream.linear.gather [hbm4b:s9+s2], $0x80, $0x38;
	[tilespmem:$0x1CD80] =	vst v63  }
0x1a8: {  	s0 =	sadd.s32 $0xF500, s0;
	s1 =	sadd.s32 s4, s8  }
0x1a9: {  	[tilespmem:s0], [sflag:$0x2] =	stream.linear.gather [hbm4b:s1+s2], $0x80, $0x38;
	[tilespmem:$0x1CD80] =	vst v63  }
0x1aa: {  	v0 =	vld [tilespmem:s6+$0x0];
	_ =	sdelay $0x4  }
0x1ab: {  	v0 =	vshll.u32 v0, $0x4  }
0x1ac: {  	(v2sf) =	vpush v0, $0x0  }
0x1ad: {  	(v2sf) =	vpush v0, $0x1  }
0x1ae: {  	(v2sf) =	vpush v0, $0x2;
	_ =	sdelay $0x1  }
0x1af: {  	(v2sf) =	vpush v0, $0x4  }
.Ltmp1:
0x1b0: {  	(pc) =	sbr.rel @p0 .LBB2_5-.Ltmp1, $3  }
0x1b1: {  	(v2sf) =	vpush v0, $0x3  }
0x1b2: {  	(v2sf) =	vpush v0, $0x5;
	_ =	sdelay $0x1  }
0x1b3: {  	s0 =	sshra.s32 s7, $0x2;
	(v2sf) =	vpush v0, $0x6  }
0x1b4: {  	_ =	sdelay $0x1  }
0x1b5: {  	s1 =	sadd.s32 $0xEE00, s0;
	s7 =	sadd.s32 $0xF300, s0  }
0x1b6: {  	s8 =	sadd.s32 $0xF100, s0;
	s5 =	sadd.s32 $0xF380, s0;
	(v2sf) =	vpush v0, $0x7;
	s9 =	sadd.s32 $0xF000, s0  }
0x1b7: {  	s10 =	sadd.s32 $0xF180, s0;
	s6 =	sadd.s32 $0xF400, s0;
	s11 =	sadd.s32 $0xED80, s0  }
0x1b8: {  	s12 =	sadd.s32 $0xEF80, s0;
	s13 =	sadd.s32 $0xF080, s0;
	(v2sf) =	vpush v0, $0x8;
	s14 =	spop (v2sf)  }
0x1b9: {  	s15 =	sadd.s32 $0xEE80, s0;
	s14 =	sand.u32 $0x1FFFFFF0, s14;
	s16 =	spop (v2sf)  }
0x1ba: {  	(v2sf) =	vpush v0, $0x9;
	s14 =	sadd.s32 s4, s14;
	s16 =	sand.u32 $0x1FFFFFF0, s16;
	s17 =	spop (v2sf)  }
0x1bb: {  	[tilespmem:s11], [sflag:$0x2] =	stream.linear.gather [hbm4b:s14+s2], $0x80, $0x38;
	[tilespmem:$0x1CD80] =	vst v63  }
0x1bc: {  	s18 =	sadd.s32 $0xEF00, s0;
	(v2sf) =	vpush v0, $0xA;
	s21 =	sadd.s32 s4, s16;
	s22 =	spop (v2sf)  }
0x1bd: {  	[tilespmem:s1], [sflag:$0x2] =	stream.linear.gather [hbm4b:s21+s2], $0x80, $0x38;
	[tilespmem:$0x1CD80] =	vst v63  }
0x1be: {  	s11 =	sadd.s32 $0xF280, s0;
	s19 =	sand.u32 $0x1FFFFFF0, s17;
	(v2sf) =	vpush v0, $0xB;
	s20 =	spop (v2sf)  }
0x1bf: {  	s14 =	sadd.s32 s4, s19;
	s1 =	sadd.s32 $0xF200, s0;
	s17 =	sand.u32 $0x1FFFFFF0, s20  }
0x1c0: {  	(v2sf) =	vpush v0, $0xC;
	[tilespmem:s15], [sflag:$0x2] =	stream.linear.gather [hbm4b:s14+s2], $0x80, $0x38;
	[tilespmem:$0x1CD80] =	vst v63  }
0x1c1: {  	s21 =	sand.u32 $0x1FFFFFF0, s22;
	s22 =	spop (v2sf);
	s19 =	sadd.s32 s4, s17  }
0x1c2: {  	(v2sf) =	vpush v0, $0xD;
	[tilespmem:s18], [sflag:$0x2] =	stream.linear.gather [hbm4b:s19+s2], $0x80, $0x38;
	[tilespmem:$0x1CD80] =	vst v63  }
0x1c3: {  	s14 =	sadd.s32 s4, s21;
	s15 =	sand.u32 $0x1FFFFFF0, s22;
	s20 =	spop (v2sf)  }
0x1c4: {  	(v2sf) =	vpush v0, $0xE;
	[tilespmem:s12], [sflag:$0x2] =	stream.linear.gather [hbm4b:s14+s2], $0x80, $0x38;
	[tilespmem:$0x1CD80] =	vst v63  }
0x1c5: {  	s15 =	sadd.s32 s4, s15;
	s21 =	sand.u32 $0x1FFFFFF0, s20;
	s22 =	spop (v2sf)  }
0x1c6: {  	(v2sf) =	vpush v0, $0xF;
	[tilespmem:s9], [sflag:$0x2] =	stream.linear.gather [hbm4b:s15+s2], $0x80, $0x38;
	[tilespmem:$0x1CD80] =	vst v63  }
0x1c7: {  	s16 =	spop (v2sf);
	s12 =	sadd.s32 s4, s21;
	s15 =	sand.u32 $0x1FFFFFF0, s22  }
0x1c8: {  	[tilespmem:s13], [sflag:$0x2] =	stream.linear.gather [hbm4b:s12+s2], $0x80, $0x38;
	[tilespmem:$0x1CD80] =	vst v63  }
0x1c9: {  	s17 =	sand.u32 $0x1FFFFFF0, s16;
	s9 =	sadd.s32 s4, s15;
	s18 =	spop (v2sf)  }
0x1ca: {  	[tilespmem:s8], [sflag:$0x2] =	stream.linear.gather [hbm4b:s9+s2], $0x80, $0x38;
	[tilespmem:$0x1CD80] =	vst v63  }
0x1cb: {  	s12 =	sadd.s32 s4, s17;
	s19 =	sand.u32 $0x1FFFFFF0, s18;
	s20 =	spop (v2sf)  }
0x1cc: {  	[tilespmem:s10], [sflag:$0x2] =	stream.linear.gather [hbm4b:s12+s2], $0x80, $0x38;
	[tilespmem:$0x1CD80] =	vst v63  }
0x1cd: {  	s9 =	sand.u32 $0x1FFFFFF0, s20;
	s8 =	sadd.s32 s4, s19;
	s21 =	spop (v2sf)  }
0x1ce: {  	[tilespmem:s1], [sflag:$0x2] =	stream.linear.gather [hbm4b:s8+s2], $0x80, $0x38;
	[tilespmem:$0x1CD80] =	vst v63  }
0x1cf: {  	s9 =	sadd.s32 s4, s9;
	s22 =	sand.u32 $0x1FFFFFF0, s21;
	s10 =	spop (v2sf)  }
0x1d0: {  	[tilespmem:s11], [sflag:$0x2] =	stream.linear.gather [hbm4b:s9+s2], $0x80, $0x38;
	[tilespmem:$0x1CD80] =	vst v63  }
0x1d1: {  	s1 =	sadd.s32 s4, s22;
	s8 =	sand.u32 $0x1FFFFFF0, s10;
	s11 =	spop (v2sf)  }
0x1d2: {  	[tilespmem:s7], [sflag:$0x2] =	stream.linear.gather [hbm4b:s1+s2], $0x80, $0x38;
	[tilespmem:$0x1CD80] =	vst v63  }
0x1d3: {  	s8 =	sadd.s32 s4, s8;
	s12 =	sand.u32 $0x1FFFFFF0, s11;
	s13 =	spop (v2sf)  }
0x1d4: {  	[tilespmem:s5], [sflag:$0x2] =	stream.linear.gather [hbm4b:s8+s2], $0x80, $0x38;
	[tilespmem:$0x1CD80] =	vst v63  }
0x1d5: {  	s14 =	sand.u32 $0x1FFFFFF0, s13;
	s15 =	spop (v2sf);
	s1 =	sadd.s32 s4, s12  }
0x1d6: {  	[tilespmem:s6], [sflag:$0x2] =	stream.linear.gather [hbm4b:s1+s2], $0x80, $0x38;
	[tilespmem:$0x1CD80] =	vst v63  }
0x1d7: {  	s17 =	sadd.s32 $0xF480, s0;
	s16 =	sand.u32 $0x1FFFFFF0, s15;
	s5 =	sadd.s32 s4, s14  }
0x1d8: {  	[tilespmem:s17], [sflag:$0x2] =	stream.linear.gather [hbm4b:s5+s2], $0x80, $0x38;
	[tilespmem:$0x1CD80] =	vst v63  }
0x1d9: {  	s18 =	sadd.s32 $0xF500, s0;
	s19 =	simm.s32 $0x1;
	s1 =	sadd.s32 s4, s16  }
0x1da: {  	[tilespmem:s18], [sflag:$0x2] =	stream.linear.gather [hbm4b:s1+s2], $0x80, $0x38;
	[tilespmem:$0x1CD80] =	vst v63  }
0x1db: {  	_ =	swait.ge [sflag:s19], $0x800  }
0x1dc: {  	[sflag:s19] =	ssyncset.done $0x0  }
0x1dd: {  	[sflag:s19] =	ssyncadd.s32 $0xFFFFF800  }
0x1de: {  	_ =	swait.ge [sflag:s19], $0x800  }
0x1df: {  	[sflag:s19] =	ssyncset.done $0x0  }
0x1e0: {  	[sflag:s19] =	ssyncadd.s32 $0xFFFFF800  }
0x1e1: {  	_ =	swait.ge [sflag:s19], $0xA000  }
0x1e2: {  	[sflag:s19] =	ssyncset.done $0x0  }
0x1e3: {  	s20 =	simm.s32 $0x3DA0;
	[sflag:s19] =	ssyncadd.s32 $0xFFFF6000  }
0x1e4: {  	v7 =	vld [tilespmem:s20+$0xFFFFFFE0]  }
0x1e5: {  	v4 =	vld [tilespmem:s20+$0xFFFFFFF0]  }
0x1e6: {  	v1 =	vld [tilespmem:s20+$0x0]  }
0x1e7: {  	s21 =	simm.s32 $0x5280;
	v0 =	vld [tilespmem:s20+$0x10]  }
0x1e8: {  	v5 =	vld [tilespmem:s21+$0x480]  }
0x1e9: {  	v6 =	vld [tilespmem:s21+$0x490]  }
0x1ea: {  	v2 =	vld [tilespmem:s21+$0x4A0]  }
0x1eb: {  	v3 =	vld [tilespmem:s21+$0x4B0]  }
0x1ec: {  	v10 =	vld [tilespmem:s21+$0x400]  }
0x1ed: {  	v11 =	vld [tilespmem:s21+$0x410]  }
0x1ee: {  	v8 =	vld [tilespmem:s21+$0x420]  }
0x1ef: {  	v9 =	vld [tilespmem:s21+$0x430]  }
0x1f0: {  	v12 =	vld [tilespmem:s21+$0x380]  }
0x1f1: {  	v13 =	vld [tilespmem:s21+$0x390]  }
0x1f2: {  	v14 =	vld [tilespmem:s21+$0x300]  }
0x1f3: {  	v15 =	vld [tilespmem:s21+$0x310]  }
0x1f4: {  	v16 =	vld [tilespmem:s21+$0x280]  }
0x1f5: {  	v17 =	vld [tilespmem:s21+$0x290]  }
0x1f6: {  	v18 =	vld [tilespmem:s21+$0x200]  }
0x1f7: {  	v19 =	vld [tilespmem:s21+$0x210]  }
0x1f8: {  	v20 =	vld [tilespmem:s21+$0x180]  }
0x1f9: {  	v21 =	vld [tilespmem:s21+$0x190]  }
0x1fa: {  	v22 =	vld [tilespmem:s21+$0x100]  }
0x1fb: {  	v23 =	vld [tilespmem:s21+$0x110]  }
0x1fc: {  	v24 =	vld [tilespmem:s21+$0x80]  }
0x1fd: {  	v25 =	vld [tilespmem:s21+$0x90]  }
0x1fe: {  	v26 =	vld [tilespmem:s21+$0x0]  }
0x1ff: {  	v27 =	vld [tilespmem:s21+$0x10]  }
0x200: {  	v28 =	vld [tilespmem:s21+$0xFFFFFF80]  }
0x201: {  	v29 =	vld [tilespmem:s21+$0xFFFFFF90]  }
0x202: {  	v30 =	vld [tilespmem:s21+$0xFFFFFF00]  }
0x203: {  	v31 =	vld [tilespmem:s21+$0xFFFFFF10]  }
0x204: {  	v32 =	vld [tilespmem:s21+$0xFFFFFE80]  }
0x205: {  	v33 =	vld [tilespmem:s21+$0xFFFFFE90]  }
0x206: {  	v34 =	vld [tilespmem:s21+$0xFFFFFE00]  }
0x207: {  	v35 =	vld [tilespmem:s21+$0xFFFFFE10]  }
0x208: {  	v36 =	vld [tilespmem:s21+$0xFFFFFD80]  }
0x209: {  	v37 =	vld [tilespmem:s21+$0xFFFFFD90]  }
0x20a: {  	v38 =	vld [tilespmem:s21+$0xFFFFFD00]  }
0x20b: {  	v39 =	vld [tilespmem:s21+$0xFFFFFD10]  }
0x20c: {  	v40 =	vld [tilespmem:s21+$0xFFFFFC80]  }
0x20d: {  	v41 =	vld [tilespmem:s21+$0xFFFFFC90]  }
0x20e: {  	v42 =	vld [tilespmem:s21+$0xFFFFFC00]  }
0x20f: {  	v43 =	vld [tilespmem:s21+$0xFFFFFC10]  }
0x210: {  	v44 =	vld [tilespmem:s21+$0xFFFFFB80]  }
0x211: {  	v45 =	vld [tilespmem:s21+$0xFFFFFB00]  }
0x212: {  	v46 =	vld [tilespmem:s21+$0xFFFFFB90]  }
0x213: {  	v47 =	vld [tilespmem:s21+$0xFFFFFB10]  }
0x214: {  	v48 =	vld [tilespmem:s21+$0xFFFFFBA0]  }
0x215: {  	v49 =	vld [tilespmem:s21+$0xFFFFFB20]  }
0x216: {  	v50 =	vld [tilespmem:s21+$0xFFFFFBB0]  }
0x217: {  	v51 =	vld [tilespmem:s21+$0xFFFFFB30]  }
0x218: {  	v52 =	vld [tilespmem:s21+$0xFFFFFC20]  }
0x219: {  	v53 =	vld [tilespmem:s21+$0xFFFFFC30]  }
0x21a: {  	v54 =	vld [tilespmem:s21+$0xFFFFFCA0]  }
0x21b: {  	v58 =	vld [tilespmem:s21+$0xFFFFFCB0];
	v44 =	vadd.f32 v44, v45;
	v57 =	vadd.f32 v46, v47  }
0x21c: {  	v61 =	vld [tilespmem:s21+$0xFFFFFD20];
	v59 =	vadd.f32 v48, v49;
	v60 =	vadd.f32 v50, v51  }
0x21d: {  	v62 =	vld [tilespmem:s21+$0xFFFFFD30];
	v42 =	vadd.f32 v42, v44;
	v43 =	vadd.f32 v43, v57  }
0x21e: {  	v55 =	vld [tilespmem:s21+$0xFFFFFDB0];
	v63 =	vadd.f32 v52, v59;
	v52 =	vadd.f32 v53, v60  }
0x21f: {  	v53 =	vld [tilespmem:s21+$0xFFFFFDA0];
	v40 =	vadd.f32 v40, v42;
	v41 =	vadd.f32 v41, v43  }
0x220: {  	v59 =	vld [tilespmem:s21+$0xFFFFFE30];
	v56 =	vadd.f32 v54, v63;
	v57 =	vadd.f32 v58, v52  }
0x221: {  	v58 =	vld [tilespmem:s21+$0xFFFFFE20];
	v38 =	vadd.f32 v38, v40;
	v39 =	vadd.f32 v39, v41  }
0x222: {  	v63 =	vld [tilespmem:s21+$0xFFFFFEB0];
	v60 =	vadd.f32 v61, v56;
	v61 =	vadd.f32 v62, v57  }
0x223: {  	v62 =	vld [tilespmem:s21+$0xFFFFFEA0];
	v36 =	vadd.f32 v36, v38;
	v37 =	vadd.f32 v37, v39  }
0x224: {  	v48 =	vld [tilespmem:s21+$0xFFFFFF20];
	v45 =	vadd.f32 v53, v60;
	v47 =	vadd.f32 v55, v61  }
0x225: {  	v49 =	vld [tilespmem:s21+$0xFFFFFF30];
	v34 =	vadd.f32 v34, v36;
	v35 =	vadd.f32 v35, v37  }
0x226: {  	v52 =	vld [tilespmem:s21+$0xFFFFFFA0];
	v50 =	vadd.f32 v58, v45;
	v51 =	vadd.f32 v59, v47  }
0x227: {  	v53 =	vld [tilespmem:s21+$0xFFFFFFB0];
	v32 =	vadd.f32 v32, v34;
	v33 =	vadd.f32 v33, v35  }
0x228: {  	v56 =	vld [tilespmem:s21+$0x20];
	v54 =	vadd.f32 v62, v50;
	v55 =	vadd.f32 v63, v51  }
0x229: {  	v57 =	vld [tilespmem:s21+$0x30];
	v30 =	vadd.f32 v30, v32;
	v31 =	vadd.f32 v31, v33  }
0x22a: {  	v60 =	vld [tilespmem:s21+$0xA0];
	v58 =	vadd.f32 v48, v54;
	v59 =	vadd.f32 v49, v55  }
0x22b: {  	v28 =	vadd.f32 v28, v30;
	v29 =	vadd.f32 v29, v31;
	v30 =	vld [tilespmem:s21+$0xB0]  }
0x22c: {  	v62 =	vld [tilespmem:s21+$0x120];
	v31 =	vadd.f32 v52, v58;
	v61 =	vadd.f32 v53, v59  }
0x22d: {  	v26 =	vadd.f32 v26, v28;
	v27 =	vadd.f32 v27, v29;
	v28 =	vld [tilespmem:s21+$0x130]  }
0x22e: {  	v63 =	vld [tilespmem:s21+$0x1A0];
	v29 =	vadd.f32 v56, v31;
	v31 =	vadd.f32 v57, v61  }
0x22f: {  	v24 =	vadd.f32 v24, v26;
	v25 =	vadd.f32 v25, v27;
	v26 =	vld [tilespmem:s21+$0x1B0]  }
0x230: {  	v27 =	vadd.f32 v60, v29;
	v29 =	vadd.f32 v30, v31;
	v30 =	vld [tilespmem:s21+$0x220]  }
0x231: {  	v22 =	vadd.f32 v22, v24;
	v23 =	vadd.f32 v23, v25;
	v24 =	vld [tilespmem:s21+$0x230]  }
0x232: {  	v25 =	vadd.f32 v62, v27;
	v27 =	vadd.f32 v28, v29;
	v28 =	vld [tilespmem:s21+$0x2A0]  }
0x233: {  	v20 =	vadd.f32 v20, v22;
	v21 =	vadd.f32 v21, v23;
	v22 =	vld [tilespmem:s21+$0x2B0]  }
0x234: {  	v23 =	vadd.f32 v63, v25;
	v25 =	vadd.f32 v26, v27;
	v26 =	vld [tilespmem:s21+$0x320]  }
0x235: {  	v18 =	vadd.f32 v18, v20;
	v19 =	vadd.f32 v19, v21;
	v20 =	vld [tilespmem:s21+$0x330]  }
0x236: {  	v21 =	vadd.f32 v30, v23;
	v23 =	vadd.f32 v24, v25;
	v24 =	vld [tilespmem:s21+$0x3A0]  }
0x237: {  	s0 =	simm.s32 $0x2DA0;
	v16 =	vadd.f32 v16, v18;
	v17 =	vadd.f32 v17, v19;
	v18 =	vld [tilespmem:s21+$0x3B0]  }
0x238: {  	v19 =	vld [tilespmem:s0+$0xFFFFFFE0];
	v21 =	vadd.f32 v28, v21;
	v22 =	vadd.f32 v22, v23  }
0x239: {  	v23 =	vld [tilespmem:s0+$0xFFFFFFF0];
	v14 =	vadd.f32 v14, v16;
	v15 =	vadd.f32 v15, v17  }
0x23a: {  	v16 =	vld [tilespmem:s0+$0x0];
	v17 =	vadd.f32 v26, v21;
	v20 =	vadd.f32 v20, v22  }
0x23b: {  	v21 =	vld [tilespmem:s0+$0x10];
	v12 =	vadd.f32 v12, v14;
	v13 =	vadd.f32 v13, v15  }
0x23c: {  	v14 =	vadd.f32 v24, v17;
	v15 =	vadd.f32 v18, v20  }
0x23d: {  	v7 =	vmul.f32 v7, v19;
	v10 =	vadd.f32 v10, v12;
	v11 =	vadd.f32 v11, v13  }
0x23e: {  	v4 =	vmul.f32 v4, v23;
	v8 =	vadd.f32 v8, v14;
	v9 =	vadd.f32 v9, v15  }
0x23f: {  	v12 =	vmul.f32 v1, v16;
	v1 =	vadd.f32 v5, v10;
	v5 =	vadd.f32 v6, v11  }
0x240: {  	v6 =	vmul.f32 v0, v21;
	v2 =	vadd.f32 v2, v8;
	v3 =	vadd.f32 v3, v9  }
0x241: {  	v8 =	vmul.f32 v1, v19;
	v5 =	vmul.f32 v5, v23  }
0x242: {  	v0 =	vmov s25;
	v2 =	vmul.f32 v2, v16;
	v3 =	vmul.f32 v3, v21  }
0x243: {  	v4 =	vadd.f32 v4, v7;
	v1 =	vmov s26;
	v6 =	vadd.f32 v6, v12  }
0x244: {  	v5 =	vadd.f32 v5, v8;
	v2 =	vadd.f32 v3, v2  }
0x245: {  	v3 =	vadd.f32 v6, v4  }
0x246: {  	s22 =	simm.s32 $0x0;
	v2 =	vadd.f32 v2, v5  }
0x247: {  	[tilespmem:v0+s22+$0x0 ss:$0x1] =	vst.idx.msk $0xffff, v3  }
0x248: {  	s6 =	simm.s32 $0x3E20;
	[tilespmem:v1+s22+$0x0 ss:$0x1] =	vst.idx.msk $0xffff, v2  }
0x249: {  	v9 =	vld [tilespmem:s6+$0xFFFFFFE0]  }
0x24a: {  	v4 =	vld [tilespmem:s6+$0xFFFFFFF0]  }
0x24b: {  	v3 =	vld [tilespmem:s6+$0x0]  }
0x24c: {  	s12 =	simm.s32 $0x5C80;
	v2 =	vld [tilespmem:s6+$0x10]  }
0x24d: {  	v6 =	vld [tilespmem:s12+$0x480]  }
0x24e: {  	v8 =	vld [tilespmem:s12+$0x490]  }
0x24f: {  	v5 =	vld [tilespmem:s12+$0x4A0]  }
0x250: {  	v7 =	vld [tilespmem:s12+$0x4B0]  }
0x251: {  	v11 =	vld [tilespmem:s12+$0x400]  }
0x252: {  	v13 =	vld [tilespmem:s12+$0x410]  }
0x253: {  	v10 =	vld [tilespmem:s12+$0x420]  }
0x254: {  	v12 =	vld [tilespmem:s12+$0x430]  }
0x255: {  	v14 =	vld [tilespmem:s12+$0x380]  }
0x256: {  	v15 =	vld [tilespmem:s12+$0x390]  }
0x257: {  	v16 =	vld [tilespmem:s12+$0x300]  }
0x258: {  	v17 =	vld [tilespmem:s12+$0x310]  }
0x259: {  	v18 =	vld [tilespmem:s12+$0x280]  }
0x25a: {  	v19 =	vld [tilespmem:s12+$0x290]  }
0x25b: {  	v20 =	vld [tilespmem:s12+$0x200]  }
0x25c: {  	v21 =	vld [tilespmem:s12+$0x210]  }
0x25d: {  	v22 =	vld [tilespmem:s12+$0x180]  }
0x25e: {  	v23 =	vld [tilespmem:s12+$0x190]  }
0x25f: {  	v24 =	vld [tilespmem:s12+$0x100]  }
0x260: {  	v25 =	vld [tilespmem:s12+$0x110]  }
0x261: {  	v26 =	vld [tilespmem:s12+$0x80]  }
0x262: {  	v27 =	vld [tilespmem:s12+$0x90]  }
0x263: {  	v28 =	vld [tilespmem:s12+$0x0]  }
0x264: {  	v29 =	vld [tilespmem:s12+$0x10]  }
0x265: {  	v30 =	vld [tilespmem:s12+$0xFFFFFF80]  }
0x266: {  	v31 =	vld [tilespmem:s12+$0xFFFFFF90]  }
0x267: {  	v32 =	vld [tilespmem:s12+$0xFFFFFF00]  }
0x268: {  	v33 =	vld [tilespmem:s12+$0xFFFFFF10]  }
0x269: {  	v34 =	vld [tilespmem:s12+$0xFFFFFE80]  }
0x26a: {  	v35 =	vld [tilespmem:s12+$0xFFFFFE90]  }
0x26b: {  	v36 =	vld [tilespmem:s12+$0xFFFFFE00]  }
0x26c: {  	v37 =	vld [tilespmem:s12+$0xFFFFFE10]  }
0x26d: {  	v38 =	vld [tilespmem:s12+$0xFFFFFD80]  }
0x26e: {  	v39 =	vld [tilespmem:s12+$0xFFFFFD90]  }
0x26f: {  	v40 =	vld [tilespmem:s12+$0xFFFFFD00]  }
0x270: {  	v41 =	vld [tilespmem:s12+$0xFFFFFD10]  }
0x271: {  	v42 =	vld [tilespmem:s12+$0xFFFFFC80]  }
0x272: {  	v43 =	vld [tilespmem:s12+$0xFFFFFC90]  }
0x273: {  	v44 =	vld [tilespmem:s12+$0xFFFFFC00]  }
0x274: {  	v45 =	vld [tilespmem:s12+$0xFFFFFC10]  }
0x275: {  	v46 =	vld [tilespmem:s12+$0xFFFFFB80]  }
0x276: {  	v47 =	vld [tilespmem:s12+$0xFFFFFB00]  }
0x277: {  	v48 =	vld [tilespmem:s12+$0xFFFFFB90]  }
0x278: {  	v50 =	vld [tilespmem:s12+$0xFFFFFB10]  }
0x279: {  	v49 =	vld [tilespmem:s12+$0xFFFFFBA0]  }
0x27a: {  	v51 =	vld [tilespmem:s12+$0xFFFFFB20]  }
0x27b: {  	v52 =	vld [tilespmem:s12+$0xFFFFFBB0]  }
0x27c: {  	s7 =	simm.s32 $0x80;
	s5 =	simm.s32 $0x40;
	v53 =	vld [tilespmem:s12+$0xFFFFFB30]  }
.LBB2_7:
0x27d: {  	p0 =	sne.s32 s7, $0x3C0;
	v54 =	vld [tilespmem:s12+$0xFFFFFC20]  }
0x27e: {  	v55 =	vld [tilespmem:s12+$0xFFFFFC30]  }
0x27f: {  	v56 =	vld [tilespmem:s12+$0xFFFFFCA0]  }
0x280: {  	v46 =	vadd.f32 v46, v47;
	v47 =	vadd.f32 v48, v50;
	v48 =	vld [tilespmem:s12+$0xFFFFFCB0]  }
0x281: {  	v49 =	vadd.f32 v49, v51;
	v50 =	vadd.f32 v52, v53;
	v51 =	vld [tilespmem:s12+$0xFFFFFD20]  }
0x282: {  	v44 =	vadd.f32 v44, v46;
	v45 =	vadd.f32 v45, v47;
	v46 =	vld [tilespmem:s12+$0xFFFFFD30]  }
0x283: {  	v47 =	vadd.f32 v54, v49;
	v49 =	vadd.f32 v55, v50;
	v50 =	vld [tilespmem:s12+$0xFFFFFDA0]  }
0x284: {  	v42 =	vadd.f32 v42, v44;
	v43 =	vadd.f32 v43, v45;
	v44 =	vld [tilespmem:s12+$0xFFFFFDB0]  }
0x285: {  	v45 =	vadd.f32 v56, v47;
	v47 =	vadd.f32 v48, v49;
	v48 =	vld [tilespmem:s12+$0xFFFFFE20]  }
0x286: {  	v40 =	vadd.f32 v40, v42;
	v41 =	vadd.f32 v41, v43;
	v42 =	vld [tilespmem:s12+$0xFFFFFE30]  }
0x287: {  	v43 =	vadd.f32 v51, v45;
	v45 =	vadd.f32 v46, v47;
	v46 =	vld [tilespmem:s12+$0xFFFFFEA0]  }
0x288: {  	v38 =	vadd.f32 v38, v40;
	v39 =	vadd.f32 v39, v41;
	v40 =	vld [tilespmem:s12+$0xFFFFFEB0]  }
0x289: {  	v41 =	vadd.f32 v50, v43;
	v43 =	vadd.f32 v44, v45;
	v44 =	vld [tilespmem:s12+$0xFFFFFF20]  }
0x28a: {  	v36 =	vadd.f32 v36, v38;
	v37 =	vadd.f32 v37, v39;
	v38 =	vld [tilespmem:s12+$0xFFFFFF30]  }
0x28b: {  	v39 =	vadd.f32 v48, v41;
	v41 =	vadd.f32 v42, v43;
	v42 =	vld [tilespmem:s12+$0xFFFFFFA0]  }
0x28c: {  	v34 =	vadd.f32 v34, v36;
	v35 =	vadd.f32 v35, v37;
	v36 =	vld [tilespmem:s12+$0xFFFFFFB0]  }
0x28d: {  	v37 =	vadd.f32 v46, v39;
	v39 =	vadd.f32 v40, v41;
	v40 =	vld [tilespmem:s12+$0x20]  }
0x28e: {  	v32 =	vadd.f32 v32, v34;
	v33 =	vadd.f32 v33, v35;
	v34 =	vld [tilespmem:s12+$0x30]  }
0x28f: {  	v35 =	vadd.f32 v44, v37;
	v37 =	vadd.f32 v38, v39;
	v38 =	vld [tilespmem:s12+$0xA0]  }
0x290: {  	v30 =	vadd.f32 v30, v32;
	v31 =	vadd.f32 v31, v33;
	v32 =	vld [tilespmem:s12+$0xB0]  }
0x291: {  	v33 =	vadd.f32 v42, v35;
	v35 =	vadd.f32 v36, v37;
	v36 =	vld [tilespmem:s12+$0x120]  }
0x292: {  	v28 =	vadd.f32 v28, v30;
	v29 =	vadd.f32 v29, v31;
	v30 =	vld [tilespmem:s12+$0x130]  }
0x293: {  	v31 =	vadd.f32 v40, v33;
	v33 =	vadd.f32 v34, v35;
	v34 =	vld [tilespmem:s12+$0x1A0]  }
0x294: {  	v26 =	vadd.f32 v26, v28;
	v27 =	vadd.f32 v27, v29;
	v28 =	vld [tilespmem:s12+$0x1B0]  }
0x295: {  	v29 =	vadd.f32 v38, v31;
	v31 =	vadd.f32 v32, v33;
	v32 =	vld [tilespmem:s12+$0x220]  }
0x296: {  	v24 =	vadd.f32 v24, v26;
	v25 =	vadd.f32 v25, v27;
	v26 =	vld [tilespmem:s12+$0x230]  }
0x297: {  	v27 =	vadd.f32 v36, v29;
	v29 =	vadd.f32 v30, v31;
	v30 =	vld [tilespmem:s12+$0x2A0]  }
0x298: {  	v22 =	vadd.f32 v22, v24;
	v23 =	vadd.f32 v23, v25;
	v24 =	vld [tilespmem:s12+$0x2B0]  }
0x299: {  	v25 =	vadd.f32 v34, v27;
	v27 =	vadd.f32 v28, v29;
	v28 =	vld [tilespmem:s12+$0x320]  }
0x29a: {  	v20 =	vadd.f32 v20, v22;
	v21 =	vadd.f32 v21, v23;
	v22 =	vld [tilespmem:s12+$0x330]  }
0x29b: {  	v23 =	vadd.f32 v32, v25;
	v25 =	vadd.f32 v26, v27;
	v26 =	vld [tilespmem:s12+$0x3A0]  }
0x29c: {  	s0 =	sadd.s32 $0x80, s0;
	v18 =	vadd.f32 v18, v20;
	v19 =	vadd.f32 v19, v21;
	v20 =	vld [tilespmem:s12+$0x3B0]  }
0x29d: {  	v23 =	vadd.f32 v30, v23;
	v21 =	vld [tilespmem:s0+$0xFFFFFFE0];
	v24 =	vadd.f32 v24, v25  }
0x29e: {  	v16 =	vadd.f32 v16, v18;
	v17 =	vadd.f32 v17, v19;
	v25 =	vld [tilespmem:s0+$0xFFFFFFF0]  }
0x29f: {  	v19 =	vadd.f32 v28, v23;
	v18 =	vld [tilespmem:s0+$0x0];
	v22 =	vadd.f32 v22, v24  }
0x2a0: {  	v14 =	vadd.f32 v14, v16;
	v15 =	vadd.f32 v15, v17;
	v23 =	vld [tilespmem:s0+$0x10]  }
0x2a1: {  	v16 =	vadd.f32 v26, v19;
	v17 =	vadd.f32 v20, v22  }
0x2a2: {  	v11 =	vadd.f32 v11, v14;
	v13 =	vadd.f32 v13, v15;
	v9 =	vmul.f32 v9, v21  }
0x2a3: {  	v10 =	vadd.f32 v10, v16;
	v4 =	vmul.f32 v4, v25;
	v12 =	vadd.f32 v12, v17  }
0x2a4: {  	v6 =	vadd.f32 v6, v11;
	v8 =	vadd.f32 v8, v13;
	v3 =	vmul.f32 v3, v18  }
0x2a5: {  	v5 =	vadd.f32 v5, v10;
	v2 =	vmul.f32 v2, v23;
	v7 =	vadd.f32 v7, v12  }
0x2a6: {  	v6 =	vmul.f32 v6, v21;
	v8 =	vmul.f32 v8, v25  }
0x2a7: {  	v5 =	vmul.f32 v5, v18;
	v7 =	vmul.f32 v7, v23  }
0x2a8: {  	v4 =	vadd.f32 v4, v9;
	v2 =	vadd.f32 v2, v3  }
0x2a9: {  	v3 =	vadd.f32 v8, v6;
	v5 =	vadd.f32 v7, v5  }
0x2aa: {  	v2 =	vadd.f32 v2, v4  }
0x2ab: {  	s1 =	sshra.s32 s5, $0x2;
	s5 =	smov.u32 s7;
	v3 =	vadd.f32 v5, v3  }
0x2ac: {  	[tilespmem:v0+s1+$0x0 ss:$0x1] =	vst.idx.msk $0xffff, v2  }
0x2ad: {  	s6 =	sadd.s32 $0x80, s6;
	[tilespmem:v1+s1+$0x0 ss:$0x1] =	vst.idx.msk $0xffff, v3  }
0x2ae: {  	v9 =	vld [tilespmem:s6+$0xFFFFFFE0]  }
0x2af: {  	v4 =	vld [tilespmem:s6+$0xFFFFFFF0]  }
0x2b0: {  	v3 =	vld [tilespmem:s6+$0x0]  }
0x2b1: {  	s12 =	sadd.s32 $0xA00, s12;
	v2 =	vld [tilespmem:s6+$0x10]  }
0x2b2: {  	v6 =	vld [tilespmem:s12+$0x480]  }
0x2b3: {  	v8 =	vld [tilespmem:s12+$0x490]  }
0x2b4: {  	v5 =	vld [tilespmem:s12+$0x4A0]  }
0x2b5: {  	v7 =	vld [tilespmem:s12+$0x4B0]  }
0x2b6: {  	v11 =	vld [tilespmem:s12+$0x400]  }
0x2b7: {  	v13 =	vld [tilespmem:s12+$0x410]  }
0x2b8: {  	v10 =	vld [tilespmem:s12+$0x420]  }
0x2b9: {  	v12 =	vld [tilespmem:s12+$0x430]  }
0x2ba: {  	v14 =	vld [tilespmem:s12+$0x380]  }
0x2bb: {  	v15 =	vld [tilespmem:s12+$0x390]  }
0x2bc: {  	v16 =	vld [tilespmem:s12+$0x300]  }
0x2bd: {  	v17 =	vld [tilespmem:s12+$0x310]  }
0x2be: {  	v18 =	vld [tilespmem:s12+$0x280]  }
0x2bf: {  	v19 =	vld [tilespmem:s12+$0x290]  }
0x2c0: {  	v20 =	vld [tilespmem:s12+$0x200]  }
0x2c1: {  	v21 =	vld [tilespmem:s12+$0x210]  }
0x2c2: {  	v22 =	vld [tilespmem:s12+$0x180]  }
0x2c3: {  	v23 =	vld [tilespmem:s12+$0x190]  }
0x2c4: {  	v24 =	vld [tilespmem:s12+$0x100]  }
0x2c5: {  	v25 =	vld [tilespmem:s12+$0x110]  }
0x2c6: {  	v26 =	vld [tilespmem:s12+$0x80]  }
0x2c7: {  	v27 =	vld [tilespmem:s12+$0x90]  }
0x2c8: {  	v28 =	vld [tilespmem:s12+$0x0]  }
0x2c9: {  	v29 =	vld [tilespmem:s12+$0x10]  }
0x2ca: {  	v30 =	vld [tilespmem:s12+$0xFFFFFF80]  }
0x2cb: {  	v31 =	vld [tilespmem:s12+$0xFFFFFF90]  }
0x2cc: {  	v32 =	vld [tilespmem:s12+$0xFFFFFF00]  }
0x2cd: {  	v33 =	vld [tilespmem:s12+$0xFFFFFF10]  }
0x2ce: {  	v34 =	vld [tilespmem:s12+$0xFFFFFE80]  }
0x2cf: {  	v35 =	vld [tilespmem:s12+$0xFFFFFE90]  }
0x2d0: {  	v36 =	vld [tilespmem:s12+$0xFFFFFE00]  }
0x2d1: {  	v37 =	vld [tilespmem:s12+$0xFFFFFE10]  }
0x2d2: {  	v38 =	vld [tilespmem:s12+$0xFFFFFD80]  }
0x2d3: {  	v39 =	vld [tilespmem:s12+$0xFFFFFD90]  }
0x2d4: {  	v40 =	vld [tilespmem:s12+$0xFFFFFD00]  }
0x2d5: {  	v41 =	vld [tilespmem:s12+$0xFFFFFD10]  }
0x2d6: {  	v42 =	vld [tilespmem:s12+$0xFFFFFC80]  }
0x2d7: {  	v43 =	vld [tilespmem:s12+$0xFFFFFC90]  }
0x2d8: {  	v44 =	vld [tilespmem:s12+$0xFFFFFC00]  }
0x2d9: {  	v45 =	vld [tilespmem:s12+$0xFFFFFC10]  }
0x2da: {  	v46 =	vld [tilespmem:s12+$0xFFFFFB80]  }
0x2db: {  	v47 =	vld [tilespmem:s12+$0xFFFFFB00]  }
0x2dc: {  	v48 =	vld [tilespmem:s12+$0xFFFFFB90]  }
.Ltmp2:
0x2dd: {  	v50 =	vld [tilespmem:s12+$0xFFFFFB10];
	(pc) =	sbr.rel @p0 .LBB2_7-.Ltmp2, $4  }
0x2de: {  	v49 =	vld [tilespmem:s12+$0xFFFFFBA0]  }
0x2df: {  	v51 =	vld [tilespmem:s12+$0xFFFFFB20]  }
0x2e0: {  	v52 =	vld [tilespmem:s12+$0xFFFFFBB0]  }
0x2e1: {  	s7 =	sadd.s32 $0x40, s7;
	v53 =	vld [tilespmem:s12+$0xFFFFFB30]  }
0x2e2: {  	v54 =	vld [tilespmem:s12+$0xFFFFFC20]  }
0x2e3: {  	v55 =	vld [tilespmem:s12+$0xFFFFFC30]  }
0x2e4: {  	v56 =	vld [tilespmem:s12+$0xFFFFFCA0]  }
0x2e5: {  	v46 =	vadd.f32 v46, v47;
	v63 =	vadd.f32 v48, v50;
	v48 =	vld [tilespmem:s12+$0xFFFFFCB0]  }
0x2e6: {  	v58 =	vld [tilespmem:s12+$0xFFFFFD20];
	v49 =	vadd.f32 v49, v51;
	v57 =	vadd.f32 v52, v53  }
0x2e7: {  	v59 =	vld [tilespmem:s12+$0xFFFFFD30];
	v44 =	vadd.f32 v44, v46;
	v45 =	vadd.f32 v45, v63  }
0x2e8: {  	v62 =	vld [tilespmem:s12+$0xFFFFFDA0];
	v60 =	vadd.f32 v54, v49;
	v61 =	vadd.f32 v55, v57  }
0x2e9: {  	v63 =	vld [tilespmem:s12+$0xFFFFFDB0];
	v42 =	vadd.f32 v42, v44;
	v43 =	vadd.f32 v43, v45  }
0x2ea: {  	v54 =	vld [tilespmem:s12+$0xFFFFFE20];
	v52 =	vadd.f32 v56, v60;
	v53 =	vadd.f32 v48, v61  }
0x2eb: {  	v40 =	vadd.f32 v40, v42;
	v41 =	vadd.f32 v41, v43;
	v55 =	vld [tilespmem:s12+$0xFFFFFE30]  }
0x2ec: {  	v56 =	vadd.f32 v58, v52;
	v58 =	vld [tilespmem:s12+$0xFFFFFEA0];
	v57 =	vadd.f32 v59, v53  }
0x2ed: {  	v38 =	vadd.f32 v38, v40;
	v39 =	vadd.f32 v39, v41;
	v59 =	vld [tilespmem:s12+$0xFFFFFEB0]  }
0x2ee: {  	v60 =	vadd.f32 v62, v56;
	v62 =	vld [tilespmem:s12+$0xFFFFFF20];
	v61 =	vadd.f32 v63, v57  }
0x2ef: {  	v36 =	vadd.f32 v36, v38;
	v37 =	vadd.f32 v37, v39;
	v63 =	vld [tilespmem:s12+$0xFFFFFF30]  }
0x2f0: {  	v49 =	vld [tilespmem:s12+$0xFFFFFFB0];
	v45 =	vadd.f32 v54, v60;
	v47 =	vadd.f32 v55, v61  }
0x2f1: {  	v48 =	vld [tilespmem:s12+$0xFFFFFFA0];
	v34 =	vadd.f32 v34, v36;
	v35 =	vadd.f32 v35, v37  }
0x2f2: {  	v52 =	vld [tilespmem:s12+$0x20];
	v50 =	vadd.f32 v58, v45;
	v51 =	vadd.f32 v59, v47  }
0x2f3: {  	v53 =	vld [tilespmem:s12+$0x30];
	v32 =	vadd.f32 v32, v34;
	v33 =	vadd.f32 v33, v35  }
0x2f4: {  	v56 =	vld [tilespmem:s12+$0xA0];
	v54 =	vadd.f32 v62, v50;
	v55 =	vadd.f32 v63, v51  }
0x2f5: {  	v57 =	vld [tilespmem:s12+$0xB0];
	v30 =	vadd.f32 v30, v32;
	v31 =	vadd.f32 v31, v33  }
0x2f6: {  	v60 =	vld [tilespmem:s12+$0x120];
	v58 =	vadd.f32 v48, v54;
	v59 =	vadd.f32 v49, v55  }
0x2f7: {  	v61 =	vld [tilespmem:s12+$0x130];
	v28 =	vadd.f32 v28, v30;
	v29 =	vadd.f32 v29, v31  }
0x2f8: {  	v39 =	vld [tilespmem:s12+$0x1B0];
	v62 =	vadd.f32 v52, v58;
	v63 =	vadd.f32 v53, v59  }
0x2f9: {  	v37 =	vld [tilespmem:s12+$0x1A0];
	v26 =	vadd.f32 v26, v28;
	v27 =	vadd.f32 v27, v29  }
0x2fa: {  	v42 =	vld [tilespmem:s12+$0x220];
	v40 =	vadd.f32 v56, v62;
	v41 =	vadd.f32 v57, v63  }
0x2fb: {  	v43 =	vld [tilespmem:s12+$0x230];
	v24 =	vadd.f32 v24, v26;
	v25 =	vadd.f32 v25, v27  }
0x2fc: {  	v46 =	vld [tilespmem:s12+$0x2A0];
	v44 =	vadd.f32 v60, v40;
	v45 =	vadd.f32 v61, v41  }
0x2fd: {  	v47 =	vld [tilespmem:s12+$0x2B0];
	v22 =	vadd.f32 v22, v24;
	v23 =	vadd.f32 v23, v25  }
0x2fe: {  	v50 =	vld [tilespmem:s12+$0x320];
	v48 =	vadd.f32 v37, v44;
	v49 =	vadd.f32 v39, v45  }
0x2ff: {  	v51 =	vld [tilespmem:s12+$0x330];
	v20 =	vadd.f32 v20, v22;
	v21 =	vadd.f32 v21, v23  }
0x300: {  	v54 =	vld [tilespmem:s12+$0x3A0];
	v52 =	vadd.f32 v42, v48;
	v53 =	vadd.f32 v43, v49  }
0x301: {  	s0 =	sadd.s32 $0x80, s0;
	v55 =	vld [tilespmem:s12+$0x3B0];
	v18 =	vadd.f32 v18, v20;
	v19 =	vadd.f32 v19, v21  }
0x302: {  	v58 =	vld [tilespmem:s0+$0x0];
	v23 =	vadd.f32 v46, v52;
	v24 =	vadd.f32 v47, v53  }
0x303: {  	v56 =	vld [tilespmem:s0+$0xFFFFFFE0];
	v16 =	vadd.f32 v16, v18;
	v17 =	vadd.f32 v17, v19  }
0x304: {  	v57 =	vld [tilespmem:s0+$0xFFFFFFF0];
	v59 =	vadd.f32 v50, v23;
	v22 =	vadd.f32 v51, v24  }
0x305: {  	v60 =	vld [tilespmem:s0+$0x10];
	v14 =	vadd.f32 v14, v16;
	v15 =	vadd.f32 v15, v17  }
0x306: {  	v61 =	vadd.f32 v54, v59;
	v62 =	vadd.f32 v55, v22  }
0x307: {  	v3 =	vmul.f32 v3, v58;
	v11 =	vadd.f32 v11, v14;
	v13 =	vadd.f32 v13, v15  }
0x308: {  	v9 =	vmul.f32 v9, v56;
	v10 =	vadd.f32 v10, v61;
	v12 =	vadd.f32 v12, v62  }
0x309: {  	v4 =	vmul.f32 v4, v57;
	v6 =	vadd.f32 v6, v11;
	v8 =	vadd.f32 v8, v13  }
0x30a: {  	v2 =	vmul.f32 v2, v60;
	v5 =	vadd.f32 v5, v10;
	v7 =	vadd.f32 v7, v12  }
0x30b: {  	v6 =	vmul.f32 v6, v56;
	v8 =	vmul.f32 v8, v57  }
0x30c: {  	v5 =	vmul.f32 v5, v58;
	v7 =	vmul.f32 v7, v60  }
0x30d: {  	p0 =	seq.s32 s31, $0xF;
	v4 =	vadd.f32 v4, v9;
	v2 =	vadd.f32 v2, v3  }
.Ltmp3:
0x30e: {  	v63 =	vadd.f32 v8, v6;
	v5 =	vadd.f32 v7, v5;
	(pc) =	sbr.rel @p0 .LBB2_12-.Ltmp3, $4  }
0x30f: {  	v2 =	vadd.f32 v2, v4  }
0x310: {  	s22 =	sshra.s32 s5, $0x2;
	v3 =	vadd.f32 v5, v63  }
0x311: {  	[tilespmem:v0+s22+$0x0 ss:$0x1] =	vst.idx.msk $0xffff, v2  }
0x312: {  	[tilespmem:v1+s22+$0x0 ss:$0x1] =	vst.idx.msk $0xffff, v3  }
0x313: {  	s0 =	rddreg [dreg:$0xf]  }
0x314: {  	s1 =	sshll.u32 s0, $0x4  }
0x315: {  	v0 =	vld [tilespmem:s1+$0x20];
	_ =	sdelay $0x4  }
0x316: {  	v0 =	vshll.u32 v0, $0x4  }
0x317: {  	(v2sf) =	vpush v0, $0x0;
	_ =	sdelay $0x1  }
0x318: {  	(v2sf) =	vpush v0, $0x1;
	_ =	sdelay $0x2  }
0x319: {  	(v2sf) =	vpush v0, $0x2;
	_ =	sdelay $0x1  }
0x31a: {  	(v2sf) =	vpush v0, $0x3  }
0x31b: {  	(v2sf) =	vpush v0, $0x4;
	_ =	sdelay $0x1  }
0x31c: {  	(v2sf) =	vpush v0, $0x5  }
0x31d: {  	(v2sf) =	vpush v0, $0x6;
	_ =	sdelay $0x2  }
0x31e: {  	(v2sf) =	vpush v0, $0x7  }
0x31f: {  	s16 =	spop (v2sf)  }
0x320: {  	s6 =	simm.s32 $0x2D80;
	s0 =	sand.u32 $0x1FFFFFF0, s16  }
0x321: {  	s17 =	spop (v2sf);
	s5 =	sadd.s32 s3, s0;
	s0 =	simm.s32 $0x0  }
0x322: {  	[tilespmem:s6], [sflag:$0x1] =	stream.linear.gather [hbm4b:s5+s0], $0x80, $0x38;
	[tilespmem:$0x1CD80] =	vst v63  }
0x323: {  	s5 =	sand.u32 $0x1FFFFFF0, s17  }
0x324: {  	s18 =	simm.s32 $0x2E00;
	s19 =	spop (v2sf);
	s5 =	sadd.s32 s3, s5  }
0x325: {  	[tilespmem:s18], [sflag:$0x1] =	stream.linear.gather [hbm4b:s5+s0], $0x80, $0x38;
	[tilespmem:$0x1CD80] =	vst v63  }
0x326: {  	[dreg:$0xb] =	wrdreg s24;
	s21 =	spop (v2sf);
	s5 =	sand.u32 $0x1FFFFFF0, s19  }
0x327: {  	s20 =	simm.s32 $0x2E80;
	s24 =	spop (v2sf);
	(v2sf) =	vpush v0, $0x8;
	s5 =	sadd.s32 s3, s5  }
0x328: {  	[tilespmem:s20], [sflag:$0x1] =	stream.linear.gather [hbm4b:s5+s0], $0x80, $0x38;
	[tilespmem:$0x1CD80] =	vst v63  }
0x329: {  	[dreg:$0xd] =	wrdreg s26;
	s26 =	spop (v2sf);
	(v2sf) =	vpush v0, $0x9;
	s5 =	sand.u32 $0x1FFFFFF0, s21  }
0x32a: {  	s22 =	simm.s32 $0x2F00;
	s7 =	spop (v2sf);
	s5 =	sadd.s32 s3, s5  }
0x32b: {  	(v2sf) =	vpush v0, $0xA;
	[tilespmem:s22], [sflag:$0x1] =	stream.linear.gather [hbm4b:s5+s0], $0x80, $0x38;
	[tilespmem:$0x1CD80] =	vst v63  }
0x32c: {  	[dreg:$0xc] =	wrdreg s25;
	s5 =	sand.u32 $0x1FFFFFF0, s24  }
0x32d: {  	s25 =	simm.s32 $0x2F80;
	s9 =	spop (v2sf);
	s5 =	sadd.s32 s3, s5  }
0x32e: {  	(v2sf) =	vpush v0, $0xB;
	[tilespmem:s25], [sflag:$0x1] =	stream.linear.gather [hbm4b:s5+s0], $0x80, $0x38;
	[tilespmem:$0x1CD80] =	vst v63  }
0x32f: {  	s5 =	sand.u32 $0x1FFFFFF0, s26  }
0x330: {  	[dreg:$0xe] =	wrdreg s29;
	s29 =	simm.s32 $0x3000;
	s5 =	sadd.s32 s3, s5  }
0x331: {  	[tilespmem:s29], [sflag:$0x1] =	stream.linear.gather [hbm4b:s5+s0], $0x80, $0x38;
	[tilespmem:$0x1CD80] =	vst v63  }
0x332: {  	s5 =	sand.u32 $0x1FFFFFF0, s7  }
0x333: {  	s8 =	simm.s32 $0x3080;
	s5 =	sadd.s32 s3, s5  }
0x334: {  	[tilespmem:s8], [sflag:$0x1] =	stream.linear.gather [hbm4b:s5+s0], $0x80, $0x38;
	[tilespmem:$0x1CD80] =	vst v63  }
0x335: {  	s5 =	sand.u32 $0x1FFFFFF0, s9  }
0x336: {  	s10 =	simm.s32 $0x3100;
	s5 =	sadd.s32 s3, s5;
	s11 =	spop (v2sf);
	(v2sf) =	vpush v0, $0xC  }
0x337: {  	[tilespmem:s10], [sflag:$0x1] =	stream.linear.gather [hbm4b:s5+s0], $0x80, $0x38;
	[tilespmem:$0x1CD80] =	vst v63  }
0x338: {  	s13 =	spop (v2sf);
	(v2sf) =	vpush v0, $0xD  }
0x339: {  	s5 =	sand.u32 $0x1FFFFFF0, s11  }
0x33a: {  	s12 =	simm.s32 $0x3180;
	s5 =	sadd.s32 s3, s5;
	s15 =	spop (v2sf)  }
0x33b: {  	(v2sf) =	vpush v0, $0xE;
	[tilespmem:s12], [sflag:$0x1] =	stream.linear.gather [hbm4b:s5+s0], $0x80, $0x38;
	[tilespmem:$0x1CD80] =	vst v63  }
0x33c: {  	s5 =	sand.u32 $0x1FFFFFF0, s13  }
0x33d: {  	s14 =	simm.s32 $0x3200;
	s17 =	spop (v2sf);
	s5 =	sadd.s32 s3, s5  }
0x33e: {  	(v2sf) =	vpush v0, $0xF;
	[tilespmem:s14], [sflag:$0x1] =	stream.linear.gather [hbm4b:s5+s0], $0x80, $0x38;
	[tilespmem:$0x1CD80] =	vst v63  }
0x33f: {  	s5 =	sand.u32 $0x1FFFFFF0, s15  }
0x340: {  	s16 =	simm.s32 $0x3280;
	s5 =	sadd.s32 s3, s5  }
0x341: {  	[tilespmem:s16], [sflag:$0x1] =	stream.linear.gather [hbm4b:s5+s0], $0x80, $0x38;
	[tilespmem:$0x1CD80] =	vst v63  }
0x342: {  	s5 =	sand.u32 $0x1FFFFFF0, s17  }
0x343: {  	s18 =	simm.s32 $0x3300;
	s5 =	sadd.s32 s3, s5  }
0x344: {  	[tilespmem:s18], [sflag:$0x1] =	stream.linear.gather [hbm4b:s5+s0], $0x80, $0x38;
	[tilespmem:$0x1CD80] =	vst v63  }
0x345: {  	s19 =	spop (v2sf)  }
0x346: {  	s5 =	sand.u32 $0x1FFFFFF0, s19  }
0x347: {  	s20 =	simm.s32 $0x3380;
	s21 =	spop (v2sf);
	s5 =	sadd.s32 s3, s5  }
0x348: {  	[tilespmem:s20], [sflag:$0x1] =	stream.linear.gather [hbm4b:s5+s0], $0x80, $0x38;
	[tilespmem:$0x1CD80] =	vst v63  }
0x349: {  	s5 =	sand.u32 $0x1FFFFFF0, s21  }
0x34a: {  	s22 =	simm.s32 $0x3400;
	s24 =	spop (v2sf);
	s5 =	sadd.s32 s3, s5  }
0x34b: {  	[tilespmem:s22], [sflag:$0x1] =	stream.linear.gather [hbm4b:s5+s0], $0x80, $0x38;
	[tilespmem:$0x1CD80] =	vst v63  }
0x34c: {  	s5 =	sand.u32 $0x1FFFFFF0, s24  }
0x34d: {  	s25 =	simm.s32 $0x3480;
	s26 =	spop (v2sf);
	s5 =	sadd.s32 s3, s5  }
0x34e: {  	[tilespmem:s25], [sflag:$0x1] =	stream.linear.gather [hbm4b:s5+s0], $0x80, $0x38;
	[tilespmem:$0x1CD80] =	vst v63  }
0x34f: {  	s5 =	sand.u32 $0x1FFFFFF0, s26  }
0x350: {  	s29 =	simm.s32 $0x3500;
	s5 =	sadd.s32 s3, s5  }
0x351: {  	[tilespmem:s29], [sflag:$0x1] =	stream.linear.gather [hbm4b:s5+s0], $0x80, $0x38;
	[tilespmem:$0x1CD80] =	vst v63  }
0x352: {  	v62 =	vld [tilespmem:s1+$0x2A0];
	_ =	sdelay $0x4  }
0x353: {  	v0 =	vshll.u32 v62, $0x4  }
0x354: {  	(v2sf) =	vpush v0, $0x0;
	_ =	sdelay $0x1  }
0x355: {  	(v2sf) =	vpush v0, $0x1;
	_ =	sdelay $0x1  }
0x356: {  	(v2sf) =	vpush v0, $0x2;
	_ =	sdelay $0x2  }
0x357: {  	(v2sf) =	vpush v0, $0x3;
	_ =	sdelay $0x7  }
0x358: {  	s7 =	spop (v2sf);
	(v2sf) =	vpush v0, $0x4;
	_ =	sdelay $0x1  }
0x359: {  	s9 =	spop (v2sf);
	(v2sf) =	vpush v0, $0x5;
	_ =	sdelay $0x1  }
0x35a: {  	s11 =	spop (v2sf);
	(v2sf) =	vpush v0, $0x6;
	_ =	sdelay $0x1  }
0x35b: {  	s1 =	sand.u32 $0x1FFFFFF0, s7  }
0x35c: {  	s8 =	simm.s32 $0x3D80;
	s1 =	sadd.s32 s4, s1;
	s13 =	spop (v2sf);
	(v2sf) =	vpush v0, $0x7  }
0x35d: {  	[tilespmem:s8], [sflag:$0x1] =	stream.linear.gather [hbm4b:s1+s0], $0x80, $0x38;
	[tilespmem:$0x1CD80] =	vst v63  }
0x35e: {  	s1 =	sand.u32 $0x1FFFFFF0, s9  }
0x35f: {  	s10 =	simm.s32 $0x3E00;
	s1 =	sadd.s32 s4, s1  }
0x360: {  	[tilespmem:s10], [sflag:$0x1] =	stream.linear.gather [hbm4b:s1+s0], $0x80, $0x38;
	[tilespmem:$0x1CD80] =	vst v63  }
0x361: {  	s1 =	sand.u32 $0x1FFFFFF0, s11  }
0x362: {  	s12 =	simm.s32 $0x3E80;
	s1 =	sadd.s32 s4, s1  }
0x363: {  	[tilespmem:s12], [sflag:$0x1] =	stream.linear.gather [hbm4b:s1+s0], $0x80, $0x38;
	[tilespmem:$0x1CD80] =	vst v63  }
0x364: {  	s15 =	spop (v2sf);
	(v2sf) =	vpush v0, $0x8  }
0x365: {  	s1 =	sand.u32 $0x1FFFFFF0, s13  }
0x366: {  	s14 =	simm.s32 $0x3F00;
	s1 =	sadd.s32 s4, s1;
	s17 =	spop (v2sf);
	(v2sf) =	vpush v0, $0x9  }
0x367: {  	[tilespmem:s14], [sflag:$0x1] =	stream.linear.gather [hbm4b:s1+s0], $0x80, $0x38;
	[tilespmem:$0x1CD80] =	vst v63  }
0x368: {  	s1 =	sand.u32 $0x1FFFFFF0, s15;
	s19 =	spop (v2sf);
	(v2sf) =	vpush v0, $0xA  }
0x369: {  	s16 =	simm.s32 $0x3F80;
	s1 =	sadd.s32 s4, s1  }
0x36a: {  	[tilespmem:s16], [sflag:$0x1] =	stream.linear.gather [hbm4b:s1+s0], $0x80, $0x38;
	[tilespmem:$0x1CD80] =	vst v63  }
0x36b: {  	s21 =	spop (v2sf);
	(v2sf) =	vpush v0, $0xB  }
0x36c: {  	s1 =	sand.u32 $0x1FFFFFF0, s17  }
0x36d: {  	s18 =	simm.s32 $0x4000;
	s1 =	sadd.s32 s4, s1  }
0x36e: {  	[tilespmem:s18], [sflag:$0x1] =	stream.linear.gather [hbm4b:s1+s0], $0x80, $0x38;
	[tilespmem:$0x1CD80] =	vst v63  }
0x36f: {  	s1 =	sand.u32 $0x1FFFFFF0, s19  }
0x370: {  	s20 =	simm.s32 $0x4080;
	s1 =	sadd.s32 s4, s1  }
0x371: {  	[tilespmem:s20], [sflag:$0x1] =	stream.linear.gather [hbm4b:s1+s0], $0x80, $0x38;
	[tilespmem:$0x1CD80] =	vst v63  }
0x372: {  	s1 =	sand.u32 $0x1FFFFFF0, s21  }
0x373: {  	s22 =	simm.s32 $0x4100;
	s1 =	sadd.s32 s4, s1;
	s24 =	spop (v2sf);
	(v2sf) =	vpush v0, $0xC  }
0x374: {  	[tilespmem:s22], [sflag:$0x1] =	stream.linear.gather [hbm4b:s1+s0], $0x80, $0x38;
	[tilespmem:$0x1CD80] =	vst v63  }
0x375: {  	s26 =	spop (v2sf);
	(v2sf) =	vpush v0, $0xD  }
0x376: {  	s1 =	sand.u32 $0x1FFFFFF0, s24  }
0x377: {  	s25 =	simm.s32 $0x4180;
	s1 =	sadd.s32 s4, s1;
	s5 =	spop (v2sf)  }
0x378: {  	(v2sf) =	vpush v0, $0xE;
	[tilespmem:s25], [sflag:$0x1] =	stream.linear.gather [hbm4b:s1+s0], $0x80, $0x38;
	[tilespmem:$0x1CD80] =	vst v63  }
0x379: {  	s1 =	sand.u32 $0x1FFFFFF0, s26  }
0x37a: {  	s29 =	simm.s32 $0x4200;
	s7 =	spop (v2sf);
	s1 =	sadd.s32 s4, s1  }
0x37b: {  	(v2sf) =	vpush v0, $0xF;
	[tilespmem:s29], [sflag:$0x1] =	stream.linear.gather [hbm4b:s1+s0], $0x80, $0x38;
	[tilespmem:$0x1CD80] =	vst v63  }
0x37c: {  	s1 =	sand.u32 $0x1FFFFFF0, s5  }
0x37d: {  	s6 =	simm.s32 $0x4280;
	s1 =	sadd.s32 s4, s1  }
0x37e: {  	[tilespmem:s6], [sflag:$0x1] =	stream.linear.gather [hbm4b:s1+s0], $0x80, $0x38;
	[tilespmem:$0x1CD80] =	vst v63  }
0x37f: {  	s1 =	sand.u32 $0x1FFFFFF0, s7  }
0x380: {  	s8 =	simm.s32 $0x4300;
	s1 =	sadd.s32 s4, s1  }
0x381: {  	[tilespmem:s8], [sflag:$0x1] =	stream.linear.gather [hbm4b:s1+s0], $0x80, $0x38;
	[tilespmem:$0x1CD80] =	vst v63  }
0x382: {  	s9 =	spop (v2sf)  }
0x383: {  	s1 =	sand.u32 $0x1FFFFFF0, s9  }
0x384: {  	s10 =	simm.s32 $0x4380;
	s11 =	spop (v2sf);
	s1 =	sadd.s32 s4, s1  }
0x385: {  	[tilespmem:s10], [sflag:$0x1] =	stream.linear.gather [hbm4b:s1+s0], $0x80, $0x38;
	[tilespmem:$0x1CD80] =	vst v63  }
0x386: {  	s1 =	sand.u32 $0x1FFFFFF0, s11  }
0x387: {  	s12 =	simm.s32 $0x4400;
	s13 =	spop (v2sf);
	s1 =	sadd.s32 s4, s1  }
0x388: {  	[tilespmem:s12], [sflag:$0x1] =	stream.linear.gather [hbm4b:s1+s0], $0x80, $0x38;
	[tilespmem:$0x1CD80] =	vst v63  }
0x389: {  	s1 =	sand.u32 $0x1FFFFFF0, s13  }
0x38a: {  	s14 =	simm.s32 $0x4480;
	s15 =	spop (v2sf);
	s1 =	sadd.s32 s4, s1  }
0x38b: {  	[tilespmem:s14], [sflag:$0x1] =	stream.linear.gather [hbm4b:s1+s0], $0x80, $0x38;
	[tilespmem:$0x1CD80] =	vst v63  }
0x38c: {  	s1 =	sand.u32 $0x1FFFFFF0, s15  }
0x38d: {  	s16 =	simm.s32 $0x4500;
	s17 =	sadd.s32 $0x0, s28;
	s1 =	sadd.s32 s4, s1  }
0x38e: {  	[tilespmem:s16], [sflag:$0x1] =	stream.linear.gather [hbm4b:s1+s0], $0x80, $0x38;
	[tilespmem:$0x1CD80] =	vst v63  }
0x38f: {  	s1 =	sand.u32 $0xFF80, s17;
	s0 =	sand.u32 $0x70, s0  }
0x390: {  	s0 =	sor.u32 s0, s1  }
0x391: {  	v63 =	vld [tilespmem:s0+$0x500];
	_ =	sdelay $0x4  }
0x392: {  	v0 =	vshll.u32 v63, $0x4  }
0x393: {  	(v2sf) =	vpush v0, $0x0  }
0x394: {  	(v2sf) =	vpush v0, $0x1  }
0x395: {  	(v2sf) =	vpush v0, $0x2;
	_ =	sdelay $0x1  }
0x396: {  	(v2sf) =	vpush v0, $0x3;
	_ =	sdelay $0x2  }
0x397: {  	(v2sf) =	vpush v0, $0x4;
	_ =	sdelay $0x1  }
0x398: {  	(v2sf) =	vpush v0, $0x5;
	_ =	sdelay $0x1  }
0x399: {  	(v2sf) =	vpush v0, $0x6;
	_ =	sdelay $0x1  }
0x39a: {  	s18 =	simm.s32 $0x4F80;
	s20 =	simm.s32 $0x4E80  }
0x39b: {  	s22 =	simm.s32 $0x4F00;
	s5 =	simm.s32 $0x10;
	s29 =	simm.s32 $0x5000  }
0x39c: {  	s6 =	simm.s32 $0x0;
	s7 =	simm.s32 $0x4E00;
	(v2sf) =	vpush v0, $0x7;
	s8 =	spop (v2sf)  }
0x39d: {  	s10 =	sadd.s32 $0x10, s28;
	s8 =	sand.u32 $0x1FFFFFF0, s8;
	s9 =	spop (v2sf)  }
0x39e: {  	s12 =	simm.s32 $0x4D80;
	(v2sf) =	vpush v0, $0x8;
	s8 =	sadd.s32 s4, s8;
	s19 =	spop (v2sf)  }
0x39f: {  	(v2sf) =	vpush v0, $0x9;
	[tilespmem:s12], [sflag:$0x1] =	stream.linear.gather [hbm4b:s8+s2], $0x80, $0x38;
	[tilespmem:$0x1CD80] =	vst v63  }
0x3a0: {  	s11 =	simm.s32 $0x5080;
	s9 =	sand.u32 $0x1FFFFFF0, s9;
	s21 =	spop (v2sf);
	(v2sf) =	vpush v0, $0xA  }
0x3a1: {  	s13 =	simm.s32 $0x5100;
	s9 =	sadd.s32 s4, s9;
	s8 =	sand.u32 $0x1FFFFFF0, s19  }
0x3a2: {  	[tilespmem:s7], [sflag:$0x1] =	stream.linear.gather [hbm4b:s9+s2], $0x80, $0x38;
	[tilespmem:$0x1CD80] =	vst v63  }
0x3a3: {  	s14 =	spop (v2sf);
	s8 =	sadd.s32 s4, s8;
	s9 =	sand.u32 $0x1FFFFFF0, s21  }
0x3a4: {  	[tilespmem:s20], [sflag:$0x1] =	stream.linear.gather [hbm4b:s8+s2], $0x80, $0x38;
	[tilespmem:$0x1CD80] =	vst v63  }
0x3a5: {  	(v2sf) =	vpush v0, $0xB;
	s14 =	sand.u32 $0x1FFFFFF0, s14;
	s25 =	spop (v2sf);
	s24 =	sadd.s32 s4, s9  }
0x3a6: {  	[tilespmem:s22], [sflag:$0x1] =	stream.linear.gather [hbm4b:s24+s2], $0x80, $0x38;
	[tilespmem:$0x1CD80] =	vst v63  }
0x3a7: {  	s26 =	sadd.s32 s4, s14;
	s7 =	sand.u32 $0x1FFFFFF0, s25;
	s15 =	spop (v2sf)  }
0x3a8: {  	[tilespmem:s18], [sflag:$0x1] =	stream.linear.gather [hbm4b:s26+s2], $0x80, $0x38;
	[tilespmem:$0x1CD80] =	vst v63  }
0x3a9: {  	s1 =	simm.s32 $0x4000;
	(v2sf) =	vpush v0, $0xC;
	s14 =	sand.u32 $0x1FFFFFF0, s15;
	s7 =	sadd.s32 s4, s7  }
0x3aa: {  	[tilespmem:s29], [sflag:$0x1] =	stream.linear.gather [hbm4b:s7+s2], $0x80, $0x38;
	[tilespmem:$0x1CD80] =	vst v63  }
0x3ab: {  	s0 =	simm.s32 $0x2000;
	s15 =	spop (v2sf);
	(v2sf) =	vpush v0, $0xD;
	s16 =	sadd.s32 s4, s14  }
0x3ac: {  	[tilespmem:s11], [sflag:$0x1] =	stream.linear.gather [hbm4b:s16+s2], $0x80, $0x38;
	[tilespmem:$0x1CD80] =	vst v63  }
0x3ad: {  	s12 =	sand.u32 $0xFF80, s10;
	s9 =	simm.s32 $0x5300;
	s18 =	spop (v2sf);
	(v2sf) =	vpush v0, $0xE  }
0x3ae: {  	s8 =	simm.s32 $0x5280;
	s17 =	sand.u32 $0x1FFFFFF0, s15;
	s19 =	spop (v2sf)  }
0x3af: {  	s20 =	simm.s32 $0x5180;
	s10 =	sadd.s32 s4, s17;
	s24 =	spop (v2sf);
	(v2sf) =	vpush v0, $0xF  }
0x3b0: {  	s22 =	simm.s32 $0x5200;
	s7 =	simm.s32 $0x5500;
	s11 =	sand.u32 $0x1FFFFFF0, s18  }
0x3b1: {  	[tilespmem:s13], [sflag:$0x1] =	stream.linear.gather [hbm4b:s10+s2], $0x80, $0x38;
	[tilespmem:$0x1CD80] =	vst v63  }
0x3b2: {  	s21 =	sand.u32 $0x1FFFFFF0, s19;
	s11 =	sadd.s32 s4, s11;
	s10 =	simm.s32 $0x5400  }
0x3b3: {  	[tilespmem:s20], [sflag:$0x1] =	stream.linear.gather [hbm4b:s11+s2], $0x80, $0x38;
	[tilespmem:$0x1CD80] =	vst v63  }
0x3b4: {  	s25 =	sadd.s32 s4, s21;
	s26 =	sand.u32 $0x1FFFFFF0, s24;
	s29 =	spop (v2sf)  }
0x3b5: {  	s11 =	simm.s32 $0x5380;
	s14 =	sadd.s32 s4, s26;
	s13 =	sand.u32 $0x1FFFFFF0, s29  }
0x3b6: {  	[tilespmem:s22], [sflag:$0x1] =	stream.linear.gather [hbm4b:s25+s2], $0x80, $0x38;
	[tilespmem:$0x1CD80] =	vst v63  }
.LBB2_10:
0x3b7: {  	p0 =	sne.s32 s1, $0x26000  }
0x3b8: {  	s15 =	sand.u32 $0x70, s5;
	s16 =	spop (v2sf);
	s17 =	smov.u32 s1  }
0x3b9: {  	[tilespmem:s8], [sflag:$0x1] =	stream.linear.gather [hbm4b:s14+s2], $0x80, $0x38;
	[tilespmem:$0x1CD80] =	vst v63  }
0x3ba: {  	s8 =	sadd.s32 s4, s13;
	s13 =	sand.u32 $0x1FFFFFF0, s16;
	s14 =	spop (v2sf)  }
0x3bb: {  	[tilespmem:s9], [sflag:$0x1] =	stream.linear.gather [hbm4b:s8+s2], $0x80, $0x38;
	[tilespmem:$0x1CD80] =	vst v63  }
0x3bc: {  	s8 =	sadd.s32 s4, s13;
	s9 =	sand.u32 $0x1FFFFFF0, s14;
	s13 =	spop (v2sf)  }
0x3bd: {  	[tilespmem:s11], [sflag:$0x1] =	stream.linear.gather [hbm4b:s8+s2], $0x80, $0x38;
	[tilespmem:$0x1CD80] =	vst v63  }
0x3be: {  	s8 =	sadd.s32 s4, s9;
	s9 =	sand.u32 $0x1FFFFFF0, s13;
	s11 =	spop (v2sf)  }
0x3bf: {  	[tilespmem:s10], [sflag:$0x1] =	stream.linear.gather [hbm4b:s8+s2], $0x80, $0x38;
	[tilespmem:$0x1CD80] =	vst v63  }
0x3c0: {  	s6 =	sadd.s32 $0x5480, s6;
	s8 =	sadd.s32 s4, s9;
	s9 =	sand.u32 $0x1FFFFFF0, s11  }
0x3c1: {  	[tilespmem:s6], [sflag:$0x1] =	stream.linear.gather [hbm4b:s8+s2], $0x80, $0x38;
	[tilespmem:$0x1CD80] =	vst v63  }
0x3c2: {  	s1 =	sadd.s32 $0x2000, s1;
	s6 =	sor.u32 s15, s12;
	s8 =	sadd.s32 s4, s9  }
0x3c3: {  	[tilespmem:s7], [sflag:$0x1] =	stream.linear.gather [hbm4b:s8+s2], $0x80, $0x38;
	[tilespmem:$0x1CD80] =	vst v63  }
0x3c4: {  	v0 =	vld [tilespmem:s6+$0x500];
	_ =	sdelay $0x4  }
0x3c5: {  	v0 =	vshll.u32 v0, $0x4  }
0x3c6: {  	(v2sf) =	vpush v0, $0x0  }
0x3c7: {  	(v2sf) =	vpush v0, $0x1  }
0x3c8: {  	(v2sf) =	vpush v0, $0x2  }
0x3c9: {  	(v2sf) =	vpush v0, $0x3;
	_ =	sdelay $0x1  }
0x3ca: {  	(v2sf) =	vpush v0, $0x4;
	_ =	sdelay $0x1  }
0x3cb: {  	s5 =	sadd.s32 $0x10, s5;
	(v2sf) =	vpush v0, $0x5  }
0x3cc: {  	s10 =	sadd.s32 s5, s28;
	s6 =	sshra.s32 s0, $0x2;
	s0 =	smov.u32 s17  }
0x3cd: {  	s18 =	sadd.s32 $0x4E00, s6;
	s14 =	sadd.s32 $0x5080, s6;
	s13 =	sadd.s32 $0x5100, s6;
	(v2sf) =	vpush v0, $0x6  }
0x3ce: {  	s19 =	sadd.s32 $0x4D80, s6;
	s20 =	sadd.s32 $0x4F80, s6;
	s8 =	sadd.s32 $0x5280, s6  }
0x3cf: {  	s17 =	sadd.s32 $0x5000, s6;
	s9 =	sadd.s32 $0x5300, s6;
	s7 =	sadd.s32 $0x5500, s6;
	(v2sf) =	vpush v0, $0x7  }
0x3d0: {  	s12 =	sand.u32 $0xFF80, s10;
	s15 =	sadd.s32 $0x5180, s6;
	s11 =	sadd.s32 $0x5380, s6  }
0x3d1: {  	s10 =	sadd.s32 $0x5400, s6;
	(v2sf) =	vpush v0, $0x8  }
0x3d2: {  	s16 =	sadd.s32 $0x5200, s6  }
0x3d3: {  	s21 =	sadd.s32 $0x4F00, s6;
	s22 =	spop (v2sf);
	(v2sf) =	vpush v0, $0x9  }
0x3d4: {  	s22 =	sand.u32 $0x1FFFFFF0, s22;
	s25 =	spop (v2sf)  }
0x3d5: {  	s26 =	sadd.s32 $0x4E80, s6;
	s25 =	sand.u32 $0x1FFFFFF0, s25;
	s24 =	spop (v2sf);
	(v2sf) =	vpush v0, $0xA  }
0x3d6: {  	s22 =	sadd.s32 s4, s22;
	s24 =	sand.u32 $0x1FFFFFF0, s24;
	s29 =	spop (v2sf)  }
0x3d7: {  	[tilespmem:s19], [sflag:$0x1] =	stream.linear.gather [hbm4b:s22+s2], $0x80, $0x38;
	(v2sf) =	vpush v0, $0xB;
	[tilespmem:$0x1CD80] =	vst v63  }
0x3d8: {  	s19 =	sadd.s32 s4, s25;
	s22 =	sand.u32 $0x1FFFFFF0, s29;
	s25 =	spop (v2sf)  }
0x3d9: {  	[tilespmem:s18], [sflag:$0x1] =	stream.linear.gather [hbm4b:s19+s2], $0x80, $0x38;
	[tilespmem:$0x1CD80] =	vst v63  }
0x3da: {  	s18 =	sadd.s32 s4, s24;
	s19 =	sand.u32 $0x1FFFFFF0, s25;
	s24 =	spop (v2sf)  }
0x3db: {  	[tilespmem:s26], [sflag:$0x1] =	stream.linear.gather [hbm4b:s18+s2], $0x80, $0x38;
	(v2sf) =	vpush v0, $0xC;
	[tilespmem:$0x1CD80] =	vst v63  }
0x3dc: {  	s18 =	sadd.s32 s4, s22;
	s22 =	sand.u32 $0x1FFFFFF0, s24;
	s24 =	spop (v2sf)  }
0x3dd: {  	[tilespmem:s21], [sflag:$0x1] =	stream.linear.gather [hbm4b:s18+s2], $0x80, $0x38;
	(v2sf) =	vpush v0, $0xD;
	[tilespmem:$0x1CD80] =	vst v63  }
0x3de: {  	s18 =	sadd.s32 s4, s19;
	s19 =	sand.u32 $0x1FFFFFF0, s24;
	s21 =	spop (v2sf)  }
0x3df: {  	[tilespmem:s20], [sflag:$0x1] =	stream.linear.gather [hbm4b:s18+s2], $0x80, $0x38;
	(v2sf) =	vpush v0, $0xE;
	[tilespmem:$0x1CD80] =	vst v63  }
0x3e0: {  	s18 =	sadd.s32 s4, s22;
	s20 =	sand.u32 $0x1FFFFFF0, s21;
	s21 =	spop (v2sf)  }
0x3e1: {  	[tilespmem:s17], [sflag:$0x1] =	stream.linear.gather [hbm4b:s18+s2], $0x80, $0x38;
	(v2sf) =	vpush v0, $0xF;
	[tilespmem:$0x1CD80] =	vst v63  }
0x3e2: {  	s17 =	sadd.s32 s4, s19;
	s18 =	sand.u32 $0x1FFFFFF0, s21;
	s19 =	spop (v2sf)  }
0x3e3: {  	[tilespmem:s14], [sflag:$0x1] =	stream.linear.gather [hbm4b:s17+s2], $0x80, $0x38;
	[tilespmem:$0x1CD80] =	vst v63  }
0x3e4: {  	s14 =	sadd.s32 s4, s20;
	s17 =	sand.u32 $0x1FFFFFF0, s19;
	s19 =	spop (v2sf)  }
0x3e5: {  	[tilespmem:s13], [sflag:$0x1] =	stream.linear.gather [hbm4b:s14+s2], $0x80, $0x38;
	[tilespmem:$0x1CD80] =	vst v63  }
.Ltmp4:
0x3e6: {  	_ = 	snop;
	(pc) =	sbr.rel @p0 .LBB2_10-.Ltmp4, $4  }
0x3e7: {  	s13 =	sadd.s32 s4, s18;
	s14 =	sand.u32 $0x1FFFFFF0, s19;
	s18 =	spop (v2sf)  }
0x3e8: {  	[tilespmem:s15], [sflag:$0x1] =	stream.linear.gather [hbm4b:s13+s2], $0x80, $0x38;
	[tilespmem:$0x1CD80] =	vst v63  }
0x3e9: {  	s14 =	sadd.s32 s4, s14;
	s15 =	sadd.s32 s4, s17;
	s13 =	sand.u32 $0x1FFFFFF0, s18  }
0x3ea: {  	[tilespmem:s16], [sflag:$0x1] =	stream.linear.gather [hbm4b:s15+s2], $0x80, $0x38;
	[tilespmem:$0x1CD80] =	vst v63  }
0x3eb: {  	s1 =	sand.u32 $0x70, s5;
	s24 =	spop (v2sf)  }
0x3ec: {  	[tilespmem:s8], [sflag:$0x1] =	stream.linear.gather [hbm4b:s14+s2], $0x80, $0x38;
	[tilespmem:$0x1CD80] =	vst v63  }
0x3ed: {  	s25 =	sadd.s32 s4, s13;
	s5 =	sand.u32 $0x1FFFFFF0, s24;
	s26 =	spop (v2sf)  }
0x3ee: {  	[tilespmem:s9], [sflag:$0x1] =	stream.linear.gather [hbm4b:s25+s2], $0x80, $0x38;
	[tilespmem:$0x1CD80] =	vst v63  }
0x3ef: {  	s5 =	sadd.s32 s4, s5;
	s13 =	sand.u32 $0x1FFFFFF0, s26;
	s14 =	spop (v2sf)  }
0x3f0: {  	[tilespmem:s11], [sflag:$0x1] =	stream.linear.gather [hbm4b:s5+s2], $0x80, $0x38;
	[tilespmem:$0x1CD80] =	vst v63  }
0x3f1: {  	s15 =	sadd.s32 s4, s13;
	s16 =	sand.u32 $0x1FFFFFF0, s14;
	s17 =	spop (v2sf)  }
0x3f2: {  	[tilespmem:s10], [sflag:$0x1] =	stream.linear.gather [hbm4b:s15+s2], $0x80, $0x38;
	[tilespmem:$0x1CD80] =	vst v63  }
0x3f3: {  	s18 =	sadd.s32 $0x5480, s6;
	s19 =	sadd.s32 s4, s16;
	s20 =	sand.u32 $0x1FFFFFF0, s17  }
0x3f4: {  	[tilespmem:s18], [sflag:$0x1] =	stream.linear.gather [hbm4b:s19+s2], $0x80, $0x38;
	[tilespmem:$0x1CD80] =	vst v63  }
0x3f5: {  	s1 =	sor.u32 s1, s12;
	s21 =	sadd.s32 s4, s20  }
0x3f6: {  	[tilespmem:s7], [sflag:$0x1] =	stream.linear.gather [hbm4b:s21+s2], $0x80, $0x38;
	[tilespmem:$0x1CD80] =	vst v63  }
0x3f7: {  	v0 =	vld [tilespmem:s1+$0x500];
	_ =	sdelay $0x4  }
0x3f8: {  	v0 =	vshll.u32 v0, $0x4  }
0x3f9: {  	(v2sf) =	vpush v0, $0x0  }
0x3fa: {  	(v2sf) =	vpush v0, $0x1  }
0x3fb: {  	(v2sf) =	vpush v0, $0x2;
	_ =	sdelay $0x1  }
0x3fc: {  	(v2sf) =	vpush v0, $0x3;
	_ =	sdelay $0x1  }
0x3fd: {  	(v2sf) =	vpush v0, $0x4;
	_ =	sdelay $0x1  }
0x3fe: {  	(v2sf) =	vpush v0, $0x5;
	_ =	sdelay $0x1  }
0x3ff: {  	s0 =	sshra.s32 s0, $0x2;
	(v2sf) =	vpush v0, $0x6  }
0x400: {  	s29 =	rddreg [dreg:$0xe];
	s22 =	sadd.s32 $0x4E00, s0  }
0x401: {  	s24 =	sadd.s32 $0x4D80, s0;
	s12 =	sadd.s32 $0x4F80, s0;
	s6 =	sadd.s32 $0x5300, s0;
	(v2sf) =	vpush v0, $0x7  }
0x402: {  	s9 =	sadd.s32 $0x5080, s0;
	s13 =	sadd.s32 $0x5000, s0;
	s14 =	sadd.s32 $0x5180, s0  }
0x403: {  	s5 =	sadd.s32 $0x5380, s0;
	s16 =	sadd.s32 $0x5200, s0;
	s10 =	sadd.s32 $0x5100, s0;
	(v2sf) =	vpush v0, $0x8  }
0x404: {  	s18 =	sadd.s32 $0x4F00, s0;
	s19 =	sadd.s32 $0x4E80, s0;
	s15 =	spop (v2sf)  }
0x405: {  	s7 =	sadd.s32 $0x5280, s0;
	(v2sf) =	vpush v0, $0x9;
	s17 =	spop (v2sf);
	s15 =	sand.u32 $0x1FFFFFF0, s15  }
0x406: {  	(v2sf) =	vpush v0, $0xA;
	s17 =	sand.u32 $0x1FFFFFF0, s17;
	s20 =	spop (v2sf);
	s15 =	sadd.s32 s4, s15  }
0x407: {  	[tilespmem:s24], [sflag:$0x1] =	stream.linear.gather [hbm4b:s15+s2], $0x80, $0x38;
	[tilespmem:$0x1CD80] =	vst v63  }
0x408: {  	(v2sf) =	vpush v0, $0xB;
	s25 =	sand.u32 $0x1FFFFFF0, s20;
	s26 =	spop (v2sf);
	s17 =	sadd.s32 s4, s17  }
0x409: {  	[tilespmem:s22], [sflag:$0x1] =	stream.linear.gather [hbm4b:s17+s2], $0x80, $0x38;
	[tilespmem:$0x1CD80] =	vst v63  }
0x40a: {  	(v2sf) =	vpush v0, $0xC;
	s20 =	sand.u32 $0x1FFFFFF0, s26;
	s21 =	spop (v2sf);
	s11 =	sadd.s32 s4, s25  }
0x40b: {  	[tilespmem:s19], [sflag:$0x1] =	stream.linear.gather [hbm4b:s11+s2], $0x80, $0x38;
	[tilespmem:$0x1CD80] =	vst v63  }
0x40c: {  	(v2sf) =	vpush v0, $0xD;
	s22 =	sand.u32 $0x1FFFFFF0, s21;
	s24 =	spop (v2sf);
	s8 =	sadd.s32 s4, s20  }
0x40d: {  	[tilespmem:s18], [sflag:$0x1] =	stream.linear.gather [hbm4b:s8+s2], $0x80, $0x38;
	[tilespmem:$0x1CD80] =	vst v63  }
0x40e: {  	(v2sf) =	vpush v0, $0xE;
	s25 =	sand.u32 $0x1FFFFFF0, s24;
	s26 =	spop (v2sf);
	s11 =	sadd.s32 s4, s22  }
0x40f: {  	[tilespmem:s12], [sflag:$0x1] =	stream.linear.gather [hbm4b:s11+s2], $0x80, $0x38;
	[tilespmem:$0x1CD80] =	vst v63  }
0x410: {  	(v2sf) =	vpush v0, $0xF;
	s15 =	sand.u32 $0x1FFFFFF0, s26;
	s17 =	spop (v2sf);
	s8 =	sadd.s32 s4, s25  }
0x411: {  	[tilespmem:s13], [sflag:$0x1] =	stream.linear.gather [hbm4b:s8+s2], $0x80, $0x38;
	[tilespmem:$0x1CD80] =	vst v63  }
0x412: {  	s1 =	sadd.s32 $0x5400, s0;
	s19 =	spop (v2sf);
	s11 =	sadd.s32 s4, s15  }
0x413: {  	[tilespmem:s9], [sflag:$0x1] =	stream.linear.gather [hbm4b:s11+s2], $0x80, $0x38;
	[tilespmem:$0x1CD80] =	vst v63  }
0x414: {  	s18 =	sand.u32 $0x1FFFFFF0, s17;
	s20 =	sand.u32 $0x1FFFFFF0, s19;
	s21 =	spop (v2sf)  }
0x415: {  	s8 =	sadd.s32 s4, s18;
	s9 =	sadd.s32 s4, s20;
	s24 =	spop (v2sf)  }
0x416: {  	[tilespmem:s10], [sflag:$0x1] =	stream.linear.gather [hbm4b:s8+s2], $0x80, $0x38;
	[tilespmem:$0x1CD80] =	vst v63  }
0x417: {  	s22 =	sand.u32 $0x1FFFFFF0, s21;
	s25 =	sand.u32 $0x1FFFFFF0, s24;
	s26 =	spop (v2sf)  }
0x418: {  	[tilespmem:s14], [sflag:$0x1] =	stream.linear.gather [hbm4b:s9+s2], $0x80, $0x38;
	[tilespmem:$0x1CD80] =	vst v63  }
0x419: {  	s8 =	sadd.s32 s4, s22;
	s22 =	sadd.s32 $0x5480, s0;
	s12 =	spop (v2sf)  }
0x41a: {  	[tilespmem:s16], [sflag:$0x1] =	stream.linear.gather [hbm4b:s8+s2], $0x80, $0x38;
	[tilespmem:$0x1CD80] =	vst v63  }
0x41b: {  	s11 =	sand.u32 $0x1FFFFFF0, s26;
	s9 =	sadd.s32 s4, s25;
	s15 =	spop (v2sf)  }
0x41c: {  	[tilespmem:s7], [sflag:$0x1] =	stream.linear.gather [hbm4b:s9+s2], $0x80, $0x38;
	[tilespmem:$0x1CD80] =	vst v63  }
0x41d: {  	s13 =	sadd.s32 s4, s11;
	s14 =	sand.u32 $0x1FFFFFF0, s12;
	s18 =	spop (v2sf)  }
0x41e: {  	[tilespmem:s6], [sflag:$0x1] =	stream.linear.gather [hbm4b:s13+s2], $0x80, $0x38;
	[tilespmem:$0x1CD80] =	vst v63  }
0x41f: {  	s17 =	sand.u32 $0x1FFFFFF0, s15;
	s16 =	sadd.s32 s4, s14;
	s21 =	spop (v2sf)  }
0x420: {  	[tilespmem:s5], [sflag:$0x1] =	stream.linear.gather [hbm4b:s16+s2], $0x80, $0x38;
	[tilespmem:$0x1CD80] =	vst v63  }
0x421: {  	s19 =	sadd.s32 s4, s17;
	s20 =	sand.u32 $0x1FFFFFF0, s18;
	s25 =	sand.u32 $0x1FFFFFF0, s21  }
0x422: {  	[tilespmem:s1], [sflag:$0x1] =	stream.linear.gather [hbm4b:s19+s2], $0x80, $0x38;
	[tilespmem:$0x1CD80] =	vst v63  }
0x423: {  	s24 =	sadd.s32 s4, s20;
	s26 =	sadd.s32 s4, s25;
	s25 =	rddreg [dreg:$0xc]  }
0x424: {  	[tilespmem:s22], [sflag:$0x1] =	stream.linear.gather [hbm4b:s24+s2], $0x80, $0x38;
	[tilespmem:$0x1CD80] =	vst v63  }
0x425: {  	s0 =	sadd.s32 $0x5500, s0;
	s24 =	rddreg [dreg:$0xb]  }
0x426: {  	[tilespmem:s0], [sflag:$0x1] =	stream.linear.gather [hbm4b:s26+s2], $0x80, $0x38;
	[tilespmem:$0x1CD80] =	vst v63  }
0x427: {  	s26 =	rddreg [dreg:$0xd]  }
.LBB2_12:
0x428: {  	s0 =	simm.s32 $0x2  }
0x429: {  	_ =	swait.ge [sflag:s0], $0x800  }
0x42a: {  	[sflag:s0] =	ssyncset.done $0x0  }
0x42b: {  	[sflag:s0] =	ssyncadd.s32 $0xFFFFF800  }
0x42c: {  	_ =	swait.ge [sflag:s0], $0x800  }
0x42d: {  	[sflag:s0] =	ssyncset.done $0x0  }
0x42e: {  	[sflag:s0] =	ssyncadd.s32 $0xFFFFF800  }
0x42f: {  	_ =	swait.ge [sflag:s0], $0xA000  }
0x430: {  	[sflag:s0] =	ssyncset.done $0x0  }
0x431: {  	s22 =	simm.s32 $0x45B0;
	[sflag:s0] =	ssyncadd.s32 $0xFFFF6000  }
0x432: {  	v7 =	vld [tilespmem:s22+$0xFFFFFFD0]  }
0x433: {  	v4 =	vld [tilespmem:s22+$0xFFFFFFE0]  }
0x434: {  	v1 =	vld [tilespmem:s22+$0xFFFFFFF0]  }
0x435: {  	s1 =	simm.s32 $0x0;
	v0 =	vld [tilespmem:s22+$0x0]  }
0x436: {  	v5 =	vld [tilespmem:s1+$0xF700]  }
0x437: {  	v6 =	vld [tilespmem:s1+$0xF710]  }
0x438: {  	v2 =	vld [tilespmem:s1+$0xF720]  }
0x439: {  	v3 =	vld [tilespmem:s1+$0xF730]  }
0x43a: {  	v10 =	vld [tilespmem:s1+$0xF680]  }
0x43b: {  	v11 =	vld [tilespmem:s1+$0xF690]  }
0x43c: {  	v8 =	vld [tilespmem:s1+$0xF6A0]  }
0x43d: {  	v9 =	vld [tilespmem:s1+$0xF6B0]  }
0x43e: {  	v12 =	vld [tilespmem:s1+$0xF600]  }
0x43f: {  	v13 =	vld [tilespmem:s1+$0xF610]  }
0x440: {  	v14 =	vld [tilespmem:s1+$0xF580]  }
0x441: {  	v15 =	vld [tilespmem:s1+$0xF590]  }
0x442: {  	v16 =	vld [tilespmem:s1+$0xF500]  }
0x443: {  	v17 =	vld [tilespmem:s1+$0xF510]  }
0x444: {  	v18 =	vld [tilespmem:s1+$0xF480]  }
0x445: {  	v19 =	vld [tilespmem:s1+$0xF490]  }
0x446: {  	v20 =	vld [tilespmem:s1+$0xF400]  }
0x447: {  	v21 =	vld [tilespmem:s1+$0xF410]  }
0x448: {  	v22 =	vld [tilespmem:s1+$0xF380]  }
0x449: {  	v23 =	vld [tilespmem:s1+$0xF390]  }
0x44a: {  	v24 =	vld [tilespmem:s1+$0xF300]  }
0x44b: {  	v25 =	vld [tilespmem:s1+$0xF310]  }
0x44c: {  	v26 =	vld [tilespmem:s1+$0xF280]  }
0x44d: {  	v27 =	vld [tilespmem:s1+$0xF290]  }
0x44e: {  	v28 =	vld [tilespmem:s1+$0xF200]  }
0x44f: {  	v29 =	vld [tilespmem:s1+$0xF210]  }
0x450: {  	v30 =	vld [tilespmem:s1+$0xF180]  }
0x451: {  	v31 =	vld [tilespmem:s1+$0xF190]  }
0x452: {  	v32 =	vld [tilespmem:s1+$0xF100]  }
0x453: {  	v33 =	vld [tilespmem:s1+$0xF110]  }
0x454: {  	v34 =	vld [tilespmem:s1+$0xF080]  }
0x455: {  	v35 =	vld [tilespmem:s1+$0xF090]  }
0x456: {  	v36 =	vld [tilespmem:s1+$0xF000]  }
0x457: {  	v37 =	vld [tilespmem:s1+$0xF010]  }
0x458: {  	v38 =	vld [tilespmem:s1+$0xEF80]  }
0x459: {  	v39 =	vld [tilespmem:s1+$0xEF90]  }
0x45a: {  	v40 =	vld [tilespmem:s1+$0xEF00]  }
0x45b: {  	v41 =	vld [tilespmem:s1+$0xEF10]  }
0x45c: {  	v42 =	vld [tilespmem:s1+$0xEE80]  }
0x45d: {  	v43 =	vld [tilespmem:s1+$0xEE90]  }
0x45e: {  	v44 =	vld [tilespmem:s1+$0xEE00]  }
0x45f: {  	v45 =	vld [tilespmem:s1+$0xED80]  }
0x460: {  	v46 =	vld [tilespmem:s1+$0xEE10]  }
0x461: {  	v47 =	vld [tilespmem:s1+$0xED90]  }
0x462: {  	v48 =	vld [tilespmem:s1+$0xEE20]  }
0x463: {  	v49 =	vld [tilespmem:s1+$0xEDA0]  }
0x464: {  	v50 =	vld [tilespmem:s1+$0xEE30]  }
0x465: {  	v51 =	vld [tilespmem:s1+$0xEDB0]  }
0x466: {  	v52 =	vld [tilespmem:s1+$0xEEA0]  }
0x467: {  	v53 =	vld [tilespmem:s1+$0xEEB0]  }
0x468: {  	v54 =	vld [tilespmem:s1+$0xEF20]  }
0x469: {  	v58 =	vld [tilespmem:s1+$0xEF30];
	v44 =	vadd.f32 v44, v45;
	v57 =	vadd.f32 v46, v47  }
0x46a: {  	v61 =	vld [tilespmem:s1+$0xEFA0];
	v59 =	vadd.f32 v48, v49;
	v60 =	vadd.f32 v50, v51  }
0x46b: {  	v62 =	vld [tilespmem:s1+$0xEFB0];
	v42 =	vadd.f32 v42, v44;
	v43 =	vadd.f32 v43, v57  }
0x46c: {  	v55 =	vld [tilespmem:s1+$0xF030];
	v63 =	vadd.f32 v52, v59;
	v52 =	vadd.f32 v53, v60  }
0x46d: {  	v53 =	vld [tilespmem:s1+$0xF020];
	v40 =	vadd.f32 v40, v42;
	v41 =	vadd.f32 v41, v43  }
0x46e: {  	v59 =	vld [tilespmem:s1+$0xF0B0];
	v56 =	vadd.f32 v54, v63;
	v57 =	vadd.f32 v58, v52  }
0x46f: {  	v58 =	vld [tilespmem:s1+$0xF0A0];
	v38 =	vadd.f32 v38, v40;
	v39 =	vadd.f32 v39, v41  }
0x470: {  	v63 =	vld [tilespmem:s1+$0xF130];
	v60 =	vadd.f32 v61, v56;
	v61 =	vadd.f32 v62, v57  }
0x471: {  	v62 =	vld [tilespmem:s1+$0xF120];
	v36 =	vadd.f32 v36, v38;
	v37 =	vadd.f32 v37, v39  }
0x472: {  	v48 =	vld [tilespmem:s1+$0xF1A0];
	v45 =	vadd.f32 v53, v60;
	v47 =	vadd.f32 v55, v61  }
0x473: {  	v49 =	vld [tilespmem:s1+$0xF1B0];
	v34 =	vadd.f32 v34, v36;
	v35 =	vadd.f32 v35, v37  }
0x474: {  	v52 =	vld [tilespmem:s1+$0xF220];
	v50 =	vadd.f32 v58, v45;
	v51 =	vadd.f32 v59, v47  }
0x475: {  	v53 =	vld [tilespmem:s1+$0xF230];
	v32 =	vadd.f32 v32, v34;
	v33 =	vadd.f32 v33, v35  }
0x476: {  	v56 =	vld [tilespmem:s1+$0xF2A0];
	v54 =	vadd.f32 v62, v50;
	v55 =	vadd.f32 v63, v51  }
0x477: {  	v57 =	vld [tilespmem:s1+$0xF2B0];
	v30 =	vadd.f32 v30, v32;
	v31 =	vadd.f32 v31, v33  }
0x478: {  	v60 =	vld [tilespmem:s1+$0xF320];
	v58 =	vadd.f32 v48, v54;
	v59 =	vadd.f32 v49, v55  }
0x479: {  	v28 =	vadd.f32 v28, v30;
	v29 =	vadd.f32 v29, v31;
	v30 =	vld [tilespmem:s1+$0xF330]  }
0x47a: {  	v62 =	vld [tilespmem:s1+$0xF3A0];
	v31 =	vadd.f32 v52, v58;
	v61 =	vadd.f32 v53, v59  }
0x47b: {  	v26 =	vadd.f32 v26, v28;
	v27 =	vadd.f32 v27, v29;
	v28 =	vld [tilespmem:s1+$0xF3B0]  }
0x47c: {  	v63 =	vld [tilespmem:s1+$0xF420];
	v29 =	vadd.f32 v56, v31;
	v31 =	vadd.f32 v57, v61  }
0x47d: {  	v24 =	vadd.f32 v24, v26;
	v25 =	vadd.f32 v25, v27;
	v26 =	vld [tilespmem:s1+$0xF430]  }
0x47e: {  	v27 =	vadd.f32 v60, v29;
	v29 =	vadd.f32 v30, v31;
	v30 =	vld [tilespmem:s1+$0xF4A0]  }
0x47f: {  	v22 =	vadd.f32 v22, v24;
	v23 =	vadd.f32 v23, v25;
	v24 =	vld [tilespmem:s1+$0xF4B0]  }
0x480: {  	v25 =	vadd.f32 v62, v27;
	v27 =	vadd.f32 v28, v29;
	v28 =	vld [tilespmem:s1+$0xF520]  }
0x481: {  	v20 =	vadd.f32 v20, v22;
	v21 =	vadd.f32 v21, v23;
	v22 =	vld [tilespmem:s1+$0xF530]  }
0x482: {  	v23 =	vadd.f32 v63, v25;
	v25 =	vadd.f32 v26, v27;
	v26 =	vld [tilespmem:s1+$0xF5A0]  }
0x483: {  	v18 =	vadd.f32 v18, v20;
	v19 =	vadd.f32 v19, v21;
	v20 =	vld [tilespmem:s1+$0xF5B0]  }
0x484: {  	v21 =	vadd.f32 v30, v23;
	v23 =	vadd.f32 v24, v25;
	v24 =	vld [tilespmem:s1+$0xF620]  }
0x485: {  	s0 =	simm.s32 $0x35B0;
	v16 =	vadd.f32 v16, v18;
	v17 =	vadd.f32 v17, v19;
	v18 =	vld [tilespmem:s1+$0xF630]  }
0x486: {  	v19 =	vld [tilespmem:s0+$0xFFFFFFD0];
	v21 =	vadd.f32 v28, v21;
	v22 =	vadd.f32 v22, v23  }
0x487: {  	v23 =	vld [tilespmem:s0+$0xFFFFFFE0];
	v14 =	vadd.f32 v14, v16;
	v15 =	vadd.f32 v15, v17  }
0x488: {  	v16 =	vld [tilespmem:s0+$0xFFFFFFF0];
	v17 =	vadd.f32 v26, v21;
	v20 =	vadd.f32 v20, v22  }
0x489: {  	v21 =	vld [tilespmem:s0+$0x0];
	v12 =	vadd.f32 v12, v14;
	v13 =	vadd.f32 v13, v15  }
0x48a: {  	v14 =	vadd.f32 v24, v17;
	v15 =	vadd.f32 v18, v20  }
0x48b: {  	v7 =	vmul.f32 v7, v19;
	v10 =	vadd.f32 v10, v12;
	v11 =	vadd.f32 v11, v13  }
0x48c: {  	v4 =	vmul.f32 v4, v23;
	v8 =	vadd.f32 v8, v14;
	v9 =	vadd.f32 v9, v15  }
0x48d: {  	v1 =	vmul.f32 v1, v16;
	v5 =	vadd.f32 v5, v10;
	v6 =	vadd.f32 v6, v11  }
0x48e: {  	v0 =	vmul.f32 v0, v21;
	v2 =	vadd.f32 v2, v8;
	v3 =	vadd.f32 v3, v9  }
0x48f: {  	v5 =	vmul.f32 v5, v19;
	v6 =	vmul.f32 v6, v23  }
0x490: {  	v2 =	vmul.f32 v2, v16;
	v3 =	vmul.f32 v3, v21  }
0x491: {  	v4 =	vadd.f32 v4, v7;
	v0 =	vadd.f32 v0, v1  }
0x492: {  	v1 =	vadd.f32 v6, v5;
	v2 =	vadd.f32 v3, v2  }
0x493: {  	v0 =	vadd.f32 v0, v4  }
0x494: {  	v1 =	vadd.f32 v2, v1  }
0x495: {  	[tilespmem:s29+$0x0] =	vst v0  }
0x496: {  	s6 =	simm.s32 $0x4630;
	[tilespmem:s30+$0x0] =	vst v1  }
0x497: {  	v7 =	vld [tilespmem:s6+$0xFFFFFFD0]  }
0x498: {  	v2 =	vld [tilespmem:s6+$0xFFFFFFE0]  }
0x499: {  	v1 =	vld [tilespmem:s6+$0xFFFFFFF0]  }
0x49a: {  	s12 =	simm.s32 $0xA00;
	v0 =	vld [tilespmem:s6+$0x0]  }
0x49b: {  	v4 =	vld [tilespmem:s12+$0xF700]  }
0x49c: {  	v6 =	vld [tilespmem:s12+$0xF710]  }
0x49d: {  	v3 =	vld [tilespmem:s12+$0xF720]  }
0x49e: {  	v5 =	vld [tilespmem:s12+$0xF730]  }
0x49f: {  	v9 =	vld [tilespmem:s12+$0xF680]  }
0x4a0: {  	v11 =	vld [tilespmem:s12+$0xF690]  }
0x4a1: {  	v8 =	vld [tilespmem:s12+$0xF6A0]  }
0x4a2: {  	v10 =	vld [tilespmem:s12+$0xF6B0]  }
0x4a3: {  	v12 =	vld [tilespmem:s12+$0xF600]  }
0x4a4: {  	v13 =	vld [tilespmem:s12+$0xF610]  }
0x4a5: {  	v14 =	vld [tilespmem:s12+$0xF580]  }
0x4a6: {  	v15 =	vld [tilespmem:s12+$0xF590]  }
0x4a7: {  	v16 =	vld [tilespmem:s12+$0xF500]  }
0x4a8: {  	v17 =	vld [tilespmem:s12+$0xF510]  }
0x4a9: {  	v18 =	vld [tilespmem:s12+$0xF480]  }
0x4aa: {  	v19 =	vld [tilespmem:s12+$0xF490]  }
0x4ab: {  	v20 =	vld [tilespmem:s12+$0xF400]  }
0x4ac: {  	v21 =	vld [tilespmem:s12+$0xF410]  }
0x4ad: {  	v22 =	vld [tilespmem:s12+$0xF380]  }
0x4ae: {  	v23 =	vld [tilespmem:s12+$0xF390]  }
0x4af: {  	v24 =	vld [tilespmem:s12+$0xF300]  }
0x4b0: {  	v25 =	vld [tilespmem:s12+$0xF310]  }
0x4b1: {  	v26 =	vld [tilespmem:s12+$0xF280]  }
0x4b2: {  	v27 =	vld [tilespmem:s12+$0xF290]  }
0x4b3: {  	v28 =	vld [tilespmem:s12+$0xF200]  }
0x4b4: {  	v29 =	vld [tilespmem:s12+$0xF210]  }
0x4b5: {  	v30 =	vld [tilespmem:s12+$0xF180]  }
0x4b6: {  	v31 =	vld [tilespmem:s12+$0xF190]  }
0x4b7: {  	v32 =	vld [tilespmem:s12+$0xF100]  }
0x4b8: {  	v33 =	vld [tilespmem:s12+$0xF110]  }
0x4b9: {  	v34 =	vld [tilespmem:s12+$0xF080]  }
0x4ba: {  	v35 =	vld [tilespmem:s12+$0xF090]  }
0x4bb: {  	v36 =	vld [tilespmem:s12+$0xF000]  }
0x4bc: {  	v37 =	vld [tilespmem:s12+$0xF010]  }
0x4bd: {  	v38 =	vld [tilespmem:s12+$0xEF80]  }
0x4be: {  	v39 =	vld [tilespmem:s12+$0xEF90]  }
0x4bf: {  	v40 =	vld [tilespmem:s12+$0xEF00]  }
0x4c0: {  	v41 =	vld [tilespmem:s12+$0xEF10]  }
0x4c1: {  	v42 =	vld [tilespmem:s12+$0xEE80]  }
0x4c2: {  	v43 =	vld [tilespmem:s12+$0xEE90]  }
0x4c3: {  	v44 =	vld [tilespmem:s12+$0xEE00]  }
0x4c4: {  	v45 =	vld [tilespmem:s12+$0xED80]  }
0x4c5: {  	v46 =	vld [tilespmem:s12+$0xEE10]  }
0x4c6: {  	v48 =	vld [tilespmem:s12+$0xED90]  }
0x4c7: {  	v47 =	vld [tilespmem:s12+$0xEE20]  }
0x4c8: {  	v49 =	vld [tilespmem:s12+$0xEDA0]  }
0x4c9: {  	s7 =	simm.s32 $0x5000;
	s5 =	smov.u32 s29;
	s1 =	smov.u32 s30;
	v50 =	vld [tilespmem:s12+$0xEE30]  }
.LBB2_13:
0x4ca: {  	p0 =	sne.s32 s7, $0x25800;
	v51 =	vld [tilespmem:s12+$0xEDB0]  }
0x4cb: {  	v52 =	vld [tilespmem:s12+$0xEEA0]  }
0x4cc: {  	v53 =	vld [tilespmem:s12+$0xEEB0]  }
0x4cd: {  	v54 =	vld [tilespmem:s12+$0xEF20]  }
0x4ce: {  	v44 =	vadd.f32 v44, v45;
	v45 =	vadd.f32 v46, v48;
	v46 =	vld [tilespmem:s12+$0xEF30]  }
0x4cf: {  	v47 =	vadd.f32 v47, v49;
	v48 =	vadd.f32 v50, v51;
	v49 =	vld [tilespmem:s12+$0xEFA0]  }
0x4d0: {  	v42 =	vadd.f32 v42, v44;
	v43 =	vadd.f32 v43, v45;
	v44 =	vld [tilespmem:s12+$0xEFB0]  }
0x4d1: {  	v45 =	vadd.f32 v52, v47;
	v47 =	vadd.f32 v53, v48;
	v48 =	vld [tilespmem:s12+$0xF020]  }
0x4d2: {  	v40 =	vadd.f32 v40, v42;
	v41 =	vadd.f32 v41, v43;
	v42 =	vld [tilespmem:s12+$0xF030]  }
0x4d3: {  	v43 =	vadd.f32 v54, v45;
	v45 =	vadd.f32 v46, v47;
	v46 =	vld [tilespmem:s12+$0xF0A0]  }
0x4d4: {  	v38 =	vadd.f32 v38, v40;
	v39 =	vadd.f32 v39, v41;
	v40 =	vld [tilespmem:s12+$0xF0B0]  }
0x4d5: {  	v41 =	vadd.f32 v49, v43;
	v43 =	vadd.f32 v44, v45;
	v44 =	vld [tilespmem:s12+$0xF120]  }
0x4d6: {  	v36 =	vadd.f32 v36, v38;
	v37 =	vadd.f32 v37, v39;
	v38 =	vld [tilespmem:s12+$0xF130]  }
0x4d7: {  	v39 =	vadd.f32 v48, v41;
	v41 =	vadd.f32 v42, v43;
	v42 =	vld [tilespmem:s12+$0xF1A0]  }
0x4d8: {  	v34 =	vadd.f32 v34, v36;
	v35 =	vadd.f32 v35, v37;
	v36 =	vld [tilespmem:s12+$0xF1B0]  }
0x4d9: {  	v37 =	vadd.f32 v46, v39;
	v39 =	vadd.f32 v40, v41;
	v40 =	vld [tilespmem:s12+$0xF220]  }
0x4da: {  	v32 =	vadd.f32 v32, v34;
	v33 =	vadd.f32 v33, v35;
	v34 =	vld [tilespmem:s12+$0xF230]  }
0x4db: {  	v35 =	vadd.f32 v44, v37;
	v37 =	vadd.f32 v38, v39;
	v38 =	vld [tilespmem:s12+$0xF2A0]  }
0x4dc: {  	v30 =	vadd.f32 v30, v32;
	v31 =	vadd.f32 v31, v33;
	v32 =	vld [tilespmem:s12+$0xF2B0]  }
0x4dd: {  	v33 =	vadd.f32 v42, v35;
	v35 =	vadd.f32 v36, v37;
	v36 =	vld [tilespmem:s12+$0xF320]  }
0x4de: {  	v28 =	vadd.f32 v28, v30;
	v29 =	vadd.f32 v29, v31;
	v30 =	vld [tilespmem:s12+$0xF330]  }
0x4df: {  	v31 =	vadd.f32 v40, v33;
	v33 =	vadd.f32 v34, v35;
	v34 =	vld [tilespmem:s12+$0xF3A0]  }
0x4e0: {  	v26 =	vadd.f32 v26, v28;
	v27 =	vadd.f32 v27, v29;
	v28 =	vld [tilespmem:s12+$0xF3B0]  }
0x4e1: {  	v29 =	vadd.f32 v38, v31;
	v31 =	vadd.f32 v32, v33;
	v32 =	vld [tilespmem:s12+$0xF420]  }
0x4e2: {  	v24 =	vadd.f32 v24, v26;
	v25 =	vadd.f32 v25, v27;
	v26 =	vld [tilespmem:s12+$0xF430]  }
0x4e3: {  	v27 =	vadd.f32 v36, v29;
	v29 =	vadd.f32 v30, v31;
	v30 =	vld [tilespmem:s12+$0xF4A0]  }
0x4e4: {  	v22 =	vadd.f32 v22, v24;
	v23 =	vadd.f32 v23, v25;
	v24 =	vld [tilespmem:s12+$0xF4B0]  }
0x4e5: {  	v25 =	vadd.f32 v34, v27;
	v27 =	vadd.f32 v28, v29;
	v28 =	vld [tilespmem:s12+$0xF520]  }
0x4e6: {  	v20 =	vadd.f32 v20, v22;
	v21 =	vadd.f32 v21, v23;
	v22 =	vld [tilespmem:s12+$0xF530]  }
0x4e7: {  	v23 =	vadd.f32 v32, v25;
	v25 =	vadd.f32 v26, v27;
	v26 =	vld [tilespmem:s12+$0xF5A0]  }
0x4e8: {  	v18 =	vadd.f32 v18, v20;
	v19 =	vadd.f32 v19, v21;
	v20 =	vld [tilespmem:s12+$0xF5B0]  }
0x4e9: {  	v21 =	vadd.f32 v30, v23;
	v23 =	vadd.f32 v24, v25;
	v24 =	vld [tilespmem:s12+$0xF620]  }
0x4ea: {  	s0 =	sadd.s32 $0x80, s0;
	v16 =	vadd.f32 v16, v18;
	v17 =	vadd.f32 v17, v19;
	v18 =	vld [tilespmem:s12+$0xF630]  }
0x4eb: {  	v21 =	vadd.f32 v28, v21;
	v19 =	vld [tilespmem:s0+$0xFFFFFFD0];
	v22 =	vadd.f32 v22, v23  }
0x4ec: {  	v14 =	vadd.f32 v14, v16;
	v15 =	vadd.f32 v15, v17;
	v23 =	vld [tilespmem:s0+$0xFFFFFFE0]  }
0x4ed: {  	v17 =	vadd.f32 v26, v21;
	v16 =	vld [tilespmem:s0+$0xFFFFFFF0];
	v20 =	vadd.f32 v20, v22  }
0x4ee: {  	v12 =	vadd.f32 v12, v14;
	v13 =	vadd.f32 v13, v15;
	v21 =	vld [tilespmem:s0+$0x0]  }
0x4ef: {  	v14 =	vadd.f32 v24, v17;
	v15 =	vadd.f32 v18, v20  }
0x4f0: {  	v9 =	vadd.f32 v9, v12;
	v11 =	vadd.f32 v11, v13;
	v7 =	vmul.f32 v7, v19  }
0x4f1: {  	v8 =	vadd.f32 v8, v14;
	v2 =	vmul.f32 v2, v23;
	v10 =	vadd.f32 v10, v15  }
0x4f2: {  	v4 =	vadd.f32 v4, v9;
	v6 =	vadd.f32 v6, v11;
	v1 =	vmul.f32 v1, v16  }
0x4f3: {  	v3 =	vadd.f32 v3, v8;
	v0 =	vmul.f32 v0, v21;
	v5 =	vadd.f32 v5, v10  }
0x4f4: {  	v4 =	vmul.f32 v4, v19;
	v6 =	vmul.f32 v6, v23  }
0x4f5: {  	v3 =	vmul.f32 v3, v16;
	v5 =	vmul.f32 v5, v21  }
0x4f6: {  	v2 =	vadd.f32 v2, v7;
	v0 =	vadd.f32 v0, v1  }
0x4f7: {  	v1 =	vadd.f32 v6, v4;
	v3 =	vadd.f32 v5, v3  }
0x4f8: {  	v0 =	vadd.f32 v0, v2  }
0x4f9: {  	s5 =	sadd.s32 $0x10, s5;
	v1 =	vadd.f32 v3, v1  }
0x4fa: {  	s1 =	sadd.s32 $0x10, s1;
	[tilespmem:s5+$0x0] =	vst v0  }
0x4fb: {  	s6 =	sadd.s32 $0x80, s6;
	[tilespmem:s1+$0x0] =	vst v1  }
0x4fc: {  	v7 =	vld [tilespmem:s6+$0xFFFFFFD0]  }
0x4fd: {  	v2 =	vld [tilespmem:s6+$0xFFFFFFE0]  }
0x4fe: {  	v1 =	vld [tilespmem:s6+$0xFFFFFFF0]  }
0x4ff: {  	s12 =	sshra.s32 s7, $0x2;
	v0 =	vld [tilespmem:s6+$0x0]  }
0x500: {  	v4 =	vld [tilespmem:s12+$0xF700]  }
0x501: {  	v6 =	vld [tilespmem:s12+$0xF710]  }
0x502: {  	v3 =	vld [tilespmem:s12+$0xF720]  }
0x503: {  	v5 =	vld [tilespmem:s12+$0xF730]  }
0x504: {  	v9 =	vld [tilespmem:s12+$0xF680]  }
0x505: {  	v11 =	vld [tilespmem:s12+$0xF690]  }
0x506: {  	v8 =	vld [tilespmem:s12+$0xF6A0]  }
0x507: {  	v10 =	vld [tilespmem:s12+$0xF6B0]  }
0x508: {  	v12 =	vld [tilespmem:s12+$0xF600]  }
0x509: {  	v13 =	vld [tilespmem:s12+$0xF610]  }
0x50a: {  	v14 =	vld [tilespmem:s12+$0xF580]  }
0x50b: {  	v15 =	vld [tilespmem:s12+$0xF590]  }
0x50c: {  	v16 =	vld [tilespmem:s12+$0xF500]  }
0x50d: {  	v17 =	vld [tilespmem:s12+$0xF510]  }
0x50e: {  	v18 =	vld [tilespmem:s12+$0xF480]  }
0x50f: {  	v19 =	vld [tilespmem:s12+$0xF490]  }
0x510: {  	v20 =	vld [tilespmem:s12+$0xF400]  }
0x511: {  	v21 =	vld [tilespmem:s12+$0xF410]  }
0x512: {  	v22 =	vld [tilespmem:s12+$0xF380]  }
0x513: {  	v23 =	vld [tilespmem:s12+$0xF390]  }
0x514: {  	v24 =	vld [tilespmem:s12+$0xF300]  }
0x515: {  	v25 =	vld [tilespmem:s12+$0xF310]  }
0x516: {  	v26 =	vld [tilespmem:s12+$0xF280]  }
0x517: {  	v27 =	vld [tilespmem:s12+$0xF290]  }
0x518: {  	v28 =	vld [tilespmem:s12+$0xF200]  }
0x519: {  	v29 =	vld [tilespmem:s12+$0xF210]  }
0x51a: {  	v30 =	vld [tilespmem:s12+$0xF180]  }
0x51b: {  	v31 =	vld [tilespmem:s12+$0xF190]  }
0x51c: {  	v32 =	vld [tilespmem:s12+$0xF100]  }
0x51d: {  	v33 =	vld [tilespmem:s12+$0xF110]  }
0x51e: {  	v34 =	vld [tilespmem:s12+$0xF080]  }
0x51f: {  	v35 =	vld [tilespmem:s12+$0xF090]  }
0x520: {  	v36 =	vld [tilespmem:s12+$0xF000]  }
0x521: {  	v37 =	vld [tilespmem:s12+$0xF010]  }
0x522: {  	v38 =	vld [tilespmem:s12+$0xEF80]  }
0x523: {  	v39 =	vld [tilespmem:s12+$0xEF90]  }
0x524: {  	v40 =	vld [tilespmem:s12+$0xEF00]  }
0x525: {  	v41 =	vld [tilespmem:s12+$0xEF10]  }
0x526: {  	v42 =	vld [tilespmem:s12+$0xEE80]  }
0x527: {  	v43 =	vld [tilespmem:s12+$0xEE90]  }
0x528: {  	v44 =	vld [tilespmem:s12+$0xEE00]  }
0x529: {  	v45 =	vld [tilespmem:s12+$0xED80]  }
.Ltmp5:
0x52a: {  	v46 =	vld [tilespmem:s12+$0xEE10];
	(pc) =	sbr.rel @p0 .LBB2_13-.Ltmp5, $4  }
0x52b: {  	v48 =	vld [tilespmem:s12+$0xED90]  }
0x52c: {  	v47 =	vld [tilespmem:s12+$0xEE20]  }
0x52d: {  	v49 =	vld [tilespmem:s12+$0xEDA0]  }
0x52e: {  	s7 =	sadd.s32 $0x2800, s7;
	v50 =	vld [tilespmem:s12+$0xEE30]  }
0x52f: {  	v51 =	vld [tilespmem:s12+$0xEDB0]  }
0x530: {  	v52 =	vld [tilespmem:s12+$0xEEA0]  }
0x531: {  	v53 =	vld [tilespmem:s12+$0xEEB0]  }
0x532: {  	v54 =	vld [tilespmem:s12+$0xEF20]  }
0x533: {  	v44 =	vadd.f32 v44, v45;
	v57 =	vld [tilespmem:s12+$0xEF30];
	v56 =	vadd.f32 v46, v48  }
0x534: {  	v59 =	vld [tilespmem:s12+$0xEFA0];
	v47 =	vadd.f32 v47, v49;
	v58 =	vadd.f32 v50, v51  }
0x535: {  	v60 =	vld [tilespmem:s12+$0xEFB0];
	v42 =	vadd.f32 v42, v44;
	v43 =	vadd.f32 v43, v56  }
0x536: {  	v63 =	vld [tilespmem:s12+$0xF020];
	v61 =	vadd.f32 v52, v47;
	v62 =	vadd.f32 v53, v58  }
0x537: {  	v40 =	vadd.f32 v40, v42;
	v41 =	vadd.f32 v41, v43;
	v52 =	vld [tilespmem:s12+$0xF030]  }
0x538: {  	v55 =	vld [tilespmem:s12+$0xF0A0];
	v53 =	vadd.f32 v54, v61;
	v54 =	vadd.f32 v57, v62  }
0x539: {  	v56 =	vld [tilespmem:s12+$0xF0B0];
	v38 =	vadd.f32 v38, v40;
	v39 =	vadd.f32 v39, v41  }
0x53a: {  	v57 =	vadd.f32 v59, v53;
	v59 =	vld [tilespmem:s12+$0xF120];
	v58 =	vadd.f32 v60, v54  }
0x53b: {  	v36 =	vadd.f32 v36, v38;
	v37 =	vadd.f32 v37, v39;
	v60 =	vld [tilespmem:s12+$0xF130]  }
0x53c: {  	v45 =	vld [tilespmem:s12+$0xF1B0];
	v61 =	vadd.f32 v63, v57;
	v62 =	vadd.f32 v52, v58  }
0x53d: {  	v34 =	vadd.f32 v34, v36;
	v63 =	vld [tilespmem:s12+$0xF1A0];
	v35 =	vadd.f32 v35, v37  }
0x53e: {  	v49 =	vld [tilespmem:s12+$0xF220];
	v47 =	vadd.f32 v55, v61;
	v48 =	vadd.f32 v56, v62  }
0x53f: {  	v50 =	vld [tilespmem:s12+$0xF230];
	v32 =	vadd.f32 v32, v34;
	v33 =	vadd.f32 v33, v35  }
0x540: {  	v53 =	vld [tilespmem:s12+$0xF2A0];
	v51 =	vadd.f32 v59, v47;
	v52 =	vadd.f32 v60, v48  }
0x541: {  	v54 =	vld [tilespmem:s12+$0xF2B0];
	v30 =	vadd.f32 v30, v32;
	v31 =	vadd.f32 v31, v33  }
0x542: {  	v57 =	vld [tilespmem:s12+$0xF320];
	v55 =	vadd.f32 v63, v51;
	v56 =	vadd.f32 v45, v52  }
0x543: {  	v58 =	vld [tilespmem:s12+$0xF330];
	v28 =	vadd.f32 v28, v30;
	v29 =	vadd.f32 v29, v31  }
0x544: {  	v61 =	vld [tilespmem:s12+$0xF3A0];
	v59 =	vadd.f32 v49, v55;
	v60 =	vadd.f32 v50, v56  }
0x545: {  	v62 =	vld [tilespmem:s12+$0xF3B0];
	v26 =	vadd.f32 v26, v28;
	v27 =	vadd.f32 v27, v29  }
0x546: {  	v38 =	vld [tilespmem:s12+$0xF420];
	v63 =	vadd.f32 v53, v59;
	v37 =	vadd.f32 v54, v60  }
0x547: {  	v39 =	vld [tilespmem:s12+$0xF430];
	v24 =	vadd.f32 v24, v26;
	v25 =	vadd.f32 v25, v27  }
0x548: {  	v42 =	vld [tilespmem:s12+$0xF4A0];
	v40 =	vadd.f32 v57, v63;
	v41 =	vadd.f32 v58, v37  }
0x549: {  	v43 =	vld [tilespmem:s12+$0xF4B0];
	v22 =	vadd.f32 v22, v24;
	v23 =	vadd.f32 v23, v25  }
0x54a: {  	v46 =	vld [tilespmem:s12+$0xF520];
	v44 =	vadd.f32 v61, v40;
	v45 =	vadd.f32 v62, v41  }
0x54b: {  	v47 =	vld [tilespmem:s12+$0xF530];
	v20 =	vadd.f32 v20, v22;
	v21 =	vadd.f32 v21, v23  }
0x54c: {  	v51 =	vld [tilespmem:s12+$0xF5B0];
	v48 =	vadd.f32 v38, v44;
	v49 =	vadd.f32 v39, v45  }
0x54d: {  	v50 =	vld [tilespmem:s12+$0xF5A0];
	v18 =	vadd.f32 v18, v20;
	v19 =	vadd.f32 v19, v21  }
0x54e: {  	v55 =	vld [tilespmem:s12+$0xF630];
	v52 =	vadd.f32 v42, v48;
	v53 =	vadd.f32 v43, v49  }
0x54f: {  	s0 =	sadd.s32 $0x80, s0;
	v54 =	vld [tilespmem:s12+$0xF620];
	v16 =	vadd.f32 v16, v18;
	v17 =	vadd.f32 v17, v19  }
0x550: {  	v56 =	vld [tilespmem:s0+$0xFFFFFFD0];
	v21 =	vadd.f32 v46, v52;
	v22 =	vadd.f32 v47, v53  }
0x551: {  	v57 =	vld [tilespmem:s0+$0xFFFFFFE0];
	v14 =	vadd.f32 v14, v16;
	v15 =	vadd.f32 v15, v17  }
0x552: {  	v60 =	vld [tilespmem:s0+$0x0];
	v59 =	vadd.f32 v50, v21;
	v20 =	vadd.f32 v51, v22  }
0x553: {  	v58 =	vld [tilespmem:s0+$0xFFFFFFF0];
	v12 =	vadd.f32 v12, v14;
	v13 =	vadd.f32 v13, v15  }
0x554: {  	v61 =	vadd.f32 v54, v59;
	v62 =	vadd.f32 v55, v20  }
0x555: {  	v7 =	vmul.f32 v7, v56;
	v9 =	vadd.f32 v9, v12;
	v11 =	vadd.f32 v11, v13  }
0x556: {  	v2 =	vmul.f32 v2, v57;
	v8 =	vadd.f32 v8, v61;
	v10 =	vadd.f32 v10, v62  }
0x557: {  	v0 =	vmul.f32 v0, v60;
	v4 =	vadd.f32 v4, v9;
	v6 =	vadd.f32 v6, v11  }
0x558: {  	v1 =	vmul.f32 v1, v58;
	v3 =	vadd.f32 v3, v8;
	v5 =	vadd.f32 v5, v10  }
0x559: {  	v4 =	vmul.f32 v4, v56;
	v6 =	vmul.f32 v6, v57  }
0x55a: {  	s31 =	sadd.s32 $0x1, s31;
	v3 =	vmul.f32 v3, v58;
	v5 =	vmul.f32 v5, v60  }
0x55b: {  	p0 =	sne.s32 s31, $0x10;
	v2 =	vadd.f32 v2, v7;
	v0 =	vadd.f32 v0, v1  }
.Ltmp6:
0x55c: {  	v63 =	vadd.f32 v6, v4;
	v3 =	vadd.f32 v5, v3;
	(pc) =	sbr.rel @p0 .LBB2_4-.Ltmp6, $4  }
0x55d: {  	v0 =	vadd.f32 v0, v2  }
0x55e: {  	s22 =	sadd.s32 $0x10, s5;
	s1 =	sadd.s32 $0x10, s1;
	v1 =	vadd.f32 v3, v63  }
0x55f: {  	s24 =	sadd.s32 $0x280, s24;
	s25 =	sadd.s32 $0x200, s25;
	s26 =	sadd.s32 $0x200, s26;
	[tilespmem:s22+$0x0] =	vst v0  }
0x560: {  	s28 =	sadd.s32 $0x280, s28;
	s29 =	sadd.s32 $0x200, s29;
	s30 =	sadd.s32 $0x200, s30;
	[tilespmem:s1+$0x0] =	vst v1  }
0x561: {  	s0 =	rddreg [dreg:$0x7];
	s1 =	simm.s32 $0x18D80;
	s5 =	simm.s32 $0x3  }
0x562: {  	[hbm4b:s0+s2] =	stream.linear.scatter [tilespmem:s1], [sflag:$0x3], $0x2000, $0x38;
	[tilespmem:$0x1CD80] =	vst v63  }
0x563: {  	_ =	swait.ge [sflag:s5], $0x2000  }
0x564: {  	[sflag:s5] =	ssyncset.done $0x0  }
0x565: {  	s29 =	simm.s32 $0x1AD80;
	s28 =	rddreg [dreg:$0x8];
	[sflag:s5] =	ssyncadd.s32 $0xFFFFE000  }
0x566: {  	[hbm4b:s28+s2] =	stream.linear.scatter [tilespmem:s29], [sflag:$0x3], $0x2000, $0x38;
	[tilespmem:$0x1CD80] =	vst v63  }
0x567: {  	_ =	swait.ge [sflag:s5], $0x2000  }
0x568: {  	s30 =	rddreg [dreg:$0xa]  }
0x569: {  	s31 =	rddreg [dreg:$0x9];
	s1 =	sadd.s32 $0x1, s30  }
0x56a: {  	p0 =	sne.s32 s1, s31  }
.Ltmp7:
0x56b: {  	_ = 	snop;
	(pc) =	sbr.rel @p0 .LBB2_1-.Ltmp7, $3  }
0x56c: {  	_ =	sdelay $0x1  }
0x56d: {  	[sflag:s5] =	ssyncset.done $0x0  }
0x56e: {  	[sflag:s5] =	ssyncadd.s32 $0xFFFFE000  }
0x56f: {  	_ =	sfence.sel $0x180000  }
0x570: {  	[bflag:$0x0] =	sbarrier.arrive $0xFFFF  }
0x571: {  	_ =	strace $0x90000047  }
0x572: {  	s0 =	stileid.u32;
	[bflag:$0x2] =	sbarrier.arrive $0xFFFF  }
0x573: {  	p0 =	sne.s32 s0, $0x0;
	s0 =	rddreg [dreg:$0x3]  }
0x574: {  	s0 =	sadd.s32 @!p0 $0x100000, s0  }
0x575: {  	[sflag:s0] =	ssyncadd.tile.s32 @!p0 $0x1;
	_ =	shalt  }
.Lfunc_end2:
_tile_overlayer_lowered:
.L_overlay_start_2:
0x576: {  	(tag) =	ssettag $0x2  }
0x577: {  	s0 =	rddreg [dreg:$0x0];
	s2 =	stileid.u32  }
0x578: {  	s1 =	rddreg [dreg:$0x1];
	p0 =	sne.s32 s2, $0x0  }
0x579: {  	s3 =	rddreg [dreg:$0x2];
	[bflag:$0x3] =	sbarrier.arrive $0xFFFF;
	s2 =	simm.s32 @!p0 $0x1C03  }
0x57a: {  	[timem:s3], [sflag:s2] =	dma.local @!p0 [hbm:s0], s1  }
0x57b: {  	s0 =	simm.s32 @!p0 $0x3  }
0x57c: {  	_ =	swait.ge @!p0 [sflag:s0], s1  }
0x57d: {  	s1 =	ssub.s32 @!p0 $0x0, s1;
	[sflag:s0] =	ssyncset.done @!p0 $0x0  }
0x57e: {  	[sflag:s0] =	ssyncadd.s32 @!p0 s1  }
0x57f: {  	[bflag:$0x3] =	sbarrier.arrive $0xFFFF  }
0x580: {  	_ =	shalt  }

</sc_bundles>
